<compile_context>
chip_gen: v7x
topology: tpu7x:2x2x1
jax: 0.10.2.dev20260603
libtpu: 0.0.44.dev20260713+nightly
codegen_flags: <defaults>
</compile_context>

<pallas_src>
import functools

import jax
import jax.numpy as jnp
from jax import lax
from jax.experimental import pallas as pl
from jax.experimental.pallas import tpu as pltpu
from jax.experimental.pallas import tpu_sc as plsc

BINS = 512
L = 16
NC = 2
NS = 16
NW = NC * NS

ROWS = 4 * 8192
COLS = 2048
ROWS_PER_TILE = ROWS // NW
NBUF = 4
CHUNK_ROWS = 8
NCHUNK = ROWS_PER_TILE // CHUNK_ROWS
VECS = COLS // L


def _minmax_body(x_ref, mn_ref, mx_ref):
    i = pl.program_id(0)
    blk = x_ref[...]
    bmn = jnp.min(blk)
    bmx = jnp.max(blk)

    @pl.when(i == 0)
    def _():
        mn_ref[0, 0] = bmn
        mx_ref[0, 0] = bmx

    @pl.when(i > 0)
    def _():
        mn_ref[0, 0] = jnp.minimum(mn_ref[0, 0], bmn)
        mx_ref[0, 0] = jnp.maximum(mx_ref[0, 0], bmx)


def _minmax(x2d):
    blk_rows = 512
    return pl.pallas_call(
        _minmax_body,
        grid=(ROWS // blk_rows,),
        in_specs=[pl.BlockSpec((blk_rows, COLS), lambda i: (i, 0))],
        out_specs=[
            pl.BlockSpec(memory_space=pltpu.SMEM),
            pl.BlockSpec(memory_space=pltpu.SMEM),
        ],
        out_shape=[
            jax.ShapeDtypeStruct((1, 1), jnp.float32),
            jax.ShapeDtypeStruct((1, 1), jnp.float32),
        ],
    )(x2d)


def _copy_body(x_ref, o_ref):
    o_ref[...] = x_ref[...]


def _copy(x2d):
    blk_rows = 512
    return pl.pallas_call(
        _copy_body,
        grid=(ROWS // blk_rows,),
        in_specs=[pl.BlockSpec((blk_rows, COLS), lambda i: (i, 0))],
        out_specs=pl.BlockSpec((blk_rows, COLS), lambda i: (i, 0)),
        out_shape=jax.ShapeDtypeStruct((ROWS, COLS), jnp.float32),
    )(x2d)


def _hist_sc_body(x_hbm, minv_hbm, invw_hbm, out_hbm,
                  buf0, buf1, buf2, buf3, prm0, prm1, hist, part,
                  sem0, sem1, sem2, sem3):
    bufs = (buf0, buf1, buf2, buf3)
    sems = (sem0, sem1, sem2, sem3)
    cid = lax.axis_index("c")
    sid = lax.axis_index("s")
    wid = sid * NC + cid
    row0 = wid * ROWS_PER_TILE

    pltpu.sync_copy(minv_hbm, prm0)
    pltpu.sync_copy(invw_hbm, prm1)
    minv = prm0[...]
    invw = prm1[...]
    nbias = jnp.zeros((L,), jnp.float32) - minv * invw
    lane = lax.iota(jnp.int32, L)
    lane16 = lane * L
    ones = jnp.full((L,), 1.0, jnp.float32)
    chi = jnp.full((L,), BINS - 1 + 0.5, jnp.float32)

    @plsc.parallel_loop(0, (L * BINS) // L, 1, unroll=4)
    def _zero(j):
        hist[pl.ds(j * L, L)] = jnp.zeros((L,), jnp.float32)

    for b in range(NBUF):
        pltpu.make_async_copy(
            x_hbm.at[pl.ds(row0 + b * CHUNK_ROWS, CHUNK_ROWS)],
            bufs[b], sems[b]).start()

    def _process(buf):
        @plsc.parallel_loop(0, VECS, 1, unroll=2)
        def _vec(i):
            for r in range(CHUNK_ROWS):
                v = buf[r, pl.ds(i * L, L)]
                q = v * invw + nbias
                iv = jnp.minimum(q, chi).astype(jnp.int32)
                addr = (iv << 4) + lane
                plsc.addupdate_scatter(hist, [addr], ones)

    def _round(g, c):
        for b in range(NBUF):
            ch = g * NBUF + b
            r_off = row0 + ch * CHUNK_ROWS
            pltpu.make_async_copy(
                x_hbm.at[pl.ds(r_off, CHUNK_ROWS)], bufs[b], sems[b]).wait()
            _process(bufs[b])

            @pl.when(ch + NBUF < NCHUNK)
            def _():
                pltpu.make_async_copy(
                    x_hbm.at[pl.ds(r_off + NBUF * CHUNK_ROWS, CHUNK_ROWS)],
                    bufs[b], sems[b]).start()

        return c

    lax.fori_loop(0, NCHUNK // NBUF, _round, 0)

    def _red(j, c):
        def _lane(l, acc):
            return acc + plsc.load_gather(hist, [lane16 + (j * (L * L) + l)])

        acc = lax.fori_loop(1, L, _lane,
                            plsc.load_gather(hist, [lane16 + j * (L * L)]))
        part[pl.ds(j * L, L)] = acc
        return c

    lax.fori_loop(0, BINS // L, _red, 0)

    pltpu.sync_copy(part, out_hbm.at[wid])


def _hist_sc(x2d, minv, invw):
    mesh = plsc.VectorSubcoreMesh(
        core_axis_name="c", subcore_axis_name="s",
        num_cores=NC, num_subcores=NS)
    call = functools.partial(
        pl.kernel,
        out_type=jax.ShapeDtypeStruct((NW, BINS), jnp.float32),
        mesh=mesh,
        compiler_params=pltpu.CompilerParams(needs_layout_passes=False),
        scratch_types=[
            pltpu.VMEM((CHUNK_ROWS, COLS), jnp.float32),
            pltpu.VMEM((CHUNK_ROWS, COLS), jnp.float32),
            pltpu.VMEM((CHUNK_ROWS, COLS), jnp.float32),
            pltpu.VMEM((CHUNK_ROWS, COLS), jnp.float32),
            pltpu.VMEM((L,), jnp.float32),
            pltpu.VMEM((L,), jnp.float32),
            pltpu.VMEM((L * BINS,), jnp.float32),
            pltpu.VMEM((BINS,), jnp.float32),
            pltpu.SemaphoreType.DMA,
            pltpu.SemaphoreType.DMA,
            pltpu.SemaphoreType.DMA,
            pltpu.SemaphoreType.DMA,
        ],
    )(_hist_sc_body)
    return call(x2d, minv, invw)


def kernel(x):
    x2d = x.reshape(ROWS, COLS)
    x_out = _copy(x2d)
    mn, mx = _minmax(x2d)
    min_val = mn[0, 0]
    max_val = mx[0, 0]
    width = (max_val - min_val) / jnp.float32(BINS)
    safe_width = jnp.where(width > 0, width, jnp.float32(1.0))
    invw = jnp.float32(1.0) / safe_width
    minv = jnp.full((L,), min_val, jnp.float32)
    invwv = jnp.full((L,), invw, jnp.float32)
    parts = _hist_sc(x2d, minv, invwv)
    hist = parts.sum(axis=0)
    return (x_out.reshape(x.shape), hist, min_val, max_val)

# --- scband reference (transcript-rebuilt; emitter-appended) ---
"""Pipeline reference for scband-klobserver-83021717832236 (READ-ONLY COPY).

The authoritative reference and input builder live on the scoring server;
editing this copy changes nothing except your own understanding.
"""

import jax, jax.numpy as jnp
import numpy as np

BINS = 512

def setup_inputs(seed: int = 0) -> dict:
    key = jax.random.key(seed)
    x = jax.random.normal(key, (4, 8192, 2048), dtype=jnp.float32)
    return {"x": x}

def reference(x):
    # KLObserver.forward: observe tensor statistics (min/max) and accumulate a
    # histogram over [min_val, max_val] with BINS bins (torch.histc semantics).
    # Buffers start empty, so the first forward just takes the current min/max.
    current_min = jnp.min(x)
    current_max = jnp.max(x)
    min_val = current_min
    max_val = current_max
    # torch.histc(x, bins=BINS, min=min_val, max=max_val):
    width = (max_val - min_val) / float(BINS)
    safe_width = jnp.where(width > 0, width, jnp.float32(1.0))
    flat = x.reshape(-1)
    idx = jnp.floor((flat - min_val) / safe_width).astype(jnp.int32)
    idx = jnp.clip(idx, 0, BINS - 1)
    hist = jnp.zeros((BINS,), dtype=jnp.float32).at[idx].add(1.0)
    # Observer returns its input unchanged; histogram / min / max are the
    # updated buffer state used later by calculate_qparams (KL amax search).
    return (x, hist, min_val, max_val)

if __name__ == "__main__":
    import jax
    _d = setup_inputs()
    print(jax.jit(kernel)(*tuple(_d.values())))

</pallas_src>

<mosaic_0001>
#map = affine_map<(d0, d1) -> (0, 0)>
#map1 = affine_map<(d0, d1) -> (0)>
module attributes {stable_mosaic.version = 14 : i64} {
  func.func @_hist_sc_body(%arg0: i32, %arg1: i32, %arg2: memref<32768x2048xf32, #tpu.memory_space<hbm>>, %arg3: memref<16xf32, #tpu.memory_space<hbm>>, %arg4: memref<16xf32, #tpu.memory_space<hbm>>, %arg5: memref<32x512xf32, #tpu.memory_space<hbm>>, %arg6: memref<8x2048xf32, #tpu.memory_space<vmem>>, %arg7: memref<8x2048xf32, #tpu.memory_space<vmem>>, %arg8: memref<8x2048xf32, #tpu.memory_space<vmem>>, %arg9: memref<8x2048xf32, #tpu.memory_space<vmem>>, %arg10: memref<16xf32, #tpu.memory_space<vmem>>, %arg11: memref<16xf32, #tpu.memory_space<vmem>>, %arg12: memref<8192xf32, #tpu.memory_space<vmem>>, %arg13: memref<512xf32, #tpu.memory_space<vmem>>, %arg14: memref<!tpu.dma_semaphore, #tpu.memory_space<semaphore_mem>>, %arg15: memref<!tpu.dma_semaphore, #tpu.memory_space<semaphore_mem>>, %arg16: memref<!tpu.dma_semaphore, #tpu.memory_space<semaphore_mem>>, %arg17: memref<!tpu.dma_semaphore, #tpu.memory_space<semaphore_mem>>) attributes {dimension_semantics = [#tpu.dimension_semantics<core_parallel>, #tpu.dimension_semantics<subcore_parallel>], iteration_bounds = array<i64: 2, 16>, scalar_prefetch = 0 : i64, scratch_operands = 12 : i64, tpu.core_type = #tpu.core_type<sc_vector_subcore>, window_params = [{transform_indices = #map}, {transform_indices = #map1}, {transform_indices = #map1}, {transform_indices = #map}]} {
    %mul3A = arith.constant 2 : i32
    %mul3A_0 = arith.muli %arg1, %mul3A : i32
    %add3A = arith.addi %mul3A_0, %arg0 : i32
    %mul3A_1 = arith.constant 1024 : i32
    %mul3A_2 = arith.muli %add3A, %mul3A_1 : i32
    "tpu.region"() ({
      %run_scoped3A = tpu.sem_alloc : memref<!tpu.dma_semaphore, #tpu.memory_space<semaphore_mem>>
      tpu.enqueue_dma source(%arg3 : memref<16xf32, #tpu.memory_space<hbm>>) target(%arg10 : memref<16xf32, #tpu.memory_space<vmem>>) target_semaphore(%run_scoped3A : memref<!tpu.dma_semaphore, #tpu.memory_space<semaphore_mem>>)
      tpu.wait_dma2 semaphore(%run_scoped3A : memref<!tpu.dma_semaphore, #tpu.memory_space<semaphore_mem>>) src(%arg3 : memref<16xf32, #tpu.memory_space<hbm>>) dst(%arg10 : memref<16xf32, #tpu.memory_space<vmem>>)
      tpu.yield
    }) : () -> ()
    "tpu.region"() ({
      %run_scoped3A = tpu.sem_alloc : memref<!tpu.dma_semaphore, #tpu.memory_space<semaphore_mem>>
      tpu.enqueue_dma source(%arg4 : memref<16xf32, #tpu.memory_space<hbm>>) target(%arg11 : memref<16xf32, #tpu.memory_space<vmem>>) target_semaphore(%run_scoped3A : memref<!tpu.dma_semaphore, #tpu.memory_space<semaphore_mem>>)
      tpu.wait_dma2 semaphore(%run_scoped3A : memref<!tpu.dma_semaphore, #tpu.memory_space<semaphore_mem>>) src(%arg4 : memref<16xf32, #tpu.memory_space<hbm>>) dst(%arg11 : memref<16xf32, #tpu.memory_space<vmem>>)
      tpu.yield
    }) : () -> ()
    %get3A = arith.constant 0 : index
    %get3A_3 = tpu.vector_load %arg10[%get3A] {strides = array<i32>} : memref<16xf32, #tpu.memory_space<vmem>>, vector<16xf32>,
    %get3A_4 = arith.constant 0 : index
    %get3A_5 = tpu.vector_load %arg11[%get3A_4] {strides = array<i32>} : memref<16xf32, #tpu.memory_space<vmem>>, vector<16xf32>,
    %broadcast_in_dim3A = arith.constant 0.000000e+00 : f32
    %broadcast_in_dim3A_6 = vector.broadcast %broadcast_in_dim3A : f32 to vector<16xf32>
    %mul3A_7 = arith.mulf %get3A_3, %get3A_5 : vector<16xf32>
    %sub3A = arith.subf %broadcast_in_dim3A_6, %mul3A_7 : vector<16xf32>
    %iota3A = tpu.iota {dimensions = array<i32: 0>} : vector<16xi32>
    %mul3A_8 = arith.constant 16 : i32
    %mul3A_9 = vector.broadcast %mul3A_8 : i32 to vector<16xi32>
    %mul3A_10 = arith.muli %iota3A, %mul3A_9 : vector<16xi32>
    %broadcast_in_dim3A_11 = arith.constant 1.000000e+00 : f32
    %broadcast_in_dim3A_12 = vector.broadcast %broadcast_in_dim3A_11 : f32 to vector<16xf32>
    %broadcast_in_dim3A_13 = arith.constant 5.115000e+02 : f32
    %broadcast_in_dim3A_14 = vector.broadcast %broadcast_in_dim3A_13 : f32 to vector<16xf32>
    %parallel_loop3A = arith.constant 0 : i32
    %parallel_loop3A_15 = arith.constant 512 : i32
    %parallel_loop3A_16 = arith.constant 1 : i32
    scf.for %parallel_loop3A_51 = %parallel_loop3A to %parallel_loop3A_15 step %parallel_loop3A_16  : i32 {
      %parallel_loop3A_52 = arith.constant 0.000000e+00 : f32
      %parallel_loop3A_53 = vector.broadcast %parallel_loop3A_52 : f32 to vector<16xf32>
      %parallel_loop3A_54 = arith.constant 16 : i32
      %parallel_loop3A_55 = arith.muli %parallel_loop3A_51, %parallel_loop3A_54 : i32
      %parallel_loop3A_56 = arith.index_cast %parallel_loop3A_55 : i32 to index
      %parallel_loop3A_57 = tpu.vector_load %arg12[%parallel_loop3A_56] {strides = array<i32>} : memref<8192xf32, #tpu.memory_space<vmem>>, vector<16xf32>,
      tpu.vector_store %arg12[%parallel_loop3A_56], %parallel_loop3A_53 {strides = array<i32>} : memref<8192xf32, #tpu.memory_space<vmem>>, vector<16xf32>,
    } {sc.loop_unroll_factor = 4 : i64, sc.parallel_access}
    %add3A_17 = arith.constant 0 : i32
    %add3A_18 = arith.addi %mul3A_2, %add3A_17 : i32
    %dma_start3A = arith.constant 0 : i32
    %dma_start3A_19 = tpu.memref_slice %arg2[%add3A_18, %dma_start3A] : memref<32768x2048xf32, #tpu.memory_space<hbm>> -> memref<8x2048xf32, #tpu.memory_space<hbm>>
    %dma_start3A_20 = arith.constant 0 : i32
    %dma_start3A_21 = tpu.memref_slice %arg2[%add3A_18, %dma_start3A_20] : memref<32768x2048xf32, #tpu.memory_space<hbm>> -> memref<8x2048xf32, #tpu.memory_space<hbm>>
    tpu.enqueue_dma source(%dma_start3A_21 : memref<8x2048xf32, #tpu.memory_space<hbm>>) target(%arg6 : memref<8x2048xf32, #tpu.memory_space<vmem>>) target_semaphore(%arg14 : memref<!tpu.dma_semaphore, #tpu.memory_space<semaphore_mem>>)
    %add3A_22 = arith.constant 8 : i32
    %add3A_23 = arith.addi %mul3A_2, %add3A_22 : i32
    %dma_start3A_24 = arith.constant 0 : i32
    %dma_start3A_25 = tpu.memref_slice %arg2[%add3A_23, %dma_start3A_24] : memref<32768x2048xf32, #tpu.memory_space<hbm>> -> memref<8x2048xf32, #tpu.memory_space<hbm>>
    %dma_start3A_26 = arith.constant 0 : i32
    %dma_start3A_27 = tpu.memref_slice %arg2[%add3A_23, %dma_start3A_26] : memref<32768x2048xf32, #tpu.memory_space<hbm>> -> memref<8x2048xf32, #tpu.memory_space<hbm>>
    tpu.enqueue_dma source(%dma_start3A_27 : memref<8x2048xf32, #tpu.memory_space<hbm>>) target(%arg7 : memref<8x2048xf32, #tpu.memory_space<vmem>>) target_semaphore(%arg15 : memref<!tpu.dma_semaphore, #tpu.memory_space<semaphore_mem>>)
    %add3A_28 = arith.constant 16 : i32
    %add3A_29 = arith.addi %mul3A_2, %add3A_28 : i32
    %dma_start3A_30 = arith.constant 0 : i32
    %dma_start3A_31 = tpu.memref_slice %arg2[%add3A_29, %dma_start3A_30] : memref<32768x2048xf32, #tpu.memory_space<hbm>> -> memref<8x2048xf32, #tpu.memory_space<hbm>>
    %dma_start3A_32 = arith.constant 0 : i32
    %dma_start3A_33 = tpu.memref_slice %arg2[%add3A_29, %dma_start3A_32] : memref<32768x2048xf32, #tpu.memory_space<hbm>> -> memref<8x2048xf32, #tpu.memory_space<hbm>>
    tpu.enqueue_dma source(%dma_start3A_33 : memref<8x2048xf32, #tpu.memory_space<hbm>>) target(%arg8 : memref<8x2048xf32, #tpu.memory_space<vmem>>) target_semaphore(%arg16 : memref<!tpu.dma_semaphore, #tpu.memory_space<semaphore_mem>>)
    %add3A_34 = arith.constant 24 : i32
    %add3A_35 = arith.addi %mul3A_2, %add3A_34 : i32
    %dma_start3A_36 = arith.constant 0 : i32
    %dma_start3A_37 = tpu.memref_slice %arg2[%add3A_35, %dma_start3A_36] : memref<32768x2048xf32, #tpu.memory_space<hbm>> -> memref<8x2048xf32, #tpu.memory_space<hbm>>
    %dma_start3A_38 = arith.constant 0 : i32
    %dma_start3A_39 = tpu.memref_slice %arg2[%add3A_35, %dma_start3A_38] : memref<32768x2048xf32, #tpu.memory_space<hbm>> -> memref<8x2048xf32, #tpu.memory_space<hbm>>
    tpu.enqueue_dma source(%dma_start3A_39 : memref<8x2048xf32, #tpu.memory_space<hbm>>) target(%arg9 : memref<8x2048xf32, #tpu.memory_space<vmem>>) target_semaphore(%arg17 : memref<!tpu.dma_semaphore, #tpu.memory_space<semaphore_mem>>)
    %scan3A = arith.constant 0 : i32
    %scan3A_40 = arith.constant 0 : i32
    %scan3A_41 = arith.constant 32 : i32
    %scan3A_42 = arith.addi %scan3A_40, %scan3A_41 : i32
    %scan3A_43 = arith.constant 1 : i32
    scf.for %scan3A_51 = %scan3A_40 to %scan3A_42 step %scan3A_43  : i32 {
      %mul3A_52 = arith.constant 4 : i32
      %mul3A_53 = arith.muli %scan3A_51, %mul3A_52 : i32
      %add3A_54 = arith.constant 0 : i32
      %add3A_55 = arith.addi %mul3A_53, %add3A_54 : i32
      %mul3A_56 = arith.constant 8 : i32
      %mul3A_57 = arith.muli %add3A_55, %mul3A_56 : i32
      %add3A_58 = arith.addi %mul3A_2, %mul3A_57 : i32
      %dma_wait3A = arith.constant 0 : i32
      %dma_wait3A_59 = tpu.memref_slice %arg2[%add3A_58, %dma_wait3A] : memref<32768x2048xf32, #tpu.memory_space<hbm>> -> memref<8x2048xf32, #tpu.memory_space<hbm>>
      %dma_wait3A_60 = arith.constant 0 : i32
      %dma_wait3A_61 = tpu.memref_slice %arg2[%add3A_58, %dma_wait3A_60] : memref<32768x2048xf32, #tpu.memory_space<hbm>> -> memref<8x2048xf32, #tpu.memory_space<hbm>>
      tpu.wait_dma2 semaphore(%arg14 : memref<!tpu.dma_semaphore, #tpu.memory_space<semaphore_mem>>) src(%dma_wait3A_61 : memref<8x2048xf32, #tpu.memory_space<hbm>>) dst(%arg6 : memref<8x2048xf32, #tpu.memory_space<vmem>>)
      %parallel_loop3A_62 = arith.constant 0 : i32
      %parallel_loop3A_63 = arith.constant 128 : i32
      %parallel_loop3A_64 = arith.constant 1 : i32
      scf.for %parallel_loop3A_132 = %parallel_loop3A_62 to %parallel_loop3A_63 step %parallel_loop3A_64  : i32 {
        %parallel_loop3A_133 = arith.constant 16 : i32
        %parallel_loop3A_134 = arith.muli %parallel_loop3A_132, %parallel_loop3A_133 : i32
        %parallel_loop3A_135 = arith.constant 0 : i32
        %parallel_loop3A_136 = arith.index_cast %parallel_loop3A_135 : i32 to index
        %parallel_loop3A_137 = arith.index_cast %parallel_loop3A_134 : i32 to index
        %parallel_loop3A_138 = tpu.vector_load %arg6[%parallel_loop3A_136, %parallel_loop3A_137] {strides = array<i32>} : memref<8x2048xf32, #tpu.memory_space<vmem>>, vector<16xf32>,
        %parallel_loop3A_139 = arith.mulf %parallel_loop3A_138, %get3A_5 : vector<16xf32>
        %parallel_loop3A_140 = arith.addf %parallel_loop3A_139, %sub3A : vector<16xf32>
        %parallel_loop3A_141 = arith.minimumf %parallel_loop3A_140, %broadcast_in_dim3A_14 : vector<16xf32>
        %parallel_loop3A_142 = arith.fptosi %parallel_loop3A_141 : vector<16xf32> to vector<16xi32>
        %parallel_loop3A_143 = arith.constant 4 : i32
        %parallel_loop3A_144 = vector.broadcast %parallel_loop3A_143 : i32 to vector<16xi32>
        %parallel_loop3A_145 = arith.shli %parallel_loop3A_142, %parallel_loop3A_144 : vector<16xi32>
        %parallel_loop3A_146 = arith.addi %parallel_loop3A_145, %iota3A : vector<16xi32>
        tpu.vector_store_idx %arg12[%parallel_loop3A_146], %broadcast_in_dim3A_12 {add = true} : memref<8192xf32, #tpu.memory_space<vmem>>[vector<16xi32>], vector<16xf32>,
        %parallel_loop3A_147 = arith.constant 16 : i32
        %parallel_loop3A_148 = arith.muli %parallel_loop3A_132, %parallel_loop3A_147 : i32
        %parallel_loop3A_149 = arith.constant 1 : i32
        %parallel_loop3A_150 = arith.index_cast %parallel_loop3A_149 : i32 to index
        %parallel_loop3A_151 = arith.index_cast %parallel_loop3A_148 : i32 to index
        %parallel_loop3A_152 = tpu.vector_load %arg6[%parallel_loop3A_150, %parallel_loop3A_151] {strides = array<i32>} : memref<8x2048xf32, #tpu.memory_space<vmem>>, vector<16xf32>,
        %parallel_loop3A_153 = arith.mulf %parallel_loop3A_152, %get3A_5 : vector<16xf32>
        %parallel_loop3A_154 = arith.addf %parallel_loop3A_153, %sub3A : vector<16xf32>
        %parallel_loop3A_155 = arith.minimumf %parallel_loop3A_154, %broadcast_in_dim3A_14 : vector<16xf32>
        %parallel_loop3A_156 = arith.fptosi %parallel_loop3A_155 : vector<16xf32> to vector<16xi32>
        %parallel_loop3A_157 = arith.constant 4 : i32
        %parallel_loop3A_158 = vector.broadcast %parallel_loop3A_157 : i32 to vector<16xi32>
        %parallel_loop3A_159 = arith.shli %parallel_loop3A_156, %parallel_loop3A_158 : vector<16xi32>
        %parallel_loop3A_160 = arith.addi %parallel_loop3A_159, %iota3A : vector<16xi32>
        tpu.vector_store_idx %arg12[%parallel_loop3A_160], %broadcast_in_dim3A_12 {add = true} : memref<8192xf32, #tpu.memory_space<vmem>>[vector<16xi32>], vector<16xf32>,
        %parallel_loop3A_161 = arith.constant 16 : i32
        %parallel_loop3A_162 = arith.muli %parallel_loop3A_132, %parallel_loop3A_161 : i32
        %parallel_loop3A_163 = arith.constant 2 : i32
        %parallel_loop3A_164 = arith.index_cast %parallel_loop3A_163 : i32 to index
        %parallel_loop3A_165 = arith.index_cast %parallel_loop3A_162 : i32 to index
        %parallel_loop3A_166 = tpu.vector_load %arg6[%parallel_loop3A_164, %parallel_loop3A_165] {strides = array<i32>} : memref<8x2048xf32, #tpu.memory_space<vmem>>, vector<16xf32>,
        %parallel_loop3A_167 = arith.mulf %parallel_loop3A_166, %get3A_5 : vector<16xf32>
        %parallel_loop3A_168 = arith.addf %parallel_loop3A_167, %sub3A : vector<16xf32>
        %parallel_loop3A_169 = arith.minimumf %parallel_loop3A_168, %broadcast_in_dim3A_14 : vector<16xf32>
        %parallel_loop3A_170 = arith.fptosi %parallel_loop3A_169 : vector<16xf32> to vector<16xi32>
        %parallel_loop3A_171 = arith.constant 4 : i32
        %parallel_loop3A_172 = vector.broadcast %parallel_loop3A_171 : i32 to vector<16xi32>
        %parallel_loop3A_173 = arith.shli %parallel_loop3A_170, %parallel_loop3A_172 : vector<16xi32>
        %parallel_loop3A_174 = arith.addi %parallel_loop3A_173, %iota3A : vector<16xi32>
        tpu.vector_store_idx %arg12[%parallel_loop3A_174], %broadcast_in_dim3A_12 {add = true} : memref<8192xf32, #tpu.memory_space<vmem>>[vector<16xi32>], vector<16xf32>,
        %parallel_loop3A_175 = arith.constant 16 : i32
        %parallel_loop3A_176 = arith.muli %parallel_loop3A_132, %parallel_loop3A_175 : i32
        %parallel_loop3A_177 = arith.constant 3 : i32
        %parallel_loop3A_178 = arith.index_cast %parallel_loop3A_177 : i32 to index
        %parallel_loop3A_179 = arith.index_cast %parallel_loop3A_176 : i32 to index
        %parallel_loop3A_180 = tpu.vector_load %arg6[%parallel_loop3A_178, %parallel_loop3A_179] {strides = array<i32>} : memref<8x2048xf32, #tpu.memory_space<vmem>>, vector<16xf32>,
        %parallel_loop3A_181 = arith.mulf %parallel_loop3A_180, %get3A_5 : vector<16xf32>
        %parallel_loop3A_182 = arith.addf %parallel_loop3A_181, %sub3A : vector<16xf32>
        %parallel_loop3A_183 = arith.minimumf %parallel_loop3A_182, %broadcast_in_dim3A_14 : vector<16xf32>
        %parallel_loop3A_184 = arith.fptosi %parallel_loop3A_183 : vector<16xf32> to vector<16xi32>
        %parallel_loop3A_185 = arith.constant 4 : i32
        %parallel_loop3A_186 = vector.broadcast %parallel_loop3A_185 : i32 to vector<16xi32>
        %parallel_loop3A_187 = arith.shli %parallel_loop3A_184, %parallel_loop3A_186 : vector<16xi32>
        %parallel_loop3A_188 = arith.addi %parallel_loop3A_187, %iota3A : vector<16xi32>
        tpu.vector_store_idx %arg12[%parallel_loop3A_188], %broadcast_in_dim3A_12 {add = true} : memref<8192xf32, #tpu.memory_space<vmem>>[vector<16xi32>], vector<16xf32>,
        %parallel_loop3A_189 = arith.constant 16 : i32
        %parallel_loop3A_190 = arith.muli %parallel_loop3A_132, %parallel_loop3A_189 : i32
        %parallel_loop3A_191 = arith.constant 4 : i32
        %parallel_loop3A_192 = arith.index_cast %parallel_loop3A_191 : i32 to index
        %parallel_loop3A_193 = arith.index_cast %parallel_loop3A_190 : i32 to index
        %parallel_loop3A_194 = tpu.vector_load %arg6[%parallel_loop3A_192, %parallel_loop3A_193] {strides = array<i32>} : memref<8x2048xf32, #tpu.memory_space<vmem>>, vector<16xf32>,
        %parallel_loop3A_195 = arith.mulf %parallel_loop3A_194, %get3A_5 : vector<16xf32>
        %parallel_loop3A_196 = arith.addf %parallel_loop3A_195, %sub3A : vector<16xf32>
        %parallel_loop3A_197 = arith.minimumf %parallel_loop3A_196, %broadcast_in_dim3A_14 : vector<16xf32>
        %parallel_loop3A_198 = arith.fptosi %parallel_loop3A_197 : vector<16xf32> to vector<16xi32>
        %parallel_loop3A_199 = arith.constant 4 : i32
        %parallel_loop3A_200 = vector.broadcast %parallel_loop3A_199 : i32 to vector<16xi32>
        %parallel_loop3A_201 = arith.shli %parallel_loop3A_198, %parallel_loop3A_200 : vector<16xi32>
        %parallel_loop3A_202 = arith.addi %parallel_loop3A_201, %iota3A : vector<16xi32>
        tpu.vector_store_idx %arg12[%parallel_loop3A_202], %broadcast_in_dim3A_12 {add = true} : memref<8192xf32, #tpu.memory_space<vmem>>[vector<16xi32>], vector<16xf32>,
        %parallel_loop3A_203 = arith.constant 16 : i32
        %parallel_loop3A_204 = arith.muli %parallel_loop3A_132, %parallel_loop3A_203 : i32
        %parallel_loop3A_205 = arith.constant 5 : i32
        %parallel_loop3A_206 = arith.index_cast %parallel_loop3A_205 : i32 to index
        %parallel_loop3A_207 = arith.index_cast %parallel_loop3A_204 : i32 to index
        %parallel_loop3A_208 = tpu.vector_load %arg6[%parallel_loop3A_206, %parallel_loop3A_207] {strides = array<i32>} : memref<8x2048xf32, #tpu.memory_space<vmem>>, vector<16xf32>,
        %parallel_loop3A_209 = arith.mulf %parallel_loop3A_208, %get3A_5 : vector<16xf32>
        %parallel_loop3A_210 = arith.addf %parallel_loop3A_209, %sub3A : vector<16xf32>
        %parallel_loop3A_211 = arith.minimumf %parallel_loop3A_210, %broadcast_in_dim3A_14 : vector<16xf32>
        %parallel_loop3A_212 = arith.fptosi %parallel_loop3A_211 : vector<16xf32> to vector<16xi32>
        %parallel_loop3A_213 = arith.constant 4 : i32
        %parallel_loop3A_214 = vector.broadcast %parallel_loop3A_213 : i32 to vector<16xi32>
        %parallel_loop3A_215 = arith.shli %parallel_loop3A_212, %parallel_loop3A_214 : vector<16xi32>
        %parallel_loop3A_216 = arith.addi %parallel_loop3A_215, %iota3A : vector<16xi32>
        tpu.vector_store_idx %arg12[%parallel_loop3A_216], %broadcast_in_dim3A_12 {add = true} : memref<8192xf32, #tpu.memory_space<vmem>>[vector<16xi32>], vector<16xf32>,
        %parallel_loop3A_217 = arith.constant 16 : i32
        %parallel_loop3A_218 = arith.muli %parallel_loop3A_132, %parallel_loop3A_217 : i32
        %parallel_loop3A_219 = arith.constant 6 : i32
        %parallel_loop3A_220 = arith.index_cast %parallel_loop3A_219 : i32 to index
        %parallel_loop3A_221 = arith.index_cast %parallel_loop3A_218 : i32 to index
        %parallel_loop3A_222 = tpu.vector_load %arg6[%parallel_loop3A_220, %parallel_loop3A_221] {strides = array<i32>} : memref<8x2048xf32, #tpu.memory_space<vmem>>, vector<16xf32>,
        %parallel_loop3A_223 = arith.mulf %parallel_loop3A_222, %get3A_5 : vector<16xf32>
        %parallel_loop3A_224 = arith.addf %parallel_loop3A_223, %sub3A : vector<16xf32>
        %parallel_loop3A_225 = arith.minimumf %parallel_loop3A_224, %broadcast_in_dim3A_14 : vector<16xf32>
        %parallel_loop3A_226 = arith.fptosi %parallel_loop3A_225 : vector<16xf32> to vector<16xi32>
        %parallel_loop3A_227 = arith.constant 4 : i32
        %parallel_loop3A_228 = vector.broadcast %parallel_loop3A_227 : i32 to vector<16xi32>
        %parallel_loop3A_229 = arith.shli %parallel_loop3A_226, %parallel_loop3A_228 : vector<16xi32>
        %parallel_loop3A_230 = arith.addi %parallel_loop3A_229, %iota3A : vector<16xi32>
        tpu.vector_store_idx %arg12[%parallel_loop3A_230], %broadcast_in_dim3A_12 {add = true} : memref<8192xf32, #tpu.memory_space<vmem>>[vector<16xi32>], vector<16xf32>,
        %parallel_loop3A_231 = arith.constant 16 : i32
        %parallel_loop3A_232 = arith.muli %parallel_loop3A_132, %parallel_loop3A_231 : i32
        %parallel_loop3A_233 = arith.constant 7 : i32
        %parallel_loop3A_234 = arith.index_cast %parallel_loop3A_233 : i32 to index
        %parallel_loop3A_235 = arith.index_cast %parallel_loop3A_232 : i32 to index
        %parallel_loop3A_236 = tpu.vector_load %arg6[%parallel_loop3A_234, %parallel_loop3A_235] {strides = array<i32>} : memref<8x2048xf32, #tpu.memory_space<vmem>>, vector<16xf32>,
        %parallel_loop3A_237 = arith.mulf %parallel_loop3A_236, %get3A_5 : vector<16xf32>
        %parallel_loop3A_238 = arith.addf %parallel_loop3A_237, %sub3A : vector<16xf32>
        %parallel_loop3A_239 = arith.minimumf %parallel_loop3A_238, %broadcast_in_dim3A_14 : vector<16xf32>
        %parallel_loop3A_240 = arith.fptosi %parallel_loop3A_239 : vector<16xf32> to vector<16xi32>
        %parallel_loop3A_241 = arith.constant 4 : i32
        %parallel_loop3A_242 = vector.broadcast %parallel_loop3A_241 : i32 to vector<16xi32>
        %parallel_loop3A_243 = arith.shli %parallel_loop3A_240, %parallel_loop3A_242 : vector<16xi32>
        %parallel_loop3A_244 = arith.addi %parallel_loop3A_243, %iota3A : vector<16xi32>
        tpu.vector_store_idx %arg12[%parallel_loop3A_244], %broadcast_in_dim3A_12 {add = true} : memref<8192xf32, #tpu.memory_space<vmem>>[vector<16xi32>], vector<16xf32>,
      } {sc.loop_unroll_factor = 2 : i64, sc.parallel_access}
      %add3A_65 = arith.constant 4 : i32
      %add3A_66 = arith.addi %add3A_55, %add3A_65 : i32
      %lt3A = arith.constant 128 : i32
      %lt3A_67 = arith.cmpi slt, %add3A_66, %lt3A : i32
      %convert_element_type3A = arith.extui %lt3A_67 : i1 to i32
      %cond3A = arith.constant 0 : i32
      %cond3A_68 = arith.cmpi ne, %convert_element_type3A, %cond3A : i32
      scf.if %cond3A_68 {
        %add3A_132 = arith.constant 32 : i32
        %add3A_133 = arith.addi %add3A_58, %add3A_132 : i32
        %dma_start3A_134 = arith.constant 0 : i32
        %dma_start3A_135 = tpu.memref_slice %arg2[%add3A_133, %dma_start3A_134] : memref<32768x2048xf32, #tpu.memory_space<hbm>> -> memref<8x2048xf32, #tpu.memory_space<hbm>>
        %dma_start3A_136 = arith.constant 0 : i32
        %dma_start3A_137 = tpu.memref_slice %arg2[%add3A_133, %dma_start3A_136] : memref<32768x2048xf32, #tpu.memory_space<hbm>> -> memref<8x2048xf32, #tpu.memory_space<hbm>>
        tpu.enqueue_dma source(%dma_start3A_137 : memref<8x2048xf32, #tpu.memory_space<hbm>>) target(%arg6 : memref<8x2048xf32, #tpu.memory_space<vmem>>) target_semaphore(%arg14 : memref<!tpu.dma_semaphore, #tpu.memory_space<semaphore_mem>>)
      } else {
      }
      %mul3A_69 = arith.constant 4 : i32
      %mul3A_70 = arith.muli %scan3A_51, %mul3A_69 : i32
      %add3A_71 = arith.constant 1 : i32
      %add3A_72 = arith.addi %mul3A_70, %add3A_71 : i32
      %mul3A_73 = arith.constant 8 : i32
      %mul3A_74 = arith.muli %add3A_72, %mul3A_73 : i32
      %add3A_75 = arith.addi %mul3A_2, %mul3A_74 : i32
      %dma_wait3A_76 = arith.constant 0 : i32
      %dma_wait3A_77 = tpu.memref_slice %arg2[%add3A_75, %dma_wait3A_76] : memref<32768x2048xf32, #tpu.memory_space<hbm>> -> memref<8x2048xf32, #tpu.memory_space<hbm>>
      %dma_wait3A_78 = arith.constant 0 : i32
      %dma_wait3A_79 = tpu.memref_slice %arg2[%add3A_75, %dma_wait3A_78] : memref<32768x2048xf32, #tpu.memory_space<hbm>> -> memref<8x2048xf32, #tpu.memory_space<hbm>>
      tpu.wait_dma2 semaphore(%arg15 : memref<!tpu.dma_semaphore, #tpu.memory_space<semaphore_mem>>) src(%dma_wait3A_79 : memref<8x2048xf32, #tpu.memory_space<hbm>>) dst(%arg7 : memref<8x2048xf32, #tpu.memory_space<vmem>>)
      %parallel_loop3A_80 = arith.constant 0 : i32
      %parallel_loop3A_81 = arith.constant 128 : i32
      %parallel_loop3A_82 = arith.constant 1 : i32
      scf.for %parallel_loop3A_132 = %parallel_loop3A_80 to %parallel_loop3A_81 step %parallel_loop3A_82  : i32 {
        %parallel_loop3A_133 = arith.constant 16 : i32
        %parallel_loop3A_134 = arith.muli %parallel_loop3A_132, %parallel_loop3A_133 : i32
        %parallel_loop3A_135 = arith.constant 0 : i32
        %parallel_loop3A_136 = arith.index_cast %parallel_loop3A_135 : i32 to index
        %parallel_loop3A_137 = arith.index_cast %parallel_loop3A_134 : i32 to index
        %parallel_loop3A_138 = tpu.vector_load %arg7[%parallel_loop3A_136, %parallel_loop3A_137] {strides = array<i32>} : memref<8x2048xf32, #tpu.memory_space<vmem>>, vector<16xf32>,
        %parallel_loop3A_139 = arith.mulf %parallel_loop3A_138, %get3A_5 : vector<16xf32>
        %parallel_loop3A_140 = arith.addf %parallel_loop3A_139, %sub3A : vector<16xf32>
        %parallel_loop3A_141 = arith.minimumf %parallel_loop3A_140, %broadcast_in_dim3A_14 : vector<16xf32>
        %parallel_loop3A_142 = arith.fptosi %parallel_loop3A_141 : vector<16xf32> to vector<16xi32>
        %parallel_loop3A_143 = arith.constant 4 : i32
        %parallel_loop3A_144 = vector.broadcast %parallel_loop3A_143 : i32 to vector<16xi32>
        %parallel_loop3A_145 = arith.shli %parallel_loop3A_142, %parallel_loop3A_144 : vector<16xi32>
        %parallel_loop3A_146 = arith.addi %parallel_loop3A_145, %iota3A : vector<16xi32>
        tpu.vector_store_idx %arg12[%parallel_loop3A_146], %broadcast_in_dim3A_12 {add = true} : memref<8192xf32, #tpu.memory_space<vmem>>[vector<16xi32>], vector<16xf32>,
        %parallel_loop3A_147 = arith.constant 16 : i32
        %parallel_loop3A_148 = arith.muli %parallel_loop3A_132, %parallel_loop3A_147 : i32
        %parallel_loop3A_149 = arith.constant 1 : i32
        %parallel_loop3A_150 = arith.index_cast %parallel_loop3A_149 : i32 to index
        %parallel_loop3A_151 = arith.index_cast %parallel_loop3A_148 : i32 to index
        %parallel_loop3A_152 = tpu.vector_load %arg7[%parallel_loop3A_150, %parallel_loop3A_151] {strides = array<i32>} : memref<8x2048xf32, #tpu.memory_space<vmem>>, vector<16xf32>,
        %parallel_loop3A_153 = arith.mulf %parallel_loop3A_152, %get3A_5 : vector<16xf32>
        %parallel_loop3A_154 = arith.addf %parallel_loop3A_153, %sub3A : vector<16xf32>
        %parallel_loop3A_155 = arith.minimumf %parallel_loop3A_154, %broadcast_in_dim3A_14 : vector<16xf32>
        %parallel_loop3A_156 = arith.fptosi %parallel_loop3A_155 : vector<16xf32> to vector<16xi32>
        %parallel_loop3A_157 = arith.constant 4 : i32
        %parallel_loop3A_158 = vector.broadcast %parallel_loop3A_157 : i32 to vector<16xi32>
        %parallel_loop3A_159 = arith.shli %parallel_loop3A_156, %parallel_loop3A_158 : vector<16xi32>
        %parallel_loop3A_160 = arith.addi %parallel_loop3A_159, %iota3A : vector<16xi32>
        tpu.vector_store_idx %arg12[%parallel_loop3A_160], %broadcast_in_dim3A_12 {add = true} : memref<8192xf32, #tpu.memory_space<vmem>>[vector<16xi32>], vector<16xf32>,
        %parallel_loop3A_161 = arith.constant 16 : i32
        %parallel_loop3A_162 = arith.muli %parallel_loop3A_132, %parallel_loop3A_161 : i32
        %parallel_loop3A_163 = arith.constant 2 : i32
        %parallel_loop3A_164 = arith.index_cast %parallel_loop3A_163 : i32 to index
        %parallel_loop3A_165 = arith.index_cast %parallel_loop3A_162 : i32 to index
        %parallel_loop3A_166 = tpu.vector_load %arg7[%parallel_loop3A_164, %parallel_loop3A_165] {strides = array<i32>} : memref<8x2048xf32, #tpu.memory_space<vmem>>, vector<16xf32>,
        %parallel_loop3A_167 = arith.mulf %parallel_loop3A_166, %get3A_5 : vector<16xf32>
        %parallel_loop3A_168 = arith.addf %parallel_loop3A_167, %sub3A : vector<16xf32>
        %parallel_loop3A_169 = arith.minimumf %parallel_loop3A_168, %broadcast_in_dim3A_14 : vector<16xf32>
        %parallel_loop3A_170 = arith.fptosi %parallel_loop3A_169 : vector<16xf32> to vector<16xi32>
        %parallel_loop3A_171 = arith.constant 4 : i32
        %parallel_loop3A_172 = vector.broadcast %parallel_loop3A_171 : i32 to vector<16xi32>
        %parallel_loop3A_173 = arith.shli %parallel_loop3A_170, %parallel_loop3A_172 : vector<16xi32>
        %parallel_loop3A_174 = arith.addi %parallel_loop3A_173, %iota3A : vector<16xi32>
        tpu.vector_store_idx %arg12[%parallel_loop3A_174], %broadcast_in_dim3A_12 {add = true} : memref<8192xf32, #tpu.memory_space<vmem>>[vector<16xi32>], vector<16xf32>,
        %parallel_loop3A_175 = arith.constant 16 : i32
        %parallel_loop3A_176 = arith.muli %parallel_loop3A_132, %parallel_loop3A_175 : i32
        %parallel_loop3A_177 = arith.constant 3 : i32
        %parallel_loop3A_178 = arith.index_cast %parallel_loop3A_177 : i32 to index
        %parallel_loop3A_179 = arith.index_cast %parallel_loop3A_176 : i32 to index
        %parallel_loop3A_180 = tpu.vector_load %arg7[%parallel_loop3A_178, %parallel_loop3A_179] {strides = array<i32>} : memref<8x2048xf32, #tpu.memory_space<vmem>>, vector<16xf32>,
        %parallel_loop3A_181 = arith.mulf %parallel_loop3A_180, %get3A_5 : vector<16xf32>
        %parallel_loop3A_182 = arith.addf %parallel_loop3A_181, %sub3A : vector<16xf32>
        %parallel_loop3A_183 = arith.minimumf %parallel_loop3A_182, %broadcast_in_dim3A_14 : vector<16xf32>
        %parallel_loop3A_184 = arith.fptosi %parallel_loop3A_183 : vector<16xf32> to vector<16xi32>
        %parallel_loop3A_185 = arith.constant 4 : i32
        %parallel_loop3A_186 = vector.broadcast %parallel_loop3A_185 : i32 to vector<16xi32>
        %parallel_loop3A_187 = arith.shli %parallel_loop3A_184, %parallel_loop3A_186 : vector<16xi32>
        %parallel_loop3A_188 = arith.addi %parallel_loop3A_187, %iota3A : vector<16xi32>
        tpu.vector_store_idx %arg12[%parallel_loop3A_188], %broadcast_in_dim3A_12 {add = true} : memref<8192xf32, #tpu.memory_space<vmem>>[vector<16xi32>], vector<16xf32>,
        %parallel_loop3A_189 = arith.constant 16 : i32
        %parallel_loop3A_190 = arith.muli %parallel_loop3A_132, %parallel_loop3A_189 : i32
        %parallel_loop3A_191 = arith.constant 4 : i32
        %parallel_loop3A_192 = arith.index_cast %parallel_loop3A_191 : i32 to index
        %parallel_loop3A_193 = arith.index_cast %parallel_loop3A_190 : i32 to index
        %parallel_loop3A_194 = tpu.vector_load %arg7[%parallel_loop3A_192, %parallel_loop3A_193] {strides = array<i32>} : memref<8x2048xf32, #tpu.memory_space<vmem>>, vector<16xf32>,
        %parallel_loop3A_195 = arith.mulf %parallel_loop3A_194, %get3A_5 : vector<16xf32>
        %parallel_loop3A_196 = arith.addf %parallel_loop3A_195, %sub3A : vector<16xf32>
        %parallel_loop3A_197 = arith.minimumf %parallel_loop3A_196, %broadcast_in_dim3A_14 : vector<16xf32>
        %parallel_loop3A_198 = arith.fptosi %parallel_loop3A_197 : vector<16xf32> to vector<16xi32>
        %parallel_loop3A_199 = arith.constant 4 : i32
        %parallel_loop3A_200 = vector.broadcast %parallel_loop3A_199 : i32 to vector<16xi32>
        %parallel_loop3A_201 = arith.shli %parallel_loop3A_198, %parallel_loop3A_200 : vector<16xi32>
        %parallel_loop3A_202 = arith.addi %parallel_loop3A_201, %iota3A : vector<16xi32>
        tpu.vector_store_idx %arg12[%parallel_loop3A_202], %broadcast_in_dim3A_12 {add = true} : memref<8192xf32, #tpu.memory_space<vmem>>[vector<16xi32>], vector<16xf32>,
        %parallel_loop3A_203 = arith.constant 16 : i32
        %parallel_loop3A_204 = arith.muli %parallel_loop3A_132, %parallel_loop3A_203 : i32
        %parallel_loop3A_205 = arith.constant 5 : i32
        %parallel_loop3A_206 = arith.index_cast %parallel_loop3A_205 : i32 to index
        %parallel_loop3A_207 = arith.index_cast %parallel_loop3A_204 : i32 to index
        %parallel_loop3A_208 = tpu.vector_load %arg7[%parallel_loop3A_206, %parallel_loop3A_207] {strides = array<i32>} : memref<8x2048xf32, #tpu.memory_space<vmem>>, vector<16xf32>,
        %parallel_loop3A_209 = arith.mulf %parallel_loop3A_208, %get3A_5 : vector<16xf32>
        %parallel_loop3A_210 = arith.addf %parallel_loop3A_209, %sub3A : vector<16xf32>
        %parallel_loop3A_211 = arith.minimumf %parallel_loop3A_210, %broadcast_in_dim3A_14 : vector<16xf32>
        %parallel_loop3A_212 = arith.fptosi %parallel_loop3A_211 : vector<16xf32> to vector<16xi32>
        %parallel_loop3A_213 = arith.constant 4 : i32
        %parallel_loop3A_214 = vector.broadcast %parallel_loop3A_213 : i32 to vector<16xi32>
        %parallel_loop3A_215 = arith.shli %parallel_loop3A_212, %parallel_loop3A_214 : vector<16xi32>
        %parallel_loop3A_216 = arith.addi %parallel_loop3A_215, %iota3A : vector<16xi32>
        tpu.vector_store_idx %arg12[%parallel_loop3A_216], %broadcast_in_dim3A_12 {add = true} : memref<8192xf32, #tpu.memory_space<vmem>>[vector<16xi32>], vector<16xf32>,
        %parallel_loop3A_217 = arith.constant 16 : i32
        %parallel_loop3A_218 = arith.muli %parallel_loop3A_132, %parallel_loop3A_217 : i32
        %parallel_loop3A_219 = arith.constant 6 : i32
        %parallel_loop3A_220 = arith.index_cast %parallel_loop3A_219 : i32 to index
        %parallel_loop3A_221 = arith.index_cast %parallel_loop3A_218 : i32 to index
        %parallel_loop3A_222 = tpu.vector_load %arg7[%parallel_loop3A_220, %parallel_loop3A_221] {strides = array<i32>} : memref<8x2048xf32, #tpu.memory_space<vmem>>, vector<16xf32>,
        %parallel_loop3A_223 = arith.mulf %parallel_loop3A_222, %get3A_5 : vector<16xf32>
        %parallel_loop3A_224 = arith.addf %parallel_loop3A_223, %sub3A : vector<16xf32>
        %parallel_loop3A_225 = arith.minimumf %parallel_loop3A_224, %broadcast_in_dim3A_14 : vector<16xf32>
        %parallel_loop3A_226 = arith.fptosi %parallel_loop3A_225 : vector<16xf32> to vector<16xi32>
        %parallel_loop3A_227 = arith.constant 4 : i32
        %parallel_loop3A_228 = vector.broadcast %parallel_loop3A_227 : i32 to vector<16xi32>
        %parallel_loop3A_229 = arith.shli %parallel_loop3A_226, %parallel_loop3A_228 : vector<16xi32>
        %parallel_loop3A_230 = arith.addi %parallel_loop3A_229, %iota3A : vector<16xi32>
        tpu.vector_store_idx %arg12[%parallel_loop3A_230], %broadcast_in_dim3A_12 {add = true} : memref<8192xf32, #tpu.memory_space<vmem>>[vector<16xi32>], vector<16xf32>,
        %parallel_loop3A_231 = arith.constant 16 : i32
        %parallel_loop3A_232 = arith.muli %parallel_loop3A_132, %parallel_loop3A_231 : i32
        %parallel_loop3A_233 = arith.constant 7 : i32
        %parallel_loop3A_234 = arith.index_cast %parallel_loop3A_233 : i32 to index
        %parallel_loop3A_235 = arith.index_cast %parallel_loop3A_232 : i32 to index
        %parallel_loop3A_236 = tpu.vector_load %arg7[%parallel_loop3A_234, %parallel_loop3A_235] {strides = array<i32>} : memref<8x2048xf32, #tpu.memory_space<vmem>>, vector<16xf32>,
        %parallel_loop3A_237 = arith.mulf %parallel_loop3A_236, %get3A_5 : vector<16xf32>
        %parallel_loop3A_238 = arith.addf %parallel_loop3A_237, %sub3A : vector<16xf32>
        %parallel_loop3A_239 = arith.minimumf %parallel_loop3A_238, %broadcast_in_dim3A_14 : vector<16xf32>
        %parallel_loop3A_240 = arith.fptosi %parallel_loop3A_239 : vector<16xf32> to vector<16xi32>
        %parallel_loop3A_241 = arith.constant 4 : i32
        %parallel_loop3A_242 = vector.broadcast %parallel_loop3A_241 : i32 to vector<16xi32>
        %parallel_loop3A_243 = arith.shli %parallel_loop3A_240, %parallel_loop3A_242 : vector<16xi32>
        %parallel_loop3A_244 = arith.addi %parallel_loop3A_243, %iota3A : vector<16xi32>
        tpu.vector_store_idx %arg12[%parallel_loop3A_244], %broadcast_in_dim3A_12 {add = true} : memref<8192xf32, #tpu.memory_space<vmem>>[vector<16xi32>], vector<16xf32>,
      } {sc.loop_unroll_factor = 2 : i64, sc.parallel_access}
      %add3A_83 = arith.constant 4 : i32
      %add3A_84 = arith.addi %add3A_72, %add3A_83 : i32
      %lt3A_85 = arith.constant 128 : i32
      %lt3A_86 = arith.cmpi slt, %add3A_84, %lt3A_85 : i32
      %convert_element_type3A_87 = arith.extui %lt3A_86 : i1 to i32
      %cond3A_88 = arith.constant 0 : i32
      %cond3A_89 = arith.cmpi ne, %convert_element_type3A_87, %cond3A_88 : i32
      scf.if %cond3A_89 {
        %add3A_132 = arith.constant 32 : i32
        %add3A_133 = arith.addi %add3A_75, %add3A_132 : i32
        %dma_start3A_134 = arith.constant 0 : i32
        %dma_start3A_135 = tpu.memref_slice %arg2[%add3A_133, %dma_start3A_134] : memref<32768x2048xf32, #tpu.memory_space<hbm>> -> memref<8x2048xf32, #tpu.memory_space<hbm>>
        %dma_start3A_136 = arith.constant 0 : i32
        %dma_start3A_137 = tpu.memref_slice %arg2[%add3A_133, %dma_start3A_136] : memref<32768x2048xf32, #tpu.memory_space<hbm>> -> memref<8x2048xf32, #tpu.memory_space<hbm>>
        tpu.enqueue_dma source(%dma_start3A_137 : memref<8x2048xf32, #tpu.memory_space<hbm>>) target(%arg7 : memref<8x2048xf32, #tpu.memory_space<vmem>>) target_semaphore(%arg15 : memref<!tpu.dma_semaphore, #tpu.memory_space<semaphore_mem>>)
      } else {
      }
      %mul3A_90 = arith.constant 4 : i32
      %mul3A_91 = arith.muli %scan3A_51, %mul3A_90 : i32
      %add3A_92 = arith.constant 2 : i32
      %add3A_93 = arith.addi %mul3A_91, %add3A_92 : i32
      %mul3A_94 = arith.constant 8 : i32
      %mul3A_95 = arith.muli %add3A_93, %mul3A_94 : i32
      %add3A_96 = arith.addi %mul3A_2, %mul3A_95 : i32
      %dma_wait3A_97 = arith.constant 0 : i32
      %dma_wait3A_98 = tpu.memref_slice %arg2[%add3A_96, %dma_wait3A_97] : memref<32768x2048xf32, #tpu.memory_space<hbm>> -> memref<8x2048xf32, #tpu.memory_space<hbm>>
      %dma_wait3A_99 = arith.constant 0 : i32
      %dma_wait3A_100 = tpu.memref_slice %arg2[%add3A_96, %dma_wait3A_99] : memref<32768x2048xf32, #tpu.memory_space<hbm>> -> memref<8x2048xf32, #tpu.memory_space<hbm>>
      tpu.wait_dma2 semaphore(%arg16 : memref<!tpu.dma_semaphore, #tpu.memory_space<semaphore_mem>>) src(%dma_wait3A_100 : memref<8x2048xf32, #tpu.memory_space<hbm>>) dst(%arg8 : memref<8x2048xf32, #tpu.memory_space<vmem>>)
      %parallel_loop3A_101 = arith.constant 0 : i32
      %parallel_loop3A_102 = arith.constant 128 : i32
      %parallel_loop3A_103 = arith.constant 1 : i32
      scf.for %parallel_loop3A_132 = %parallel_loop3A_101 to %parallel_loop3A_102 step %parallel_loop3A_103  : i32 {
        %parallel_loop3A_133 = arith.constant 16 : i32
        %parallel_loop3A_134 = arith.muli %parallel_loop3A_132, %parallel_loop3A_133 : i32
        %parallel_loop3A_135 = arith.constant 0 : i32
        %parallel_loop3A_136 = arith.index_cast %parallel_loop3A_135 : i32 to index
        %parallel_loop3A_137 = arith.index_cast %parallel_loop3A_134 : i32 to index
        %parallel_loop3A_138 = tpu.vector_load %arg8[%parallel_loop3A_136, %parallel_loop3A_137] {strides = array<i32>} : memref<8x2048xf32, #tpu.memory_space<vmem>>, vector<16xf32>,
        %parallel_loop3A_139 = arith.mulf %parallel_loop3A_138, %get3A_5 : vector<16xf32>
        %parallel_loop3A_140 = arith.addf %parallel_loop3A_139, %sub3A : vector<16xf32>
        %parallel_loop3A_141 = arith.minimumf %parallel_loop3A_140, %broadcast_in_dim3A_14 : vector<16xf32>
        %parallel_loop3A_142 = arith.fptosi %parallel_loop3A_141 : vector<16xf32> to vector<16xi32>
        %parallel_loop3A_143 = arith.constant 4 : i32
        %parallel_loop3A_144 = vector.broadcast %parallel_loop3A_143 : i32 to vector<16xi32>
        %parallel_loop3A_145 = arith.shli %parallel_loop3A_142, %parallel_loop3A_144 : vector<16xi32>
        %parallel_loop3A_146 = arith.addi %parallel_loop3A_145, %iota3A : vector<16xi32>
        tpu.vector_store_idx %arg12[%parallel_loop3A_146], %broadcast_in_dim3A_12 {add = true} : memref<8192xf32, #tpu.memory_space<vmem>>[vector<16xi32>], vector<16xf32>,
        %parallel_loop3A_147 = arith.constant 16 : i32
        %parallel_loop3A_148 = arith.muli %parallel_loop3A_132, %parallel_loop3A_147 : i32
        %parallel_loop3A_149 = arith.constant 1 : i32
        %parallel_loop3A_150 = arith.index_cast %parallel_loop3A_149 : i32 to index
        %parallel_loop3A_151 = arith.index_cast %parallel_loop3A_148 : i32 to index
        %parallel_loop3A_152 = tpu.vector_load %arg8[%parallel_loop3A_150, %parallel_loop3A_151] {strides = array<i32>} : memref<8x2048xf32, #tpu.memory_space<vmem>>, vector<16xf32>,
        %parallel_loop3A_153 = arith.mulf %parallel_loop3A_152, %get3A_5 : vector<16xf32>
        %parallel_loop3A_154 = arith.addf %parallel_loop3A_153, %sub3A : vector<16xf32>
        %parallel_loop3A_155 = arith.minimumf %parallel_loop3A_154, %broadcast_in_dim3A_14 : vector<16xf32>
        %parallel_loop3A_156 = arith.fptosi %parallel_loop3A_155 : vector<16xf32> to vector<16xi32>
        %parallel_loop3A_157 = arith.constant 4 : i32
        %parallel_loop3A_158 = vector.broadcast %parallel_loop3A_157 : i32 to vector<16xi32>
        %parallel_loop3A_159 = arith.shli %parallel_loop3A_156, %parallel_loop3A_158 : vector<16xi32>
        %parallel_loop3A_160 = arith.addi %parallel_loop3A_159, %iota3A : vector<16xi32>
        tpu.vector_store_idx %arg12[%parallel_loop3A_160], %broadcast_in_dim3A_12 {add = true} : memref<8192xf32, #tpu.memory_space<vmem>>[vector<16xi32>], vector<16xf32>,
        %parallel_loop3A_161 = arith.constant 16 : i32
        %parallel_loop3A_162 = arith.muli %parallel_loop3A_132, %parallel_loop3A_161 : i32
        %parallel_loop3A_163 = arith.constant 2 : i32
        %parallel_loop3A_164 = arith.index_cast %parallel_loop3A_163 : i32 to index
        %parallel_loop3A_165 = arith.index_cast %parallel_loop3A_162 : i32 to index
        %parallel_loop3A_166 = tpu.vector_load %arg8[%parallel_loop3A_164, %parallel_loop3A_165] {strides = array<i32>} : memref<8x2048xf32, #tpu.memory_space<vmem>>, vector<16xf32>,
        %parallel_loop3A_167 = arith.mulf %parallel_loop3A_166, %get3A_5 : vector<16xf32>
        %parallel_loop3A_168 = arith.addf %parallel_loop3A_167, %sub3A : vector<16xf32>
        %parallel_loop3A_169 = arith.minimumf %parallel_loop3A_168, %broadcast_in_dim3A_14 : vector<16xf32>
        %parallel_loop3A_170 = arith.fptosi %parallel_loop3A_169 : vector<16xf32> to vector<16xi32>
        %parallel_loop3A_171 = arith.constant 4 : i32
        %parallel_loop3A_172 = vector.broadcast %parallel_loop3A_171 : i32 to vector<16xi32>
        %parallel_loop3A_173 = arith.shli %parallel_loop3A_170, %parallel_loop3A_172 : vector<16xi32>
        %parallel_loop3A_174 = arith.addi %parallel_loop3A_173, %iota3A : vector<16xi32>
        tpu.vector_store_idx %arg12[%parallel_loop3A_174], %broadcast_in_dim3A_12 {add = true} : memref<8192xf32, #tpu.memory_space<vmem>>[vector<16xi32>], vector<16xf32>,
        %parallel_loop3A_175 = arith.constant 16 : i32
        %parallel_loop3A_176 = arith.muli %parallel_loop3A_132, %parallel_loop3A_175 : i32
        %parallel_loop3A_177 = arith.constant 3 : i32
        %parallel_loop3A_178 = arith.index_cast %parallel_loop3A_177 : i32 to index
        %parallel_loop3A_179 = arith.index_cast %parallel_loop3A_176 : i32 to index
        %parallel_loop3A_180 = tpu.vector_load %arg8[%parallel_loop3A_178, %parallel_loop3A_179] {strides = array<i32>} : memref<8x2048xf32, #tpu.memory_space<vmem>>, vector<16xf32>,
        %parallel_loop3A_181 = arith.mulf %parallel_loop3A_180, %get3A_5 : vector<16xf32>
        %parallel_loop3A_182 = arith.addf %parallel_loop3A_181, %sub3A : vector<16xf32>
        %parallel_loop3A_183 = arith.minimumf %parallel_loop3A_182, %broadcast_in_dim3A_14 : vector<16xf32>
        %parallel_loop3A_184 = arith.fptosi %parallel_loop3A_183 : vector<16xf32> to vector<16xi32>
        %parallel_loop3A_185 = arith.constant 4 : i32
        %parallel_loop3A_186 = vector.broadcast %parallel_loop3A_185 : i32 to vector<16xi32>
        %parallel_loop3A_187 = arith.shli %parallel_loop3A_184, %parallel_loop3A_186 : vector<16xi32>
        %parallel_loop3A_188 = arith.addi %parallel_loop3A_187, %iota3A : vector<16xi32>
        tpu.vector_store_idx %arg12[%parallel_loop3A_188], %broadcast_in_dim3A_12 {add = true} : memref<8192xf32, #tpu.memory_space<vmem>>[vector<16xi32>], vector<16xf32>,
        %parallel_loop3A_189 = arith.constant 16 : i32
        %parallel_loop3A_190 = arith.muli %parallel_loop3A_132, %parallel_loop3A_189 : i32
        %parallel_loop3A_191 = arith.constant 4 : i32
        %parallel_loop3A_192 = arith.index_cast %parallel_loop3A_191 : i32 to index
        %parallel_loop3A_193 = arith.index_cast %parallel_loop3A_190 : i32 to index
        %parallel_loop3A_194 = tpu.vector_load %arg8[%parallel_loop3A_192, %parallel_loop3A_193] {strides = array<i32>} : memref<8x2048xf32, #tpu.memory_space<vmem>>, vector<16xf32>,
        %parallel_loop3A_195 = arith.mulf %parallel_loop3A_194, %get3A_5 : vector<16xf32>
        %parallel_loop3A_196 = arith.addf %parallel_loop3A_195, %sub3A : vector<16xf32>
        %parallel_loop3A_197 = arith.minimumf %parallel_loop3A_196, %broadcast_in_dim3A_14 : vector<16xf32>
        %parallel_loop3A_198 = arith.fptosi %parallel_loop3A_197 : vector<16xf32> to vector<16xi32>
        %parallel_loop3A_199 = arith.constant 4 : i32
        %parallel_loop3A_200 = vector.broadcast %parallel_loop3A_199 : i32 to vector<16xi32>
        %parallel_loop3A_201 = arith.shli %parallel_loop3A_198, %parallel_loop3A_200 : vector<16xi32>
        %parallel_loop3A_202 = arith.addi %parallel_loop3A_201, %iota3A : vector<16xi32>
        tpu.vector_store_idx %arg12[%parallel_loop3A_202], %broadcast_in_dim3A_12 {add = true} : memref<8192xf32, #tpu.memory_space<vmem>>[vector<16xi32>], vector<16xf32>,
        %parallel_loop3A_203 = arith.constant 16 : i32
        %parallel_loop3A_204 = arith.muli %parallel_loop3A_132, %parallel_loop3A_203 : i32
        %parallel_loop3A_205 = arith.constant 5 : i32
        %parallel_loop3A_206 = arith.index_cast %parallel_loop3A_205 : i32 to index
        %parallel_loop3A_207 = arith.index_cast %parallel_loop3A_204 : i32 to index
        %parallel_loop3A_208 = tpu.vector_load %arg8[%parallel_loop3A_206, %parallel_loop3A_207] {strides = array<i32>} : memref<8x2048xf32, #tpu.memory_space<vmem>>, vector<16xf32>,
        %parallel_loop3A_209 = arith.mulf %parallel_loop3A_208, %get3A_5 : vector<16xf32>
        %parallel_loop3A_210 = arith.addf %parallel_loop3A_209, %sub3A : vector<16xf32>
        %parallel_loop3A_211 = arith.minimumf %parallel_loop3A_210, %broadcast_in_dim3A_14 : vector<16xf32>
        %parallel_loop3A_212 = arith.fptosi %parallel_loop3A_211 : vector<16xf32> to vector<16xi32>
        %parallel_loop3A_213 = arith.constant 4 : i32
        %parallel_loop3A_214 = vector.broadcast %parallel_loop3A_213 : i32 to vector<16xi32>
        %parallel_loop3A_215 = arith.shli %parallel_loop3A_212, %parallel_loop3A_214 : vector<16xi32>
        %parallel_loop3A_216 = arith.addi %parallel_loop3A_215, %iota3A : vector<16xi32>
        tpu.vector_store_idx %arg12[%parallel_loop3A_216], %broadcast_in_dim3A_12 {add = true} : memref<8192xf32, #tpu.memory_space<vmem>>[vector<16xi32>], vector<16xf32>,
        %parallel_loop3A_217 = arith.constant 16 : i32
        %parallel_loop3A_218 = arith.muli %parallel_loop3A_132, %parallel_loop3A_217 : i32
        %parallel_loop3A_219 = arith.constant 6 : i32
        %parallel_loop3A_220 = arith.index_cast %parallel_loop3A_219 : i32 to index
        %parallel_loop3A_221 = arith.index_cast %parallel_loop3A_218 : i32 to index
        %parallel_loop3A_222 = tpu.vector_load %arg8[%parallel_loop3A_220, %parallel_loop3A_221] {strides = array<i32>} : memref<8x2048xf32, #tpu.memory_space<vmem>>, vector<16xf32>,
        %parallel_loop3A_223 = arith.mulf %parallel_loop3A_222, %get3A_5 : vector<16xf32>
        %parallel_loop3A_224 = arith.addf %parallel_loop3A_223, %sub3A : vector<16xf32>
        %parallel_loop3A_225 = arith.minimumf %parallel_loop3A_224, %broadcast_in_dim3A_14 : vector<16xf32>
        %parallel_loop3A_226 = arith.fptosi %parallel_loop3A_225 : vector<16xf32> to vector<16xi32>
        %parallel_loop3A_227 = arith.constant 4 : i32
        %parallel_loop3A_228 = vector.broadcast %parallel_loop3A_227 : i32 to vector<16xi32>
        %parallel_loop3A_229 = arith.shli %parallel_loop3A_226, %parallel_loop3A_228 : vector<16xi32>
        %parallel_loop3A_230 = arith.addi %parallel_loop3A_229, %iota3A : vector<16xi32>
        tpu.vector_store_idx %arg12[%parallel_loop3A_230], %broadcast_in_dim3A_12 {add = true} : memref<8192xf32, #tpu.memory_space<vmem>>[vector<16xi32>], vector<16xf32>,
        %parallel_loop3A_231 = arith.constant 16 : i32
        %parallel_loop3A_232 = arith.muli %parallel_loop3A_132, %parallel_loop3A_231 : i32
        %parallel_loop3A_233 = arith.constant 7 : i32
        %parallel_loop3A_234 = arith.index_cast %parallel_loop3A_233 : i32 to index
        %parallel_loop3A_235 = arith.index_cast %parallel_loop3A_232 : i32 to index
        %parallel_loop3A_236 = tpu.vector_load %arg8[%parallel_loop3A_234, %parallel_loop3A_235] {strides = array<i32>} : memref<8x2048xf32, #tpu.memory_space<vmem>>, vector<16xf32>,
        %parallel_loop3A_237 = arith.mulf %parallel_loop3A_236, %get3A_5 : vector<16xf32>
        %parallel_loop3A_238 = arith.addf %parallel_loop3A_237, %sub3A : vector<16xf32>
        %parallel_loop3A_239 = arith.minimumf %parallel_loop3A_238, %broadcast_in_dim3A_14 : vector<16xf32>
        %parallel_loop3A_240 = arith.fptosi %parallel_loop3A_239 : vector<16xf32> to vector<16xi32>
        %parallel_loop3A_241 = arith.constant 4 : i32
        %parallel_loop3A_242 = vector.broadcast %parallel_loop3A_241 : i32 to vector<16xi32>
        %parallel_loop3A_243 = arith.shli %parallel_loop3A_240, %parallel_loop3A_242 : vector<16xi32>
        %parallel_loop3A_244 = arith.addi %parallel_loop3A_243, %iota3A : vector<16xi32>
        tpu.vector_store_idx %arg12[%parallel_loop3A_244], %broadcast_in_dim3A_12 {add = true} : memref<8192xf32, #tpu.memory_space<vmem>>[vector<16xi32>], vector<16xf32>,
      } {sc.loop_unroll_factor = 2 : i64, sc.parallel_access}
      %add3A_104 = arith.constant 4 : i32
      %add3A_105 = arith.addi %add3A_93, %add3A_104 : i32
      %lt3A_106 = arith.constant 128 : i32
      %lt3A_107 = arith.cmpi slt, %add3A_105, %lt3A_106 : i32
      %convert_element_type3A_108 = arith.extui %lt3A_107 : i1 to i32
      %cond3A_109 = arith.constant 0 : i32
      %cond3A_110 = arith.cmpi ne, %convert_element_type3A_108, %cond3A_109 : i32
      scf.if %cond3A_110 {
        %add3A_132 = arith.constant 32 : i32
        %add3A_133 = arith.addi %add3A_96, %add3A_132 : i32
        %dma_start3A_134 = arith.constant 0 : i32
        %dma_start3A_135 = tpu.memref_slice %arg2[%add3A_133, %dma_start3A_134] : memref<32768x2048xf32, #tpu.memory_space<hbm>> -> memref<8x2048xf32, #tpu.memory_space<hbm>>
        %dma_start3A_136 = arith.constant 0 : i32
        %dma_start3A_137 = tpu.memref_slice %arg2[%add3A_133, %dma_start3A_136] : memref<32768x2048xf32, #tpu.memory_space<hbm>> -> memref<8x2048xf32, #tpu.memory_space<hbm>>
        tpu.enqueue_dma source(%dma_start3A_137 : memref<8x2048xf32, #tpu.memory_space<hbm>>) target(%arg8 : memref<8x2048xf32, #tpu.memory_space<vmem>>) target_semaphore(%arg16 : memref<!tpu.dma_semaphore, #tpu.memory_space<semaphore_mem>>)
      } else {
      }
      %mul3A_111 = arith.constant 4 : i32
      %mul3A_112 = arith.muli %scan3A_51, %mul3A_111 : i32
      %add3A_113 = arith.constant 3 : i32
      %add3A_114 = arith.addi %mul3A_112, %add3A_113 : i32
      %mul3A_115 = arith.constant 8 : i32
      %mul3A_116 = arith.muli %add3A_114, %mul3A_115 : i32
      %add3A_117 = arith.addi %mul3A_2, %mul3A_116 : i32
      %dma_wait3A_118 = arith.constant 0 : i32
      %dma_wait3A_119 = tpu.memref_slice %arg2[%add3A_117, %dma_wait3A_118] : memref<32768x2048xf32, #tpu.memory_space<hbm>> -> memref<8x2048xf32, #tpu.memory_space<hbm>>
      %dma_wait3A_120 = arith.constant 0 : i32
      %dma_wait3A_121 = tpu.memref_slice %arg2[%add3A_117, %dma_wait3A_120] : memref<32768x2048xf32, #tpu.memory_space<hbm>> -> memref<8x2048xf32, #tpu.memory_space<hbm>>
      tpu.wait_dma2 semaphore(%arg17 : memref<!tpu.dma_semaphore, #tpu.memory_space<semaphore_mem>>) src(%dma_wait3A_121 : memref<8x2048xf32, #tpu.memory_space<hbm>>) dst(%arg9 : memref<8x2048xf32, #tpu.memory_space<vmem>>)
      %parallel_loop3A_122 = arith.constant 0 : i32
      %parallel_loop3A_123 = arith.constant 128 : i32
      %parallel_loop3A_124 = arith.constant 1 : i32
      scf.for %parallel_loop3A_132 = %parallel_loop3A_122 to %parallel_loop3A_123 step %parallel_loop3A_124  : i32 {
        %parallel_loop3A_133 = arith.constant 16 : i32
        %parallel_loop3A_134 = arith.muli %parallel_loop3A_132, %parallel_loop3A_133 : i32
        %parallel_loop3A_135 = arith.constant 0 : i32
        %parallel_loop3A_136 = arith.index_cast %parallel_loop3A_135 : i32 to index
        %parallel_loop3A_137 = arith.index_cast %parallel_loop3A_134 : i32 to index
        %parallel_loop3A_138 = tpu.vector_load %arg9[%parallel_loop3A_136, %parallel_loop3A_137] {strides = array<i32>} : memref<8x2048xf32, #tpu.memory_space<vmem>>, vector<16xf32>,
        %parallel_loop3A_139 = arith.mulf %parallel_loop3A_138, %get3A_5 : vector<16xf32>
        %parallel_loop3A_140 = arith.addf %parallel_loop3A_139, %sub3A : vector<16xf32>
        %parallel_loop3A_141 = arith.minimumf %parallel_loop3A_140, %broadcast_in_dim3A_14 : vector<16xf32>
        %parallel_loop3A_142 = arith.fptosi %parallel_loop3A_141 : vector<16xf32> to vector<16xi32>
        %parallel_loop3A_143 = arith.constant 4 : i32
        %parallel_loop3A_144 = vector.broadcast %parallel_loop3A_143 : i32 to vector<16xi32>
        %parallel_loop3A_145 = arith.shli %parallel_loop3A_142, %parallel_loop3A_144 : vector<16xi32>
        %parallel_loop3A_146 = arith.addi %parallel_loop3A_145, %iota3A : vector<16xi32>
        tpu.vector_store_idx %arg12[%parallel_loop3A_146], %broadcast_in_dim3A_12 {add = true} : memref<8192xf32, #tpu.memory_space<vmem>>[vector<16xi32>], vector<16xf32>,
        %parallel_loop3A_147 = arith.constant 16 : i32
        %parallel_loop3A_148 = arith.muli %parallel_loop3A_132, %parallel_loop3A_147 : i32
        %parallel_loop3A_149 = arith.constant 1 : i32
        %parallel_loop3A_150 = arith.index_cast %parallel_loop3A_149 : i32 to index
        %parallel_loop3A_151 = arith.index_cast %parallel_loop3A_148 : i32 to index
        %parallel_loop3A_152 = tpu.vector_load %arg9[%parallel_loop3A_150, %parallel_loop3A_151] {strides = array<i32>} : memref<8x2048xf32, #tpu.memory_space<vmem>>, vector<16xf32>,
        %parallel_loop3A_153 = arith.mulf %parallel_loop3A_152, %get3A_5 : vector<16xf32>
        %parallel_loop3A_154 = arith.addf %parallel_loop3A_153, %sub3A : vector<16xf32>
        %parallel_loop3A_155 = arith.minimumf %parallel_loop3A_154, %broadcast_in_dim3A_14 : vector<16xf32>
        %parallel_loop3A_156 = arith.fptosi %parallel_loop3A_155 : vector<16xf32> to vector<16xi32>
        %parallel_loop3A_157 = arith.constant 4 : i32
        %parallel_loop3A_158 = vector.broadcast %parallel_loop3A_157 : i32 to vector<16xi32>
        %parallel_loop3A_159 = arith.shli %parallel_loop3A_156, %parallel_loop3A_158 : vector<16xi32>
        %parallel_loop3A_160 = arith.addi %parallel_loop3A_159, %iota3A : vector<16xi32>
        tpu.vector_store_idx %arg12[%parallel_loop3A_160], %broadcast_in_dim3A_12 {add = true} : memref<8192xf32, #tpu.memory_space<vmem>>[vector<16xi32>], vector<16xf32>,
        %parallel_loop3A_161 = arith.constant 16 : i32
        %parallel_loop3A_162 = arith.muli %parallel_loop3A_132, %parallel_loop3A_161 : i32
        %parallel_loop3A_163 = arith.constant 2 : i32
        %parallel_loop3A_164 = arith.index_cast %parallel_loop3A_163 : i32 to index
        %parallel_loop3A_165 = arith.index_cast %parallel_loop3A_162 : i32 to index
        %parallel_loop3A_166 = tpu.vector_load %arg9[%parallel_loop3A_164, %parallel_loop3A_165] {strides = array<i32>} : memref<8x2048xf32, #tpu.memory_space<vmem>>, vector<16xf32>,
        %parallel_loop3A_167 = arith.mulf %parallel_loop3A_166, %get3A_5 : vector<16xf32>
        %parallel_loop3A_168 = arith.addf %parallel_loop3A_167, %sub3A : vector<16xf32>
        %parallel_loop3A_169 = arith.minimumf %parallel_loop3A_168, %broadcast_in_dim3A_14 : vector<16xf32>
        %parallel_loop3A_170 = arith.fptosi %parallel_loop3A_169 : vector<16xf32> to vector<16xi32>
        %parallel_loop3A_171 = arith.constant 4 : i32
        %parallel_loop3A_172 = vector.broadcast %parallel_loop3A_171 : i32 to vector<16xi32>
        %parallel_loop3A_173 = arith.shli %parallel_loop3A_170, %parallel_loop3A_172 : vector<16xi32>
        %parallel_loop3A_174 = arith.addi %parallel_loop3A_173, %iota3A : vector<16xi32>
        tpu.vector_store_idx %arg12[%parallel_loop3A_174], %broadcast_in_dim3A_12 {add = true} : memref<8192xf32, #tpu.memory_space<vmem>>[vector<16xi32>], vector<16xf32>,
        %parallel_loop3A_175 = arith.constant 16 : i32
        %parallel_loop3A_176 = arith.muli %parallel_loop3A_132, %parallel_loop3A_175 : i32
        %parallel_loop3A_177 = arith.constant 3 : i32
        %parallel_loop3A_178 = arith.index_cast %parallel_loop3A_177 : i32 to index
        %parallel_loop3A_179 = arith.index_cast %parallel_loop3A_176 : i32 to index
        %parallel_loop3A_180 = tpu.vector_load %arg9[%parallel_loop3A_178, %parallel_loop3A_179] {strides = array<i32>} : memref<8x2048xf32, #tpu.memory_space<vmem>>, vector<16xf32>,
        %parallel_loop3A_181 = arith.mulf %parallel_loop3A_180, %get3A_5 : vector<16xf32>
        %parallel_loop3A_182 = arith.addf %parallel_loop3A_181, %sub3A : vector<16xf32>
        %parallel_loop3A_183 = arith.minimumf %parallel_loop3A_182, %broadcast_in_dim3A_14 : vector<16xf32>
        %parallel_loop3A_184 = arith.fptosi %parallel_loop3A_183 : vector<16xf32> to vector<16xi32>
        %parallel_loop3A_185 = arith.constant 4 : i32
        %parallel_loop3A_186 = vector.broadcast %parallel_loop3A_185 : i32 to vector<16xi32>
        %parallel_loop3A_187 = arith.shli %parallel_loop3A_184, %parallel_loop3A_186 : vector<16xi32>
        %parallel_loop3A_188 = arith.addi %parallel_loop3A_187, %iota3A : vector<16xi32>
        tpu.vector_store_idx %arg12[%parallel_loop3A_188], %broadcast_in_dim3A_12 {add = true} : memref<8192xf32, #tpu.memory_space<vmem>>[vector<16xi32>], vector<16xf32>,
        %parallel_loop3A_189 = arith.constant 16 : i32
        %parallel_loop3A_190 = arith.muli %parallel_loop3A_132, %parallel_loop3A_189 : i32
        %parallel_loop3A_191 = arith.constant 4 : i32
        %parallel_loop3A_192 = arith.index_cast %parallel_loop3A_191 : i32 to index
        %parallel_loop3A_193 = arith.index_cast %parallel_loop3A_190 : i32 to index
        %parallel_loop3A_194 = tpu.vector_load %arg9[%parallel_loop3A_192, %parallel_loop3A_193] {strides = array<i32>} : memref<8x2048xf32, #tpu.memory_space<vmem>>, vector<16xf32>,
        %parallel_loop3A_195 = arith.mulf %parallel_loop3A_194, %get3A_5 : vector<16xf32>
        %parallel_loop3A_196 = arith.addf %parallel_loop3A_195, %sub3A : vector<16xf32>
        %parallel_loop3A_197 = arith.minimumf %parallel_loop3A_196, %broadcast_in_dim3A_14 : vector<16xf32>
        %parallel_loop3A_198 = arith.fptosi %parallel_loop3A_197 : vector<16xf32> to vector<16xi32>
        %parallel_loop3A_199 = arith.constant 4 : i32
        %parallel_loop3A_200 = vector.broadcast %parallel_loop3A_199 : i32 to vector<16xi32>
        %parallel_loop3A_201 = arith.shli %parallel_loop3A_198, %parallel_loop3A_200 : vector<16xi32>
        %parallel_loop3A_202 = arith.addi %parallel_loop3A_201, %iota3A : vector<16xi32>
        tpu.vector_store_idx %arg12[%parallel_loop3A_202], %broadcast_in_dim3A_12 {add = true} : memref<8192xf32, #tpu.memory_space<vmem>>[vector<16xi32>], vector<16xf32>,
        %parallel_loop3A_203 = arith.constant 16 : i32
        %parallel_loop3A_204 = arith.muli %parallel_loop3A_132, %parallel_loop3A_203 : i32
        %parallel_loop3A_205 = arith.constant 5 : i32
        %parallel_loop3A_206 = arith.index_cast %parallel_loop3A_205 : i32 to index
        %parallel_loop3A_207 = arith.index_cast %parallel_loop3A_204 : i32 to index
        %parallel_loop3A_208 = tpu.vector_load %arg9[%parallel_loop3A_206, %parallel_loop3A_207] {strides = array<i32>} : memref<8x2048xf32, #tpu.memory_space<vmem>>, vector<16xf32>,
        %parallel_loop3A_209 = arith.mulf %parallel_loop3A_208, %get3A_5 : vector<16xf32>
        %parallel_loop3A_210 = arith.addf %parallel_loop3A_209, %sub3A : vector<16xf32>
        %parallel_loop3A_211 = arith.minimumf %parallel_loop3A_210, %broadcast_in_dim3A_14 : vector<16xf32>
        %parallel_loop3A_212 = arith.fptosi %parallel_loop3A_211 : vector<16xf32> to vector<16xi32>
        %parallel_loop3A_213 = arith.constant 4 : i32
        %parallel_loop3A_214 = vector.broadcast %parallel_loop3A_213 : i32 to vector<16xi32>
        %parallel_loop3A_215 = arith.shli %parallel_loop3A_212, %parallel_loop3A_214 : vector<16xi32>
        %parallel_loop3A_216 = arith.addi %parallel_loop3A_215, %iota3A : vector<16xi32>
        tpu.vector_store_idx %arg12[%parallel_loop3A_216], %broadcast_in_dim3A_12 {add = true} : memref<8192xf32, #tpu.memory_space<vmem>>[vector<16xi32>], vector<16xf32>,
        %parallel_loop3A_217 = arith.constant 16 : i32
        %parallel_loop3A_218 = arith.muli %parallel_loop3A_132, %parallel_loop3A_217 : i32
        %parallel_loop3A_219 = arith.constant 6 : i32
        %parallel_loop3A_220 = arith.index_cast %parallel_loop3A_219 : i32 to index
        %parallel_loop3A_221 = arith.index_cast %parallel_loop3A_218 : i32 to index
        %parallel_loop3A_222 = tpu.vector_load %arg9[%parallel_loop3A_220, %parallel_loop3A_221] {strides = array<i32>} : memref<8x2048xf32, #tpu.memory_space<vmem>>, vector<16xf32>,
        %parallel_loop3A_223 = arith.mulf %parallel_loop3A_222, %get3A_5 : vector<16xf32>
        %parallel_loop3A_224 = arith.addf %parallel_loop3A_223, %sub3A : vector<16xf32>
        %parallel_loop3A_225 = arith.minimumf %parallel_loop3A_224, %broadcast_in_dim3A_14 : vector<16xf32>
        %parallel_loop3A_226 = arith.fptosi %parallel_loop3A_225 : vector<16xf32> to vector<16xi32>
        %parallel_loop3A_227 = arith.constant 4 : i32
        %parallel_loop3A_228 = vector.broadcast %parallel_loop3A_227 : i32 to vector<16xi32>
        %parallel_loop3A_229 = arith.shli %parallel_loop3A_226, %parallel_loop3A_228 : vector<16xi32>
        %parallel_loop3A_230 = arith.addi %parallel_loop3A_229, %iota3A : vector<16xi32>
        tpu.vector_store_idx %arg12[%parallel_loop3A_230], %broadcast_in_dim3A_12 {add = true} : memref<8192xf32, #tpu.memory_space<vmem>>[vector<16xi32>], vector<16xf32>,
        %parallel_loop3A_231 = arith.constant 16 : i32
        %parallel_loop3A_232 = arith.muli %parallel_loop3A_132, %parallel_loop3A_231 : i32
        %parallel_loop3A_233 = arith.constant 7 : i32
        %parallel_loop3A_234 = arith.index_cast %parallel_loop3A_233 : i32 to index
        %parallel_loop3A_235 = arith.index_cast %parallel_loop3A_232 : i32 to index
        %parallel_loop3A_236 = tpu.vector_load %arg9[%parallel_loop3A_234, %parallel_loop3A_235] {strides = array<i32>} : memref<8x2048xf32, #tpu.memory_space<vmem>>, vector<16xf32>,
        %parallel_loop3A_237 = arith.mulf %parallel_loop3A_236, %get3A_5 : vector<16xf32>
        %parallel_loop3A_238 = arith.addf %parallel_loop3A_237, %sub3A : vector<16xf32>
        %parallel_loop3A_239 = arith.minimumf %parallel_loop3A_238, %broadcast_in_dim3A_14 : vector<16xf32>
        %parallel_loop3A_240 = arith.fptosi %parallel_loop3A_239 : vector<16xf32> to vector<16xi32>
        %parallel_loop3A_241 = arith.constant 4 : i32
        %parallel_loop3A_242 = vector.broadcast %parallel_loop3A_241 : i32 to vector<16xi32>
        %parallel_loop3A_243 = arith.shli %parallel_loop3A_240, %parallel_loop3A_242 : vector<16xi32>
        %parallel_loop3A_244 = arith.addi %parallel_loop3A_243, %iota3A : vector<16xi32>
        tpu.vector_store_idx %arg12[%parallel_loop3A_244], %broadcast_in_dim3A_12 {add = true} : memref<8192xf32, #tpu.memory_space<vmem>>[vector<16xi32>], vector<16xf32>,
      } {sc.loop_unroll_factor = 2 : i64, sc.parallel_access}
      %add3A_125 = arith.constant 4 : i32
      %add3A_126 = arith.addi %add3A_114, %add3A_125 : i32
      %lt3A_127 = arith.constant 128 : i32
      %lt3A_128 = arith.cmpi slt, %add3A_126, %lt3A_127 : i32
      %convert_element_type3A_129 = arith.extui %lt3A_128 : i1 to i32
      %cond3A_130 = arith.constant 0 : i32
      %cond3A_131 = arith.cmpi ne, %convert_element_type3A_129, %cond3A_130 : i32
      scf.if %cond3A_131 {
        %add3A_132 = arith.constant 32 : i32
        %add3A_133 = arith.addi %add3A_117, %add3A_132 : i32
        %dma_start3A_134 = arith.constant 0 : i32
        %dma_start3A_135 = tpu.memref_slice %arg2[%add3A_133, %dma_start3A_134] : memref<32768x2048xf32, #tpu.memory_space<hbm>> -> memref<8x2048xf32, #tpu.memory_space<hbm>>
        %dma_start3A_136 = arith.constant 0 : i32
        %dma_start3A_137 = tpu.memref_slice %arg2[%add3A_133, %dma_start3A_136] : memref<32768x2048xf32, #tpu.memory_space<hbm>> -> memref<8x2048xf32, #tpu.memory_space<hbm>>
        tpu.enqueue_dma source(%dma_start3A_137 : memref<8x2048xf32, #tpu.memory_space<hbm>>) target(%arg9 : memref<8x2048xf32, #tpu.memory_space<vmem>>) target_semaphore(%arg17 : memref<!tpu.dma_semaphore, #tpu.memory_space<semaphore_mem>>)
      } else {
      }
    }
    %scan3A_44 = arith.constant 32 : i32
    %scan3A_45 = arith.constant 0 : i32
    %scan3A_46 = arith.constant 0 : i32
    %scan3A_47 = arith.constant 32 : i32
    %scan3A_48 = arith.addi %scan3A_46, %scan3A_47 : i32
    %scan3A_49 = arith.constant 1 : i32
    scf.for %scan3A_51 = %scan3A_46 to %scan3A_48 step %scan3A_49  : i32 {
      %mul3A_52 = arith.constant 256 : i32
      %mul3A_53 = arith.muli %scan3A_51, %mul3A_52 : i32
      %add3A_54 = vector.broadcast %mul3A_53 : i32 to vector<16xi32>
      %add3A_55 = arith.addi %mul3A_10, %add3A_54 : vector<16xi32>
      %gather3A = tpu.vector_load_idx %arg12[%add3A_55] : memref<8192xf32, #tpu.memory_space<vmem>>[vector<16xi32>], vector<16xf32>,
      %scan3A_56 = arith.constant 1 : i32
      %scan3A_57 = arith.constant 15 : i32
      %scan3A_58 = arith.addi %scan3A_56, %scan3A_57 : i32
      %scan3A_59 = arith.constant 1 : i32
      %scan3A_60 = scf.for %scan3A_65 = %scan3A_56 to %scan3A_58 step %scan3A_59 iter_args(%scan3A_66 = %gather3A) -> (vector<16xf32>)  : i32 {
        %mul3A_67 = arith.constant 256 : i32
        %mul3A_68 = arith.muli %scan3A_51, %mul3A_67 : i32
        %add3A_69 = arith.addi %mul3A_68, %scan3A_65 : i32
        %add3A_70 = vector.broadcast %add3A_69 : i32 to vector<16xi32>
        %add3A_71 = arith.addi %mul3A_10, %add3A_70 : vector<16xi32>
        %gather3A_72 = tpu.vector_load_idx %arg12[%add3A_71] : memref<8192xf32, #tpu.memory_space<vmem>>[vector<16xi32>], vector<16xf32>,
        %add3A_73 = arith.addf %scan3A_66, %gather3A_72 : vector<16xf32>
        scf.yield %add3A_73 : vector<16xf32>
      }
      %scan3A_61 = arith.constant 15 : i32
      %mul3A_62 = arith.constant 16 : i32
      %mul3A_63 = arith.muli %scan3A_51, %mul3A_62 : i32
      %swap3A = arith.index_cast %mul3A_63 : i32 to index
      %swap3A_64 = tpu.vector_load %arg13[%swap3A] {strides = array<i32>} : memref<512xf32, #tpu.memory_space<vmem>>, vector<16xf32>,
      tpu.vector_store %arg13[%swap3A], %scan3A_60 {strides = array<i32>} : memref<512xf32, #tpu.memory_space<vmem>>, vector<16xf32>,
    }
    %scan3A_50 = arith.constant 32 : i32
    "tpu.region"() ({
      %run_scoped3A = tpu.sem_alloc : memref<!tpu.dma_semaphore, #tpu.memory_space<semaphore_mem>>
      %dma_start3A_51 = arith.constant 0 : i32
      %dma_start3A_52 = tpu.memref_slice %arg5[%add3A, %dma_start3A_51] : memref<32x512xf32, #tpu.memory_space<hbm>> -> memref<1x512xf32, #tpu.memory_space<hbm>>
      %dma_start3A_53 = tpu.memref_squeeze %dma_start3A_52 : memref<1x512xf32, #tpu.memory_space<hbm>> -> memref<512xf32, #tpu.memory_space<hbm>>
      %dma_start3A_54 = arith.constant 0 : i32
      %dma_start3A_55 = tpu.memref_slice %arg5[%add3A, %dma_start3A_54] : memref<32x512xf32, #tpu.memory_space<hbm>> -> memref<1x512xf32, #tpu.memory_space<hbm>>
      %dma_start3A_56 = tpu.memref_squeeze %dma_start3A_55 : memref<1x512xf32, #tpu.memory_space<hbm>> -> memref<512xf32, #tpu.memory_space<hbm>>
      tpu.enqueue_dma source(%arg13 : memref<512xf32, #tpu.memory_space<vmem>>) target(%dma_start3A_56 : memref<512xf32, #tpu.memory_space<hbm>>) target_semaphore(%run_scoped3A : memref<!tpu.dma_semaphore, #tpu.memory_space<semaphore_mem>>)
      %dma_wait3A = arith.constant 0 : i32
      %dma_wait3A_57 = tpu.memref_slice %arg5[%add3A, %dma_wait3A] : memref<32x512xf32, #tpu.memory_space<hbm>> -> memref<1x512xf32, #tpu.memory_space<hbm>>
      %dma_wait3A_58 = tpu.memref_squeeze %dma_wait3A_57 : memref<1x512xf32, #tpu.memory_space<hbm>> -> memref<512xf32, #tpu.memory_space<hbm>>
      %dma_wait3A_59 = arith.constant 0 : i32
      %dma_wait3A_60 = tpu.memref_slice %arg5[%add3A, %dma_wait3A_59] : memref<32x512xf32, #tpu.memory_space<hbm>> -> memref<1x512xf32, #tpu.memory_space<hbm>>
      %dma_wait3A_61 = tpu.memref_squeeze %dma_wait3A_60 : memref<1x512xf32, #tpu.memory_space<hbm>> -> memref<512xf32, #tpu.memory_space<hbm>>
      tpu.wait_dma2 semaphore(%run_scoped3A : memref<!tpu.dma_semaphore, #tpu.memory_space<semaphore_mem>>) src(%arg13 : memref<512xf32, #tpu.memory_space<vmem>>) dst(%dma_wait3A_61 : memref<512xf32, #tpu.memory_space<hbm>>)
      tpu.yield
    }) : () -> ()
    return
  }
}

module attributes {stable_mosaic.version = 14 : i64} {
  func.func @_minmax_body(%arg0: i32, %arg1: memref<512x2048xf32, #tpu.memory_space<vmem>>, %arg2: memref<1x1xf32, #tpu.memory_space<smem>>, %arg3: memref<1x1xf32, #tpu.memory_space<smem>>) attributes {dimension_semantics = [#tpu.dimension_semantics<arbitrary>], iteration_bounds = array<i64: 64>, scalar_prefetch = 0 : i64, scratch_operands = 0 : i64, tpu.core_type = #tpu.core_type<tc>, window_params = [{transform_indices = @transform_0, window_bounds = array<i64: 512, 2048>}, {transform_indices = @transform_1, window_bounds = array<i64: 1, 1>}, {transform_indices = @transform_2, window_bounds = array<i64: 1, 1>}]} {
    %get3A = arith.constant 0 : index
    %get3A_0 = arith.constant 0 : index
    %get3A_1 = vector.load %arg1[%get3A, %get3A_0] : memref<512x2048xf32, #tpu.memory_space<vmem>>, vector<512x2048xf32>
    %reduce_min3A = vector.shape_cast %get3A_1 : vector<512x2048xf32> to vector<1x512x2048xf32>
    %reduce_min3A_2 = arith.constant dense<0x7F800000> : vector<1xf32>
    %reduce_min3A_3 = vector.multi_reduction <minimumf>, %reduce_min3A, %reduce_min3A_2 [1, 2] : vector<1x512x2048xf32> to vector<1xf32>
    %reduce_min3A_4 = vector.shape_cast %reduce_min3A_3 : vector<1xf32> to vector<1x1x1xf32>
    %reduce_min3A_5 = vector.extract %reduce_min3A_4[0, 0, 0] : f32 from vector<1x1x1xf32>
    %reduce_max3A = vector.shape_cast %get3A_1 : vector<512x2048xf32> to vector<1x512x2048xf32>
    %reduce_max3A_6 = arith.constant dense<0xFF800000> : vector<1xf32>
    %reduce_max3A_7 = vector.multi_reduction <maximumf>, %reduce_max3A, %reduce_max3A_6 [1, 2] : vector<1x512x2048xf32> to vector<1xf32>
    %reduce_max3A_8 = vector.shape_cast %reduce_max3A_7 : vector<1xf32> to vector<1x1x1xf32>
    %reduce_max3A_9 = vector.extract %reduce_max3A_8[0, 0, 0] : f32 from vector<1x1x1xf32>
    %eq3A = arith.constant 0 : i32
    %eq3A_10 = arith.cmpi eq, %arg0, %eq3A : i32
    %convert_element_type3A = arith.extui %eq3A_10 : i1 to i32
    %cond3A = arith.constant 0 : i32
    %cond3A_11 = arith.cmpi ne, %convert_element_type3A, %cond3A : i32
    scf.if %cond3A_11 {
      %swap3A = arith.constant 0 : index
      %swap3A_16 = arith.constant 0 : index
      %swap3A_17 = memref.load %arg2[%swap3A, %swap3A_16] : memref<1x1xf32, #tpu.memory_space<smem>>
      memref.store %reduce_min3A_5, %arg2[%swap3A, %swap3A_16] : memref<1x1xf32, #tpu.memory_space<smem>>
      %swap3A_18 = arith.constant 0 : index
      %swap3A_19 = arith.constant 0 : index
      %swap3A_20 = memref.load %arg3[%swap3A_18, %swap3A_19] : memref<1x1xf32, #tpu.memory_space<smem>>
      memref.store %reduce_max3A_9, %arg3[%swap3A_18, %swap3A_19] : memref<1x1xf32, #tpu.memory_space<smem>>
    } else {
    }
    %gt3A = arith.constant 0 : i32
    %gt3A_12 = arith.cmpi sgt, %arg0, %gt3A : i32
    %convert_element_type3A_13 = arith.extui %gt3A_12 : i1 to i32
    %cond3A_14 = arith.constant 0 : i32
    %cond3A_15 = arith.cmpi ne, %convert_element_type3A_13, %cond3A_14 : i32
    scf.if %cond3A_15 {
      %get3A_16 = arith.constant 0 : index
      %get3A_17 = arith.constant 0 : index
      %get3A_18 = memref.load %arg2[%get3A_16, %get3A_17] : memref<1x1xf32, #tpu.memory_space<smem>>
      %min3A = arith.minimumf %get3A_18, %reduce_min3A_5 : f32
      %swap3A = arith.constant 0 : index
      %swap3A_19 = arith.constant 0 : index
      %swap3A_20 = memref.load %arg2[%swap3A, %swap3A_19] : memref<1x1xf32, #tpu.memory_space<smem>>
      memref.store %min3A, %arg2[%swap3A, %swap3A_19] : memref<1x1xf32, #tpu.memory_space<smem>>
      %get3A_21 = arith.constant 0 : index
      %get3A_22 = arith.constant 0 : index
      %get3A_23 = memref.load %arg3[%get3A_21, %get3A_22] : memref<1x1xf32, #tpu.memory_space<smem>>
      %max3A = arith.maximumf %get3A_23, %reduce_max3A_9 : f32
      %swap3A_24 = arith.constant 0 : index
      %swap3A_25 = arith.constant 0 : index
      %swap3A_26 = memref.load %arg3[%swap3A_24, %swap3A_25] : memref<1x1xf32, #tpu.memory_space<smem>>
      memref.store %max3A, %arg3[%swap3A_24, %swap3A_25] : memref<1x1xf32, #tpu.memory_space<smem>>
    } else {
    }
    return
  }
  func.func @transform_0(%arg0: i32) -> (i32, i32) {
    %c0_i32 = arith.constant 0 : i32
    %c0_i32_0 = arith.constant 0 : i32
    return %arg0, %c0_i32 : i32, i32
  }
  func.func @transform_1(%arg0: i32) -> (i32, i32) {
    %c0_i32 = arith.constant 0 : i32
    %c0_i32_0 = arith.constant 0 : i32
    %c0_i32_1 = arith.constant 0 : i32
    return %c0_i32, %c0_i32_0 : i32, i32
  }
  func.func @transform_2(%arg0: i32) -> (i32, i32) {
    %c0_i32 = arith.constant 0 : i32
    %c0_i32_0 = arith.constant 0 : i32
    %c0_i32_1 = arith.constant 0 : i32
    return %c0_i32, %c0_i32_0 : i32, i32
  }
}

module attributes {stable_mosaic.version = 14 : i64} {
  func.func @_copy_body(%arg0: i32, %arg1: memref<512x2048xf32, #tpu.memory_space<vmem>>, %arg2: memref<512x2048xf32, #tpu.memory_space<vmem>>) attributes {dimension_semantics = [#tpu.dimension_semantics<arbitrary>], iteration_bounds = array<i64: 64>, scalar_prefetch = 0 : i64, scratch_operands = 0 : i64, tpu.core_type = #tpu.core_type<tc>, window_params = [{transform_indices = @transform_0, window_bounds = array<i64: 512, 2048>}, {transform_indices = @transform_1, window_bounds = array<i64: 512, 2048>}]} {
    %get3A = arith.constant 0 : index
    %get3A_0 = arith.constant 0 : index
    %get3A_1 = vector.load %arg1[%get3A, %get3A_0] : memref<512x2048xf32, #tpu.memory_space<vmem>>, vector<512x2048xf32>
    %swap3A = arith.constant 0 : index
    %swap3A_2 = arith.constant 0 : index
    %swap3A_3 = vector.load %arg2[%swap3A, %swap3A_2] : memref<512x2048xf32, #tpu.memory_space<vmem>>, vector<512x2048xf32>
    tpu.vector_store %arg2[%swap3A, %swap3A_2], %get3A_1 {strides = array<i32>} : memref<512x2048xf32, #tpu.memory_space<vmem>>, vector<512x2048xf32>,
    return
  }
  func.func @transform_0(%arg0: i32) -> (i32, i32) {
    %c0_i32 = arith.constant 0 : i32
    %c0_i32_0 = arith.constant 0 : i32
    return %arg0, %c0_i32 : i32, i32
  }
  func.func @transform_1(%arg0: i32) -> (i32, i32) {
    %c0_i32 = arith.constant 0 : i32
    %c0_i32_0 = arith.constant 0 : i32
    return %arg0, %c0_i32 : i32, i32
  }
}

</mosaic_0001>

<sc_bundles>
// kernel: kernel.5.cloned.1.call-start
scs
__scs_entry_jumppad:
0x0: {  	(pc) =	sbr.rel $0x88, $3  }
0x1: {  	(tag) =	ssettag $0x0;
	lr =	simm.s32 $0x1  }
0x2: {  	[smem:$0x3FA0] =	sst lr;
	_ =	strace $0xD0000000  }
0x3: {  	_ = 	snop  }
0x4: {  	_ = 	snop  }
0x5: {  	_ = 	snop  }
0x6: {  	_ = 	snop  }
0x7: {  	_ = 	snop  }
__scs_overlays_trampoline_lowered:
0x8: {  	[smem:$0x3FAF] =	sst s0  }
0x9: {  	[smem:$0x3FB0] =	sst s1  }
0xa: {  	[smem:$0x3FB1] =	sst s2  }
0xb: {  	[smem:$0x3FB2] =	sst s3  }
0xc: {  	[smem:$0x3FB3] =	sst s4  }
0xd: {  	[smem:$0x3FB4] =	sst s5  }
0xe: {  	[smem:$0x3FB5] =	sst s6  }
0xf: {  	[smem:$0x3FB6] =	sst s7  }
0x10: {  	[smem:$0x3FB7] =	sst s8  }
0x11: {  	[smem:$0x3FB8] =	sst s9;
	s0 =	simm.s32 @!p0 $0x0  }
0x12: {  	s1 =	sld [smem:$0x3F9E];
	s0 =	simm.s32 @p0 $0x1  }
0x13: {  	[smem:$0x3FB9] =	sst s0;
	s0 =	simm.s32 @!p1 $0x0  }
0x14: {  	s2 =	sld [smem:$0x3F9D];
	s0 =	simm.s32 @p1 $0x1  }
0x15: {  	[smem:$0x3FBA] =	sst s0;
	s0 =	simm.s32 @!p2 $0x0  }
0x16: {  	s3 =	sld [smem:$0x3FDB];
	s0 =	simm.s32 @p2 $0x1  }
0x17: {  	s4 =	simm.s32 $0x1BF5;
	[smem:$0x3FBC] =	sst s0  }
0x18: {  	s0 =	sld [smem:$0x3F9F];
	_ =	swait.ge [sflag:s4], $0x0  }
0x19: {  	s7 =	sld [smem:$0x3FA0]  }
0x1a: {  	s8 =	sadd.s32 $0xFFFFE003, lr  }
0x1b: {  	s9 =	sadd.s32 $0xFFFFFEF7, lr;
	s5 =	simm.s32 $0xFFFFFFFF;
	p2 =	slt.u32 s8, $0xFFFFF086  }
0x1c: {  	p1 =	slt.u32 s9, $0xF7A;
	s5 =	simm.s32 @!p2 $0x0  }
0x1d: {  	s5 =	simm.s32 @p1 $0x1;
	p0 =	seq.s32 s7, s2  }
0x1e: {  	s7 =	smul.u32 @!p0 $0xF7A, s2;
	p2 =	seq.s32 @!p0 s5, $0x0  }
0x1f: {  	s9 =	smul.u32 $0xF7A, s1;
	s8 =	simm.s32 @!p0 $0x1BF5;
	p2 =	por !p2, p0  }
0x20: {  	[sflag:s8] =	ssyncset.s32 @!p0 $0xFFFFF086;
	s6 =	sadd.s32 @!p0 s3, s7;
	s7 =	simm.s32 @!p0 $0x108  }
0x21: {  	s3 =	sadd.s32 s3, s9;
	s6 =	sadd.s32 @!p0 $0x88, s6;
	s7 =	simm.s32 @p2 $0x1082  }
0x22: {  	[simem:s7], [sflag:s8] =	dma.local @!p0 [hbm:s6], $0xF7A  }
0x23: {  	s9 =	sor.u32 $0xD0000000, s2;
	s6 =	simm.s32 $0x108;
	_ =	swait.ge @!p0 [sflag:s8], $0x0  }
0x24: {  	s3 =	sadd.s32 $0x88, s3;
	s6 =	simm.s32 @!p1 $0x1082;
	[sflag:s4] =	ssyncset.s32 $0xFFFFF086  }
0x25: {  	[simem:s6], [sflag:s4] =	dma.local [hbm:s3], $0xF7A  }
0x26: {  	[smem:$0x3FA0] =	sst s1;
	(tag) =	ssettag s2;
	_ =	strace s9  }
0x27: {  	s1 =	sld [smem:$0x3FB0]  }
0x28: {  	s2 =	sld [smem:$0x3FB1]  }
0x29: {  	s4 =	sld [smem:$0x3FB3]  }
0x2a: {  	p0 =	seq.s32 s5, $0x0;
	s5 =	sld [smem:$0x3FB4]  }
0x2b: {  	s6 =	sld [smem:$0x3FB5]  }
0x2c: {  	s7 =	sld [smem:$0x3FB6]  }
0x2d: {  	s3 =	simm.s32 $0x108;
	s8 =	sld [smem:$0x3FB7]  }
0x2e: {  	s3 =	simm.s32 @!p0 $0x1082;
	s9 =	sld [smem:$0x3FB8]  }
0x2f: {  	lr =	sadd.s32 s0, s3;
	s0 =	sld [smem:$0x3FAF]  }
0x30: {  	s3 =	sld [smem:$0x3FB2]  }
0x31: {  	[smem:$0x3FBB] =	sst s10  }
0x32: {  	s10 =	sld [smem:$0x3FB9];
	_ =	sdelay $0x3  }
0x33: {  	p0 =	seq.s32 s10, $0x1;
	s10 =	sld [smem:$0x3FBB];
	_ =	sdelay $0x3  }
0x34: {  	[smem:$0x3FBB] =	sst s10  }
0x35: {  	s10 =	sld [smem:$0x3FBA];
	_ =	sdelay $0x3  }
0x36: {  	p1 =	seq.s32 s10, $0x1;
	s10 =	sld [smem:$0x3FBB];
	_ =	sdelay $0x3  }
0x37: {  	[smem:$0x3FBB] =	sst s10  }
0x38: {  	s10 =	sld [smem:$0x3FBC]  }
0x39: {  	_ = 	snop;
	(pc) =	sbr.ind lr, $3  }
0x3a: {  	_ = 	snop  }
0x3b: {  	_ = 	snop  }
0x3c: {  	p2 =	seq.s32 s10, $0x1;
	s10 =	sld [smem:$0x3FBB]  }
0x3d: {  	_ =	shalt  }
0x3e: {  	_ =	shalt  }
0x3f: {  	_ =	shalt  }
0x40: {  	_ =	shalt  }
0x41: {  	_ =	shalt  }
0x42: {  	_ =	shalt  }
0x43: {  	_ =	shalt  }
0x44: {  	_ =	shalt  }
0x45: {  	_ =	shalt  }
0x46: {  	_ =	shalt  }
0x47: {  	_ =	shalt  }
0x48: {  	_ =	shalt  }
0x49: {  	_ =	shalt  }
0x4a: {  	_ =	shalt  }
0x4b: {  	_ =	shalt  }
0x4c: {  	_ =	shalt  }
0x4d: {  	_ =	shalt  }
0x4e: {  	_ =	shalt  }
0x4f: {  	_ =	shalt  }
0x50: {  	_ =	shalt  }
0x51: {  	_ =	shalt  }
0x52: {  	_ =	shalt  }
0x53: {  	_ =	shalt  }
0x54: {  	_ =	shalt  }
0x55: {  	_ =	shalt  }
0x56: {  	_ =	shalt  }
0x57: {  	_ =	shalt  }
0x58: {  	_ =	shalt  }
0x59: {  	_ =	shalt  }
0x5a: {  	_ =	shalt  }
0x5b: {  	_ =	shalt  }
0x5c: {  	_ =	shalt  }
0x5d: {  	_ =	shalt  }
0x5e: {  	_ =	shalt  }
0x5f: {  	_ =	shalt  }
0x60: {  	_ =	shalt  }
0x61: {  	_ =	shalt  }
0x62: {  	_ =	shalt  }
0x63: {  	_ =	shalt  }
0x64: {  	_ =	shalt  }
0x65: {  	_ =	shalt  }
0x66: {  	_ =	shalt  }
0x67: {  	_ =	shalt  }
0x68: {  	_ =	shalt  }
0x69: {  	_ =	shalt  }
0x6a: {  	_ =	shalt  }
0x6b: {  	_ =	shalt  }
0x6c: {  	_ =	shalt  }
0x6d: {  	_ =	shalt  }
0x6e: {  	_ =	shalt  }
0x6f: {  	_ =	shalt  }
0x70: {  	_ =	shalt  }
0x71: {  	_ =	shalt  }
0x72: {  	_ =	shalt  }
0x73: {  	_ =	shalt  }
0x74: {  	_ =	shalt  }
0x75: {  	_ =	shalt  }
0x76: {  	_ =	shalt  }
0x77: {  	_ =	shalt  }
0x78: {  	_ =	shalt  }
0x79: {  	_ =	shalt  }
0x7a: {  	_ =	shalt  }
0x7b: {  	_ =	shalt  }
0x7c: {  	_ =	shalt  }
0x7d: {  	_ =	shalt  }
0x7e: {  	_ =	shalt  }
0x7f: {  	_ =	shalt  }
0x80: {  	_ =	shalt  }
0x81: {  	_ =	shalt  }
0x82: {  	_ =	shalt  }
0x83: {  	_ =	shalt  }
0x84: {  	_ =	shalt  }
0x85: {  	_ =	shalt  }
0x86: {  	_ =	shalt  }
0x87: {  	_ =	shalt  }
.Lfunc_end0:
.L_simem_size_0:
called_computation_lowered:
.L_overlay_start_0:
0x88: {  	s2 =	sld [smem:$0x3FD9]  }
0x89: {  	s3 =	sld [smem:$0x3FFE];
	_ =	sdelay $0x1  }
0x8a: {  	s1 =	srdreg.scid  }
0x8b: {  	s0 =	sand.u32 $0x1, s1  }
0x8c: {  	s14 =	sshll.u32 s0, $0xA;
	s2 =	sadd.s32 s3, s2  }
0x8d: {  	s2 =	sadd.s32 s2, s14  }
0x8e: {  	[smem:$0x3FC7] =	sst s2  }
0x8f: {  	_ = 	snop  }
0x90: {  	s2 =	sld [smem:$0x3FD0];
	_ =	sdelay $0x2  }
0x91: {  	s4 =	simm.s32 $0xA;
	s5 =	simm.s32 $0x10;
	s15 =	sld [smem:$0x3FC9]  }
0x92: {  	[smem:s5], [sflag:s4] =	dma.local [hbm:s2], $0x1  }
0x93: {  	_ =	swait.eq [sflag:s4], $0x1  }
0x94: {  	[sflag:s4] =	ssyncset.done $0x0  }
0x95: {  	[sflag:s4] =	ssyncadd.s32 $0xFFFFFFFF  }
0x96: {  	s16 =	sld [smem:$0x11];
	(tm) =	ssettm $0x1  }
0x97: {  	s17 =	sld [smem:$0x3FFB];
	_ =	sdelay $0x3  }
0x98: {  	_ =	strace s17  }
0x99: {  	s4 =	sld [smem:$0x3FFC];
	_ =	sdelay $0x3  }
0x9a: {  	_ =	strace s4  }
0x9b: {  	s4 =	sld [smem:$0x3FFD];
	_ =	sdelay $0x3  }
0x9c: {  	_ =	strace s4  }
0x9d: {  	_ =	strace $0x8FFFFFFF  }
0x9e: {  	s18 =	sld [smem:$0x3FDB];
	_ =	sdelay $0x1  }
0x9f: {  	s19 =	simm.s32 $_scs_section_size  }
0xa0: {  	s6 =	simm.s32 $_size__tile_overlayer_lowered;
	s7 =	simm.s32 $_tile_overlayer_lowered  }
0xa1: {  	s22 =	simm.s32 $0x1BFF;
	s21 =	sshll.u32 s7, $0x1;
	s4 =	sadd.s32 s19, s18  }
0xa2: {  	s8 =	simm.s32 $0x0;
	s20 =	sshll.u32 s6, $0x1;
	s6 =	sadd.s32 s21, s4  }
0xa3: {  	[timem:s8], [sflag:s22] =	dma.local [hbm:s6], s20  }
0xa4: {  	_ =	swait.ge [sflag:s22], s20  }
0xa5: {  	s5 =	ssub.s32 $0x0, s20;
	[sflag:s22] =	ssyncset.done $0x0  }
0xa6: {  	[sflag:s22] =	ssyncadd.s32 s5;
	_ =	sdelay $0x1  }
0xa7: {  	s23 =	simm.s32 $0x1B8B  }
0xa8: {  	_ =	swait.ge [sflag:s23], $0x1  }
0xa9: {  	[sflag:s23] =	ssyncset.done $0x0  }
0xaa: {  	s25 =	simm.s32 $0x1B8E;
	s24 =	sld [smem:$0x3FFE];
	[sflag:s23] =	ssyncadd.s32 $0xFFFFFFFF  }
0xab: {  	s26 =	simm.s32 $execute0_lowered;
	[smem:$0x3FD2] =	sst s25  }
0xac: {  	s6 =	sshll.u32 s26, $0x1;
	_ =	strace $0x80000046;
	[dreg:$0x1] =	wrdreg $0xFFFFFFFF  }
0xad: {  	s28 =	simm.s32 $_size_execute0_lowered;
	s4 =	sadd.s32 s4, s6;
	[dreg:$0x0] =	wrdreg $0x0  }
0xae: {  	s6 =	sshll.u32 s28, $0x1;
	[dreg:$0x2] =	wrdreg s4  }
0xaf: {  	[dreg:$0x3] =	wrdreg s6  }
0xb0: {  	[dreg:$0x4] =	wrdreg $0xC0  }
0xb1: {  	_ =	task [dreg:s8], $0x5FFFF  }
0xb2: {  	[dreg:$0x1] =	wrdreg $0xFFFFFFFF  }
0xb3: {  	[dreg:$0x0] =	wrdreg $0x60  }
0xb4: {  	[dreg:$0x2] =	wrdreg s15  }
0xb5: {  	[dreg:$0x3] =	wrdreg s16  }
0xb6: {  	[dreg:$0x4] =	wrdreg s24  }
0xb7: {  	[dreg:$0x5] =	wrdreg $0x9  }
0xb8: {  	_ =	task.clear_ibuf [dreg:s8], $0x6FFFF;
	_ =	strace $0x90000046  }
0xb9: {  	s29 =	simm.s32 $0x9;
	_ =	strace $0x80000048  }
0xba: {  	_ =	swait.ge [sflag:s29], $0x1  }
0xbb: {  	[sflag:s29] =	ssyncadd.s32 $0xFFFFFFFF  }
0xbc: {  	_ =	strace $0x90000048  }
0xbd: {  	_ =	sfence  }
0xbe: {  	s30 =	sld [smem:$0x0];
	_ =	sdelay $0x2  }
0xbf: {  	s31 =	sshll.u32 s1, $0xD;
	s1 =	sshrl.u32 s1, $0x2  }
0xc0: {  	s3 =	sand.u32 $0x4000, s31;
	s1 =	sadd.s32 s1, s30  }
0xc1: {  	s0 =	sor.u32 s3, s0;
	s1 =	sshll.u32 s1, $0x11  }
0xc2: {  	s0 =	sor.u32 s1, s0  }
0xc3: {  	s0 =	sadd.s32 $0x8F2B, s0  }
0xc4: {  	[sflag:s0] =	ssyncadd.remote.s32 $0x1  }
0xc5: {  	_ =	sfence.sel $0xFFFF  }
0xc6: {  	[dreg:$0x0] =	wrdreg $0xFFFFFFFF;
	(pc) =	sbr.abs _section_cstart, $3  }
0xc7: {  	[dreg:$0x1] =	wrdreg $0xFFFFFFFF  }
0xc8: {  	_ =	task.clear_ibuf [dreg:s8], $0x2FFFF;
	_ =	strace $0x9FFFFFFF  }
0xc9: {  	(tm) =	ssettm $0x7FFFFFFF  }
tec
execute0_lowered:
.L_overlay_start_1:
0x0: {  	(tag) =	ssettag $0x1  }
0x1: {  	s0 =	rddreg [dreg:$0x0]  }
0x2: {  	s1 =	rddreg [dreg:$0x2];
	s2 =	simm.s32 $0x0  }
0x3: {  	s3 =	srdreg.scid;
	s23 =	stileid.u32;
	s20 =	simm.s32 $0x1  }
0x4: {  	s21 =	simm.s32 $0x10100;
	s30 =	simm.s32 $0x0;
	[smem:$0x7FF] =	sst s2  }
0x5: {  	s22 =	sadd.s32 $0x200, s1;
	s3 =	sand.u32 $0x1, s3;
	s4 =	sshll.u32 s23, $0x7  }
0x6: {  	s6 =	sshll.u32 s23, $0x1;
	s10 =	sadd.s32 $0x2000, s0;
	s23 =	simm.s32 $0x3  }
0x7: {  	_ =	strace $0x80000047;
	[dreg:$0x4] =	wrdreg s22;
	s5 =	ssub.s32 $0x2, s3  }
0x8: {  	s4 =	sand.u32 $0x600, s4;
	s3 =	sor.u32 s3, s6;
	s22 =	simm.s32 $0x2  }
0x9: {  	s7 =	sshrl.u32 s5, $0x1;
	s1 =	sadd.s32 s4, s1;
	s6 =	sshll.u32 s3, $0x12  }
0xa: {  	s24 =	ssub.s32 s5, s7;
	s5 =	sshll.u32 s3, $0xA;
	s25 =	sadd.s32 s0, s6  }
0xb: {  	s3 =	sshll.u32 s3, $0x4;
	s26 =	sadd.s32 $0x800, s25;
	[dreg:$0x5] =	wrdreg s25  }
0xc: {  	s11 =	sadd.s32 s6, s10;
	s28 =	sadd.s32 $0x1000, s25;
	[dreg:$0x6] =	wrdreg s26  }
0xd: {  	s3 =	sand.u32 $0x70, s3;
	s2 =	sadd.s32 $0x1800, s25;
	[dreg:$0x7] =	wrdreg s28  }
0xe: {  	s31 =	smax.u32 s24, $0x1;
	[dreg:$0x8] =	wrdreg s2;
	s29 =	sadd.s32 s3, s1  }
0xf: {  	v0 =	vlaneseq.u32;
	s24 =	simm.s32 $0x4;
	[dreg:$0xa] =	wrdreg s31;
	s0 =	sadd.s32 $0x400, s29  }
0x10: {  	v1 =	vimm.f32 $0.0e+00;
	v2 =	vimm.f32 $1.000000000e+00;
	v3 =	vmul.u32 $0x10, v0;
	s3 =	simm.s32 $0x5;
	s1 =	simm.s32 $0x0;
	[dreg:$0x9] =	wrdreg s0  }
.LBB2_1:
0x11: {  	[dreg:$0xb] =	wrdreg s1  }
0x12: {  	s0 =	rddreg [dreg:$0x1];
	s28 =	simm.s32 $0x0;
	s2 =	simm.s32 $0x10000  }
0x13: {  	[tilespmem:s2], [sflag:$0x5] =	stream.linear.gather [hbm4b:s0+s28], $0x80, $0x38;
	[tilespmem:$0x12300] =	vst v63  }
0x14: {  	_ =	swait.ge [sflag:s3], $0x80  }
0x15: {  	[sflag:s3] =	ssyncset.done $0x0  }
0x16: {  	s31 =	simm.s32 $0x10080;
	s29 =	rddreg [dreg:$0x4];
	[sflag:s3] =	ssyncadd.s32 $0xFFFFFF80  }
0x17: {  	[tilespmem:s31], [sflag:$0x5] =	stream.linear.gather [hbm4b:s29+s28], $0x80, $0x38;
	[tilespmem:$0x12300] =	vst v63  }
0x18: {  	_ =	swait.ge [sflag:s3], $0x80  }
0x19: {  	[sflag:s3] =	ssyncset.done $0x0  }
0x1a: {  	[sflag:s3] =	ssyncadd.s32 $0xFFFFFF80  }
0x1b: {  	s0 =	simm.s32 $0x10120;
	v5 =	vld [tilespmem:$0x10000]  }
0x1c: {  	v4 =	vld [tilespmem:$0x10080];
	[tilespmem:s0+$0xFFFFFFE0] =	vst v1  }
0x1d: {  	[tilespmem:s0+$0x10] =	vst v1  }
0x1e: {  	s1 =	simm.s32 $0x0;
	[tilespmem:s0+$0x0] =	vst v1  }
.LBB2_2:
0x1f: {  	s1 =	sadd.s32 $0x4, s1  }
0x20: {  	[tilespmem:s0+$0xFFFFFFF0] =	vst v1;
	s0 =	sadd.s32 $0x40, s0;
	p0 =	slt.u32 s1, $0x1FC  }
.Ltmp0:
0x21: {  	[tilespmem:s0+$0xFFFFFFE0] =	vst v1;
	(pc) =	sbr.rel @p0 .LBB2_2-.Ltmp0, $3  }
0x22: {  	_ =	sdelay $0x1  }
0x23: {  	[tilespmem:s0+$0x10] =	vst v1  }
0x24: {  	[tilespmem:s0+$0x0] =	vst v1  }
0x25: {  	[tilespmem:s0+$0xFFFFFFF0] =	vst v1  }
0x26: {  	s0 =	rddreg [dreg:$0x5]  }
0x27: {  	[tilespmem:s30], [sflag:$0x1] =	stream.linear.gather [hbm4b:s0+s30], $0x4000, $0x38;
	[tilespmem:$0x12300] =	vst v63  }
0x28: {  	s1 =	simm.s32 $0x4000;
	s19 =	rddreg [dreg:$0x6]  }
0x29: {  	[tilespmem:s1], [sflag:$0x2] =	stream.linear.gather [hbm4b:s19+s30], $0x4000, $0x38;
	[tilespmem:$0x12300] =	vst v63  }
0x2a: {  	s26 =	simm.s32 $0x8000;
	v5 =	vmul.f32 v4, v5;
	s25 =	rddreg [dreg:$0x7]  }
0x2b: {  	[tilespmem:s26], [sflag:$0x3] =	stream.linear.gather [hbm4b:s25+s30], $0x4000, $0x38;
	[tilespmem:$0x12300] =	vst v63  }
0x2c: {  	s29 =	simm.s32 $0xC000;
	s31 =	simm.s32 $0x0;
	s28 =	rddreg [dreg:$0x8];
	v5 =	vsub.f32 $0.0e+00, v5  }
0x2d: {  	[tilespmem:s29], [sflag:$0x4] =	stream.linear.gather [hbm4b:s28+s30], $0x4000, $0x38;
	[tilespmem:$0x12300] =	vst v63  }
.LBB2_4:
0x2e: {  	_ =	swait.ge [sflag:s20], $0x4000  }
0x2f: {  	s0 =	sand.u32 $0x60, s30;
	s1 =	sand.u32 $0x3C00, s30;
	[sflag:s20] =	ssyncset.done $0x0  }
0x30: {  	s1 =	sor.u32 s0, s1;
	[sflag:s20] =	ssyncadd.s32 $0xFFFFC000  }
0x31: {  	v6 =	vld [tilespmem:s1+$0x10];
	_ =	sdelay $0x4  }
0x32: {  	v6 =	vmul.f32 v6, v4;
	_ =	sdelay $0x1  }
0x33: {  	v6 =	vadd.f32 v6, v5;
	_ =	sdelay $0x1  }
0x34: {  	v6 =	vmin.f32 v6, $5.115000000e+02  }
0x35: {  	v6 =	vtrunc.f32 v6  }
0x36: {  	v6 =	vcvt.f32.s32 v6;
	_ =	sdelay $0x1  }
0x37: {  	v6 =	vshll.u32 v6, $0x4  }
0x38: {  	v6 =	vor.u32 v0, v6;
	_ =	sdelay $0x4  }
0x39: {  	[tilespmem:v6+s21+$0x0] =	vst.idx.add.f32.msk $0xffff, v2  }
0x3a: {  	s16 =	simm.s32 $0x100;
	s3 =	simm.s32 $0x20;
	v6 =	vld [tilespmem:s1+$0x90]  }
0x3b: {  	s3 =	sand.u32 $0x60, s3;
	s0 =	sand.u32 $0x3C00, s16  }
0x3c: {  	s3 =	sor.u32 s3, s0  }
0x3d: {  	v7 =	vld [tilespmem:s3+$0x10];
	_ =	sdelay $0x1  }
0x3e: {  	v6 =	vmul.f32 v6, v4;
	_ =	sdelay $0x1  }
0x3f: {  	v6 =	vadd.f32 v6, v5  }
0x40: {  	v7 =	vmul.f32 v7, v4  }
0x41: {  	v6 =	vmin.f32 v6, $5.115000000e+02  }
0x42: {  	v7 =	vadd.f32 v7, v5;
	v6 =	vtrunc.f32 v6  }
0x43: {  	v6 =	vcvt.f32.s32 v6  }
0x44: {  	v7 =	vmin.f32 v7, $5.115000000e+02  }
0x45: {  	v7 =	vtrunc.f32 v7;
	v6 =	vshll.u32 v6, $0x4  }
0x46: {  	v7 =	vcvt.f32.s32 v7;
	v6 =	vor.u32 v0, v6;
	_ =	sdelay $0x1  }
0x47: {  	v7 =	vshll.u32 v7, $0x4  }
0x48: {  	v7 =	vor.u32 v0, v7;
	_ =	sdelay $0x1  }
0x49: {  	[tilespmem:v6+s21+$0x0] =	vst.idx.add.f32.msk $0xffff, v2  }
0x4a: {  	v6 =	vld [tilespmem:s1+$0x110];
	_ =	sdelay $0x1  }
0x4b: {  	[tilespmem:v7+s21+$0x0] =	vst.idx.add.f32.msk $0xffff, v2  }
0x4c: {  	v7 =	vld [tilespmem:s3+$0x90];
	_ =	sdelay $0x1  }
0x4d: {  	v8 =	vld [tilespmem:s1+$0x0];
	v6 =	vmul.f32 v6, v4;
	_ =	sdelay $0x1  }
0x4e: {  	v6 =	vadd.f32 v6, v5  }
0x4f: {  	v7 =	vmul.f32 v7, v4  }
0x50: {  	v6 =	vmin.f32 v6, $5.115000000e+02  }
0x51: {  	v8 =	vmul.f32 v8, v4;
	v7 =	vadd.f32 v7, v5;
	v6 =	vtrunc.f32 v6  }
0x52: {  	v9 =	vld [tilespmem:s3+$0x0];
	v6 =	vcvt.f32.s32 v6  }
0x53: {  	v8 =	vadd.f32 v8, v5;
	v7 =	vmin.f32 v7, $5.115000000e+02  }
0x54: {  	v7 =	vtrunc.f32 v7;
	v6 =	vshll.u32 v6, $0x4  }
0x55: {  	v8 =	vmin.f32 v8, $5.115000000e+02;
	v7 =	vcvt.f32.s32 v7;
	v6 =	vor.u32 v0, v6  }
0x56: {  	s17 =	simm.s32 $0x200;
	s4 =	simm.s32 $0x40;
	v8 =	vtrunc.f32 v8  }
0x57: {  	s4 =	sand.u32 $0x60, s4;
	s0 =	sand.u32 $0x3C00, s17;
	v9 =	vmul.f32 v9, v4;
	v8 =	vcvt.f32.s32 v8;
	v7 =	vshll.u32 v7, $0x4  }
0x58: {  	s16 =	sor.u32 s4, s0;
	v7 =	vor.u32 v0, v7  }
0x59: {  	v10 =	vld [tilespmem:s16+$0x10];
	v9 =	vadd.f32 v9, v5;
	v8 =	vshll.u32 v8, $0x4  }
0x5a: {  	v8 =	vor.u32 v0, v8;
	[tilespmem:v6+s21+$0x0] =	vst.idx.add.f32.msk $0xffff, v2  }
0x5b: {  	v6 =	vmin.f32 v9, $5.115000000e+02;
	v9 =	vld [tilespmem:s1+$0x190]  }
0x5c: {  	v6 =	vtrunc.f32 v6  }
0x5d: {  	[tilespmem:v7+s21+$0x0] =	vst.idx.add.f32.msk $0xffff, v2;
	v6 =	vcvt.f32.s32 v6  }
0x5e: {  	v7 =	vmul.f32 v10, v4;
	v10 =	vld [tilespmem:s3+$0x110]  }
0x5f: {  	[tilespmem:v8+s21+$0x0] =	vst.idx.add.f32.msk $0xffff, v2;
	v6 =	vshll.u32 v6, $0x4  }
0x60: {  	v8 =	vld [tilespmem:s1+$0x80];
	v7 =	vadd.f32 v7, v5;
	v6 =	vor.u32 v0, v6;
	v9 =	vmul.f32 v9, v4;
	_ =	sdelay $0x1  }
0x61: {  	v7 =	vmin.f32 v7, $5.115000000e+02;
	v9 =	vadd.f32 v9, v5  }
0x62: {  	v7 =	vtrunc.f32 v7;
	v10 =	vmul.f32 v10, v4  }
0x63: {  	v7 =	vcvt.f32.s32 v7;
	v9 =	vmin.f32 v9, $5.115000000e+02  }
0x64: {  	v8 =	vmul.f32 v8, v4;
	[tilespmem:v6+s21+$0x0] =	vst.idx.add.f32.msk $0xffff, v2;
	v6 =	vtrunc.f32 v9;
	v9 =	vadd.f32 v10, v5  }
0x65: {  	v7 =	vshll.u32 v7, $0x4;
	v10 =	vld [tilespmem:s3+$0x80];
	v6 =	vcvt.f32.s32 v6  }
0x66: {  	v8 =	vadd.f32 v8, v5;
	v7 =	vor.u32 v0, v7;
	v9 =	vmin.f32 v9, $5.115000000e+02  }
0x67: {  	v11 =	vld [tilespmem:s16+$0x0];
	v6 =	vshll.u32 v6, $0x4;
	v9 =	vtrunc.f32 v9  }
0x68: {  	v8 =	vmin.f32 v8, $5.115000000e+02;
	v6 =	vor.u32 v0, v6;
	v9 =	vcvt.f32.s32 v9  }
0x69: {  	v8 =	vtrunc.f32 v8  }
0x6a: {  	v8 =	vcvt.f32.s32 v8;
	v10 =	vmul.f32 v10, v4;
	v9 =	vshll.u32 v9, $0x4  }
0x6b: {  	[tilespmem:v7+s21+$0x0] =	vst.idx.add.f32.msk $0xffff, v2;
	v9 =	vor.u32 v0, v9  }
0x6c: {  	v7 =	vshll.u32 v8, $0x4;
	v8 =	vadd.f32 v10, v5;
	v10 =	vmul.f32 v11, v4;
	v11 =	vld [tilespmem:s16+$0x90]  }
0x6d: {  	v7 =	vor.u32 v0, v7;
	[tilespmem:v6+s21+$0x0] =	vst.idx.add.f32.msk $0xffff, v2  }
0x6e: {  	v6 =	vmin.f32 v8, $5.115000000e+02;
	v10 =	vadd.f32 v10, v5;
	v8 =	vld [tilespmem:s1+$0x210]  }
0x6f: {  	v6 =	vtrunc.f32 v6  }
0x70: {  	v6 =	vcvt.f32.s32 v6;
	v10 =	vmin.f32 v10, $5.115000000e+02;
	[tilespmem:v9+s21+$0x0] =	vst.idx.add.f32.msk $0xffff, v2  }
0x71: {  	v9 =	vtrunc.f32 v10;
	v11 =	vmul.f32 v11, v4;
	v10 =	vld [tilespmem:s3+$0x190]  }
0x72: {  	[tilespmem:v7+s21+$0x0] =	vst.idx.add.f32.msk $0xffff, v2;
	v6 =	vshll.u32 v6, $0x4;
	v7 =	vcvt.f32.s32 v9  }
0x73: {  	v9 =	vld [tilespmem:s1+$0x100];
	v6 =	vor.u32 v0, v6;
	v11 =	vadd.f32 v11, v5;
	v8 =	vmul.f32 v8, v4  }
0x74: {  	v7 =	vshll.u32 v7, $0x4  }
0x75: {  	v7 =	vor.u32 v0, v7;
	v11 =	vmin.f32 v11, $5.115000000e+02;
	v8 =	vadd.f32 v8, v5  }
0x76: {  	v11 =	vtrunc.f32 v11;
	v10 =	vmul.f32 v10, v4  }
0x77: {  	v11 =	vcvt.f32.s32 v11;
	v8 =	vmin.f32 v8, $5.115000000e+02  }
0x78: {  	v9 =	vmul.f32 v9, v4;
	[tilespmem:v6+s21+$0x0] =	vst.idx.add.f32.msk $0xffff, v2;
	v6 =	vtrunc.f32 v8;
	v8 =	vadd.f32 v10, v5  }
0x79: {  	v10 =	vld [tilespmem:s3+$0x100];
	v11 =	vshll.u32 v11, $0x4;
	v6 =	vcvt.f32.s32 v6  }
0x7a: {  	s18 =	simm.s32 $0x300;
	s19 =	simm.s32 $0x60;
	v9 =	vadd.f32 v9, v5;
	[tilespmem:v7+s21+$0x0] =	vst.idx.add.f32.msk $0xffff, v2;
	v7 =	vmin.f32 v8, $5.115000000e+02;
	v8 =	vor.u32 v0, v11  }
0x7b: {  	s4 =	sand.u32 $0x60, s19;
	s0 =	sand.u32 $0x3C00, s18;
	v11 =	vld [tilespmem:s16+$0x80];
	v6 =	vshll.u32 v6, $0x4;
	v7 =	vtrunc.f32 v7  }
0x7c: {  	s17 =	sor.u32 s4, s0;
	v9 =	vmin.f32 v9, $5.115000000e+02;
	v6 =	vor.u32 v0, v6;
	v7 =	vcvt.f32.s32 v7  }
0x7d: {  	v12 =	vld [tilespmem:s17+$0x10];
	v9 =	vtrunc.f32 v9  }
0x7e: {  	v9 =	vcvt.f32.s32 v9;
	v10 =	vmul.f32 v10, v4;
	v7 =	vshll.u32 v7, $0x4  }
0x7f: {  	v7 =	vor.u32 v0, v7;
	[tilespmem:v8+s21+$0x0] =	vst.idx.add.f32.msk $0xffff, v2  }
0x80: {  	v8 =	vshll.u32 v9, $0x4;
	v9 =	vadd.f32 v10, v5;
	v10 =	vmul.f32 v11, v4;
	v11 =	vld [tilespmem:s16+$0x110]  }
0x81: {  	v8 =	vor.u32 v0, v8;
	[tilespmem:v6+s21+$0x0] =	vst.idx.add.f32.msk $0xffff, v2  }
0x82: {  	v12 =	vmul.f32 v12, v4;
	v6 =	vmin.f32 v9, $5.115000000e+02;
	v10 =	vadd.f32 v10, v5;
	v9 =	vld [tilespmem:s1+$0x290]  }
0x83: {  	v6 =	vtrunc.f32 v6  }
0x84: {  	v6 =	vcvt.f32.s32 v6;
	v10 =	vmin.f32 v10, $5.115000000e+02;
	[tilespmem:v7+s21+$0x0] =	vst.idx.add.f32.msk $0xffff, v2;
	v7 =	vadd.f32 v12, v5  }
0x85: {  	v10 =	vtrunc.f32 v10;
	v12 =	vld [tilespmem:s3+$0x210];
	v11 =	vmul.f32 v11, v4  }
0x86: {  	[tilespmem:v8+s21+$0x0] =	vst.idx.add.f32.msk $0xffff, v2;
	v6 =	vshll.u32 v6, $0x4;
	v8 =	vcvt.f32.s32 v10;
	v7 =	vmin.f32 v7, $5.115000000e+02  }
0x87: {  	v10 =	vld [tilespmem:s17+$0x0];
	v9 =	vmul.f32 v9, v4;
	v7 =	vtrunc.f32 v7;
	v11 =	vadd.f32 v11, v5  }
0x88: {  	v13 =	vld [tilespmem:s1+$0x180];
	v6 =	vor.u32 v0, v6;
	v8 =	vshll.u32 v8, $0x4;
	v7 =	vcvt.f32.s32 v7  }
0x89: {  	v8 =	vor.u32 v0, v8;
	v9 =	vadd.f32 v9, v5;
	v11 =	vmin.f32 v11, $5.115000000e+02  }
0x8a: {  	v12 =	vmul.f32 v12, v4;
	v7 =	vshll.u32 v7, $0x4;
	v11 =	vtrunc.f32 v11  }
0x8b: {  	v7 =	vor.u32 v0, v7;
	v11 =	vcvt.f32.s32 v11  }
0x8c: {  	v10 =	vmul.f32 v10, v4;
	v9 =	vmin.f32 v9, $5.115000000e+02;
	v12 =	vadd.f32 v12, v5  }
0x8d: {  	v13 =	vmul.f32 v13, v4;
	[tilespmem:v6+s21+$0x0] =	vst.idx.add.f32.msk $0xffff, v2;
	v6 =	vtrunc.f32 v9;
	v9 =	vshll.u32 v11, $0x4  }
0x8e: {  	v10 =	vadd.f32 v10, v5;
	v11 =	vld [tilespmem:s3+$0x180];
	v12 =	vmin.f32 v12, $5.115000000e+02;
	v9 =	vor.u32 v0, v9  }
0x8f: {  	v6 =	vcvt.f32.s32 v6;
	[tilespmem:v8+s21+$0x0] =	vst.idx.add.f32.msk $0xffff, v2;
	v8 =	vtrunc.f32 v12  }
0x90: {  	v10 =	vmin.f32 v10, $5.115000000e+02;
	v8 =	vcvt.f32.s32 v8;
	[tilespmem:v7+s21+$0x0] =	vst.idx.add.f32.msk $0xffff, v2  }
0x91: {  	v6 =	vshll.u32 v6, $0x4;
	v10 =	vtrunc.f32 v10;
	v7 =	vadd.f32 v13, v5;
	v12 =	vld [tilespmem:s17+$0x90]  }
0x92: {  	v6 =	vor.u32 v0, v6;
	v10 =	vcvt.f32.s32 v10;
	v13 =	vld [tilespmem:s16+$0x100];
	v8 =	vshll.u32 v8, $0x4  }
0x93: {  	v8 =	vor.u32 v0, v8;
	[tilespmem:v9+s21+$0x0] =	vst.idx.add.f32.msk $0xffff, v2  }
0x94: {  	v7 =	vmin.f32 v7, $5.115000000e+02;
	v9 =	vshll.u32 v10, $0x4;
	v10 =	vld [tilespmem:s16+$0x190]  }
0x95: {  	v7 =	vtrunc.f32 v7;
	v9 =	vor.u32 v0, v9  }
0x96: {  	v7 =	vcvt.f32.s32 v7;
	v12 =	vmul.f32 v12, v4  }
0x97: {  	[tilespmem:v6+s21+$0x0] =	vst.idx.add.f32.msk $0xffff, v2;
	v6 =	vmul.f32 v13, v4  }
0x98: {  	s25 =	sand.u32 $0x3, s30;
	v11 =	vmul.f32 v11, v4;
	v7 =	vshll.u32 v7, $0x4;
	[tilespmem:v8+s21+$0x0] =	vst.idx.add.f32.msk $0xffff, v2;
	v8 =	vadd.f32 v12, v5  }
0x99: {  	s0 =	sshll.u32 s25, $0x5;
	v7 =	vor.u32 v0, v7;
	v6 =	vadd.f32 v6, v5;
	v12 =	vld [tilespmem:s3+$0x290];
	v10 =	vmul.f32 v10, v4  }
0x9a: {  	s7 =	sadd.s32 $0x0, s0;
	v11 =	vadd.f32 v11, v5;
	[tilespmem:v9+s21+$0x0] =	vst.idx.add.f32.msk $0xffff, v2;
	v8 =	vmin.f32 v8, $5.115000000e+02  }
0x9b: {  	s26 =	sadd.s32 $0x10, s7;
	v6 =	vmin.f32 v6, $5.115000000e+02;
	v9 =	vld [tilespmem:s17+$0x80];
	v8 =	vtrunc.f32 v8;
	v10 =	vadd.f32 v10, v5  }
0x9c: {  	s28 =	sor.u32 $0x300, s26;
	v6 =	vtrunc.f32 v6;
	v8 =	vcvt.f32.s32 v8  }
0x9d: {  	v13 =	vld [tilespmem:s28+$0x0];
	v11 =	vmin.f32 v11, $5.115000000e+02;
	v6 =	vcvt.f32.s32 v6;
	v10 =	vmin.f32 v10, $5.115000000e+02  }
0x9e: {  	[tilespmem:v7+s21+$0x0] =	vst.idx.add.f32.msk $0xffff, v2;
	v7 =	vmul.f32 v12, v4;
	v8 =	vshll.u32 v8, $0x4;
	v10 =	vtrunc.f32 v10  }
0x9f: {  	v11 =	vtrunc.f32 v11;
	v10 =	vcvt.f32.s32 v10;
	v8 =	vor.u32 v0, v8  }
0xa0: {  	s29 =	simm.s32 $0x400;
	s6 =	simm.s32 $0x80;
	v6 =	vshll.u32 v6, $0x4;
	v12 =	vld [tilespmem:s1+$0x200];
	v9 =	vmul.f32 v9, v4;
	v7 =	vadd.f32 v7, v5  }
0xa1: {  	s6 =	sand.u32 $0x60, s6;
	s0 =	sand.u32 $0x3C00, s29;
	v11 =	vcvt.f32.s32 v11;
	v6 =	vor.u32 v0, v6;
	v10 =	vshll.u32 v10, $0x4  }
0xa2: {  	s0 =	sor.u32 s6, s0;
	v9 =	vadd.f32 v9, v5;
	v7 =	vmin.f32 v7, $5.115000000e+02;
	v10 =	vor.u32 v0, v10  }
0xa3: {  	v14 =	vld [tilespmem:s0+$0x10];
	v13 =	vmul.f32 v13, v4;
	v7 =	vtrunc.f32 v7  }
0xa4: {  	v11 =	vshll.u32 v11, $0x4;
	v9 =	vmin.f32 v9, $5.115000000e+02;
	v7 =	vcvt.f32.s32 v7;
	[tilespmem:v8+s21+$0x0] =	vst.idx.add.f32.msk $0xffff, v2  }
0xa5: {  	v12 =	vmul.f32 v12, v4;
	v8 =	vadd.f32 v13, v5;
	v9 =	vtrunc.f32 v9;
	v13 =	vld [tilespmem:s17+$0x110]  }
0xa6: {  	v11 =	vor.u32 v0, v11;
	[tilespmem:v6+s21+$0x0] =	vst.idx.add.f32.msk $0xffff, v2;
	v6 =	vshll.u32 v7, $0x4;
	v7 =	vcvt.f32.s32 v9  }
0xa7: {  	s2 =	simm.s32 $0x1;
	v9 =	vadd.f32 v12, v5;
	v8 =	vmin.f32 v8, $5.115000000e+02;
	v6 =	vor.u32 v0, v6;
	[tilespmem:v10+s21+$0x0] =	vst.idx.add.f32.msk $0xffff, v2  }
0xa8: {  	s6 =	sand.u32 $0x3, s2;
	v8 =	vtrunc.f32 v8;
	v10 =	vmul.f32 v14, v4;
	v7 =	vshll.u32 v7, $0x4;
	v12 =	vld [tilespmem:s16+$0x210]  }
0xa9: {  	s6 =	sshll.u32 s6, $0x5;
	v14 =	vld [tilespmem:s16+$0x180];
	v9 =	vmin.f32 v9, $5.115000000e+02;
	v8 =	vcvt.f32.s32 v8;
	v7 =	vor.u32 v0, v7  }
0xaa: {  	v15 =	vld [tilespmem:s0+$0x0];
	s25 =	sadd.s32 $0x100, s6;
	v9 =	vtrunc.f32 v9;
	v10 =	vadd.f32 v10, v5;
	v13 =	vmul.f32 v13, v4  }
0xab: {  	s6 =	sadd.s32 $0x10, s25;
	[tilespmem:v11+s21+$0x0] =	vst.idx.add.f32.msk $0xffff, v2;
	v9 =	vcvt.f32.s32 v9;
	v8 =	vshll.u32 v8, $0x4  }
0xac: {  	s8 =	sor.u32 $0x300, s6;
	v8 =	vor.u32 v0, v8;
	[tilespmem:v6+s21+$0x0] =	vst.idx.add.f32.msk $0xffff, v2;
	v6 =	vmin.f32 v10, $5.115000000e+02;
	v10 =	vadd.f32 v13, v5  }
0xad: {  	v9 =	vshll.u32 v9, $0x4;
	v11 =	vld [tilespmem:s8+$0x0];
	v6 =	vtrunc.f32 v6;
	v12 =	vmul.f32 v12, v4  }
0xae: {  	v14 =	vmul.f32 v14, v4;
	v6 =	vcvt.f32.s32 v6;
	[tilespmem:v7+s21+$0x0] =	vst.idx.add.f32.msk $0xffff, v2;
	v7 =	vmin.f32 v10, $5.115000000e+02  }
0xaf: {  	v10 =	vmul.f32 v15, v4;
	v13 =	vld [tilespmem:s17+$0x100];
	v12 =	vadd.f32 v12, v5;
	v7 =	vtrunc.f32 v7  }
0xb0: {  	v9 =	vor.u32 v0, v9;
	v15 =	vld [tilespmem:s3+$0x200];
	v6 =	vshll.u32 v6, $0x4;
	v7 =	vcvt.f32.s32 v7  }
0xb1: {  	v10 =	vadd.f32 v10, v5;
	v6 =	vor.u32 v0, v6;
	v12 =	vmin.f32 v12, $5.115000000e+02  }
0xb2: {  	v11 =	vmul.f32 v11, v4;
	v12 =	vtrunc.f32 v12;
	v7 =	vshll.u32 v7, $0x4  }
0xb3: {  	v10 =	vmin.f32 v10, $5.115000000e+02;
	v12 =	vcvt.f32.s32 v12;
	v7 =	vor.u32 v0, v7  }
0xb4: {  	[tilespmem:v8+s21+$0x0] =	vst.idx.add.f32.msk $0xffff, v2;
	v8 =	vtrunc.f32 v10;
	v10 =	vadd.f32 v11, v5;
	v11 =	vmul.f32 v13, v4  }
0xb5: {  	v15 =	vmul.f32 v15, v4;
	v8 =	vcvt.f32.s32 v8  }
0xb6: {  	[tilespmem:v9+s21+$0x0] =	vst.idx.add.f32.msk $0xffff, v2;
	v12 =	vshll.u32 v12, $0x4;
	v10 =	vmin.f32 v10, $5.115000000e+02;
	v11 =	vadd.f32 v11, v5  }
0xb7: {  	[tilespmem:v6+s21+$0x0] =	vst.idx.add.f32.msk $0xffff, v2;
	v6 =	vor.u32 v0, v12;
	v12 =	vadd.f32 v14, v5;
	v8 =	vshll.u32 v8, $0x4  }
0xb8: {  	v14 =	vadd.f32 v15, v5;
	v10 =	vtrunc.f32 v10;
	v15 =	vld [tilespmem:s0+$0x90];
	v8 =	vor.u32 v0, v8  }
0xb9: {  	v10 =	vcvt.f32.s32 v10;
	v11 =	vmin.f32 v11, $5.115000000e+02;
	[tilespmem:v7+s21+$0x0] =	vst.idx.add.f32.msk $0xffff, v2;
	v7 =	vmin.f32 v12, $5.115000000e+02  }
0xba: {  	s4 =	sor.u32 $0x380, s26;
	v9 =	vmin.f32 v14, $5.115000000e+02;
	v11 =	vtrunc.f32 v11;
	v12 =	vld [tilespmem:s17+$0x190];
	v7 =	vtrunc.f32 v7  }
0xbb: {  	v13 =	vld [tilespmem:s4+$0x0];
	v9 =	vtrunc.f32 v9;
	v10 =	vshll.u32 v10, $0x4;
	v11 =	vcvt.f32.s32 v11  }
0xbc: {  	v9 =	vcvt.f32.s32 v9;
	v10 =	vor.u32 v0, v10;
	[tilespmem:v6+s21+$0x0] =	vst.idx.add.f32.msk $0xffff, v2;
	v6 =	vcvt.f32.s32 v7  }
0xbd: {  	v7 =	vshll.u32 v11, $0x4;
	v11 =	vmul.f32 v15, v4;
	v14 =	vld [tilespmem:s16+$0x290]  }
0xbe: {  	[tilespmem:v8+s21+$0x0] =	vst.idx.add.f32.msk $0xffff, v2;
	v9 =	vshll.u32 v9, $0x4;
	v7 =	vor.u32 v0, v7;
	v6 =	vshll.u32 v6, $0x4  }
0xbf: {  	v15 =	vld [tilespmem:s1+$0x280];
	v9 =	vor.u32 v0, v9;
	v8 =	vadd.f32 v11, v5;
	v11 =	vmul.f32 v12, v4  }
0xc0: {  	v12 =	vmul.f32 v13, v4;
	v6 =	vor.u32 v0, v6;
	v13 =	vld [tilespmem:s0+$0x80]  }
0xc1: {  	s8 =	sor.u32 $0x380, s6;
	[tilespmem:v10+s21+$0x0] =	vst.idx.add.f32.msk $0xffff, v2;
	v8 =	vmin.f32 v8, $5.115000000e+02;
	v10 =	vadd.f32 v11, v5  }
0xc2: {  	v11 =	vld [tilespmem:s8+$0x0];
	v8 =	vtrunc.f32 v8;
	v14 =	vmul.f32 v14, v4  }
0xc3: {  	[tilespmem:v7+s21+$0x0] =	vst.idx.add.f32.msk $0xffff, v2;
	v7 =	vcvt.f32.s32 v8;
	v8 =	vmin.f32 v10, $5.115000000e+02  }
0xc4: {  	v10 =	vadd.f32 v12, v5;
	[tilespmem:v9+s21+$0x0] =	vst.idx.add.f32.msk $0xffff, v2;
	v14 =	vadd.f32 v14, v5;
	v8 =	vtrunc.f32 v8  }
0xc5: {  	[tilespmem:v6+s21+$0x0] =	vst.idx.add.f32.msk $0xffff, v2;
	v6 =	vmul.f32 v13, v4;
	v7 =	vshll.u32 v7, $0x4;
	v8 =	vcvt.f32.s32 v8  }
0xc6: {  	s9 =	simm.s32 $0xA0;
	s1 =	simm.s32 $0x500;
	v12 =	vld [tilespmem:s17+$0x180];
	v13 =	vmul.f32 v15, v4;
	v14 =	vmin.f32 v14, $5.115000000e+02;
	v7 =	vor.u32 v0, v7  }
0xc7: {  	s4 =	sand.u32 $0x60, s9;
	s12 =	sand.u32 $0x3C00, s1;
	v15 =	vld [tilespmem:s16+$0x200];
	v6 =	vadd.f32 v6, v5;
	v9 =	vtrunc.f32 v14;
	v8 =	vshll.u32 v8, $0x4  }
0xc8: {  	v14 =	vld [tilespmem:s3+$0x280];
	s3 =	sor.u32 s4, s12;
	v9 =	vcvt.f32.s32 v9;
	v8 =	vor.u32 v0, v8  }
0xc9: {  	v10 =	vmin.f32 v10, $5.115000000e+02;
	v13 =	vadd.f32 v13, v5;
	v16 =	vld [tilespmem:s3+$0x10];
	v6 =	vmin.f32 v6, $5.115000000e+02  }
0xca: {  	v11 =	vmul.f32 v11, v4;
	v17 =	vld [tilespmem:s3+$0x0];
	v6 =	vtrunc.f32 v6;
	v9 =	vshll.u32 v9, $0x4  }
0xcb: {  	s13 =	simm.s32 $0x2;
	v13 =	vmin.f32 v13, $5.115000000e+02;
	v6 =	vcvt.f32.s32 v6;
	v9 =	vor.u32 v0, v9;
	[tilespmem:v7+s21+$0x0] =	vst.idx.add.f32.msk $0xffff, v2  }
0xcc: {  	s4 =	sand.u32 $0x3, s13;
	v11 =	vadd.f32 v11, v5;
	v7 =	vtrunc.f32 v10;
	v10 =	vtrunc.f32 v13;
	v13 =	vld [tilespmem:s0+$0x110]  }
0xcd: {  	s4 =	sshll.u32 s4, $0x5;
	v18 =	vcvt.f32.s32 v7;
	v7 =	vcvt.f32.s32 v10;
	v6 =	vshll.u32 v6, $0x4;
	[tilespmem:v8+s21+$0x0] =	vst.idx.add.f32.msk $0xffff, v2  }
0xce: {  	s4 =	sadd.s32 $0x200, s4;
	v8 =	vmin.f32 v11, $5.115000000e+02;
	v10 =	vmul.f32 v16, v4;
	v6 =	vor.u32 v0, v6;
	v11 =	vld [tilespmem:s17+$0x210]  }
0xcf: {  	s14 =	sadd.s32 $0x10, s4;
	v16 =	vmul.f32 v17, v4;
	v7 =	vshll.u32 v7, $0x4;
	v8 =	vtrunc.f32 v8  }
0xd0: {  	s15 =	sor.u32 $0x300, s14;
	v17 =	vor.u32 v0, v7;
	v7 =	vcvt.f32.s32 v8;
	v8 =	vadd.f32 v10, v5;
	[tilespmem:v9+s21+$0x0] =	vst.idx.add.f32.msk $0xffff, v2  }
0xd1: {  	v10 =	vadd.f32 v16, v5;
	v9 =	vmul.f32 v12, v4;
	v12 =	vld [tilespmem:s15+$0x0];
	v13 =	vmul.f32 v13, v4  }
0xd2: {  	v15 =	vmul.f32 v15, v4;
	v14 =	vmul.f32 v14, v4;
	v8 =	vmin.f32 v8, $5.115000000e+02  }
0xd3: {  	v10 =	vmin.f32 v10, $5.115000000e+02;
	[tilespmem:v6+s21+$0x0] =	vst.idx.add.f32.msk $0xffff, v2;
	v6 =	vadd.f32 v13, v5;
	v11 =	vmul.f32 v11, v4  }
0xd4: {  	v8 =	vtrunc.f32 v8;
	v10 =	vtrunc.f32 v10;
	v16 =	vld [tilespmem:s0+$0x100]  }
0xd5: {  	v8 =	vcvt.f32.s32 v8;
	v6 =	vmin.f32 v6, $5.115000000e+02;
	v11 =	vadd.f32 v11, v5  }
0xd6: {  	v15 =	vadd.f32 v15, v5;
	v12 =	vmul.f32 v12, v4;
	v6 =	vtrunc.f32 v6  }
0xd7: {  	v8 =	vshll.u32 v8, $0x4;
	v6 =	vcvt.f32.s32 v6;
	v11 =	vmin.f32 v11, $5.115000000e+02  }
0xd8: {  	v8 =	vor.u32 v0, v8;
	v12 =	vadd.f32 v12, v5;
	v11 =	vtrunc.f32 v11  }
0xd9: {  	v16 =	vmul.f32 v16, v4;
	v6 =	vshll.u32 v6, $0x4;
	v11 =	vcvt.f32.s32 v11  }
0xda: {  	v9 =	vadd.f32 v9, v5;
	v10 =	vcvt.f32.s32 v10;
	v6 =	vor.u32 v0, v6  }
0xdb: {  	s18 =	sor.u32 $0x300, s7;
	[tilespmem:v17+s21+$0x0] =	vst.idx.add.f32.msk $0xffff, v2;
	v12 =	vmin.f32 v12, $5.115000000e+02;
	v16 =	vadd.f32 v16, v5;
	v11 =	vshll.u32 v11, $0x4  }
0xdc: {  	v9 =	vmin.f32 v9, $5.115000000e+02;
	v17 =	vld [tilespmem:s18+$0x0];
	v12 =	vtrunc.f32 v12;
	v11 =	vor.u32 v0, v11  }
0xdd: {  	v10 =	vshll.u32 v10, $0x4;
	[tilespmem:v8+s21+$0x0] =	vst.idx.add.f32.msk $0xffff, v2;
	v12 =	vcvt.f32.s32 v12;
	v8 =	vmin.f32 v16, $5.115000000e+02  }
0xde: {  	v9 =	vtrunc.f32 v9;
	v10 =	vor.u32 v0, v10;
	v16 =	vld [tilespmem:s3+$0x90];
	v8 =	vtrunc.f32 v8  }
0xdf: {  	v9 =	vcvt.f32.s32 v9;
	v12 =	vshll.u32 v12, $0x4;
	v8 =	vcvt.f32.s32 v8;
	[tilespmem:v6+s21+$0x0] =	vst.idx.add.f32.msk $0xffff, v2  }
0xe0: {  	v12 =	vor.u32 v0, v12;
	v6 =	vadd.f32 v14, v5;
	v14 =	vmin.f32 v15, $5.115000000e+02;
	v15 =	vld [tilespmem:s0+$0x190]  }
0xe1: {  	v17 =	vmul.f32 v17, v4;
	v14 =	vtrunc.f32 v14;
	v8 =	vshll.u32 v8, $0x4;
	[tilespmem:v11+s21+$0x0] =	vst.idx.add.f32.msk $0xffff, v2  }
0xe2: {  	v11 =	vcvt.f32.s32 v14;
	v6 =	vmin.f32 v6, $5.115000000e+02;
	v8 =	vor.u32 v0, v8;
	v14 =	vld [tilespmem:s17+$0x290]  }
0xe3: {  	v9 =	vshll.u32 v9, $0x4;
	[tilespmem:v10+s21+$0x0] =	vst.idx.add.f32.msk $0xffff, v2;
	v10 =	vmul.f32 v16, v4;
	v6 =	vtrunc.f32 v6  }
0xe4: {  	v9 =	vor.u32 v0, v9;
	v16 =	vadd.f32 v17, v5;
	v6 =	vcvt.f32.s32 v6  }
0xe5: {  	v11 =	vshll.u32 v11, $0x4;
	v10 =	vadd.f32 v10, v5;
	[tilespmem:v12+s21+$0x0] =	vst.idx.add.f32.msk $0xffff, v2;
	v15 =	vmul.f32 v15, v4  }
0xe6: {  	v16 =	vmin.f32 v16, $5.115000000e+02;
	v12 =	vld [tilespmem:s3+$0x80];
	v11 =	vor.u32 v0, v11;
	v6 =	vshll.u32 v6, $0x4  }
0xe7: {  	s6 =	sor.u32 $0x380, s14;
	v10 =	vmin.f32 v10, $5.115000000e+02;
	[tilespmem:v8+s21+$0x0] =	vst.idx.add.f32.msk $0xffff, v2;
	v8 =	vadd.f32 v15, v5;
	v14 =	vmul.f32 v14, v4  }
0xe8: {  	v17 =	vld [tilespmem:s6+$0x0];
	v15 =	vtrunc.f32 v16;
	v16 =	vor.u32 v0, v6;
	v6 =	vtrunc.f32 v10  }
0xe9: {  	v13 =	vshll.u32 v18, $0x4;
	[tilespmem:v9+s21+$0x0] =	vst.idx.add.f32.msk $0xffff, v2;
	v18 =	vcvt.f32.s32 v6  }
0xea: {  	s19 =	simm.s32 $0xC0;
	s14 =	simm.s32 $0x600;
	v10 =	vld [tilespmem:s0+$0x180];
	v8 =	vmin.f32 v8, $5.115000000e+02;
	v9 =	vadd.f32 v14, v5  }
0xeb: {  	s26 =	sand.u32 $0x3C00, s14;
	s6 =	sand.u32 $0x60, s19;
	v12 =	vmul.f32 v12, v4;
	[tilespmem:v11+s21+$0x0] =	vst.idx.add.f32.msk $0xffff, v2;
	v8 =	vtrunc.f32 v8;
	v14 =	vshll.u32 v18, $0x4  }
0xec: {  	v11 =	vld [tilespmem:s16+$0x280];
	s16 =	sor.u32 s6, s26;
	v8 =	vcvt.f32.s32 v8;
	v9 =	vmin.f32 v9, $5.115000000e+02;
	v14 =	vor.u32 v0, v14  }
0xed: {  	v17 =	vmul.f32 v17, v4;
	v12 =	vadd.f32 v12, v5;
	v18 =	vld [tilespmem:s16+$0x10];
	v9 =	vtrunc.f32 v9  }
0xee: {  	v6 =	vor.u32 v0, v13;
	v13 =	vld [tilespmem:s17+$0x200];
	v8 =	vshll.u32 v8, $0x4;
	v9 =	vcvt.f32.s32 v9  }
0xef: {  	[tilespmem:v16+s21+$0x0] =	vst.idx.add.f32.msk $0xffff, v2;
	v16 =	vadd.f32 v17, v5;
	v12 =	vmin.f32 v12, $5.115000000e+02;
	v8 =	vor.u32 v0, v8  }
0xf0: {  	v15 =	vcvt.f32.s32 v15;
	v17 =	vld [tilespmem:s16+$0x0];
	v12 =	vtrunc.f32 v12;
	v9 =	vshll.u32 v9, $0x4  }
0xf1: {  	s29 =	simm.s32 $0x3;
	v16 =	vmin.f32 v16, $5.115000000e+02;
	v12 =	vcvt.f32.s32 v12;
	v9 =	vor.u32 v0, v9;
	[tilespmem:v14+s21+$0x0] =	vst.idx.add.f32.msk $0xffff, v2  }
0xf2: {  	s28 =	sor.u32 $0x300, s25;
	v15 =	vshll.u32 v15, $0x4;
	s6 =	sand.u32 $0x3, s29;
	v14 =	vtrunc.f32 v16;
	v16 =	vmul.f32 v18, v4;
	v18 =	vld [tilespmem:s3+$0x110]  }
0xf3: {  	s6 =	sshll.u32 s6, $0x5;
	v15 =	vor.u32 v0, v15;
	v19 =	vld [tilespmem:s28+$0x0];
	v13 =	vmul.f32 v13, v4;
	v12 =	vshll.u32 v12, $0x4  }
0xf4: {  	s2 =	sadd.s32 $0x300, s6;
	v11 =	vmul.f32 v11, v4;
	v14 =	vcvt.f32.s32 v14;
	v12 =	vor.u32 v0, v12;
	[tilespmem:v8+s21+$0x0] =	vst.idx.add.f32.msk $0xffff, v2  }
0xf5: {  	s6 =	sadd.s32 $0x10, s2;
	v16 =	vadd.f32 v16, v5;
	v8 =	vmul.f32 v10, v4;
	v10 =	vmul.f32 v17, v4;
	v17 =	vld [tilespmem:s0+$0x210]  }
0xf6: {  	s9 =	sor.u32 $0x300, s6;
	v13 =	vadd.f32 v13, v5;
	v11 =	vadd.f32 v11, v5;
	[tilespmem:v9+s21+$0x0] =	vst.idx.add.f32.msk $0xffff, v2;
	v9 =	vshll.u32 v14, $0x4  }
0xf7: {  	v10 =	vadd.f32 v10, v5;
	v14 =	vmin.f32 v16, $5.115000000e+02;
	v16 =	vld [tilespmem:s9+$0x0];
	v18 =	vmul.f32 v18, v4  }
0xf8: {  	v13 =	vmin.f32 v13, $5.115000000e+02;
	v19 =	vmul.f32 v19, v4;
	v14 =	vtrunc.f32 v14  }
0xf9: {  	v10 =	vmin.f32 v10, $5.115000000e+02;
	v14 =	vcvt.f32.s32 v14;
	[tilespmem:v12+s21+$0x0] =	vst.idx.add.f32.msk $0xffff, v2;
	v18 =	vadd.f32 v18, v5  }
0xfa: {  	v8 =	vadd.f32 v8, v5;
	v10 =	vtrunc.f32 v10;
	v12 =	vld [tilespmem:s3+$0x100];
	v17 =	vmul.f32 v17, v4  }
0xfb: {  	v10 =	vcvt.f32.s32 v10;
	v14 =	vshll.u32 v14, $0x4;
	v18 =	vmin.f32 v18, $5.115000000e+02  }
0xfc: {  	v17 =	vadd.f32 v17, v5;
	v16 =	vmul.f32 v16, v4;
	v18 =	vtrunc.f32 v18  }
0xfd: {  	v14 =	vor.u32 v0, v14;
	v10 =	vshll.u32 v10, $0x4;
	v18 =	vcvt.f32.s32 v18  }
0xfe: {  	v10 =	vor.u32 v0, v10;
	v17 =	vmin.f32 v17, $5.115000000e+02;
	v16 =	vadd.f32 v16, v5  }
0xff: {  	v12 =	vmul.f32 v12, v4;
	v17 =	vtrunc.f32 v17;
	v18 =	vshll.u32 v18, $0x4  }
0x100: {  	[tilespmem:v15+s21+$0x0] =	vst.idx.add.f32.msk $0xffff, v2;
	v13 =	vtrunc.f32 v13;
	v17 =	vcvt.f32.s32 v17;
	v15 =	vor.u32 v0, v18  }
0x101: {  	v8 =	vmin.f32 v8, $5.115000000e+02;
	v16 =	vmin.f32 v16, $5.115000000e+02;
	v12 =	vadd.f32 v12, v5  }
0x102: {  	v8 =	vtrunc.f32 v8;
	[tilespmem:v14+s21+$0x0] =	vst.idx.add.f32.msk $0xffff, v2;
	v16 =	vtrunc.f32 v16;
	v17 =	vshll.u32 v17, $0x4  }
0x103: {  	v16 =	vcvt.f32.s32 v16;
	v12 =	vmin.f32 v12, $5.115000000e+02;
	[tilespmem:v10+s21+$0x0] =	vst.idx.add.f32.msk $0xffff, v2;
	v14 =	vor.u32 v0, v17  }
0x104: {  	v11 =	vmin.f32 v11, $5.115000000e+02;
	v8 =	vcvt.f32.s32 v8;
	v17 =	vld [tilespmem:s16+$0x90];
	v12 =	vtrunc.f32 v12  }
0x105: {  	v11 =	vtrunc.f32 v11;
	v16 =	vshll.u32 v16, $0x4;
	v12 =	vcvt.f32.s32 v12;
	[tilespmem:v15+s21+$0x0] =	vst.idx.add.f32.msk $0xffff, v2  }
0x106: {  	v10 =	vor.u32 v0, v16;
	v16 =	vshll.u32 v8, $0x4;
	v8 =	vor.u32 v0, v9;
	v15 =	vld [tilespmem:s3+$0x190]  }
0x107: {  	v9 =	vcvt.f32.s32 v13;
	v13 =	vor.u32 v0, v16;
	v16 =	vadd.f32 v19, v5;
	v19 =	vld [tilespmem:s16+$0x80]  }
0x108: {  	v11 =	vcvt.f32.s32 v11;
	v12 =	vshll.u32 v12, $0x4;
	[tilespmem:v14+s21+$0x0] =	vst.idx.add.f32.msk $0xffff, v2  }
0x109: {  	s7 =	sor.u32 $0x380, s7;
	v7 =	vshll.u32 v7, $0x4;
	v12 =	vor.u32 v0, v12;
	v14 =	vmul.f32 v17, v4;
	v17 =	vld [tilespmem:s0+$0x290]  }
0x10a: {  	v7 =	vor.u32 v0, v7;
	v11 =	vshll.u32 v11, $0x4;
	v18 =	vld [tilespmem:s7+$0x0];
	v9 =	vshll.u32 v9, $0x4  }
0x10b: {  	s6 =	sor.u32 $0x380, s6;
	v16 =	vmin.f32 v16, $5.115000000e+02;
	v9 =	vor.u32 v0, v9;
	[tilespmem:v10+s21+$0x0] =	vst.idx.add.f32.msk $0xffff, v2;
	v14 =	vadd.f32 v14, v5  }
0x10c: {  	v11 =	vor.u32 v0, v11;
	v10 =	vtrunc.f32 v16;
	v16 =	vld [tilespmem:s6+$0x0];
	v15 =	vmul.f32 v15, v4  }
0x10d: {  	v10 =	vcvt.f32.s32 v10;
	v19 =	vmul.f32 v19, v4;
	v14 =	vmin.f32 v14, $5.115000000e+02  }
0x10e: {  	[tilespmem:v12+s21+$0x0] =	vst.idx.add.f32.msk $0xffff, v2;
	v12 =	vtrunc.f32 v14;
	v14 =	vadd.f32 v15, v5;
	v15 =	vmul.f32 v17, v4  }
0x10f: {  	v18 =	vmul.f32 v18, v4;
	[tilespmem:v13+s21+$0x0] =	vst.idx.add.f32.msk $0xffff, v2;
	v10 =	vshll.u32 v10, $0x4;
	v19 =	vadd.f32 v19, v5  }
0x110: {  	[tilespmem:v9+s21+$0x0] =	vst.idx.add.f32.msk $0xffff, v2;
	v12 =	vcvt.f32.s32 v12;
	v13 =	vmin.f32 v14, $5.115000000e+02;
	v14 =	vadd.f32 v15, v5  }
0x111: {  	s13 =	simm.s32 $0xE0;
	s18 =	simm.s32 $0x700;
	v17 =	vadd.f32 v18, v5;
	v18 =	vld [tilespmem:s3+$0x180];
	v15 =	vmul.f32 v16, v4;
	v13 =	vtrunc.f32 v13  }
0x112: {  	s15 =	sand.u32 $0x3C00, s18;
	s6 =	sand.u32 $0x60, s13;
	v16 =	vld [tilespmem:s0+$0x200];
	v12 =	vshll.u32 v12, $0x4;
	v9 =	vcvt.f32.s32 v13;
	v13 =	vmin.f32 v14, $5.115000000e+02  }
0x113: {  	v12 =	vor.u32 v0, v12;
	v14 =	vadd.f32 v15, v5;
	v15 =	vld [tilespmem:s17+$0x280];
	s17 =	sor.u32 s6, s15;
	v13 =	vtrunc.f32 v13  }
0x114: {  	v10 =	vor.u32 v0, v10;
	v20 =	vld [tilespmem:s17+$0x10];
	v9 =	vshll.u32 v9, $0x4;
	v13 =	vcvt.f32.s32 v13  }
0x115: {  	v19 =	vmin.f32 v19, $5.115000000e+02;
	v21 =	vld [tilespmem:s17+$0x0];
	v14 =	vmin.f32 v14, $5.115000000e+02;
	v9 =	vor.u32 v0, v9  }
0x116: {  	s19 =	sor.u32 $0x300, s4;
	[tilespmem:v11+s21+$0x0] =	vst.idx.add.f32.msk $0xffff, v2;
	v11 =	vtrunc.f32 v14;
	v14 =	vtrunc.f32 v19;
	v13 =	vshll.u32 v13, $0x4  }
0x117: {  	s7 =	simm.s32 $0x4;
	v18 =	vmul.f32 v18, v4;
	v19 =	vld [tilespmem:s19+$0x0];
	v14 =	vcvt.f32.s32 v14;
	v13 =	vor.u32 v0, v13  }
0x118: {  	s26 =	sand.u32 $0x3, s7;
	v17 =	vmin.f32 v17, $5.115000000e+02;
	v11 =	vcvt.f32.s32 v11;
	[tilespmem:v12+s21+$0x0] =	vst.idx.add.f32.msk $0xffff, v2;
	v12 =	vmul.f32 v16, v4  }
0x119: {  	s6 =	sshll.u32 s26, $0x5;
	v15 =	vmul.f32 v15, v4;
	v62 =	vld [tilespmem:s16+$0x110];
	v16 =	vmul.f32 v20, v4;
	v14 =	vshll.u32 v14, $0x4  }
0x11a: {  	s6 =	sadd.s32 $0x400, s6;
	v11 =	vshll.u32 v11, $0x4;
	v21 =	vmul.f32 v21, v4;
	v14 =	vor.u32 v0, v14;
	[tilespmem:v9+s21+$0x0] =	vst.idx.add.f32.msk $0xffff, v2  }
0x11b: {  	s28 =	sadd.s32 $0x10, s6;
	v9 =	vor.u32 v0, v11;
	v11 =	vadd.f32 v16, v5;
	v16 =	vadd.f32 v18, v5;
	v18 =	vld [tilespmem:s3+$0x210]  }
0x11c: {  	v17 =	vtrunc.f32 v17;
	s12 =	sor.u32 $0x300, s28;
	v12 =	vadd.f32 v12, v5;
	v19 =	vmul.f32 v19, v4;
	[tilespmem:v13+s21+$0x0] =	vst.idx.add.f32.msk $0xffff, v2  }
0x11d: {  	v21 =	vadd.f32 v21, v5;
	v13 =	vcvt.f32.s32 v17;
	v11 =	vmin.f32 v11, $5.115000000e+02;
	v17 =	vld [tilespmem:s12+$0x0]  }
0x11e: {  	v15 =	vadd.f32 v15, v5;
	v20 =	vmul.f32 v62, v4;
	v11 =	vtrunc.f32 v11  }
0x11f: {  	v12 =	vmin.f32 v12, $5.115000000e+02;
	v21 =	vmin.f32 v21, $5.115000000e+02;
	v11 =	vcvt.f32.s32 v11;
	[tilespmem:v14+s21+$0x0] =	vst.idx.add.f32.msk $0xffff, v2  }
0x120: {  	v14 =	vtrunc.f32 v21;
	v20 =	vadd.f32 v20, v5;
	v63 =	vld [tilespmem:s16+$0x100];
	v18 =	vmul.f32 v18, v4  }
0x121: {  	v16 =	vmin.f32 v16, $5.115000000e+02;
	v14 =	vcvt.f32.s32 v14;
	v11 =	vshll.u32 v11, $0x4  }
0x122: {  	v20 =	vmin.f32 v20, $5.115000000e+02;
	v18 =	vadd.f32 v18, v5;
	v17 =	vmul.f32 v17, v4  }
0x123: {  	[tilespmem:v6+s21+$0x0] =	vst.idx.add.f32.msk $0xffff, v2;
	v6 =	vshll.u32 v14, $0x4;
	v11 =	vor.u32 v0, v11;
	v14 =	vtrunc.f32 v20  }
0x124: {  	[tilespmem:v7+s21+$0x0] =	vst.idx.add.f32.msk $0xffff, v2;
	v7 =	vcvt.f32.s32 v14;
	v14 =	vmin.f32 v18, $5.115000000e+02;
	v17 =	vadd.f32 v17, v5  }
0x125: {  	[tilespmem:v8+s21+$0x0] =	vst.idx.add.f32.msk $0xffff, v2;
	v6 =	vor.u32 v0, v6;
	v8 =	vmul.f32 v63, v4;
	v14 =	vtrunc.f32 v14  }
0x126: {  	[tilespmem:v10+s21+$0x0] =	vst.idx.add.f32.msk $0xffff, v2;
	v7 =	vshll.u32 v7, $0x4;
	v10 =	vcvt.f32.s32 v14;
	v14 =	vmin.f32 v17, $5.115000000e+02  }
0x127: {  	[tilespmem:v9+s21+$0x0] =	vst.idx.add.f32.msk $0xffff, v2;
	v7 =	vor.u32 v0, v7;
	v8 =	vadd.f32 v8, v5;
	v9 =	vtrunc.f32 v14  }
0x128: {  	s29 =	sor.u32 $0x380, s25;
	[tilespmem:v11+s21+$0x0] =	vst.idx.add.f32.msk $0xffff, v2;
	v14 =	vtrunc.f32 v16;
	v10 =	vshll.u32 v10, $0x4;
	v9 =	vcvt.f32.s32 v9  }
0x129: {  	v16 =	vld [tilespmem:s29+$0x0];
	v14 =	vcvt.f32.s32 v14;
	v8 =	vmin.f32 v8, $5.115000000e+02;
	v10 =	vor.u32 v0, v10  }
0x12a: {  	v11 =	vtrunc.f32 v12;
	v12 =	vld [tilespmem:s17+$0x90];
	v8 =	vtrunc.f32 v8;
	v9 =	vshll.u32 v9, $0x4  }
0x12b: {  	[tilespmem:v6+s21+$0x0] =	vst.idx.add.f32.msk $0xffff, v2;
	v14 =	vshll.u32 v14, $0x4;
	v6 =	vcvt.f32.s32 v8;
	v8 =	vor.u32 v0, v9  }
0x12c: {  	[tilespmem:v7+s21+$0x0] =	vst.idx.add.f32.msk $0xffff, v2;
	v7 =	vmin.f32 v15, $5.115000000e+02;
	v9 =	vcvt.f32.s32 v11;
	v11 =	vor.u32 v0, v14  }
0x12d: {  	v14 =	vadd.f32 v19, v5;
	v15 =	vld [tilespmem:s16+$0x190];
	v7 =	vtrunc.f32 v7;
	v6 =	vshll.u32 v6, $0x4  }
0x12e: {  	v9 =	vshll.u32 v9, $0x4;
	v17 =	vor.u32 v0, v6;
	[tilespmem:v10+s21+$0x0] =	vst.idx.add.f32.msk $0xffff, v2;
	v6 =	vcvt.f32.s32 v7  }
0x12f: {  	v7 =	vmin.f32 v14, $5.115000000e+02;
	v18 =	vor.u32 v0, v9;
	v9 =	vmul.f32 v12, v4;
	v10 =	vld [tilespmem:s3+$0x290]  }
0x130: {  	s9 =	sor.u32 $0x380, s28;
	v7 =	vtrunc.f32 v7;
	v12 =	vshll.u32 v13, $0x4;
	v6 =	vshll.u32 v6, $0x4;
	[tilespmem:v8+s21+$0x0] =	vst.idx.add.f32.msk $0xffff, v2  }
0x131: {  	v7 =	vcvt.f32.s32 v7;
	v8 =	vmul.f32 v16, v4;
	v13 =	vadd.f32 v9, v5;
	v14 =	vld [tilespmem:s9+$0x0]  }
0x132: {  	v9 =	vor.u32 v0, v6;
	v6 =	vor.u32 v0, v12;
	v16 =	vld [tilespmem:s17+$0x80];
	v15 =	vmul.f32 v15, v4  }
0x133: {  	[tilespmem:v11+s21+$0x0] =	vst.idx.add.f32.msk $0xffff, v2;
	v7 =	vshll.u32 v7, $0x4;
	v8 =	vadd.f32 v8, v5;
	v12 =	vmin.f32 v13, $5.115000000e+02  }
0x134: {  	v11 =	vld [tilespmem:s3+$0x200];
	v15 =	vadd.f32 v15, v5;
	v13 =	vtrunc.f32 v12;
	v10 =	vmul.f32 v10, v4  }
0x135: {  	s4 =	sor.u32 $0x380, s4;
	s13 =	simm.s32 $0x800;
	[tilespmem:v17+s21+$0x0] =	vst.idx.add.f32.msk $0xffff, v2;
	v7 =	vor.u32 v0, v7;
	v17 =	vcvt.f32.s32 v13;
	v8 =	vmin.f32 v8, $5.115000000e+02  }
0x136: {  	s26 =	sor.u32 $0x380, s2;
	s8 =	sor.u32 $0x300, s6;
	s25 =	sor.u32 $0x380, s6;
	v12 =	vld [tilespmem:s16+$0x180];
	v19 =	vmin.f32 v15, $5.115000000e+02;
	v13 =	vadd.f32 v10, v5;
	v10 =	vmul.f32 v14, v4  }
0x137: {  	s6 =	simm.s32 $0x100;
	s12 =	simm.s32 $0xE;
	s9 =	sor.u32 $0x300, s2;
	[tilespmem:v18+s21+$0x0] =	vst.idx.add.f32.msk $0xffff, v2;
	v15 =	vmul.f32 v16, v4;
	v16 =	vshll.u32 v17, $0x4;
	v14 =	vtrunc.f32 v19  }
.LBB2_5:
0x138: {  	s15 =	sand.u32 $0x60, s6;
	s28 =	sand.u32 $0x3C00, s13;
	v14 =	vcvt.f32.s32 v14;
	v13 =	vmin.f32 v13, $5.115000000e+02;
	v17 =	vld [tilespmem:s0+$0x280];
	v10 =	vadd.f32 v10, v5;
	s0 =	smov.u32 s3  }
0x139: {  	v16 =	vor.u32 v0, v16;
	s3 =	smov.u32 s16;
	s16 =	smov.u32 s17;
	v15 =	vadd.f32 v15, v5;
	v13 =	vtrunc.f32 v13;
	[tilespmem:v9+s21+$0x0] =	vst.idx.add.f32.msk $0xffff, v2;
	s17 =	sor.u32 s15, s28  }
0x13a: {  	v9 =	vld [tilespmem:s17+$0x10];
	v14 =	vshll.u32 v14, $0x4;
	v13 =	vcvt.f32.s32 v13;
	v10 =	vmin.f32 v10, $5.115000000e+02  }
0x13b: {  	s12 =	sadd.s32 $0x2, s12;
	v18 =	vld [tilespmem:s17+$0x0];
	v15 =	vmin.f32 v15, $5.115000000e+02;
	v14 =	vor.u32 v0, v14;
	v10 =	vtrunc.f32 v10  }
0x13c: {  	p0 =	slt.u32 s12, $0x7E;
	v15 =	vtrunc.f32 v15;
	v13 =	vshll.u32 v13, $0x4;
	v10 =	vcvt.f32.s32 v10;
	v19 =	vld [tilespmem:s9+$0x0];
	s9 =	smov.u32 s8  }
0x13d: {  	s7 =	sadd.s32 $0x1, s7;
	v12 =	vmul.f32 v12, v4;
	v15 =	vcvt.f32.s32 v15;
	v13 =	vor.u32 v0, v13;
	[tilespmem:v7+s21+$0x0] =	vst.idx.add.f32.msk $0xffff, v2  }
0x13e: {  	s8 =	sand.u32 $0x3, s7;
	v7 =	vmul.f32 v11, v4;
	v11 =	vmul.f32 v17, v4;
	[tilespmem:v16+s21+$0x0] =	vst.idx.add.f32.msk $0xffff, v2;
	v10 =	vshll.u32 v10, $0x4  }
0x13f: {  	s8 =	sshll.u32 s8, $0x5;
	v9 =	vmul.f32 v9, v4;
	v15 =	vshll.u32 v15, $0x4;
	v16 =	vld [tilespmem:s16+$0x110];
	v10 =	vor.u32 v0, v10  }
0x140: {  	v8 =	vtrunc.f32 v8;
	s15 =	sadd.s32 s8, s1;
	s1 =	smov.u32 s14;
	s14 =	smov.u32 s18;
	v17 =	vmul.f32 v18, v4;
	v15 =	vor.u32 v0, v15;
	[tilespmem:v14+s21+$0x0] =	vst.idx.add.f32.msk $0xffff, v2  }
0x141: {  	v12 =	vadd.f32 v12, v5;
	s8 =	sor.u32 $0x300, s15;
	s28 =	sor.u32 $0x380, s15;
	s15 =	sadd.s32 $0x10, s15;
	v9 =	vadd.f32 v9, v5;
	v14 =	vld [tilespmem:s3+$0x210];
	v18 =	vmul.f32 v19, v4  }
0x142: {  	v8 =	vcvt.f32.s32 v8;
	s18 =	smov.u32 s13;
	v7 =	vadd.f32 v7, v5;
	s29 =	sor.u32 $0x300, s15;
	v17 =	vadd.f32 v17, v5;
	[tilespmem:v13+s21+$0x0] =	vst.idx.add.f32.msk $0xffff, v2  }
0x143: {  	v12 =	vmin.f32 v12, $5.115000000e+02;
	v11 =	vadd.f32 v11, v5;
	v9 =	vmin.f32 v9, $5.115000000e+02;
	v13 =	vld [tilespmem:s29+$0x0]  }
0x144: {  	v17 =	vmin.f32 v17, $5.115000000e+02;
	v9 =	vtrunc.f32 v9;
	v16 =	vmul.f32 v16, v4;
	[tilespmem:v10+s21+$0x0] =	vst.idx.add.f32.msk $0xffff, v2  }
0x145: {  	v7 =	vmin.f32 v7, $5.115000000e+02;
	v10 =	vtrunc.f32 v17;
	v9 =	vcvt.f32.s32 v9;
	[tilespmem:v15+s21+$0x0] =	vst.idx.add.f32.msk $0xffff, v2  }
0x146: {  	v10 =	vcvt.f32.s32 v10;
	v15 =	vld [tilespmem:s16+$0x100];
	v16 =	vadd.f32 v16, v5;
	v14 =	vmul.f32 v14, v4  }
0x147: {  	v12 =	vtrunc.f32 v12;
	v7 =	vtrunc.f32 v7;
	v9 =	vshll.u32 v9, $0x4;
	v17 =	vld [tilespmem:s4+$0x0];
	s4 =	smov.u32 s26;
	s26 =	smov.u32 s25;
	s25 =	smov.u32 s28  }
0x148: {  	v16 =	vmin.f32 v16, $5.115000000e+02;
	v14 =	vadd.f32 v14, v5;
	v13 =	vmul.f32 v13, v4;
	[tilespmem:v6+s21+$0x0] =	vst.idx.add.f32.msk $0xffff, v2  }
0x149: {  	v6 =	vshll.u32 v10, $0x4;
	v9 =	vor.u32 v0, v9;
	v10 =	vtrunc.f32 v16  }
0x14a: {  	v10 =	vcvt.f32.s32 v10;
	v14 =	vmin.f32 v14, $5.115000000e+02;
	v13 =	vadd.f32 v13, v5  }
0x14b: {  	v6 =	vor.u32 v0, v6;
	v15 =	vmul.f32 v15, v4;
	v14 =	vtrunc.f32 v14  }
0x14c: {  	v10 =	vshll.u32 v10, $0x4;
	v14 =	vcvt.f32.s32 v14;
	v13 =	vmin.f32 v13, $5.115000000e+02  }
0x14d: {  	v15 =	vadd.f32 v15, v5;
	v10 =	vor.u32 v0, v10;
	v13 =	vtrunc.f32 v13  }
0x14e: {  	v12 =	vcvt.f32.s32 v12;
	v14 =	vshll.u32 v14, $0x4;
	v13 =	vcvt.f32.s32 v13  }
0x14f: {  	v7 =	vcvt.f32.s32 v7;
	[tilespmem:v9+s21+$0x0] =	vst.idx.add.f32.msk $0xffff, v2;
	v9 =	vmin.f32 v15, $5.115000000e+02;
	v14 =	vor.u32 v0, v14  }
0x150: {  	v12 =	vshll.u32 v12, $0x4;
	v15 =	vld [tilespmem:s17+$0x90];
	v9 =	vtrunc.f32 v9;
	v13 =	vshll.u32 v13, $0x4  }
0x151: {  	v16 =	vor.u32 v0, v12;
	[tilespmem:v6+s21+$0x0] =	vst.idx.add.f32.msk $0xffff, v2;
	v6 =	vcvt.f32.s32 v9;
	v9 =	vor.u32 v0, v13  }
0x152: {  	v7 =	vshll.u32 v7, $0x4;
	[tilespmem:v10+s21+$0x0] =	vst.idx.add.f32.msk $0xffff, v2;
	v10 =	vmin.f32 v11, $5.115000000e+02;
	v11 =	vadd.f32 v18, v5  }
0x153: {  	v18 =	vor.u32 v0, v7;
	v6 =	vshll.u32 v6, $0x4;
	v12 =	vld [tilespmem:s16+$0x190];
	v7 =	vtrunc.f32 v10  }
0x154: {  	v10 =	vor.u32 v0, v6;
	[tilespmem:v14+s21+$0x0] =	vst.idx.add.f32.msk $0xffff, v2;
	v6 =	vcvt.f32.s32 v7;
	v7 =	vmin.f32 v11, $5.115000000e+02  }
0x155: {  	v8 =	vshll.u32 v8, $0x4;
	v11 =	vmul.f32 v15, v4;
	v13 =	vld [tilespmem:s3+$0x290];
	v7 =	vtrunc.f32 v7  }
0x156: {  	s15 =	sor.u32 $0x380, s15;
	v14 =	vmul.f32 v17, v4;
	[tilespmem:v9+s21+$0x0] =	vst.idx.add.f32.msk $0xffff, v2;
	v6 =	vshll.u32 v6, $0x4;
	v7 =	vcvt.f32.s32 v7  }
0x157: {  	v11 =	vadd.f32 v11, v5;
	v15 =	vld [tilespmem:s15+$0x0];
	v9 =	vor.u32 v0, v6;
	v6 =	vor.u32 v0, v8  }
0x158: {  	v14 =	vadd.f32 v14, v5;
	v17 =	vld [tilespmem:s17+$0x80];
	v8 =	vmul.f32 v12, v4;
	v7 =	vshll.u32 v7, $0x4  }
.Ltmp1:
0x159: {  	v11 =	vmin.f32 v11, $5.115000000e+02;
	[tilespmem:v10+s21+$0x0] =	vst.idx.add.f32.msk $0xffff, v2;
	v7 =	vor.u32 v0, v7;
	(pc) =	sbr.rel @p0 .LBB2_5-.Ltmp1, $4  }
0x15a: {  	v10 =	vtrunc.f32 v11;
	v12 =	vld [tilespmem:s16+$0x180];
	v11 =	vadd.f32 v8, v5;
	v13 =	vmul.f32 v13, v4  }
0x15b: {  	v8 =	vmin.f32 v14, $5.115000000e+02;
	v19 =	vcvt.f32.s32 v10;
	[tilespmem:v16+s21+$0x0] =	vst.idx.add.f32.msk $0xffff, v2  }
0x15c: {  	v14 =	vmin.f32 v11, $5.115000000e+02;
	v11 =	vld [tilespmem:s3+$0x200];
	v13 =	vadd.f32 v13, v5;
	v10 =	vmul.f32 v15, v4  }
0x15d: {  	s6 =	sadd.s32 $0x20, s6;
	s13 =	sadd.s32 $0x100, s13;
	v15 =	vmul.f32 v17, v4;
	v16 =	vshll.u32 v19, $0x4;
	v14 =	vtrunc.f32 v14;
	[tilespmem:v18+s21+$0x0] =	vst.idx.add.f32.msk $0xffff, v2  }
0x15e: {  	v16 =	vor.u32 v0, v16;
	_ =	sdelay $0x1  }
0x15f: {  	v15 =	vadd.f32 v15, v5;
	_ =	sdelay $0x1  }
0x160: {  	v15 =	vmin.f32 v15, $5.115000000e+02  }
0x161: {  	v15 =	vtrunc.f32 v15;
	[tilespmem:v16+s21+$0x0] =	vst.idx.add.f32.msk $0xffff, v2  }
0x162: {  	v15 =	vcvt.f32.s32 v15;
	v16 =	vld [tilespmem:s17+$0x110];
	_ =	sdelay $0x1  }
0x163: {  	v15 =	vshll.u32 v15, $0x4  }
0x164: {  	v15 =	vor.u32 v0, v15;
	_ =	sdelay $0x1  }
0x165: {  	v16 =	vmul.f32 v16, v4;
	_ =	sdelay $0x1  }
0x166: {  	v16 =	vadd.f32 v16, v5  }
0x167: {  	[tilespmem:v15+s21+$0x0] =	vst.idx.add.f32.msk $0xffff, v2  }
0x168: {  	v15 =	vld [tilespmem:s17+$0x100];
	v16 =	vmin.f32 v16, $5.115000000e+02  }
0x169: {  	v16 =	vtrunc.f32 v16  }
0x16a: {  	v16 =	vcvt.f32.s32 v16;
	_ =	sdelay $0x1  }
0x16b: {  	v16 =	vshll.u32 v16, $0x4  }
0x16c: {  	v15 =	vmul.f32 v15, v4;
	v16 =	vor.u32 v0, v16;
	_ =	sdelay $0x1  }
0x16d: {  	v15 =	vadd.f32 v15, v5;
	_ =	sdelay $0x1  }
0x16e: {  	v15 =	vmin.f32 v15, $5.115000000e+02  }
0x16f: {  	v15 =	vtrunc.f32 v15;
	[tilespmem:v16+s21+$0x0] =	vst.idx.add.f32.msk $0xffff, v2  }
0x170: {  	v15 =	vcvt.f32.s32 v15;
	v16 =	vld [tilespmem:s17+$0x190];
	_ =	sdelay $0x1  }
0x171: {  	v15 =	vshll.u32 v15, $0x4  }
0x172: {  	v15 =	vor.u32 v0, v15;
	_ =	sdelay $0x1  }
0x173: {  	v16 =	vmul.f32 v16, v4;
	_ =	sdelay $0x1  }
0x174: {  	v14 =	vcvt.f32.s32 v14;
	v16 =	vadd.f32 v16, v5  }
0x175: {  	[tilespmem:v15+s21+$0x0] =	vst.idx.add.f32.msk $0xffff, v2  }
0x176: {  	v14 =	vshll.u32 v14, $0x4;
	v15 =	vld [tilespmem:s17+$0x180];
	v16 =	vmin.f32 v16, $5.115000000e+02  }
0x177: {  	v14 =	vor.u32 v0, v14;
	v16 =	vtrunc.f32 v16  }
0x178: {  	v12 =	vmul.f32 v12, v4;
	v16 =	vcvt.f32.s32 v16;
	_ =	sdelay $0x1  }
0x179: {  	v12 =	vadd.f32 v12, v5;
	v16 =	vshll.u32 v16, $0x4  }
0x17a: {  	v15 =	vmul.f32 v15, v4;
	v16 =	vor.u32 v0, v16  }
0x17b: {  	v12 =	vmin.f32 v12, $5.115000000e+02;
	[tilespmem:v14+s21+$0x0] =	vst.idx.add.f32.msk $0xffff, v2  }
0x17c: {  	v12 =	vtrunc.f32 v12;
	v14 =	vadd.f32 v15, v5;
	v15 =	vld [tilespmem:s16+$0x210]  }
0x17d: {  	v12 =	vcvt.f32.s32 v12  }
0x17e: {  	v14 =	vmin.f32 v14, $5.115000000e+02  }
0x17f: {  	v12 =	vshll.u32 v12, $0x4;
	v14 =	vtrunc.f32 v14;
	[tilespmem:v16+s21+$0x0] =	vst.idx.add.f32.msk $0xffff, v2  }
0x180: {  	v12 =	vor.u32 v0, v12;
	v14 =	vcvt.f32.s32 v14;
	v16 =	vld [tilespmem:s17+$0x210]  }
0x181: {  	v15 =	vmul.f32 v15, v4  }
0x182: {  	v14 =	vshll.u32 v14, $0x4  }
0x183: {  	v14 =	vor.u32 v0, v14;
	v15 =	vadd.f32 v15, v5;
	_ =	sdelay $0x1  }
0x184: {  	[tilespmem:v12+s21+$0x0] =	vst.idx.add.f32.msk $0xffff, v2;
	v15 =	vmin.f32 v15, $5.115000000e+02;
	v16 =	vmul.f32 v16, v4  }
0x185: {  	v12 =	vtrunc.f32 v15;
	v15 =	vld [tilespmem:s16+$0x200]  }
0x186: {  	v12 =	vcvt.f32.s32 v12;
	v16 =	vadd.f32 v16, v5  }
0x187: {  	v11 =	vmul.f32 v11, v4;
	[tilespmem:v14+s21+$0x0] =	vst.idx.add.f32.msk $0xffff, v2  }
0x188: {  	v12 =	vshll.u32 v12, $0x4;
	v14 =	vmin.f32 v16, $5.115000000e+02;
	v16 =	vld [tilespmem:s17+$0x200]  }
0x189: {  	v11 =	vadd.f32 v11, v5;
	v12 =	vor.u32 v0, v12;
	v14 =	vtrunc.f32 v14  }
0x18a: {  	v13 =	vmin.f32 v13, $5.115000000e+02;
	v15 =	vmul.f32 v15, v4;
	v14 =	vcvt.f32.s32 v14  }
0x18b: {  	v13 =	vtrunc.f32 v13;
	v11 =	vmin.f32 v11, $5.115000000e+02  }
0x18c: {  	v11 =	vtrunc.f32 v11;
	v15 =	vadd.f32 v15, v5;
	v14 =	vshll.u32 v14, $0x4  }
0x18d: {  	v11 =	vcvt.f32.s32 v11;
	v14 =	vor.u32 v0, v14;
	v16 =	vmul.f32 v16, v4  }
0x18e: {  	v13 =	vcvt.f32.s32 v13;
	[tilespmem:v12+s21+$0x0] =	vst.idx.add.f32.msk $0xffff, v2;
	v12 =	vmin.f32 v15, $5.115000000e+02  }
0x18f: {  	v11 =	vshll.u32 v11, $0x4;
	v12 =	vtrunc.f32 v12;
	v15 =	vadd.f32 v16, v5;
	v16 =	vld [tilespmem:s16+$0x290]  }
0x190: {  	v11 =	vor.u32 v0, v11;
	v12 =	vcvt.f32.s32 v12  }
0x191: {  	v17 =	vld [tilespmem:s0+$0x280];
	v13 =	vshll.u32 v13, $0x4;
	v15 =	vmin.f32 v15, $5.115000000e+02  }
0x192: {  	v13 =	vor.u32 v0, v13;
	v12 =	vshll.u32 v12, $0x4;
	[tilespmem:v14+s21+$0x0] =	vst.idx.add.f32.msk $0xffff, v2;
	v14 =	vtrunc.f32 v15  }
0x193: {  	v12 =	vor.u32 v0, v12;
	v15 =	vld [tilespmem:s17+$0x290];
	v14 =	vcvt.f32.s32 v14  }
0x194: {  	v16 =	vmul.f32 v16, v4  }
0x195: {  	[tilespmem:v11+s21+$0x0] =	vst.idx.add.f32.msk $0xffff, v2;
	v14 =	vshll.u32 v14, $0x4  }
0x196: {  	v11 =	vor.u32 v0, v14;
	v14 =	vmul.f32 v17, v4;
	v16 =	vadd.f32 v16, v5;
	v17 =	vld [tilespmem:s3+$0x280]  }
0x197: {  	s7 =	sadd.s32 $0x1, s7;
	[tilespmem:v13+s21+$0x0] =	vst.idx.add.f32.msk $0xffff, v2  }
0x198: {  	s2 =	sand.u32 $0x3, s7;
	[tilespmem:v12+s21+$0x0] =	vst.idx.add.f32.msk $0xffff, v2;
	v13 =	vmul.f32 v15, v4;
	v14 =	vadd.f32 v14, v5;
	v15 =	vmin.f32 v16, $5.115000000e+02  }
0x199: {  	s0 =	sshll.u32 s2, $0x5;
	v12 =	vtrunc.f32 v15;
	v15 =	vld [tilespmem:s16+$0x280]  }
0x19a: {  	s0 =	sadd.s32 s0, s1;
	v13 =	vadd.f32 v13, v5;
	v14 =	vmin.f32 v14, $5.115000000e+02;
	v12 =	vcvt.f32.s32 v12  }
0x19b: {  	s6 =	sadd.s32 $0x10, s0;
	[tilespmem:v11+s21+$0x0] =	vst.idx.add.f32.msk $0xffff, v2;
	v11 =	vtrunc.f32 v14;
	v14 =	vmul.f32 v17, v4  }
0x19c: {  	v10 =	vadd.f32 v10, v5;
	s3 =	sor.u32 $0x300, s6;
	v13 =	vmin.f32 v13, $5.115000000e+02;
	v16 =	vld [tilespmem:s17+$0x280];
	v11 =	vcvt.f32.s32 v11  }
0x19d: {  	v17 =	vld [tilespmem:s3+$0x0];
	v12 =	vshll.u32 v12, $0x4;
	v13 =	vtrunc.f32 v13;
	v14 =	vadd.f32 v14, v5  }
0x19e: {  	s12 =	sadd.s32 $0x1, s7;
	v12 =	vor.u32 v0, v12;
	v13 =	vcvt.f32.s32 v13;
	v15 =	vmul.f32 v15, v4  }
0x19f: {  	[tilespmem:v9+s21+$0x0] =	vst.idx.add.f32.msk $0xffff, v2;
	v8 =	vtrunc.f32 v8;
	s13 =	sand.u32 $0x3, s12;
	v9 =	vshll.u32 v11, $0x4;
	v11 =	vmin.f32 v14, $5.115000000e+02  }
0x1a0: {  	s1 =	sshll.u32 s13, $0x5;
	v9 =	vor.u32 v0, v9;
	v13 =	vshll.u32 v13, $0x4;
	v15 =	vadd.f32 v15, v5  }
0x1a1: {  	s1 =	sadd.s32 s1, s14;
	s3 =	sadd.s32 $0x1, s12;
	v14 =	vld [tilespmem:s9+$0x0];
	v11 =	vtrunc.f32 v11;
	v13 =	vor.u32 v0, v13;
	v16 =	vmul.f32 v16, v4  }
0x1a2: {  	v10 =	vmin.f32 v10, $5.115000000e+02;
	s15 =	sadd.s32 $0x10, s1;
	s3 =	sand.u32 $0x3, s3;
	v17 =	vmul.f32 v17, v4;
	v11 =	vcvt.f32.s32 v11  }
0x1a3: {  	v10 =	vtrunc.f32 v10;
	s16 =	sor.u32 $0x300, s15;
	s3 =	sshll.u32 s3, $0x5;
	[tilespmem:v12+s21+$0x0] =	vst.idx.add.f32.msk $0xffff, v2;
	v12 =	vmin.f32 v15, $5.115000000e+02;
	v15 =	vadd.f32 v16, v5  }
0x1a4: {  	s3 =	sadd.s32 s3, s18;
	v16 =	vadd.f32 v17, v5;
	v17 =	vld [tilespmem:s16+$0x0];
	v12 =	vtrunc.f32 v12;
	v11 =	vshll.u32 v11, $0x4  }
0x1a5: {  	s17 =	sadd.s32 $0x10, s3;
	v12 =	vcvt.f32.s32 v12;
	v11 =	vor.u32 v0, v11;
	[tilespmem:v9+s21+$0x0] =	vst.idx.add.f32.msk $0xffff, v2;
	v15 =	vmin.f32 v15, $5.115000000e+02  }
0x1a6: {  	s12 =	sor.u32 $0x300, s17;
	v14 =	vmul.f32 v14, v4;
	[tilespmem:v13+s21+$0x0] =	vst.idx.add.f32.msk $0xffff, v2;
	v13 =	vtrunc.f32 v15  }
0x1a7: {  	v15 =	vmin.f32 v16, $5.115000000e+02;
	v12 =	vshll.u32 v12, $0x4;
	v16 =	vld [tilespmem:s12+$0x0];
	v13 =	vcvt.f32.s32 v13  }
0x1a8: {  	v15 =	vtrunc.f32 v15;
	v9 =	vor.u32 v0, v12;
	v12 =	vadd.f32 v14, v5;
	v14 =	vld [tilespmem:s8+$0x0]  }
0x1a9: {  	v17 =	vmul.f32 v17, v4;
	v15 =	vcvt.f32.s32 v15;
	v13 =	vshll.u32 v13, $0x4  }
0x1aa: {  	v8 =	vcvt.f32.s32 v8;
	v10 =	vcvt.f32.s32 v10;
	s18 =	sor.u32 $0x300, s0;
	[tilespmem:v11+s21+$0x0] =	vst.idx.add.f32.msk $0xffff, v2;
	v13 =	vor.u32 v0, v13  }
0x1ab: {  	v17 =	vadd.f32 v17, v5;
	v11 =	vshll.u32 v15, $0x4;
	v15 =	vld [tilespmem:s18+$0x0]  }
0x1ac: {  	v8 =	vshll.u32 v8, $0x4;
	v10 =	vshll.u32 v10, $0x4;
	v16 =	vmul.f32 v16, v4  }
0x1ad: {  	s19 =	sor.u32 $0x300, s1;
	v11 =	vor.u32 v0, v11;
	v17 =	vmin.f32 v17, $5.115000000e+02;
	[tilespmem:v9+s21+$0x0] =	vst.idx.add.f32.msk $0xffff, v2;
	v9 =	vmul.f32 v14, v4  }
0x1ae: {  	v12 =	vmin.f32 v12, $5.115000000e+02;
	v14 =	vtrunc.f32 v17;
	v17 =	vld [tilespmem:s19+$0x0];
	v16 =	vadd.f32 v16, v5  }
0x1af: {  	s28 =	sor.u32 $0x300, s3;
	v12 =	vtrunc.f32 v12;
	v14 =	vcvt.f32.s32 v14;
	v9 =	vadd.f32 v9, v5;
	[tilespmem:v13+s21+$0x0] =	vst.idx.add.f32.msk $0xffff, v2  }
0x1b0: {  	v12 =	vcvt.f32.s32 v12;
	v15 =	vmul.f32 v15, v4;
	v13 =	vmin.f32 v16, $5.115000000e+02;
	v16 =	vld [tilespmem:s28+$0x0]  }
0x1b1: {  	v14 =	vshll.u32 v14, $0x4;
	v9 =	vmin.f32 v9, $5.115000000e+02;
	v13 =	vtrunc.f32 v13  }
0x1b2: {  	s6 =	sor.u32 $0x380, s6;
	[tilespmem:v11+s21+$0x0] =	vst.idx.add.f32.msk $0xffff, v2;
	v11 =	vor.u32 v0, v14;
	v9 =	vtrunc.f32 v9;
	v15 =	vadd.f32 v15, v5  }
0x1b3: {  	v12 =	vshll.u32 v12, $0x4;
	v14 =	vld [tilespmem:s6+$0x0];
	v13 =	vcvt.f32.s32 v13;
	v17 =	vmul.f32 v17, v4  }
0x1b4: {  	[tilespmem:v7+s21+$0x0] =	vst.idx.add.f32.msk $0xffff, v2;
	v7 =	vor.u32 v0, v12;
	v9 =	vcvt.f32.s32 v9;
	v15 =	vmin.f32 v15, $5.115000000e+02  }
0x1b5: {  	v12 =	vshll.u32 v13, $0x4;
	v13 =	vld [tilespmem:s4+$0x0];
	v17 =	vadd.f32 v17, v5;
	v16 =	vmul.f32 v16, v4  }
0x1b6: {  	v9 =	vshll.u32 v9, $0x4;
	v15 =	vtrunc.f32 v15;
	v12 =	vor.u32 v0, v12  }
0x1b7: {  	s29 =	sor.u32 $0x380, s15;
	[tilespmem:v11+s21+$0x0] =	vst.idx.add.f32.msk $0xffff, v2;
	v11 =	vcvt.f32.s32 v15;
	v15 =	vmin.f32 v17, $5.115000000e+02;
	v16 =	vadd.f32 v16, v5  }
0x1b8: {  	v9 =	vor.u32 v0, v9;
	v14 =	vmul.f32 v14, v4;
	v17 =	vld [tilespmem:s29+$0x0];
	v15 =	vtrunc.f32 v15  }
0x1b9: {  	[tilespmem:v7+s21+$0x0] =	vst.idx.add.f32.msk $0xffff, v2;
	v7 =	vshll.u32 v11, $0x4;
	v11 =	vcvt.f32.s32 v15;
	v15 =	vmin.f32 v16, $5.115000000e+02  }
0x1ba: {  	v13 =	vmul.f32 v13, v4;
	v16 =	vld [tilespmem:s26+$0x0];
	v7 =	vor.u32 v0, v7;
	v15 =	vtrunc.f32 v15  }
0x1bb: {  	s2 =	sor.u32 $0x380, s17;
	v14 =	vadd.f32 v14, v5;
	[tilespmem:v12+s21+$0x0] =	vst.idx.add.f32.msk $0xffff, v2;
	v11 =	vshll.u32 v11, $0x4;
	v12 =	vcvt.f32.s32 v15  }
0x1bc: {  	v10 =	vor.u32 v0, v10;
	v13 =	vadd.f32 v13, v5;
	v15 =	vld [tilespmem:s2+$0x0];
	v11 =	vor.u32 v0, v11  }
0x1bd: {  	v14 =	vmin.f32 v14, $5.115000000e+02;
	[tilespmem:v9+s21+$0x0] =	vst.idx.add.f32.msk $0xffff, v2;
	v17 =	vmul.f32 v17, v4;
	v9 =	vshll.u32 v12, $0x4  }
0x1be: {  	v12 =	vmin.f32 v13, $5.115000000e+02;
	v13 =	vtrunc.f32 v14;
	v14 =	vld [tilespmem:s25+$0x0];
	v9 =	vor.u32 v0, v9  }
0x1bf: {  	s0 =	sor.u32 $0x380, s0;
	v12 =	vtrunc.f32 v12;
	v16 =	vmul.f32 v16, v4;
	v17 =	vadd.f32 v17, v5;
	[tilespmem:v7+s21+$0x0] =	vst.idx.add.f32.msk $0xffff, v2  }
0x1c0: {  	v7 =	vor.u32 v0, v8;
	v8 =	vcvt.f32.s32 v13;
	v12 =	vcvt.f32.s32 v12;
	v13 =	vld [tilespmem:s0+$0x0]  }
0x1c1: {  	s6 =	sor.u32 $0x380, s1;
	v16 =	vadd.f32 v16, v5;
	v17 =	vmin.f32 v17, $5.115000000e+02;
	v15 =	vmul.f32 v15, v4;
	[tilespmem:v11+s21+$0x0] =	vst.idx.add.f32.msk $0xffff, v2  }
0x1c2: {  	v8 =	vshll.u32 v8, $0x4;
	v11 =	vshll.u32 v12, $0x4;
	v12 =	vtrunc.f32 v17;
	v17 =	vld [tilespmem:s6+$0x0]  }
0x1c3: {  	s7 =	sor.u32 $0x380, s3;
	v16 =	vmin.f32 v16, $5.115000000e+02;
	v12 =	vcvt.f32.s32 v12;
	v15 =	vadd.f32 v15, v5;
	[tilespmem:v9+s21+$0x0] =	vst.idx.add.f32.msk $0xffff, v2  }
0x1c4: {  	v14 =	vmul.f32 v14, v4;
	v9 =	vor.u32 v0, v11;
	v11 =	vtrunc.f32 v16;
	v16 =	vld [tilespmem:s7+$0x0]  }
0x1c5: {  	v8 =	vor.u32 v0, v8;
	v12 =	vshll.u32 v12, $0x4;
	v11 =	vcvt.f32.s32 v11  }
0x1c6: {  	v15 =	vmin.f32 v15, $5.115000000e+02;
	v13 =	vmul.f32 v13, v4;
	v14 =	vadd.f32 v14, v5  }
0x1c7: {  	v12 =	vor.u32 v0, v12;
	v15 =	vtrunc.f32 v15;
	v11 =	vshll.u32 v11, $0x4  }
0x1c8: {  	v15 =	vcvt.f32.s32 v15;
	v17 =	vmul.f32 v17, v4;
	v13 =	vadd.f32 v13, v5  }
0x1c9: {  	v14 =	vmin.f32 v14, $5.115000000e+02;
	v11 =	vor.u32 v0, v11;
	v16 =	vmul.f32 v16, v4  }
0x1ca: {  	v14 =	vtrunc.f32 v14;
	v15 =	vshll.u32 v15, $0x4;
	v17 =	vadd.f32 v17, v5  }
0x1cb: {  	[tilespmem:v10+s21+$0x0] =	vst.idx.add.f32.msk $0xffff, v2;
	v13 =	vmin.f32 v13, $5.115000000e+02;
	v10 =	vcvt.f32.s32 v14;
	v16 =	vadd.f32 v16, v5  }
0x1cc: {  	v15 =	vor.u32 v0, v15;
	v13 =	vtrunc.f32 v13;
	v14 =	vmin.f32 v17, $5.115000000e+02  }
0x1cd: {  	[tilespmem:v6+s21+$0x0] =	vst.idx.add.f32.msk $0xffff, v2;
	v6 =	vcvt.f32.s32 v13;
	v13 =	vtrunc.f32 v14;
	v14 =	vmin.f32 v16, $5.115000000e+02  }
0x1ce: {  	[tilespmem:v8+s21+$0x0] =	vst.idx.add.f32.msk $0xffff, v2;
	v8 =	vshll.u32 v10, $0x4;
	v10 =	vcvt.f32.s32 v13;
	v13 =	vtrunc.f32 v14  }
0x1cf: {  	[tilespmem:v7+s21+$0x0] =	vst.idx.add.f32.msk $0xffff, v2;
	v7 =	vor.u32 v0, v8;
	v6 =	vshll.u32 v6, $0x4;
	v8 =	vcvt.f32.s32 v13  }
0x1d0: {  	[tilespmem:v9+s21+$0x0] =	vst.idx.add.f32.msk $0xffff, v2;
	v6 =	vor.u32 v0, v6;
	v10 =	vshll.u32 v10, $0x4  }
0x1d1: {  	[tilespmem:v12+s21+$0x0] =	vst.idx.add.f32.msk $0xffff, v2;
	v9 =	vor.u32 v0, v10;
	v8 =	vshll.u32 v8, $0x4  }
0x1d2: {  	[tilespmem:v11+s21+$0x0] =	vst.idx.add.f32.msk $0xffff, v2;
	v8 =	vor.u32 v0, v8  }
0x1d3: {  	[tilespmem:v15+s21+$0x0] =	vst.idx.add.f32.msk $0xffff, v2  }
0x1d4: {  	[tilespmem:v7+s21+$0x0] =	vst.idx.add.f32.msk $0xffff, v2  }
0x1d5: {  	p0 =	seq.s32 s31, $0x1F;
	[tilespmem:v6+s21+$0x0] =	vst.idx.add.f32.msk $0xffff, v2  }
0x1d6: {  	s0 =	sshll.u32 @!p0 s31, $0xD;
	[tilespmem:v9+s21+$0x0] =	vst.idx.add.f32.msk $0xffff, v2  }
0x1d7: {  	s1 =	simm.s32 @!p0 $0x0;
	s0 =	sadd.s32 @!p0 s0, s11;
	[tilespmem:v8+s21+$0x0] =	vst.idx.add.f32.msk $0xffff, v2  }
0x1d8: {  	[tilespmem:s1], [sflag:$0x1] =	stream.linear.gather @!p0 [hbm4b:s0+s1], $0x4000, $0x38;
	[tilespmem:$0x12300] =	vst v63  }
0x1d9: {  	s8 =	simm.s32 $0x0;
	_ =	swait.ge [sflag:s22], $0x4000  }
0x1da: {  	s9 =	sand.u32 $0x60, s8;
	s12 =	sand.u32 $0x3C00, s8;
	[sflag:s22] =	ssyncset.done $0x0  }
0x1db: {  	s1 =	sor.u32 s9, s12;
	[sflag:s22] =	ssyncadd.s32 $0xFFFFC000  }
0x1dc: {  	v6 =	vld [tilespmem:s1+$0x4010];
	_ =	sdelay $0x4  }
0x1dd: {  	v6 =	vmul.f32 v6, v4;
	_ =	sdelay $0x1  }
0x1de: {  	v6 =	vadd.f32 v6, v5;
	_ =	sdelay $0x1  }
0x1df: {  	v6 =	vmin.f32 v6, $5.115000000e+02  }
0x1e0: {  	v6 =	vtrunc.f32 v6  }
0x1e1: {  	v6 =	vcvt.f32.s32 v6;
	_ =	sdelay $0x1  }
0x1e2: {  	v6 =	vshll.u32 v6, $0x4  }
0x1e3: {  	v6 =	vor.u32 v0, v6;
	_ =	sdelay $0x4  }
0x1e4: {  	[tilespmem:v6+s21+$0x0] =	vst.idx.add.f32.msk $0xffff, v2  }
0x1e5: {  	s13 =	simm.s32 $0x100;
	s14 =	simm.s32 $0x20;
	v6 =	vld [tilespmem:s1+$0x4090]  }
0x1e6: {  	s3 =	sand.u32 $0x3C00, s13;
	s4 =	sand.u32 $0x60, s14  }
0x1e7: {  	s3 =	sor.u32 s4, s3  }
0x1e8: {  	v7 =	vld [tilespmem:s3+$0x4010];
	_ =	sdelay $0x1  }
0x1e9: {  	v6 =	vmul.f32 v6, v4;
	_ =	sdelay $0x1  }
0x1ea: {  	v6 =	vadd.f32 v6, v5  }
0x1eb: {  	v7 =	vmul.f32 v7, v4  }
0x1ec: {  	v6 =	vmin.f32 v6, $5.115000000e+02  }
0x1ed: {  	v7 =	vadd.f32 v7, v5;
	v6 =	vtrunc.f32 v6  }
0x1ee: {  	v6 =	vcvt.f32.s32 v6  }
0x1ef: {  	v7 =	vmin.f32 v7, $5.115000000e+02  }
0x1f0: {  	v7 =	vtrunc.f32 v7;
	v6 =	vshll.u32 v6, $0x4  }
0x1f1: {  	v7 =	vcvt.f32.s32 v7;
	v6 =	vor.u32 v0, v6;
	_ =	sdelay $0x1  }
0x1f2: {  	v7 =	vshll.u32 v7, $0x4  }
0x1f3: {  	v7 =	vor.u32 v0, v7;
	_ =	sdelay $0x1  }
0x1f4: {  	[tilespmem:v6+s21+$0x0] =	vst.idx.add.f32.msk $0xffff, v2  }
0x1f5: {  	v6 =	vld [tilespmem:s1+$0x4110];
	_ =	sdelay $0x1  }
0x1f6: {  	[tilespmem:v7+s21+$0x0] =	vst.idx.add.f32.msk $0xffff, v2  }
0x1f7: {  	v7 =	vld [tilespmem:s3+$0x4090];
	_ =	sdelay $0x1  }
0x1f8: {  	v8 =	vld [tilespmem:s1+$0x4000];
	v6 =	vmul.f32 v6, v4;
	_ =	sdelay $0x1  }
0x1f9: {  	v6 =	vadd.f32 v6, v5  }
0x1fa: {  	v7 =	vmul.f32 v7, v4  }
0x1fb: {  	v6 =	vmin.f32 v6, $5.115000000e+02  }
0x1fc: {  	v8 =	vmul.f32 v8, v4;
	v7 =	vadd.f32 v7, v5;
	v6 =	vtrunc.f32 v6  }
0x1fd: {  	v9 =	vld [tilespmem:s3+$0x4000];
	v6 =	vcvt.f32.s32 v6  }
0x1fe: {  	v8 =	vadd.f32 v8, v5;
	v7 =	vmin.f32 v7, $5.115000000e+02  }
0x1ff: {  	v7 =	vtrunc.f32 v7;
	v6 =	vshll.u32 v6, $0x4  }
0x200: {  	v8 =	vmin.f32 v8, $5.115000000e+02;
	v7 =	vcvt.f32.s32 v7;
	v6 =	vor.u32 v0, v6  }
0x201: {  	s15 =	simm.s32 $0x200;
	s16 =	simm.s32 $0x40;
	v8 =	vtrunc.f32 v8  }
0x202: {  	s4 =	sand.u32 $0x3C00, s15;
	s6 =	sand.u32 $0x60, s16;
	v9 =	vmul.f32 v9, v4;
	v8 =	vcvt.f32.s32 v8;
	v7 =	vshll.u32 v7, $0x4  }
0x203: {  	s16 =	sor.u32 s6, s4;
	v7 =	vor.u32 v0, v7  }
0x204: {  	v10 =	vld [tilespmem:s16+$0x4010];
	v9 =	vadd.f32 v9, v5;
	v8 =	vshll.u32 v8, $0x4  }
0x205: {  	v8 =	vor.u32 v0, v8;
	[tilespmem:v6+s21+$0x0] =	vst.idx.add.f32.msk $0xffff, v2  }
0x206: {  	v6 =	vmin.f32 v9, $5.115000000e+02;
	v9 =	vld [tilespmem:s1+$0x4190]  }
0x207: {  	v6 =	vtrunc.f32 v6  }
0x208: {  	[tilespmem:v7+s21+$0x0] =	vst.idx.add.f32.msk $0xffff, v2;
	v6 =	vcvt.f32.s32 v6  }
0x209: {  	v7 =	vmul.f32 v10, v4;
	v10 =	vld [tilespmem:s3+$0x4110]  }
0x20a: {  	[tilespmem:v8+s21+$0x0] =	vst.idx.add.f32.msk $0xffff, v2;
	v6 =	vshll.u32 v6, $0x4  }
0x20b: {  	v8 =	vld [tilespmem:s1+$0x4080];
	v7 =	vadd.f32 v7, v5;
	v6 =	vor.u32 v0, v6;
	v9 =	vmul.f32 v9, v4;
	_ =	sdelay $0x1  }
0x20c: {  	v7 =	vmin.f32 v7, $5.115000000e+02;
	v9 =	vadd.f32 v9, v5  }
0x20d: {  	v7 =	vtrunc.f32 v7;
	v10 =	vmul.f32 v10, v4  }
0x20e: {  	v7 =	vcvt.f32.s32 v7;
	v9 =	vmin.f32 v9, $5.115000000e+02  }
0x20f: {  	v8 =	vmul.f32 v8, v4;
	[tilespmem:v6+s21+$0x0] =	vst.idx.add.f32.msk $0xffff, v2;
	v6 =	vtrunc.f32 v9;
	v9 =	vadd.f32 v10, v5  }
0x210: {  	v7 =	vshll.u32 v7, $0x4;
	v10 =	vld [tilespmem:s3+$0x4080];
	v6 =	vcvt.f32.s32 v6  }
0x211: {  	v8 =	vadd.f32 v8, v5;
	v7 =	vor.u32 v0, v7;
	v9 =	vmin.f32 v9, $5.115000000e+02  }
0x212: {  	v11 =	vld [tilespmem:s16+$0x4000];
	v6 =	vshll.u32 v6, $0x4;
	v9 =	vtrunc.f32 v9  }
0x213: {  	v8 =	vmin.f32 v8, $5.115000000e+02;
	v6 =	vor.u32 v0, v6;
	v9 =	vcvt.f32.s32 v9  }
0x214: {  	v8 =	vtrunc.f32 v8  }
0x215: {  	v8 =	vcvt.f32.s32 v8;
	v10 =	vmul.f32 v10, v4;
	v9 =	vshll.u32 v9, $0x4  }
0x216: {  	[tilespmem:v7+s21+$0x0] =	vst.idx.add.f32.msk $0xffff, v2;
	v9 =	vor.u32 v0, v9  }
0x217: {  	v7 =	vshll.u32 v8, $0x4;
	v8 =	vadd.f32 v10, v5;
	v10 =	vmul.f32 v11, v4;
	v11 =	vld [tilespmem:s16+$0x4090]  }
0x218: {  	v7 =	vor.u32 v0, v7;
	[tilespmem:v6+s21+$0x0] =	vst.idx.add.f32.msk $0xffff, v2  }
0x219: {  	v6 =	vmin.f32 v8, $5.115000000e+02;
	v10 =	vadd.f32 v10, v5;
	v8 =	vld [tilespmem:s1+$0x4210]  }
0x21a: {  	v6 =	vtrunc.f32 v6  }
0x21b: {  	v6 =	vcvt.f32.s32 v6;
	v10 =	vmin.f32 v10, $5.115000000e+02;
	[tilespmem:v9+s21+$0x0] =	vst.idx.add.f32.msk $0xffff, v2  }
0x21c: {  	v9 =	vtrunc.f32 v10;
	v11 =	vmul.f32 v11, v4;
	v10 =	vld [tilespmem:s3+$0x4190]  }
0x21d: {  	[tilespmem:v7+s21+$0x0] =	vst.idx.add.f32.msk $0xffff, v2;
	v6 =	vshll.u32 v6, $0x4;
	v7 =	vcvt.f32.s32 v9  }
0x21e: {  	v9 =	vld [tilespmem:s1+$0x4100];
	v6 =	vor.u32 v0, v6;
	v11 =	vadd.f32 v11, v5;
	v8 =	vmul.f32 v8, v4  }
0x21f: {  	v7 =	vshll.u32 v7, $0x4  }
0x220: {  	v7 =	vor.u32 v0, v7;
	v11 =	vmin.f32 v11, $5.115000000e+02;
	v8 =	vadd.f32 v8, v5  }
0x221: {  	v11 =	vtrunc.f32 v11;
	v10 =	vmul.f32 v10, v4  }
0x222: {  	v11 =	vcvt.f32.s32 v11;
	v8 =	vmin.f32 v8, $5.115000000e+02  }
0x223: {  	v9 =	vmul.f32 v9, v4;
	[tilespmem:v6+s21+$0x0] =	vst.idx.add.f32.msk $0xffff, v2;
	v6 =	vtrunc.f32 v8;
	v8 =	vadd.f32 v10, v5  }
0x224: {  	v10 =	vld [tilespmem:s3+$0x4100];
	v11 =	vshll.u32 v11, $0x4;
	v6 =	vcvt.f32.s32 v6  }
0x225: {  	s17 =	simm.s32 $0x300;
	s18 =	simm.s32 $0x60;
	v9 =	vadd.f32 v9, v5;
	[tilespmem:v7+s21+$0x0] =	vst.idx.add.f32.msk $0xffff, v2;
	v7 =	vmin.f32 v8, $5.115000000e+02;
	v8 =	vor.u32 v0, v11  }
0x226: {  	s6 =	sand.u32 $0x60, s18;
	s4 =	sand.u32 $0x3C00, s17;
	v11 =	vld [tilespmem:s16+$0x4080];
	v6 =	vshll.u32 v6, $0x4;
	v7 =	vtrunc.f32 v7  }
0x227: {  	s17 =	sor.u32 s6, s4;
	v9 =	vmin.f32 v9, $5.115000000e+02;
	v6 =	vor.u32 v0, v6;
	v7 =	vcvt.f32.s32 v7  }
0x228: {  	v12 =	vld [tilespmem:s17+$0x4010];
	v9 =	vtrunc.f32 v9  }
0x229: {  	v9 =	vcvt.f32.s32 v9;
	v10 =	vmul.f32 v10, v4;
	v7 =	vshll.u32 v7, $0x4  }
0x22a: {  	v7 =	vor.u32 v0, v7;
	[tilespmem:v8+s21+$0x0] =	vst.idx.add.f32.msk $0xffff, v2  }
0x22b: {  	v8 =	vshll.u32 v9, $0x4;
	v9 =	vadd.f32 v10, v5;
	v10 =	vmul.f32 v11, v4;
	v11 =	vld [tilespmem:s16+$0x4110]  }
0x22c: {  	v8 =	vor.u32 v0, v8;
	[tilespmem:v6+s21+$0x0] =	vst.idx.add.f32.msk $0xffff, v2  }
0x22d: {  	v12 =	vmul.f32 v12, v4;
	v6 =	vmin.f32 v9, $5.115000000e+02;
	v10 =	vadd.f32 v10, v5;
	v9 =	vld [tilespmem:s1+$0x4290]  }
0x22e: {  	v6 =	vtrunc.f32 v6  }
0x22f: {  	v6 =	vcvt.f32.s32 v6;
	v10 =	vmin.f32 v10, $5.115000000e+02;
	[tilespmem:v7+s21+$0x0] =	vst.idx.add.f32.msk $0xffff, v2;
	v7 =	vadd.f32 v12, v5  }
0x230: {  	v10 =	vtrunc.f32 v10;
	v12 =	vld [tilespmem:s3+$0x4210];
	v11 =	vmul.f32 v11, v4  }
0x231: {  	[tilespmem:v8+s21+$0x0] =	vst.idx.add.f32.msk $0xffff, v2;
	v6 =	vshll.u32 v6, $0x4;
	v8 =	vcvt.f32.s32 v10;
	v7 =	vmin.f32 v7, $5.115000000e+02  }
0x232: {  	v10 =	vld [tilespmem:s17+$0x4000];
	v9 =	vmul.f32 v9, v4;
	v7 =	vtrunc.f32 v7;
	v11 =	vadd.f32 v11, v5  }
0x233: {  	v13 =	vld [tilespmem:s1+$0x4180];
	v6 =	vor.u32 v0, v6;
	v8 =	vshll.u32 v8, $0x4;
	v7 =	vcvt.f32.s32 v7  }
0x234: {  	v8 =	vor.u32 v0, v8;
	v9 =	vadd.f32 v9, v5;
	v11 =	vmin.f32 v11, $5.115000000e+02  }
0x235: {  	v12 =	vmul.f32 v12, v4;
	v7 =	vshll.u32 v7, $0x4;
	v11 =	vtrunc.f32 v11  }
0x236: {  	v7 =	vor.u32 v0, v7;
	v11 =	vcvt.f32.s32 v11  }
0x237: {  	v10 =	vmul.f32 v10, v4;
	v9 =	vmin.f32 v9, $5.115000000e+02;
	v12 =	vadd.f32 v12, v5  }
0x238: {  	v13 =	vmul.f32 v13, v4;
	[tilespmem:v6+s21+$0x0] =	vst.idx.add.f32.msk $0xffff, v2;
	v6 =	vtrunc.f32 v9;
	v9 =	vshll.u32 v11, $0x4  }
0x239: {  	v10 =	vadd.f32 v10, v5;
	v11 =	vld [tilespmem:s3+$0x4180];
	v12 =	vmin.f32 v12, $5.115000000e+02;
	v9 =	vor.u32 v0, v9  }
0x23a: {  	v6 =	vcvt.f32.s32 v6;
	[tilespmem:v8+s21+$0x0] =	vst.idx.add.f32.msk $0xffff, v2;
	v8 =	vtrunc.f32 v12  }
0x23b: {  	v10 =	vmin.f32 v10, $5.115000000e+02;
	v8 =	vcvt.f32.s32 v8;
	[tilespmem:v7+s21+$0x0] =	vst.idx.add.f32.msk $0xffff, v2  }
0x23c: {  	v6 =	vshll.u32 v6, $0x4;
	v10 =	vtrunc.f32 v10;
	v7 =	vadd.f32 v13, v5;
	v12 =	vld [tilespmem:s17+$0x4090]  }
0x23d: {  	v6 =	vor.u32 v0, v6;
	v10 =	vcvt.f32.s32 v10;
	v13 =	vld [tilespmem:s16+$0x4100];
	v8 =	vshll.u32 v8, $0x4  }
0x23e: {  	v8 =	vor.u32 v0, v8;
	[tilespmem:v9+s21+$0x0] =	vst.idx.add.f32.msk $0xffff, v2  }
0x23f: {  	v7 =	vmin.f32 v7, $5.115000000e+02;
	v9 =	vshll.u32 v10, $0x4;
	v10 =	vld [tilespmem:s16+$0x4190]  }
0x240: {  	v7 =	vtrunc.f32 v7;
	v9 =	vor.u32 v0, v9  }
0x241: {  	v7 =	vcvt.f32.s32 v7;
	v12 =	vmul.f32 v12, v4  }
0x242: {  	[tilespmem:v6+s21+$0x0] =	vst.idx.add.f32.msk $0xffff, v2;
	v6 =	vmul.f32 v13, v4  }
0x243: {  	s0 =	sand.u32 $0x3, s8;
	v11 =	vmul.f32 v11, v4;
	v7 =	vshll.u32 v7, $0x4;
	[tilespmem:v8+s21+$0x0] =	vst.idx.add.f32.msk $0xffff, v2;
	v8 =	vadd.f32 v12, v5  }
0x244: {  	s0 =	sshll.u32 s0, $0x5;
	v7 =	vor.u32 v0, v7;
	v6 =	vadd.f32 v6, v5;
	v12 =	vld [tilespmem:s3+$0x4290];
	v10 =	vmul.f32 v10, v4  }
0x245: {  	s7 =	sadd.s32 $0x0, s0;
	v11 =	vadd.f32 v11, v5;
	[tilespmem:v9+s21+$0x0] =	vst.idx.add.f32.msk $0xffff, v2;
	v8 =	vmin.f32 v8, $5.115000000e+02  }
0x246: {  	s19 =	sadd.s32 $0x10, s7;
	v6 =	vmin.f32 v6, $5.115000000e+02;
	v9 =	vld [tilespmem:s17+$0x4080];
	v8 =	vtrunc.f32 v8;
	v10 =	vadd.f32 v10, v5  }
0x247: {  	s25 =	sor.u32 $0x300, s19;
	v6 =	vtrunc.f32 v6;
	v8 =	vcvt.f32.s32 v8  }
0x248: {  	v13 =	vld [tilespmem:s25+$0x4000];
	v11 =	vmin.f32 v11, $5.115000000e+02;
	v6 =	vcvt.f32.s32 v6;
	v10 =	vmin.f32 v10, $5.115000000e+02  }
0x249: {  	[tilespmem:v7+s21+$0x0] =	vst.idx.add.f32.msk $0xffff, v2;
	v7 =	vmul.f32 v12, v4;
	v8 =	vshll.u32 v8, $0x4;
	v10 =	vtrunc.f32 v10  }
0x24a: {  	v11 =	vtrunc.f32 v11;
	v10 =	vcvt.f32.s32 v10;
	v8 =	vor.u32 v0, v8  }
0x24b: {  	s28 =	simm.s32 $0x80;
	s26 =	simm.s32 $0x400;
	v6 =	vshll.u32 v6, $0x4;
	v12 =	vld [tilespmem:s1+$0x4200];
	v9 =	vmul.f32 v9, v4;
	v7 =	vadd.f32 v7, v5  }
0x24c: {  	s6 =	sand.u32 $0x60, s28;
	s0 =	sand.u32 $0x3C00, s26;
	v11 =	vcvt.f32.s32 v11;
	v6 =	vor.u32 v0, v6;
	v10 =	vshll.u32 v10, $0x4  }
0x24d: {  	s0 =	sor.u32 s6, s0;
	v9 =	vadd.f32 v9, v5;
	v7 =	vmin.f32 v7, $5.115000000e+02;
	v10 =	vor.u32 v0, v10  }
0x24e: {  	v14 =	vld [tilespmem:s0+$0x4010];
	v13 =	vmul.f32 v13, v4;
	v7 =	vtrunc.f32 v7  }
0x24f: {  	v11 =	vshll.u32 v11, $0x4;
	v9 =	vmin.f32 v9, $5.115000000e+02;
	v7 =	vcvt.f32.s32 v7;
	[tilespmem:v8+s21+$0x0] =	vst.idx.add.f32.msk $0xffff, v2  }
0x250: {  	v12 =	vmul.f32 v12, v4;
	v8 =	vadd.f32 v13, v5;
	v9 =	vtrunc.f32 v9;
	v13 =	vld [tilespmem:s17+$0x4110]  }
0x251: {  	v11 =	vor.u32 v0, v11;
	[tilespmem:v6+s21+$0x0] =	vst.idx.add.f32.msk $0xffff, v2;
	v6 =	vshll.u32 v7, $0x4;
	v7 =	vcvt.f32.s32 v9  }
0x252: {  	s29 =	simm.s32 $0x1;
	v9 =	vadd.f32 v12, v5;
	v8 =	vmin.f32 v8, $5.115000000e+02;
	v6 =	vor.u32 v0, v6;
	[tilespmem:v10+s21+$0x0] =	vst.idx.add.f32.msk $0xffff, v2  }
0x253: {  	s6 =	sand.u32 $0x3, s29;
	v8 =	vtrunc.f32 v8;
	v10 =	vmul.f32 v14, v4;
	v7 =	vshll.u32 v7, $0x4;
	v12 =	vld [tilespmem:s16+$0x4210]  }
0x254: {  	s6 =	sshll.u32 s6, $0x5;
	v14 =	vld [tilespmem:s16+$0x4180];
	v9 =	vmin.f32 v9, $5.115000000e+02;
	v8 =	vcvt.f32.s32 v8;
	v7 =	vor.u32 v0, v7  }
0x255: {  	v15 =	vld [tilespmem:s0+$0x4000];
	s25 =	sadd.s32 $0x100, s6;
	v9 =	vtrunc.f32 v9;
	v10 =	vadd.f32 v10, v5;
	v13 =	vmul.f32 v13, v4  }
0x256: {  	s6 =	sadd.s32 $0x10, s25;
	[tilespmem:v11+s21+$0x0] =	vst.idx.add.f32.msk $0xffff, v2;
	v9 =	vcvt.f32.s32 v9;
	v8 =	vshll.u32 v8, $0x4  }
0x257: {  	s2 =	sor.u32 $0x300, s6;
	v8 =	vor.u32 v0, v8;
	[tilespmem:v6+s21+$0x0] =	vst.idx.add.f32.msk $0xffff, v2;
	v6 =	vmin.f32 v10, $5.115000000e+02;
	v10 =	vadd.f32 v13, v5  }
0x258: {  	v9 =	vshll.u32 v9, $0x4;
	v11 =	vld [tilespmem:s2+$0x4000];
	v6 =	vtrunc.f32 v6;
	v12 =	vmul.f32 v12, v4  }
0x259: {  	v14 =	vmul.f32 v14, v4;
	v6 =	vcvt.f32.s32 v6;
	[tilespmem:v7+s21+$0x0] =	vst.idx.add.f32.msk $0xffff, v2;
	v7 =	vmin.f32 v10, $5.115000000e+02  }
0x25a: {  	v10 =	vmul.f32 v15, v4;
	v13 =	vld [tilespmem:s17+$0x4100];
	v12 =	vadd.f32 v12, v5;
	v7 =	vtrunc.f32 v7  }
0x25b: {  	v9 =	vor.u32 v0, v9;
	v15 =	vld [tilespmem:s3+$0x4200];
	v6 =	vshll.u32 v6, $0x4;
	v7 =	vcvt.f32.s32 v7  }
0x25c: {  	v10 =	vadd.f32 v10, v5;
	v6 =	vor.u32 v0, v6;
	v12 =	vmin.f32 v12, $5.115000000e+02  }
0x25d: {  	v11 =	vmul.f32 v11, v4;
	v12 =	vtrunc.f32 v12;
	v7 =	vshll.u32 v7, $0x4  }
0x25e: {  	v10 =	vmin.f32 v10, $5.115000000e+02;
	v12 =	vcvt.f32.s32 v12;
	v7 =	vor.u32 v0, v7  }
0x25f: {  	[tilespmem:v8+s21+$0x0] =	vst.idx.add.f32.msk $0xffff, v2;
	v8 =	vtrunc.f32 v10;
	v10 =	vadd.f32 v11, v5;
	v11 =	vmul.f32 v13, v4  }
0x260: {  	v15 =	vmul.f32 v15, v4;
	v8 =	vcvt.f32.s32 v8  }
0x261: {  	[tilespmem:v9+s21+$0x0] =	vst.idx.add.f32.msk $0xffff, v2;
	v12 =	vshll.u32 v12, $0x4;
	v10 =	vmin.f32 v10, $5.115000000e+02;
	v11 =	vadd.f32 v11, v5  }
0x262: {  	[tilespmem:v6+s21+$0x0] =	vst.idx.add.f32.msk $0xffff, v2;
	v6 =	vor.u32 v0, v12;
	v12 =	vadd.f32 v14, v5;
	v8 =	vshll.u32 v8, $0x4  }
0x263: {  	v14 =	vadd.f32 v15, v5;
	v10 =	vtrunc.f32 v10;
	v15 =	vld [tilespmem:s0+$0x4090];
	v8 =	vor.u32 v0, v8  }
0x264: {  	v10 =	vcvt.f32.s32 v10;
	v11 =	vmin.f32 v11, $5.115000000e+02;
	[tilespmem:v7+s21+$0x0] =	vst.idx.add.f32.msk $0xffff, v2;
	v7 =	vmin.f32 v12, $5.115000000e+02  }
0x265: {  	s4 =	sor.u32 $0x380, s19;
	v9 =	vmin.f32 v14, $5.115000000e+02;
	v11 =	vtrunc.f32 v11;
	v12 =	vld [tilespmem:s17+$0x4190];
	v7 =	vtrunc.f32 v7  }
0x266: {  	v13 =	vld [tilespmem:s4+$0x4000];
	v9 =	vtrunc.f32 v9;
	v10 =	vshll.u32 v10, $0x4;
	v11 =	vcvt.f32.s32 v11  }
0x267: {  	v9 =	vcvt.f32.s32 v9;
	v10 =	vor.u32 v0, v10;
	[tilespmem:v6+s21+$0x0] =	vst.idx.add.f32.msk $0xffff, v2;
	v6 =	vcvt.f32.s32 v7  }
0x268: {  	v7 =	vshll.u32 v11, $0x4;
	v11 =	vmul.f32 v15, v4;
	v14 =	vld [tilespmem:s16+$0x4290]  }
0x269: {  	[tilespmem:v8+s21+$0x0] =	vst.idx.add.f32.msk $0xffff, v2;
	v9 =	vshll.u32 v9, $0x4;
	v7 =	vor.u32 v0, v7;
	v6 =	vshll.u32 v6, $0x4  }
0x26a: {  	v15 =	vld [tilespmem:s1+$0x4280];
	v9 =	vor.u32 v0, v9;
	v8 =	vadd.f32 v11, v5;
	v11 =	vmul.f32 v12, v4  }
0x26b: {  	v12 =	vmul.f32 v13, v4;
	v6 =	vor.u32 v0, v6;
	v13 =	vld [tilespmem:s0+$0x4080]  }
0x26c: {  	s8 =	sor.u32 $0x380, s6;
	[tilespmem:v10+s21+$0x0] =	vst.idx.add.f32.msk $0xffff, v2;
	v8 =	vmin.f32 v8, $5.115000000e+02;
	v10 =	vadd.f32 v11, v5  }
0x26d: {  	v11 =	vld [tilespmem:s8+$0x4000];
	v8 =	vtrunc.f32 v8;
	v14 =	vmul.f32 v14, v4  }
0x26e: {  	[tilespmem:v7+s21+$0x0] =	vst.idx.add.f32.msk $0xffff, v2;
	v7 =	vcvt.f32.s32 v8;
	v8 =	vmin.f32 v10, $5.115000000e+02  }
0x26f: {  	v10 =	vadd.f32 v12, v5;
	[tilespmem:v9+s21+$0x0] =	vst.idx.add.f32.msk $0xffff, v2;
	v14 =	vadd.f32 v14, v5;
	v8 =	vtrunc.f32 v8  }
0x270: {  	[tilespmem:v6+s21+$0x0] =	vst.idx.add.f32.msk $0xffff, v2;
	v6 =	vmul.f32 v13, v4;
	v7 =	vshll.u32 v7, $0x4;
	v8 =	vcvt.f32.s32 v8  }
0x271: {  	s9 =	simm.s32 $0xA0;
	s1 =	simm.s32 $0x500;
	v12 =	vld [tilespmem:s17+$0x4180];
	v13 =	vmul.f32 v15, v4;
	v14 =	vmin.f32 v14, $5.115000000e+02;
	v7 =	vor.u32 v0, v7  }
0x272: {  	s4 =	sand.u32 $0x60, s9;
	s12 =	sand.u32 $0x3C00, s1;
	v15 =	vld [tilespmem:s16+$0x4200];
	v6 =	vadd.f32 v6, v5;
	v9 =	vtrunc.f32 v14;
	v8 =	vshll.u32 v8, $0x4  }
0x273: {  	v14 =	vld [tilespmem:s3+$0x4280];
	s3 =	sor.u32 s4, s12;
	v9 =	vcvt.f32.s32 v9;
	v8 =	vor.u32 v0, v8  }
0x274: {  	v10 =	vmin.f32 v10, $5.115000000e+02;
	v13 =	vadd.f32 v13, v5;
	v16 =	vld [tilespmem:s3+$0x4010];
	v6 =	vmin.f32 v6, $5.115000000e+02  }
0x275: {  	v11 =	vmul.f32 v11, v4;
	v17 =	vld [tilespmem:s3+$0x4000];
	v6 =	vtrunc.f32 v6;
	v9 =	vshll.u32 v9, $0x4  }
0x276: {  	s13 =	simm.s32 $0x2;
	v13 =	vmin.f32 v13, $5.115000000e+02;
	v6 =	vcvt.f32.s32 v6;
	v9 =	vor.u32 v0, v9;
	[tilespmem:v7+s21+$0x0] =	vst.idx.add.f32.msk $0xffff, v2  }
0x277: {  	s4 =	sand.u32 $0x3, s13;
	v11 =	vadd.f32 v11, v5;
	v7 =	vtrunc.f32 v10;
	v10 =	vtrunc.f32 v13;
	v13 =	vld [tilespmem:s0+$0x4110]  }
0x278: {  	s4 =	sshll.u32 s4, $0x5;
	v18 =	vcvt.f32.s32 v7;
	v7 =	vcvt.f32.s32 v10;
	v6 =	vshll.u32 v6, $0x4;
	[tilespmem:v8+s21+$0x0] =	vst.idx.add.f32.msk $0xffff, v2  }
0x279: {  	s4 =	sadd.s32 $0x200, s4;
	v8 =	vmin.f32 v11, $5.115000000e+02;
	v10 =	vmul.f32 v16, v4;
	v6 =	vor.u32 v0, v6;
	v11 =	vld [tilespmem:s17+$0x4210]  }
0x27a: {  	s14 =	sadd.s32 $0x10, s4;
	v16 =	vmul.f32 v17, v4;
	v7 =	vshll.u32 v7, $0x4;
	v8 =	vtrunc.f32 v8  }
0x27b: {  	s15 =	sor.u32 $0x300, s14;
	v17 =	vor.u32 v0, v7;
	v7 =	vcvt.f32.s32 v8;
	v8 =	vadd.f32 v10, v5;
	[tilespmem:v9+s21+$0x0] =	vst.idx.add.f32.msk $0xffff, v2  }
0x27c: {  	v10 =	vadd.f32 v16, v5;
	v9 =	vmul.f32 v12, v4;
	v12 =	vld [tilespmem:s15+$0x4000];
	v13 =	vmul.f32 v13, v4  }
0x27d: {  	v15 =	vmul.f32 v15, v4;
	v14 =	vmul.f32 v14, v4;
	v8 =	vmin.f32 v8, $5.115000000e+02  }
0x27e: {  	v10 =	vmin.f32 v10, $5.115000000e+02;
	[tilespmem:v6+s21+$0x0] =	vst.idx.add.f32.msk $0xffff, v2;
	v6 =	vadd.f32 v13, v5;
	v11 =	vmul.f32 v11, v4  }
0x27f: {  	v8 =	vtrunc.f32 v8;
	v10 =	vtrunc.f32 v10;
	v16 =	vld [tilespmem:s0+$0x4100]  }
0x280: {  	v8 =	vcvt.f32.s32 v8;
	v6 =	vmin.f32 v6, $5.115000000e+02;
	v11 =	vadd.f32 v11, v5  }
0x281: {  	v15 =	vadd.f32 v15, v5;
	v12 =	vmul.f32 v12, v4;
	v6 =	vtrunc.f32 v6  }
0x282: {  	v8 =	vshll.u32 v8, $0x4;
	v6 =	vcvt.f32.s32 v6;
	v11 =	vmin.f32 v11, $5.115000000e+02  }
0x283: {  	v8 =	vor.u32 v0, v8;
	v12 =	vadd.f32 v12, v5;
	v11 =	vtrunc.f32 v11  }
0x284: {  	v16 =	vmul.f32 v16, v4;
	v6 =	vshll.u32 v6, $0x4;
	v11 =	vcvt.f32.s32 v11  }
0x285: {  	v9 =	vadd.f32 v9, v5;
	v10 =	vcvt.f32.s32 v10;
	v6 =	vor.u32 v0, v6  }
0x286: {  	s18 =	sor.u32 $0x300, s7;
	[tilespmem:v17+s21+$0x0] =	vst.idx.add.f32.msk $0xffff, v2;
	v12 =	vmin.f32 v12, $5.115000000e+02;
	v16 =	vadd.f32 v16, v5;
	v11 =	vshll.u32 v11, $0x4  }
0x287: {  	v9 =	vmin.f32 v9, $5.115000000e+02;
	v17 =	vld [tilespmem:s18+$0x4000];
	v12 =	vtrunc.f32 v12;
	v11 =	vor.u32 v0, v11  }
0x288: {  	v10 =	vshll.u32 v10, $0x4;
	[tilespmem:v8+s21+$0x0] =	vst.idx.add.f32.msk $0xffff, v2;
	v12 =	vcvt.f32.s32 v12;
	v8 =	vmin.f32 v16, $5.115000000e+02  }
0x289: {  	v9 =	vtrunc.f32 v9;
	v10 =	vor.u32 v0, v10;
	v16 =	vld [tilespmem:s3+$0x4090];
	v8 =	vtrunc.f32 v8  }
0x28a: {  	v9 =	vcvt.f32.s32 v9;
	v12 =	vshll.u32 v12, $0x4;
	v8 =	vcvt.f32.s32 v8;
	[tilespmem:v6+s21+$0x0] =	vst.idx.add.f32.msk $0xffff, v2  }
0x28b: {  	v12 =	vor.u32 v0, v12;
	v6 =	vadd.f32 v14, v5;
	v14 =	vmin.f32 v15, $5.115000000e+02;
	v15 =	vld [tilespmem:s0+$0x4190]  }
0x28c: {  	v17 =	vmul.f32 v17, v4;
	v14 =	vtrunc.f32 v14;
	v8 =	vshll.u32 v8, $0x4;
	[tilespmem:v11+s21+$0x0] =	vst.idx.add.f32.msk $0xffff, v2  }
0x28d: {  	v11 =	vcvt.f32.s32 v14;
	v6 =	vmin.f32 v6, $5.115000000e+02;
	v8 =	vor.u32 v0, v8;
	v14 =	vld [tilespmem:s17+$0x4290]  }
0x28e: {  	v9 =	vshll.u32 v9, $0x4;
	[tilespmem:v10+s21+$0x0] =	vst.idx.add.f32.msk $0xffff, v2;
	v10 =	vmul.f32 v16, v4;
	v6 =	vtrunc.f32 v6  }
0x28f: {  	v9 =	vor.u32 v0, v9;
	v16 =	vadd.f32 v17, v5;
	v6 =	vcvt.f32.s32 v6  }
0x290: {  	v11 =	vshll.u32 v11, $0x4;
	v10 =	vadd.f32 v10, v5;
	[tilespmem:v12+s21+$0x0] =	vst.idx.add.f32.msk $0xffff, v2;
	v15 =	vmul.f32 v15, v4  }
0x291: {  	v16 =	vmin.f32 v16, $5.115000000e+02;
	v12 =	vld [tilespmem:s3+$0x4080];
	v11 =	vor.u32 v0, v11;
	v6 =	vshll.u32 v6, $0x4  }
0x292: {  	s6 =	sor.u32 $0x380, s14;
	v10 =	vmin.f32 v10, $5.115000000e+02;
	[tilespmem:v8+s21+$0x0] =	vst.idx.add.f32.msk $0xffff, v2;
	v8 =	vadd.f32 v15, v5;
	v14 =	vmul.f32 v14, v4  }
0x293: {  	v17 =	vld [tilespmem:s6+$0x4000];
	v15 =	vtrunc.f32 v16;
	v16 =	vor.u32 v0, v6;
	v6 =	vtrunc.f32 v10  }
0x294: {  	v13 =	vshll.u32 v18, $0x4;
	[tilespmem:v9+s21+$0x0] =	vst.idx.add.f32.msk $0xffff, v2;
	v18 =	vcvt.f32.s32 v6  }
0x295: {  	s19 =	simm.s32 $0xC0;
	s14 =	simm.s32 $0x600;
	v10 =	vld [tilespmem:s0+$0x4180];
	v8 =	vmin.f32 v8, $5.115000000e+02;
	v9 =	vadd.f32 v14, v5  }
0x296: {  	s26 =	sand.u32 $0x3C00, s14;
	s6 =	sand.u32 $0x60, s19;
	v12 =	vmul.f32 v12, v4;
	[tilespmem:v11+s21+$0x0] =	vst.idx.add.f32.msk $0xffff, v2;
	v8 =	vtrunc.f32 v8;
	v14 =	vshll.u32 v18, $0x4  }
0x297: {  	v11 =	vld [tilespmem:s16+$0x4280];
	s16 =	sor.u32 s6, s26;
	v8 =	vcvt.f32.s32 v8;
	v9 =	vmin.f32 v9, $5.115000000e+02;
	v14 =	vor.u32 v0, v14  }
0x298: {  	v17 =	vmul.f32 v17, v4;
	v12 =	vadd.f32 v12, v5;
	v18 =	vld [tilespmem:s16+$0x4010];
	v9 =	vtrunc.f32 v9  }
0x299: {  	v6 =	vor.u32 v0, v13;
	v13 =	vld [tilespmem:s17+$0x4200];
	v8 =	vshll.u32 v8, $0x4;
	v9 =	vcvt.f32.s32 v9  }
0x29a: {  	[tilespmem:v16+s21+$0x0] =	vst.idx.add.f32.msk $0xffff, v2;
	v16 =	vadd.f32 v17, v5;
	v12 =	vmin.f32 v12, $5.115000000e+02;
	v8 =	vor.u32 v0, v8  }
0x29b: {  	v15 =	vcvt.f32.s32 v15;
	v17 =	vld [tilespmem:s16+$0x4000];
	v12 =	vtrunc.f32 v12;
	v9 =	vshll.u32 v9, $0x4  }
0x29c: {  	s29 =	simm.s32 $0x3;
	v16 =	vmin.f32 v16, $5.115000000e+02;
	v12 =	vcvt.f32.s32 v12;
	v9 =	vor.u32 v0, v9;
	[tilespmem:v14+s21+$0x0] =	vst.idx.add.f32.msk $0xffff, v2  }
0x29d: {  	s28 =	sor.u32 $0x300, s25;
	v15 =	vshll.u32 v15, $0x4;
	s6 =	sand.u32 $0x3, s29;
	v14 =	vtrunc.f32 v16;
	v16 =	vmul.f32 v18, v4;
	v18 =	vld [tilespmem:s3+$0x4110]  }
0x29e: {  	s6 =	sshll.u32 s6, $0x5;
	v15 =	vor.u32 v0, v15;
	v19 =	vld [tilespmem:s28+$0x4000];
	v13 =	vmul.f32 v13, v4;
	v12 =	vshll.u32 v12, $0x4  }
0x29f: {  	s8 =	sadd.s32 $0x300, s6;
	v11 =	vmul.f32 v11, v4;
	v14 =	vcvt.f32.s32 v14;
	v12 =	vor.u32 v0, v12;
	[tilespmem:v8+s21+$0x0] =	vst.idx.add.f32.msk $0xffff, v2  }
0x2a0: {  	s6 =	sadd.s32 $0x10, s8;
	v16 =	vadd.f32 v16, v5;
	v8 =	vmul.f32 v10, v4;
	v10 =	vmul.f32 v17, v4;
	v17 =	vld [tilespmem:s0+$0x4210]  }
0x2a1: {  	s2 =	sor.u32 $0x300, s6;
	v13 =	vadd.f32 v13, v5;
	v11 =	vadd.f32 v11, v5;
	[tilespmem:v9+s21+$0x0] =	vst.idx.add.f32.msk $0xffff, v2;
	v9 =	vshll.u32 v14, $0x4  }
0x2a2: {  	v10 =	vadd.f32 v10, v5;
	v14 =	vmin.f32 v16, $5.115000000e+02;
	v16 =	vld [tilespmem:s2+$0x4000];
	v18 =	vmul.f32 v18, v4  }
0x2a3: {  	v13 =	vmin.f32 v13, $5.115000000e+02;
	v19 =	vmul.f32 v19, v4;
	v14 =	vtrunc.f32 v14  }
0x2a4: {  	v10 =	vmin.f32 v10, $5.115000000e+02;
	v14 =	vcvt.f32.s32 v14;
	[tilespmem:v12+s21+$0x0] =	vst.idx.add.f32.msk $0xffff, v2;
	v18 =	vadd.f32 v18, v5  }
0x2a5: {  	v8 =	vadd.f32 v8, v5;
	v10 =	vtrunc.f32 v10;
	v12 =	vld [tilespmem:s3+$0x4100];
	v17 =	vmul.f32 v17, v4  }
0x2a6: {  	v10 =	vcvt.f32.s32 v10;
	v14 =	vshll.u32 v14, $0x4;
	v18 =	vmin.f32 v18, $5.115000000e+02  }
0x2a7: {  	v17 =	vadd.f32 v17, v5;
	v16 =	vmul.f32 v16, v4;
	v18 =	vtrunc.f32 v18  }
0x2a8: {  	v14 =	vor.u32 v0, v14;
	v10 =	vshll.u32 v10, $0x4;
	v18 =	vcvt.f32.s32 v18  }
0x2a9: {  	v10 =	vor.u32 v0, v10;
	v17 =	vmin.f32 v17, $5.115000000e+02;
	v16 =	vadd.f32 v16, v5  }
0x2aa: {  	v12 =	vmul.f32 v12, v4;
	v17 =	vtrunc.f32 v17;
	v18 =	vshll.u32 v18, $0x4  }
0x2ab: {  	[tilespmem:v15+s21+$0x0] =	vst.idx.add.f32.msk $0xffff, v2;
	v13 =	vtrunc.f32 v13;
	v17 =	vcvt.f32.s32 v17;
	v15 =	vor.u32 v0, v18  }
0x2ac: {  	v8 =	vmin.f32 v8, $5.115000000e+02;
	v16 =	vmin.f32 v16, $5.115000000e+02;
	v12 =	vadd.f32 v12, v5  }
0x2ad: {  	v8 =	vtrunc.f32 v8;
	[tilespmem:v14+s21+$0x0] =	vst.idx.add.f32.msk $0xffff, v2;
	v16 =	vtrunc.f32 v16;
	v17 =	vshll.u32 v17, $0x4  }
0x2ae: {  	v16 =	vcvt.f32.s32 v16;
	v12 =	vmin.f32 v12, $5.115000000e+02;
	[tilespmem:v10+s21+$0x0] =	vst.idx.add.f32.msk $0xffff, v2;
	v14 =	vor.u32 v0, v17  }
0x2af: {  	v11 =	vmin.f32 v11, $5.115000000e+02;
	v8 =	vcvt.f32.s32 v8;
	v17 =	vld [tilespmem:s16+$0x4090];
	v12 =	vtrunc.f32 v12  }
0x2b0: {  	v11 =	vtrunc.f32 v11;
	v16 =	vshll.u32 v16, $0x4;
	v12 =	vcvt.f32.s32 v12;
	[tilespmem:v15+s21+$0x0] =	vst.idx.add.f32.msk $0xffff, v2  }
0x2b1: {  	v10 =	vor.u32 v0, v16;
	v16 =	vshll.u32 v8, $0x4;
	v8 =	vor.u32 v0, v9;
	v15 =	vld [tilespmem:s3+$0x4190]  }
0x2b2: {  	v9 =	vcvt.f32.s32 v13;
	v13 =	vor.u32 v0, v16;
	v16 =	vadd.f32 v19, v5;
	v19 =	vld [tilespmem:s16+$0x4080]  }
0x2b3: {  	v11 =	vcvt.f32.s32 v11;
	v12 =	vshll.u32 v12, $0x4;
	[tilespmem:v14+s21+$0x0] =	vst.idx.add.f32.msk $0xffff, v2  }
0x2b4: {  	s7 =	sor.u32 $0x380, s7;
	v7 =	vshll.u32 v7, $0x4;
	v12 =	vor.u32 v0, v12;
	v14 =	vmul.f32 v17, v4;
	v17 =	vld [tilespmem:s0+$0x4290]  }
0x2b5: {  	v7 =	vor.u32 v0, v7;
	v11 =	vshll.u32 v11, $0x4;
	v18 =	vld [tilespmem:s7+$0x4000];
	v9 =	vshll.u32 v9, $0x4  }
0x2b6: {  	s6 =	sor.u32 $0x380, s6;
	v16 =	vmin.f32 v16, $5.115000000e+02;
	v9 =	vor.u32 v0, v9;
	[tilespmem:v10+s21+$0x0] =	vst.idx.add.f32.msk $0xffff, v2;
	v14 =	vadd.f32 v14, v5  }
0x2b7: {  	v11 =	vor.u32 v0, v11;
	v10 =	vtrunc.f32 v16;
	v16 =	vld [tilespmem:s6+$0x4000];
	v15 =	vmul.f32 v15, v4  }
0x2b8: {  	v10 =	vcvt.f32.s32 v10;
	v19 =	vmul.f32 v19, v4;
	v14 =	vmin.f32 v14, $5.115000000e+02  }
0x2b9: {  	[tilespmem:v12+s21+$0x0] =	vst.idx.add.f32.msk $0xffff, v2;
	v12 =	vtrunc.f32 v14;
	v14 =	vadd.f32 v15, v5;
	v15 =	vmul.f32 v17, v4  }
0x2ba: {  	v18 =	vmul.f32 v18, v4;
	[tilespmem:v13+s21+$0x0] =	vst.idx.add.f32.msk $0xffff, v2;
	v10 =	vshll.u32 v10, $0x4;
	v19 =	vadd.f32 v19, v5  }
0x2bb: {  	[tilespmem:v9+s21+$0x0] =	vst.idx.add.f32.msk $0xffff, v2;
	v12 =	vcvt.f32.s32 v12;
	v13 =	vmin.f32 v14, $5.115000000e+02;
	v14 =	vadd.f32 v15, v5  }
0x2bc: {  	s12 =	simm.s32 $0xE0;
	s18 =	simm.s32 $0x700;
	v17 =	vadd.f32 v18, v5;
	v18 =	vld [tilespmem:s3+$0x4180];
	v15 =	vmul.f32 v16, v4;
	v13 =	vtrunc.f32 v13  }
0x2bd: {  	s13 =	sand.u32 $0x3C00, s18;
	s6 =	sand.u32 $0x60, s12;
	v16 =	vld [tilespmem:s0+$0x4200];
	v12 =	vshll.u32 v12, $0x4;
	v9 =	vcvt.f32.s32 v13;
	v13 =	vmin.f32 v14, $5.115000000e+02  }
0x2be: {  	v12 =	vor.u32 v0, v12;
	v14 =	vadd.f32 v15, v5;
	v15 =	vld [tilespmem:s17+$0x4280];
	s17 =	sor.u32 s6, s13;
	v13 =	vtrunc.f32 v13  }
0x2bf: {  	v10 =	vor.u32 v0, v10;
	v20 =	vld [tilespmem:s17+$0x4010];
	v9 =	vshll.u32 v9, $0x4;
	v13 =	vcvt.f32.s32 v13  }
0x2c0: {  	v19 =	vmin.f32 v19, $5.115000000e+02;
	v21 =	vld [tilespmem:s17+$0x4000];
	v14 =	vmin.f32 v14, $5.115000000e+02;
	v9 =	vor.u32 v0, v9  }
0x2c1: {  	s15 =	sor.u32 $0x300, s4;
	[tilespmem:v11+s21+$0x0] =	vst.idx.add.f32.msk $0xffff, v2;
	v11 =	vtrunc.f32 v14;
	v14 =	vtrunc.f32 v19;
	v13 =	vshll.u32 v13, $0x4  }
0x2c2: {  	s7 =	simm.s32 $0x4;
	v18 =	vmul.f32 v18, v4;
	v19 =	vld [tilespmem:s15+$0x4000];
	v14 =	vcvt.f32.s32 v14;
	v13 =	vor.u32 v0, v13  }
0x2c3: {  	s19 =	sand.u32 $0x3, s7;
	v17 =	vmin.f32 v17, $5.115000000e+02;
	v11 =	vcvt.f32.s32 v11;
	[tilespmem:v12+s21+$0x0] =	vst.idx.add.f32.msk $0xffff, v2;
	v12 =	vmul.f32 v16, v4  }
0x2c4: {  	s6 =	sshll.u32 s19, $0x5;
	v15 =	vmul.f32 v15, v4;
	v62 =	vld [tilespmem:s16+$0x4110];
	v16 =	vmul.f32 v20, v4;
	v14 =	vshll.u32 v14, $0x4  }
0x2c5: {  	s6 =	sadd.s32 $0x400, s6;
	v11 =	vshll.u32 v11, $0x4;
	v21 =	vmul.f32 v21, v4;
	v14 =	vor.u32 v0, v14;
	[tilespmem:v9+s21+$0x0] =	vst.idx.add.f32.msk $0xffff, v2  }
0x2c6: {  	s26 =	sadd.s32 $0x10, s6;
	v9 =	vor.u32 v0, v11;
	v11 =	vadd.f32 v16, v5;
	v16 =	vadd.f32 v18, v5;
	v18 =	vld [tilespmem:s3+$0x4210]  }
0x2c7: {  	v17 =	vtrunc.f32 v17;
	s28 =	sor.u32 $0x300, s26;
	v12 =	vadd.f32 v12, v5;
	v19 =	vmul.f32 v19, v4;
	[tilespmem:v13+s21+$0x0] =	vst.idx.add.f32.msk $0xffff, v2  }
0x2c8: {  	v21 =	vadd.f32 v21, v5;
	v13 =	vcvt.f32.s32 v17;
	v11 =	vmin.f32 v11, $5.115000000e+02;
	v17 =	vld [tilespmem:s28+$0x4000]  }
0x2c9: {  	v15 =	vadd.f32 v15, v5;
	v20 =	vmul.f32 v62, v4;
	v11 =	vtrunc.f32 v11  }
0x2ca: {  	v12 =	vmin.f32 v12, $5.115000000e+02;
	v21 =	vmin.f32 v21, $5.115000000e+02;
	v11 =	vcvt.f32.s32 v11;
	[tilespmem:v14+s21+$0x0] =	vst.idx.add.f32.msk $0xffff, v2  }
0x2cb: {  	v14 =	vtrunc.f32 v21;
	v20 =	vadd.f32 v20, v5;
	v63 =	vld [tilespmem:s16+$0x4100];
	v18 =	vmul.f32 v18, v4  }
0x2cc: {  	v16 =	vmin.f32 v16, $5.115000000e+02;
	v14 =	vcvt.f32.s32 v14;
	v11 =	vshll.u32 v11, $0x4  }
0x2cd: {  	v20 =	vmin.f32 v20, $5.115000000e+02;
	v18 =	vadd.f32 v18, v5;
	v17 =	vmul.f32 v17, v4  }
0x2ce: {  	[tilespmem:v6+s21+$0x0] =	vst.idx.add.f32.msk $0xffff, v2;
	v6 =	vshll.u32 v14, $0x4;
	v11 =	vor.u32 v0, v11;
	v14 =	vtrunc.f32 v20  }
0x2cf: {  	[tilespmem:v7+s21+$0x0] =	vst.idx.add.f32.msk $0xffff, v2;
	v7 =	vcvt.f32.s32 v14;
	v14 =	vmin.f32 v18, $5.115000000e+02;
	v17 =	vadd.f32 v17, v5  }
0x2d0: {  	[tilespmem:v8+s21+$0x0] =	vst.idx.add.f32.msk $0xffff, v2;
	v6 =	vor.u32 v0, v6;
	v8 =	vmul.f32 v63, v4;
	v14 =	vtrunc.f32 v14  }
0x2d1: {  	[tilespmem:v10+s21+$0x0] =	vst.idx.add.f32.msk $0xffff, v2;
	v7 =	vshll.u32 v7, $0x4;
	v10 =	vcvt.f32.s32 v14;
	v14 =	vmin.f32 v17, $5.115000000e+02  }
0x2d2: {  	[tilespmem:v9+s21+$0x0] =	vst.idx.add.f32.msk $0xffff, v2;
	v7 =	vor.u32 v0, v7;
	v8 =	vadd.f32 v8, v5;
	v9 =	vtrunc.f32 v14  }
0x2d3: {  	s29 =	sor.u32 $0x380, s25;
	[tilespmem:v11+s21+$0x0] =	vst.idx.add.f32.msk $0xffff, v2;
	v14 =	vtrunc.f32 v16;
	v10 =	vshll.u32 v10, $0x4;
	v9 =	vcvt.f32.s32 v9  }
0x2d4: {  	v16 =	vld [tilespmem:s29+$0x4000];
	v14 =	vcvt.f32.s32 v14;
	v8 =	vmin.f32 v8, $5.115000000e+02;
	v10 =	vor.u32 v0, v10  }
0x2d5: {  	v11 =	vtrunc.f32 v12;
	v12 =	vld [tilespmem:s17+$0x4090];
	v8 =	vtrunc.f32 v8;
	v9 =	vshll.u32 v9, $0x4  }
0x2d6: {  	[tilespmem:v6+s21+$0x0] =	vst.idx.add.f32.msk $0xffff, v2;
	v14 =	vshll.u32 v14, $0x4;
	v6 =	vcvt.f32.s32 v8;
	v8 =	vor.u32 v0, v9  }
0x2d7: {  	[tilespmem:v7+s21+$0x0] =	vst.idx.add.f32.msk $0xffff, v2;
	v7 =	vmin.f32 v15, $5.115000000e+02;
	v9 =	vcvt.f32.s32 v11;
	v11 =	vor.u32 v0, v14  }
0x2d8: {  	v14 =	vadd.f32 v19, v5;
	v15 =	vld [tilespmem:s16+$0x4190];
	v7 =	vtrunc.f32 v7;
	v6 =	vshll.u32 v6, $0x4  }
0x2d9: {  	v9 =	vshll.u32 v9, $0x4;
	v17 =	vor.u32 v0, v6;
	[tilespmem:v10+s21+$0x0] =	vst.idx.add.f32.msk $0xffff, v2;
	v6 =	vcvt.f32.s32 v7  }
0x2da: {  	v7 =	vmin.f32 v14, $5.115000000e+02;
	v18 =	vor.u32 v0, v9;
	v9 =	vmul.f32 v12, v4;
	v10 =	vld [tilespmem:s3+$0x4290]  }
0x2db: {  	s9 =	sor.u32 $0x380, s26;
	v7 =	vtrunc.f32 v7;
	v12 =	vshll.u32 v13, $0x4;
	v6 =	vshll.u32 v6, $0x4;
	[tilespmem:v8+s21+$0x0] =	vst.idx.add.f32.msk $0xffff, v2  }
0x2dc: {  	v7 =	vcvt.f32.s32 v7;
	v8 =	vmul.f32 v16, v4;
	v13 =	vadd.f32 v9, v5;
	v14 =	vld [tilespmem:s9+$0x4000]  }
0x2dd: {  	v9 =	vor.u32 v0, v6;
	v6 =	vor.u32 v0, v12;
	v16 =	vld [tilespmem:s17+$0x4080];
	v15 =	vmul.f32 v15, v4  }
0x2de: {  	[tilespmem:v11+s21+$0x0] =	vst.idx.add.f32.msk $0xffff, v2;
	v7 =	vshll.u32 v7, $0x4;
	v8 =	vadd.f32 v8, v5;
	v12 =	vmin.f32 v13, $5.115000000e+02  }
0x2df: {  	v11 =	vld [tilespmem:s3+$0x4200];
	v15 =	vadd.f32 v15, v5;
	v13 =	vtrunc.f32 v12;
	v10 =	vmul.f32 v10, v4  }
0x2e0: {  	s4 =	sor.u32 $0x380, s4;
	s12 =	simm.s32 $0xE;
	[tilespmem:v17+s21+$0x0] =	vst.idx.add.f32.msk $0xffff, v2;
	v7 =	vor.u32 v0, v7;
	v17 =	vcvt.f32.s32 v13;
	v8 =	vmin.f32 v8, $5.115000000e+02  }
0x2e1: {  	s13 =	simm.s32 $0x800;
	s25 =	sor.u32 $0x380, s6;
	s26 =	sor.u32 $0x380, s8;
	v12 =	vld [tilespmem:s16+$0x4180];
	v19 =	vmin.f32 v15, $5.115000000e+02;
	v13 =	vadd.f32 v10, v5;
	v10 =	vmul.f32 v14, v4  }
0x2e2: {  	s9 =	sor.u32 $0x300, s8;
	s8 =	sor.u32 $0x300, s6;
	s6 =	simm.s32 $0x100;
	[tilespmem:v18+s21+$0x0] =	vst.idx.add.f32.msk $0xffff, v2;
	v15 =	vmul.f32 v16, v4;
	v16 =	vshll.u32 v17, $0x4;
	v14 =	vtrunc.f32 v19  }
.LBB2_7:
0x2e3: {  	s15 =	sand.u32 $0x60, s6;
	s28 =	sand.u32 $0x3C00, s13;
	v14 =	vcvt.f32.s32 v14;
	v13 =	vmin.f32 v13, $5.115000000e+02;
	v17 =	vld [tilespmem:s0+$0x4280];
	v10 =	vadd.f32 v10, v5;
	s0 =	smov.u32 s3  }
0x2e4: {  	v16 =	vor.u32 v0, v16;
	s3 =	smov.u32 s16;
	s16 =	smov.u32 s17;
	v15 =	vadd.f32 v15, v5;
	v13 =	vtrunc.f32 v13;
	[tilespmem:v9+s21+$0x0] =	vst.idx.add.f32.msk $0xffff, v2;
	s17 =	sor.u32 s15, s28  }
0x2e5: {  	v9 =	vld [tilespmem:s17+$0x4010];
	v14 =	vshll.u32 v14, $0x4;
	v13 =	vcvt.f32.s32 v13;
	v10 =	vmin.f32 v10, $5.115000000e+02  }
0x2e6: {  	s12 =	sadd.s32 $0x2, s12;
	v18 =	vld [tilespmem:s17+$0x4000];
	v15 =	vmin.f32 v15, $5.115000000e+02;
	v14 =	vor.u32 v0, v14;
	v10 =	vtrunc.f32 v10  }
0x2e7: {  	p1 =	slt.u32 s12, $0x7E;
	v15 =	vtrunc.f32 v15;
	v13 =	vshll.u32 v13, $0x4;
	v10 =	vcvt.f32.s32 v10;
	v19 =	vld [tilespmem:s9+$0x4000];
	s9 =	smov.u32 s8  }
0x2e8: {  	s7 =	sadd.s32 $0x1, s7;
	v12 =	vmul.f32 v12, v4;
	v15 =	vcvt.f32.s32 v15;
	v13 =	vor.u32 v0, v13;
	[tilespmem:v7+s21+$0x0] =	vst.idx.add.f32.msk $0xffff, v2  }
0x2e9: {  	s8 =	sand.u32 $0x3, s7;
	v7 =	vmul.f32 v11, v4;
	v11 =	vmul.f32 v17, v4;
	[tilespmem:v16+s21+$0x0] =	vst.idx.add.f32.msk $0xffff, v2;
	v10 =	vshll.u32 v10, $0x4  }
0x2ea: {  	s8 =	sshll.u32 s8, $0x5;
	v9 =	vmul.f32 v9, v4;
	v15 =	vshll.u32 v15, $0x4;
	v16 =	vld [tilespmem:s16+$0x4110];
	v10 =	vor.u32 v0, v10  }
0x2eb: {  	v8 =	vtrunc.f32 v8;
	s15 =	sadd.s32 s8, s1;
	s1 =	smov.u32 s14;
	s14 =	smov.u32 s18;
	v17 =	vmul.f32 v18, v4;
	v15 =	vor.u32 v0, v15;
	[tilespmem:v14+s21+$0x0] =	vst.idx.add.f32.msk $0xffff, v2  }
0x2ec: {  	v12 =	vadd.f32 v12, v5;
	s8 =	sor.u32 $0x300, s15;
	s28 =	sor.u32 $0x380, s15;
	s15 =	sadd.s32 $0x10, s15;
	v9 =	vadd.f32 v9, v5;
	v14 =	vld [tilespmem:s3+$0x4210];
	v18 =	vmul.f32 v19, v4  }
0x2ed: {  	v8 =	vcvt.f32.s32 v8;
	s18 =	smov.u32 s13;
	v7 =	vadd.f32 v7, v5;
	s29 =	sor.u32 $0x300, s15;
	v17 =	vadd.f32 v17, v5;
	[tilespmem:v13+s21+$0x0] =	vst.idx.add.f32.msk $0xffff, v2  }
0x2ee: {  	v12 =	vmin.f32 v12, $5.115000000e+02;
	v11 =	vadd.f32 v11, v5;
	v9 =	vmin.f32 v9, $5.115000000e+02;
	v13 =	vld [tilespmem:s29+$0x4000]  }
0x2ef: {  	v17 =	vmin.f32 v17, $5.115000000e+02;
	v9 =	vtrunc.f32 v9;
	v16 =	vmul.f32 v16, v4;
	[tilespmem:v10+s21+$0x0] =	vst.idx.add.f32.msk $0xffff, v2  }
0x2f0: {  	v7 =	vmin.f32 v7, $5.115000000e+02;
	v10 =	vtrunc.f32 v17;
	v9 =	vcvt.f32.s32 v9;
	[tilespmem:v15+s21+$0x0] =	vst.idx.add.f32.msk $0xffff, v2  }
0x2f1: {  	v10 =	vcvt.f32.s32 v10;
	v15 =	vld [tilespmem:s16+$0x4100];
	v16 =	vadd.f32 v16, v5;
	v14 =	vmul.f32 v14, v4  }
0x2f2: {  	v12 =	vtrunc.f32 v12;
	v7 =	vtrunc.f32 v7;
	v9 =	vshll.u32 v9, $0x4;
	v17 =	vld [tilespmem:s4+$0x4000];
	s4 =	smov.u32 s26;
	s26 =	smov.u32 s25;
	s25 =	smov.u32 s28  }
0x2f3: {  	v16 =	vmin.f32 v16, $5.115000000e+02;
	v14 =	vadd.f32 v14, v5;
	v13 =	vmul.f32 v13, v4;
	[tilespmem:v6+s21+$0x0] =	vst.idx.add.f32.msk $0xffff, v2  }
0x2f4: {  	v6 =	vshll.u32 v10, $0x4;
	v9 =	vor.u32 v0, v9;
	v10 =	vtrunc.f32 v16  }
0x2f5: {  	v10 =	vcvt.f32.s32 v10;
	v14 =	vmin.f32 v14, $5.115000000e+02;
	v13 =	vadd.f32 v13, v5  }
0x2f6: {  	v6 =	vor.u32 v0, v6;
	v15 =	vmul.f32 v15, v4;
	v14 =	vtrunc.f32 v14  }
0x2f7: {  	v10 =	vshll.u32 v10, $0x4;
	v14 =	vcvt.f32.s32 v14;
	v13 =	vmin.f32 v13, $5.115000000e+02  }
0x2f8: {  	v15 =	vadd.f32 v15, v5;
	v10 =	vor.u32 v0, v10;
	v13 =	vtrunc.f32 v13  }
0x2f9: {  	v12 =	vcvt.f32.s32 v12;
	v14 =	vshll.u32 v14, $0x4;
	v13 =	vcvt.f32.s32 v13  }
0x2fa: {  	v7 =	vcvt.f32.s32 v7;
	[tilespmem:v9+s21+$0x0] =	vst.idx.add.f32.msk $0xffff, v2;
	v9 =	vmin.f32 v15, $5.115000000e+02;
	v14 =	vor.u32 v0, v14  }
0x2fb: {  	v12 =	vshll.u32 v12, $0x4;
	v15 =	vld [tilespmem:s17+$0x4090];
	v9 =	vtrunc.f32 v9;
	v13 =	vshll.u32 v13, $0x4  }
0x2fc: {  	v16 =	vor.u32 v0, v12;
	[tilespmem:v6+s21+$0x0] =	vst.idx.add.f32.msk $0xffff, v2;
	v6 =	vcvt.f32.s32 v9;
	v9 =	vor.u32 v0, v13  }
0x2fd: {  	v7 =	vshll.u32 v7, $0x4;
	[tilespmem:v10+s21+$0x0] =	vst.idx.add.f32.msk $0xffff, v2;
	v10 =	vmin.f32 v11, $5.115000000e+02;
	v11 =	vadd.f32 v18, v5  }
0x2fe: {  	v18 =	vor.u32 v0, v7;
	v6 =	vshll.u32 v6, $0x4;
	v12 =	vld [tilespmem:s16+$0x4190];
	v7 =	vtrunc.f32 v10  }
0x2ff: {  	v10 =	vor.u32 v0, v6;
	[tilespmem:v14+s21+$0x0] =	vst.idx.add.f32.msk $0xffff, v2;
	v6 =	vcvt.f32.s32 v7;
	v7 =	vmin.f32 v11, $5.115000000e+02  }
0x300: {  	v8 =	vshll.u32 v8, $0x4;
	v11 =	vmul.f32 v15, v4;
	v13 =	vld [tilespmem:s3+$0x4290];
	v7 =	vtrunc.f32 v7  }
0x301: {  	s15 =	sor.u32 $0x380, s15;
	v14 =	vmul.f32 v17, v4;
	[tilespmem:v9+s21+$0x0] =	vst.idx.add.f32.msk $0xffff, v2;
	v6 =	vshll.u32 v6, $0x4;
	v7 =	vcvt.f32.s32 v7  }
0x302: {  	v11 =	vadd.f32 v11, v5;
	v15 =	vld [tilespmem:s15+$0x4000];
	v9 =	vor.u32 v0, v6;
	v6 =	vor.u32 v0, v8  }
0x303: {  	v14 =	vadd.f32 v14, v5;
	v17 =	vld [tilespmem:s17+$0x4080];
	v8 =	vmul.f32 v12, v4;
	v7 =	vshll.u32 v7, $0x4  }
.Ltmp2:
0x304: {  	v11 =	vmin.f32 v11, $5.115000000e+02;
	[tilespmem:v10+s21+$0x0] =	vst.idx.add.f32.msk $0xffff, v2;
	v7 =	vor.u32 v0, v7;
	(pc) =	sbr.rel @p1 .LBB2_7-.Ltmp2, $4  }
0x305: {  	v10 =	vtrunc.f32 v11;
	v12 =	vld [tilespmem:s16+$0x4180];
	v11 =	vadd.f32 v8, v5;
	v13 =	vmul.f32 v13, v4  }
0x306: {  	v8 =	vmin.f32 v14, $5.115000000e+02;
	v19 =	vcvt.f32.s32 v10;
	[tilespmem:v16+s21+$0x0] =	vst.idx.add.f32.msk $0xffff, v2  }
0x307: {  	v14 =	vmin.f32 v11, $5.115000000e+02;
	v11 =	vld [tilespmem:s3+$0x4200];
	v13 =	vadd.f32 v13, v5;
	v10 =	vmul.f32 v15, v4  }
0x308: {  	s6 =	sadd.s32 $0x20, s6;
	s13 =	sadd.s32 $0x100, s13;
	v15 =	vmul.f32 v17, v4;
	v16 =	vshll.u32 v19, $0x4;
	v14 =	vtrunc.f32 v14;
	[tilespmem:v18+s21+$0x0] =	vst.idx.add.f32.msk $0xffff, v2  }
0x309: {  	v16 =	vor.u32 v0, v16;
	_ =	sdelay $0x1  }
0x30a: {  	v15 =	vadd.f32 v15, v5;
	_ =	sdelay $0x1  }
0x30b: {  	v15 =	vmin.f32 v15, $5.115000000e+02  }
0x30c: {  	v15 =	vtrunc.f32 v15;
	[tilespmem:v16+s21+$0x0] =	vst.idx.add.f32.msk $0xffff, v2  }
0x30d: {  	v15 =	vcvt.f32.s32 v15;
	v16 =	vld [tilespmem:s17+$0x4110];
	_ =	sdelay $0x1  }
0x30e: {  	v15 =	vshll.u32 v15, $0x4  }
0x30f: {  	v15 =	vor.u32 v0, v15;
	_ =	sdelay $0x1  }
0x310: {  	v16 =	vmul.f32 v16, v4;
	_ =	sdelay $0x1  }
0x311: {  	v16 =	vadd.f32 v16, v5  }
0x312: {  	[tilespmem:v15+s21+$0x0] =	vst.idx.add.f32.msk $0xffff, v2  }
0x313: {  	v15 =	vld [tilespmem:s17+$0x4100];
	v16 =	vmin.f32 v16, $5.115000000e+02  }
0x314: {  	v16 =	vtrunc.f32 v16  }
0x315: {  	v16 =	vcvt.f32.s32 v16;
	_ =	sdelay $0x1  }
0x316: {  	v16 =	vshll.u32 v16, $0x4  }
0x317: {  	v15 =	vmul.f32 v15, v4;
	v16 =	vor.u32 v0, v16;
	_ =	sdelay $0x1  }
0x318: {  	v15 =	vadd.f32 v15, v5;
	_ =	sdelay $0x1  }
0x319: {  	v15 =	vmin.f32 v15, $5.115000000e+02  }
0x31a: {  	v15 =	vtrunc.f32 v15;
	[tilespmem:v16+s21+$0x0] =	vst.idx.add.f32.msk $0xffff, v2  }
0x31b: {  	v15 =	vcvt.f32.s32 v15;
	v16 =	vld [tilespmem:s17+$0x4190];
	_ =	sdelay $0x1  }
0x31c: {  	v15 =	vshll.u32 v15, $0x4  }
0x31d: {  	v15 =	vor.u32 v0, v15;
	_ =	sdelay $0x1  }
0x31e: {  	v16 =	vmul.f32 v16, v4;
	_ =	sdelay $0x1  }
0x31f: {  	v14 =	vcvt.f32.s32 v14;
	v16 =	vadd.f32 v16, v5  }
0x320: {  	[tilespmem:v15+s21+$0x0] =	vst.idx.add.f32.msk $0xffff, v2  }
0x321: {  	v14 =	vshll.u32 v14, $0x4;
	v15 =	vld [tilespmem:s17+$0x4180];
	v16 =	vmin.f32 v16, $5.115000000e+02  }
0x322: {  	v14 =	vor.u32 v0, v14;
	v16 =	vtrunc.f32 v16  }
0x323: {  	v12 =	vmul.f32 v12, v4;
	v16 =	vcvt.f32.s32 v16;
	_ =	sdelay $0x1  }
0x324: {  	v12 =	vadd.f32 v12, v5;
	v16 =	vshll.u32 v16, $0x4  }
0x325: {  	v15 =	vmul.f32 v15, v4;
	v16 =	vor.u32 v0, v16  }
0x326: {  	v12 =	vmin.f32 v12, $5.115000000e+02;
	[tilespmem:v14+s21+$0x0] =	vst.idx.add.f32.msk $0xffff, v2  }
0x327: {  	v12 =	vtrunc.f32 v12;
	v14 =	vadd.f32 v15, v5;
	v15 =	vld [tilespmem:s16+$0x4210]  }
0x328: {  	v12 =	vcvt.f32.s32 v12  }
0x329: {  	v14 =	vmin.f32 v14, $5.115000000e+02  }
0x32a: {  	v12 =	vshll.u32 v12, $0x4;
	v14 =	vtrunc.f32 v14;
	[tilespmem:v16+s21+$0x0] =	vst.idx.add.f32.msk $0xffff, v2  }
0x32b: {  	v12 =	vor.u32 v0, v12;
	v14 =	vcvt.f32.s32 v14;
	v16 =	vld [tilespmem:s17+$0x4210]  }
0x32c: {  	v15 =	vmul.f32 v15, v4  }
0x32d: {  	v14 =	vshll.u32 v14, $0x4  }
0x32e: {  	v14 =	vor.u32 v0, v14;
	v15 =	vadd.f32 v15, v5;
	_ =	sdelay $0x1  }
0x32f: {  	[tilespmem:v12+s21+$0x0] =	vst.idx.add.f32.msk $0xffff, v2;
	v15 =	vmin.f32 v15, $5.115000000e+02;
	v16 =	vmul.f32 v16, v4  }
0x330: {  	v12 =	vtrunc.f32 v15;
	v15 =	vld [tilespmem:s16+$0x4200]  }
0x331: {  	v12 =	vcvt.f32.s32 v12;
	v16 =	vadd.f32 v16, v5  }
0x332: {  	v11 =	vmul.f32 v11, v4;
	[tilespmem:v14+s21+$0x0] =	vst.idx.add.f32.msk $0xffff, v2  }
0x333: {  	v12 =	vshll.u32 v12, $0x4;
	v14 =	vmin.f32 v16, $5.115000000e+02;
	v16 =	vld [tilespmem:s17+$0x4200]  }
0x334: {  	v11 =	vadd.f32 v11, v5;
	v12 =	vor.u32 v0, v12;
	v14 =	vtrunc.f32 v14  }
0x335: {  	v13 =	vmin.f32 v13, $5.115000000e+02;
	v15 =	vmul.f32 v15, v4;
	v14 =	vcvt.f32.s32 v14  }
0x336: {  	v13 =	vtrunc.f32 v13;
	v11 =	vmin.f32 v11, $5.115000000e+02  }
0x337: {  	v11 =	vtrunc.f32 v11;
	v15 =	vadd.f32 v15, v5;
	v14 =	vshll.u32 v14, $0x4  }
0x338: {  	v11 =	vcvt.f32.s32 v11;
	v14 =	vor.u32 v0, v14;
	v16 =	vmul.f32 v16, v4  }
0x339: {  	v13 =	vcvt.f32.s32 v13;
	[tilespmem:v12+s21+$0x0] =	vst.idx.add.f32.msk $0xffff, v2;
	v12 =	vmin.f32 v15, $5.115000000e+02  }
0x33a: {  	v11 =	vshll.u32 v11, $0x4;
	v12 =	vtrunc.f32 v12;
	v15 =	vadd.f32 v16, v5;
	v16 =	vld [tilespmem:s16+$0x4290]  }
0x33b: {  	v11 =	vor.u32 v0, v11;
	v12 =	vcvt.f32.s32 v12  }
0x33c: {  	v17 =	vld [tilespmem:s0+$0x4280];
	v13 =	vshll.u32 v13, $0x4;
	v15 =	vmin.f32 v15, $5.115000000e+02  }
0x33d: {  	v13 =	vor.u32 v0, v13;
	v12 =	vshll.u32 v12, $0x4;
	[tilespmem:v14+s21+$0x0] =	vst.idx.add.f32.msk $0xffff, v2;
	v14 =	vtrunc.f32 v15  }
0x33e: {  	v12 =	vor.u32 v0, v12;
	v15 =	vld [tilespmem:s17+$0x4290];
	v14 =	vcvt.f32.s32 v14  }
0x33f: {  	v16 =	vmul.f32 v16, v4  }
0x340: {  	[tilespmem:v11+s21+$0x0] =	vst.idx.add.f32.msk $0xffff, v2;
	v14 =	vshll.u32 v14, $0x4  }
0x341: {  	v11 =	vor.u32 v0, v14;
	v14 =	vmul.f32 v17, v4;
	v16 =	vadd.f32 v16, v5;
	v17 =	vld [tilespmem:s3+$0x4280]  }
0x342: {  	s7 =	sadd.s32 $0x1, s7;
	[tilespmem:v13+s21+$0x0] =	vst.idx.add.f32.msk $0xffff, v2  }
0x343: {  	s6 =	sand.u32 $0x3, s7;
	[tilespmem:v12+s21+$0x0] =	vst.idx.add.f32.msk $0xffff, v2;
	v13 =	vmul.f32 v15, v4;
	v14 =	vadd.f32 v14, v5;
	v15 =	vmin.f32 v16, $5.115000000e+02  }
0x344: {  	s0 =	sshll.u32 s6, $0x5;
	v12 =	vtrunc.f32 v15;
	v15 =	vld [tilespmem:s16+$0x4280]  }
0x345: {  	s0 =	sadd.s32 s0, s1;
	v13 =	vadd.f32 v13, v5;
	v14 =	vmin.f32 v14, $5.115000000e+02;
	v12 =	vcvt.f32.s32 v12  }
0x346: {  	s6 =	sadd.s32 $0x10, s0;
	[tilespmem:v11+s21+$0x0] =	vst.idx.add.f32.msk $0xffff, v2;
	v11 =	vtrunc.f32 v14;
	v14 =	vmul.f32 v17, v4  }
0x347: {  	v10 =	vadd.f32 v10, v5;
	s12 =	sor.u32 $0x300, s6;
	v13 =	vmin.f32 v13, $5.115000000e+02;
	v16 =	vld [tilespmem:s17+$0x4280];
	v11 =	vcvt.f32.s32 v11  }
0x348: {  	v17 =	vld [tilespmem:s12+$0x4000];
	v12 =	vshll.u32 v12, $0x4;
	v13 =	vtrunc.f32 v13;
	v14 =	vadd.f32 v14, v5  }
0x349: {  	s13 =	sadd.s32 $0x1, s7;
	v12 =	vor.u32 v0, v12;
	v13 =	vcvt.f32.s32 v13;
	v15 =	vmul.f32 v15, v4  }
0x34a: {  	[tilespmem:v9+s21+$0x0] =	vst.idx.add.f32.msk $0xffff, v2;
	v8 =	vtrunc.f32 v8;
	s15 =	sand.u32 $0x3, s13;
	v9 =	vshll.u32 v11, $0x4;
	v11 =	vmin.f32 v14, $5.115000000e+02  }
0x34b: {  	s1 =	sshll.u32 s15, $0x5;
	v9 =	vor.u32 v0, v9;
	v13 =	vshll.u32 v13, $0x4;
	v15 =	vadd.f32 v15, v5  }
0x34c: {  	s1 =	sadd.s32 s1, s14;
	s3 =	sadd.s32 $0x1, s13;
	v14 =	vld [tilespmem:s9+$0x4000];
	v11 =	vtrunc.f32 v11;
	v13 =	vor.u32 v0, v13;
	v16 =	vmul.f32 v16, v4  }
0x34d: {  	v10 =	vmin.f32 v10, $5.115000000e+02;
	s3 =	sand.u32 $0x3, s3;
	s16 =	sadd.s32 $0x10, s1;
	v17 =	vmul.f32 v17, v4;
	v11 =	vcvt.f32.s32 v11  }
0x34e: {  	v10 =	vtrunc.f32 v10;
	s3 =	sshll.u32 s3, $0x5;
	s17 =	sor.u32 $0x300, s16;
	[tilespmem:v12+s21+$0x0] =	vst.idx.add.f32.msk $0xffff, v2;
	v12 =	vmin.f32 v15, $5.115000000e+02;
	v15 =	vadd.f32 v16, v5  }
0x34f: {  	s3 =	sadd.s32 s3, s18;
	v16 =	vadd.f32 v17, v5;
	v17 =	vld [tilespmem:s17+$0x4000];
	v12 =	vtrunc.f32 v12;
	v11 =	vshll.u32 v11, $0x4  }
0x350: {  	s19 =	sadd.s32 $0x10, s3;
	v12 =	vcvt.f32.s32 v12;
	v11 =	vor.u32 v0, v11;
	[tilespmem:v9+s21+$0x0] =	vst.idx.add.f32.msk $0xffff, v2;
	v15 =	vmin.f32 v15, $5.115000000e+02  }
0x351: {  	s12 =	sor.u32 $0x300, s19;
	v14 =	vmul.f32 v14, v4;
	[tilespmem:v13+s21+$0x0] =	vst.idx.add.f32.msk $0xffff, v2;
	v13 =	vtrunc.f32 v15  }
0x352: {  	v15 =	vmin.f32 v16, $5.115000000e+02;
	v12 =	vshll.u32 v12, $0x4;
	v16 =	vld [tilespmem:s12+$0x4000];
	v13 =	vcvt.f32.s32 v13  }
0x353: {  	v15 =	vtrunc.f32 v15;
	v9 =	vor.u32 v0, v12;
	v12 =	vadd.f32 v14, v5;
	v14 =	vld [tilespmem:s8+$0x4000]  }
0x354: {  	v17 =	vmul.f32 v17, v4;
	v15 =	vcvt.f32.s32 v15;
	v13 =	vshll.u32 v13, $0x4  }
0x355: {  	v8 =	vcvt.f32.s32 v8;
	v10 =	vcvt.f32.s32 v10;
	s29 =	sor.u32 $0x300, s0;
	[tilespmem:v11+s21+$0x0] =	vst.idx.add.f32.msk $0xffff, v2;
	v13 =	vor.u32 v0, v13  }
0x356: {  	v17 =	vadd.f32 v17, v5;
	v11 =	vshll.u32 v15, $0x4;
	v15 =	vld [tilespmem:s29+$0x4000]  }
0x357: {  	v8 =	vshll.u32 v8, $0x4;
	v10 =	vshll.u32 v10, $0x4;
	v16 =	vmul.f32 v16, v4  }
0x358: {  	s2 =	sor.u32 $0x300, s1;
	v11 =	vor.u32 v0, v11;
	v17 =	vmin.f32 v17, $5.115000000e+02;
	[tilespmem:v9+s21+$0x0] =	vst.idx.add.f32.msk $0xffff, v2;
	v9 =	vmul.f32 v14, v4  }
0x359: {  	v12 =	vmin.f32 v12, $5.115000000e+02;
	v14 =	vtrunc.f32 v17;
	v17 =	vld [tilespmem:s2+$0x4000];
	v16 =	vadd.f32 v16, v5  }
0x35a: {  	s12 =	sor.u32 $0x300, s3;
	v12 =	vtrunc.f32 v12;
	v14 =	vcvt.f32.s32 v14;
	v9 =	vadd.f32 v9, v5;
	[tilespmem:v13+s21+$0x0] =	vst.idx.add.f32.msk $0xffff, v2  }
0x35b: {  	v12 =	vcvt.f32.s32 v12;
	v15 =	vmul.f32 v15, v4;
	v13 =	vmin.f32 v16, $5.115000000e+02;
	v16 =	vld [tilespmem:s12+$0x4000]  }
0x35c: {  	v14 =	vshll.u32 v14, $0x4;
	v9 =	vmin.f32 v9, $5.115000000e+02;
	v13 =	vtrunc.f32 v13  }
0x35d: {  	s6 =	sor.u32 $0x380, s6;
	[tilespmem:v11+s21+$0x0] =	vst.idx.add.f32.msk $0xffff, v2;
	v11 =	vor.u32 v0, v14;
	v9 =	vtrunc.f32 v9;
	v15 =	vadd.f32 v15, v5  }
0x35e: {  	v12 =	vshll.u32 v12, $0x4;
	v14 =	vld [tilespmem:s6+$0x4000];
	v13 =	vcvt.f32.s32 v13;
	v17 =	vmul.f32 v17, v4  }
0x35f: {  	[tilespmem:v7+s21+$0x0] =	vst.idx.add.f32.msk $0xffff, v2;
	v7 =	vor.u32 v0, v12;
	v9 =	vcvt.f32.s32 v9;
	v15 =	vmin.f32 v15, $5.115000000e+02  }
0x360: {  	v12 =	vshll.u32 v13, $0x4;
	v13 =	vld [tilespmem:s4+$0x4000];
	v17 =	vadd.f32 v17, v5;
	v16 =	vmul.f32 v16, v4  }
0x361: {  	v9 =	vshll.u32 v9, $0x4;
	v15 =	vtrunc.f32 v15;
	v12 =	vor.u32 v0, v12  }
0x362: {  	s13 =	sor.u32 $0x380, s16;
	[tilespmem:v11+s21+$0x0] =	vst.idx.add.f32.msk $0xffff, v2;
	v11 =	vcvt.f32.s32 v15;
	v15 =	vmin.f32 v17, $5.115000000e+02;
	v16 =	vadd.f32 v16, v5  }
0x363: {  	v9 =	vor.u32 v0, v9;
	v14 =	vmul.f32 v14, v4;
	v17 =	vld [tilespmem:s13+$0x4000];
	v15 =	vtrunc.f32 v15  }
0x364: {  	[tilespmem:v7+s21+$0x0] =	vst.idx.add.f32.msk $0xffff, v2;
	v7 =	vshll.u32 v11, $0x4;
	v11 =	vcvt.f32.s32 v15;
	v15 =	vmin.f32 v16, $5.115000000e+02  }
0x365: {  	v13 =	vmul.f32 v13, v4;
	v16 =	vld [tilespmem:s26+$0x4000];
	v7 =	vor.u32 v0, v7;
	v15 =	vtrunc.f32 v15  }
0x366: {  	s14 =	sor.u32 $0x380, s19;
	v14 =	vadd.f32 v14, v5;
	[tilespmem:v12+s21+$0x0] =	vst.idx.add.f32.msk $0xffff, v2;
	v11 =	vshll.u32 v11, $0x4;
	v12 =	vcvt.f32.s32 v15  }
0x367: {  	v10 =	vor.u32 v0, v10;
	v13 =	vadd.f32 v13, v5;
	v15 =	vld [tilespmem:s14+$0x4000];
	v11 =	vor.u32 v0, v11  }
0x368: {  	v14 =	vmin.f32 v14, $5.115000000e+02;
	[tilespmem:v9+s21+$0x0] =	vst.idx.add.f32.msk $0xffff, v2;
	v17 =	vmul.f32 v17, v4;
	v9 =	vshll.u32 v12, $0x4  }
0x369: {  	v12 =	vmin.f32 v13, $5.115000000e+02;
	v13 =	vtrunc.f32 v14;
	v14 =	vld [tilespmem:s25+$0x4000];
	v9 =	vor.u32 v0, v9  }
0x36a: {  	s0 =	sor.u32 $0x380, s0;
	v12 =	vtrunc.f32 v12;
	v16 =	vmul.f32 v16, v4;
	v17 =	vadd.f32 v17, v5;
	[tilespmem:v7+s21+$0x0] =	vst.idx.add.f32.msk $0xffff, v2  }
0x36b: {  	v7 =	vor.u32 v0, v8;
	v8 =	vcvt.f32.s32 v13;
	v12 =	vcvt.f32.s32 v12;
	v13 =	vld [tilespmem:s0+$0x4000]  }
0x36c: {  	s15 =	sor.u32 $0x380, s1;
	v16 =	vadd.f32 v16, v5;
	v17 =	vmin.f32 v17, $5.115000000e+02;
	v15 =	vmul.f32 v15, v4;
	[tilespmem:v11+s21+$0x0] =	vst.idx.add.f32.msk $0xffff, v2  }
0x36d: {  	v8 =	vshll.u32 v8, $0x4;
	v11 =	vshll.u32 v12, $0x4;
	v12 =	vtrunc.f32 v17;
	v17 =	vld [tilespmem:s15+$0x4000]  }
0x36e: {  	s16 =	sor.u32 $0x380, s3;
	v16 =	vmin.f32 v16, $5.115000000e+02;
	v12 =	vcvt.f32.s32 v12;
	v15 =	vadd.f32 v15, v5;
	[tilespmem:v9+s21+$0x0] =	vst.idx.add.f32.msk $0xffff, v2  }
0x36f: {  	v14 =	vmul.f32 v14, v4;
	v9 =	vor.u32 v0, v11;
	v11 =	vtrunc.f32 v16;
	v16 =	vld [tilespmem:s16+$0x4000]  }
0x370: {  	v8 =	vor.u32 v0, v8;
	v12 =	vshll.u32 v12, $0x4;
	v11 =	vcvt.f32.s32 v11  }
0x371: {  	v15 =	vmin.f32 v15, $5.115000000e+02;
	v13 =	vmul.f32 v13, v4;
	v14 =	vadd.f32 v14, v5  }
0x372: {  	v12 =	vor.u32 v0, v12;
	v15 =	vtrunc.f32 v15;
	v11 =	vshll.u32 v11, $0x4  }
0x373: {  	v15 =	vcvt.f32.s32 v15;
	v17 =	vmul.f32 v17, v4;
	v13 =	vadd.f32 v13, v5  }
0x374: {  	v14 =	vmin.f32 v14, $5.115000000e+02;
	v11 =	vor.u32 v0, v11;
	v16 =	vmul.f32 v16, v4  }
0x375: {  	v14 =	vtrunc.f32 v14;
	v15 =	vshll.u32 v15, $0x4;
	v17 =	vadd.f32 v17, v5  }
0x376: {  	[tilespmem:v10+s21+$0x0] =	vst.idx.add.f32.msk $0xffff, v2;
	v13 =	vmin.f32 v13, $5.115000000e+02;
	v10 =	vcvt.f32.s32 v14;
	v16 =	vadd.f32 v16, v5  }
0x377: {  	v15 =	vor.u32 v0, v15;
	v13 =	vtrunc.f32 v13;
	v14 =	vmin.f32 v17, $5.115000000e+02  }
0x378: {  	[tilespmem:v6+s21+$0x0] =	vst.idx.add.f32.msk $0xffff, v2;
	v6 =	vcvt.f32.s32 v13;
	v13 =	vtrunc.f32 v14;
	v14 =	vmin.f32 v16, $5.115000000e+02  }
0x379: {  	[tilespmem:v8+s21+$0x0] =	vst.idx.add.f32.msk $0xffff, v2;
	v8 =	vshll.u32 v10, $0x4;
	v10 =	vcvt.f32.s32 v13;
	v13 =	vtrunc.f32 v14  }
0x37a: {  	[tilespmem:v7+s21+$0x0] =	vst.idx.add.f32.msk $0xffff, v2;
	v7 =	vor.u32 v0, v8;
	v6 =	vshll.u32 v6, $0x4;
	v8 =	vcvt.f32.s32 v13  }
0x37b: {  	[tilespmem:v9+s21+$0x0] =	vst.idx.add.f32.msk $0xffff, v2;
	v6 =	vor.u32 v0, v6;
	v10 =	vshll.u32 v10, $0x4  }
0x37c: {  	[tilespmem:v12+s21+$0x0] =	vst.idx.add.f32.msk $0xffff, v2;
	v9 =	vor.u32 v0, v10;
	v8 =	vshll.u32 v8, $0x4  }
0x37d: {  	[tilespmem:v11+s21+$0x0] =	vst.idx.add.f32.msk $0xffff, v2;
	v8 =	vor.u32 v0, v8  }
0x37e: {  	s0 =	sshll.u32 s31, $0x5;
	[tilespmem:v15+s21+$0x0] =	vst.idx.add.f32.msk $0xffff, v2  }
0x37f: {  	s1 =	sadd.s32 @!p0 s0, s5;
	[tilespmem:v7+s21+$0x0] =	vst.idx.add.f32.msk $0xffff, v2  }
0x380: {  	s1 =	sshll.u32 @!p0 s1, $0x8;
	[tilespmem:v6+s21+$0x0] =	vst.idx.add.f32.msk $0xffff, v2  }
0x381: {  	s3 =	sadd.s32 @!p0 s10, s1;
	[tilespmem:v9+s21+$0x0] =	vst.idx.add.f32.msk $0xffff, v2  }
0x382: {  	s6 =	simm.s32 @!p0 $0x4000;
	s4 =	simm.s32 @!p0 $0x0;
	s1 =	sadd.s32 @!p0 $0x800, s3;
	[tilespmem:v8+s21+$0x0] =	vst.idx.add.f32.msk $0xffff, v2  }
0x383: {  	[tilespmem:s6], [sflag:$0x2] =	stream.linear.gather @!p0 [hbm4b:s1+s4], $0x4000, $0x38;
	[tilespmem:$0x12300] =	vst v63  }
0x384: {  	s17 =	simm.s32 $0x0;
	_ =	swait.ge [sflag:s23], $0x4000  }
0x385: {  	s18 =	sand.u32 $0x60, s17;
	s19 =	sand.u32 $0x3C00, s17;
	[sflag:s23] =	ssyncset.done $0x0  }
0x386: {  	s8 =	sor.u32 s18, s19;
	[sflag:s23] =	ssyncadd.s32 $0xFFFFC000  }
0x387: {  	v6 =	vld [tilespmem:s8+$0x8010];
	_ =	sdelay $0x4  }
0x388: {  	v6 =	vmul.f32 v6, v4;
	_ =	sdelay $0x1  }
0x389: {  	v6 =	vadd.f32 v6, v5;
	_ =	sdelay $0x1  }
0x38a: {  	v6 =	vmin.f32 v6, $5.115000000e+02  }
0x38b: {  	v6 =	vtrunc.f32 v6  }
0x38c: {  	v6 =	vcvt.f32.s32 v6;
	_ =	sdelay $0x1  }
0x38d: {  	v6 =	vshll.u32 v6, $0x4  }
0x38e: {  	v6 =	vor.u32 v0, v6;
	_ =	sdelay $0x4  }
0x38f: {  	[tilespmem:v6+s21+$0x0] =	vst.idx.add.f32.msk $0xffff, v2  }
0x390: {  	s26 =	simm.s32 $0x20;
	s25 =	simm.s32 $0x100;
	v6 =	vld [tilespmem:s8+$0x8090]  }
0x391: {  	s6 =	sand.u32 $0x60, s26;
	s4 =	sand.u32 $0x3C00, s25  }
0x392: {  	s4 =	sor.u32 s6, s4  }
0x393: {  	v7 =	vld [tilespmem:s4+$0x8010];
	_ =	sdelay $0x1  }
0x394: {  	v6 =	vmul.f32 v6, v4;
	_ =	sdelay $0x1  }
0x395: {  	v6 =	vadd.f32 v6, v5  }
0x396: {  	v7 =	vmul.f32 v7, v4  }
0x397: {  	v6 =	vmin.f32 v6, $5.115000000e+02  }
0x398: {  	v7 =	vadd.f32 v7, v5;
	v6 =	vtrunc.f32 v6  }
0x399: {  	v6 =	vcvt.f32.s32 v6  }
0x39a: {  	v7 =	vmin.f32 v7, $5.115000000e+02  }
0x39b: {  	v7 =	vtrunc.f32 v7;
	v6 =	vshll.u32 v6, $0x4  }
0x39c: {  	v7 =	vcvt.f32.s32 v7;
	v6 =	vor.u32 v0, v6;
	_ =	sdelay $0x1  }
0x39d: {  	v7 =	vshll.u32 v7, $0x4  }
0x39e: {  	v7 =	vor.u32 v0, v7;
	_ =	sdelay $0x1  }
0x39f: {  	[tilespmem:v6+s21+$0x0] =	vst.idx.add.f32.msk $0xffff, v2  }
0x3a0: {  	v6 =	vld [tilespmem:s8+$0x8110];
	_ =	sdelay $0x1  }
0x3a1: {  	[tilespmem:v7+s21+$0x0] =	vst.idx.add.f32.msk $0xffff, v2  }
0x3a2: {  	v7 =	vld [tilespmem:s4+$0x8090];
	_ =	sdelay $0x1  }
0x3a3: {  	v8 =	vld [tilespmem:s8+$0x8000];
	v6 =	vmul.f32 v6, v4;
	_ =	sdelay $0x1  }
0x3a4: {  	v6 =	vadd.f32 v6, v5  }
0x3a5: {  	v7 =	vmul.f32 v7, v4  }
0x3a6: {  	v6 =	vmin.f32 v6, $5.115000000e+02  }
0x3a7: {  	v8 =	vmul.f32 v8, v4;
	v7 =	vadd.f32 v7, v5;
	v6 =	vtrunc.f32 v6  }
0x3a8: {  	v9 =	vld [tilespmem:s4+$0x8000];
	v6 =	vcvt.f32.s32 v6  }
0x3a9: {  	v8 =	vadd.f32 v8, v5;
	v7 =	vmin.f32 v7, $5.115000000e+02  }
0x3aa: {  	v7 =	vtrunc.f32 v7;
	v6 =	vshll.u32 v6, $0x4  }
0x3ab: {  	v8 =	vmin.f32 v8, $5.115000000e+02;
	v7 =	vcvt.f32.s32 v7;
	v6 =	vor.u32 v0, v6  }
0x3ac: {  	s29 =	simm.s32 $0x200;
	s2 =	simm.s32 $0x40;
	v8 =	vtrunc.f32 v8  }
0x3ad: {  	s7 =	sand.u32 $0x60, s2;
	s6 =	sand.u32 $0x3C00, s29;
	v9 =	vmul.f32 v9, v4;
	v8 =	vcvt.f32.s32 v8;
	v7 =	vshll.u32 v7, $0x4  }
0x3ae: {  	s18 =	sor.u32 s7, s6;
	v7 =	vor.u32 v0, v7  }
0x3af: {  	v10 =	vld [tilespmem:s18+$0x8010];
	v9 =	vadd.f32 v9, v5;
	v8 =	vshll.u32 v8, $0x4  }
0x3b0: {  	v8 =	vor.u32 v0, v8;
	[tilespmem:v6+s21+$0x0] =	vst.idx.add.f32.msk $0xffff, v2  }
0x3b1: {  	v6 =	vmin.f32 v9, $5.115000000e+02;
	v9 =	vld [tilespmem:s8+$0x8190]  }
0x3b2: {  	v6 =	vtrunc.f32 v6  }
0x3b3: {  	[tilespmem:v7+s21+$0x0] =	vst.idx.add.f32.msk $0xffff, v2;
	v6 =	vcvt.f32.s32 v6  }
0x3b4: {  	v7 =	vmul.f32 v10, v4;
	v10 =	vld [tilespmem:s4+$0x8110]  }
0x3b5: {  	[tilespmem:v8+s21+$0x0] =	vst.idx.add.f32.msk $0xffff, v2;
	v6 =	vshll.u32 v6, $0x4  }
0x3b6: {  	v8 =	vld [tilespmem:s8+$0x8080];
	v7 =	vadd.f32 v7, v5;
	v6 =	vor.u32 v0, v6;
	v9 =	vmul.f32 v9, v4;
	_ =	sdelay $0x1  }
0x3b7: {  	v7 =	vmin.f32 v7, $5.115000000e+02;
	v9 =	vadd.f32 v9, v5  }
0x3b8: {  	v7 =	vtrunc.f32 v7;
	v10 =	vmul.f32 v10, v4  }
0x3b9: {  	v7 =	vcvt.f32.s32 v7;
	v9 =	vmin.f32 v9, $5.115000000e+02  }
0x3ba: {  	v8 =	vmul.f32 v8, v4;
	[tilespmem:v6+s21+$0x0] =	vst.idx.add.f32.msk $0xffff, v2;
	v6 =	vtrunc.f32 v9;
	v9 =	vadd.f32 v10, v5  }
0x3bb: {  	v7 =	vshll.u32 v7, $0x4;
	v10 =	vld [tilespmem:s4+$0x8080];
	v6 =	vcvt.f32.s32 v6  }
0x3bc: {  	v8 =	vadd.f32 v8, v5;
	v7 =	vor.u32 v0, v7;
	v9 =	vmin.f32 v9, $5.115000000e+02  }
0x3bd: {  	v11 =	vld [tilespmem:s18+$0x8000];
	v6 =	vshll.u32 v6, $0x4;
	v9 =	vtrunc.f32 v9  }
0x3be: {  	v8 =	vmin.f32 v8, $5.115000000e+02;
	v6 =	vor.u32 v0, v6;
	v9 =	vcvt.f32.s32 v9  }
0x3bf: {  	v8 =	vtrunc.f32 v8  }
0x3c0: {  	v8 =	vcvt.f32.s32 v8;
	v10 =	vmul.f32 v10, v4;
	v9 =	vshll.u32 v9, $0x4  }
0x3c1: {  	[tilespmem:v7+s21+$0x0] =	vst.idx.add.f32.msk $0xffff, v2;
	v9 =	vor.u32 v0, v9  }
0x3c2: {  	v7 =	vshll.u32 v8, $0x4;
	v8 =	vadd.f32 v10, v5;
	v10 =	vmul.f32 v11, v4;
	v11 =	vld [tilespmem:s18+$0x8090]  }
0x3c3: {  	v7 =	vor.u32 v0, v7;
	[tilespmem:v6+s21+$0x0] =	vst.idx.add.f32.msk $0xffff, v2  }
0x3c4: {  	v6 =	vmin.f32 v8, $5.115000000e+02;
	v10 =	vadd.f32 v10, v5;
	v8 =	vld [tilespmem:s8+$0x8210]  }
0x3c5: {  	v6 =	vtrunc.f32 v6  }
0x3c6: {  	v6 =	vcvt.f32.s32 v6;
	v10 =	vmin.f32 v10, $5.115000000e+02;
	[tilespmem:v9+s21+$0x0] =	vst.idx.add.f32.msk $0xffff, v2  }
0x3c7: {  	v9 =	vtrunc.f32 v10;
	v11 =	vmul.f32 v11, v4;
	v10 =	vld [tilespmem:s4+$0x8190]  }
0x3c8: {  	[tilespmem:v7+s21+$0x0] =	vst.idx.add.f32.msk $0xffff, v2;
	v6 =	vshll.u32 v6, $0x4;
	v7 =	vcvt.f32.s32 v9  }
0x3c9: {  	v9 =	vld [tilespmem:s8+$0x8100];
	v6 =	vor.u32 v0, v6;
	v11 =	vadd.f32 v11, v5;
	v8 =	vmul.f32 v8, v4  }
0x3ca: {  	v7 =	vshll.u32 v7, $0x4  }
0x3cb: {  	v7 =	vor.u32 v0, v7;
	v11 =	vmin.f32 v11, $5.115000000e+02;
	v8 =	vadd.f32 v8, v5  }
0x3cc: {  	v11 =	vtrunc.f32 v11;
	v10 =	vmul.f32 v10, v4  }
0x3cd: {  	v11 =	vcvt.f32.s32 v11;
	v8 =	vmin.f32 v8, $5.115000000e+02  }
0x3ce: {  	v9 =	vmul.f32 v9, v4;
	[tilespmem:v6+s21+$0x0] =	vst.idx.add.f32.msk $0xffff, v2;
	v6 =	vtrunc.f32 v8;
	v8 =	vadd.f32 v10, v5  }
0x3cf: {  	v10 =	vld [tilespmem:s4+$0x8100];
	v11 =	vshll.u32 v11, $0x4;
	v6 =	vcvt.f32.s32 v6  }
0x3d0: {  	s9 =	simm.s32 $0x300;
	s12 =	simm.s32 $0x60;
	v9 =	vadd.f32 v9, v5;
	[tilespmem:v7+s21+$0x0] =	vst.idx.add.f32.msk $0xffff, v2;
	v7 =	vmin.f32 v8, $5.115000000e+02;
	v8 =	vor.u32 v0, v11  }
0x3d1: {  	s7 =	sand.u32 $0x60, s12;
	s6 =	sand.u32 $0x3C00, s9;
	v11 =	vld [tilespmem:s18+$0x8080];
	v6 =	vshll.u32 v6, $0x4;
	v7 =	vtrunc.f32 v7  }
0x3d2: {  	s25 =	sor.u32 s7, s6;
	v9 =	vmin.f32 v9, $5.115000000e+02;
	v6 =	vor.u32 v0, v6;
	v7 =	vcvt.f32.s32 v7  }
0x3d3: {  	v12 =	vld [tilespmem:s25+$0x8010];
	v9 =	vtrunc.f32 v9  }
0x3d4: {  	v9 =	vcvt.f32.s32 v9;
	v10 =	vmul.f32 v10, v4;
	v7 =	vshll.u32 v7, $0x4  }
0x3d5: {  	v7 =	vor.u32 v0, v7;
	[tilespmem:v8+s21+$0x0] =	vst.idx.add.f32.msk $0xffff, v2  }
0x3d6: {  	v8 =	vshll.u32 v9, $0x4;
	v9 =	vadd.f32 v10, v5;
	v10 =	vmul.f32 v11, v4;
	v11 =	vld [tilespmem:s18+$0x8110]  }
0x3d7: {  	v8 =	vor.u32 v0, v8;
	[tilespmem:v6+s21+$0x0] =	vst.idx.add.f32.msk $0xffff, v2  }
0x3d8: {  	v12 =	vmul.f32 v12, v4;
	v6 =	vmin.f32 v9, $5.115000000e+02;
	v10 =	vadd.f32 v10, v5;
	v9 =	vld [tilespmem:s8+$0x8290]  }
0x3d9: {  	v6 =	vtrunc.f32 v6  }
0x3da: {  	v6 =	vcvt.f32.s32 v6;
	v10 =	vmin.f32 v10, $5.115000000e+02;
	[tilespmem:v7+s21+$0x0] =	vst.idx.add.f32.msk $0xffff, v2;
	v7 =	vadd.f32 v12, v5  }
0x3db: {  	v10 =	vtrunc.f32 v10;
	v12 =	vld [tilespmem:s4+$0x8210];
	v11 =	vmul.f32 v11, v4  }
0x3dc: {  	[tilespmem:v8+s21+$0x0] =	vst.idx.add.f32.msk $0xffff, v2;
	v6 =	vshll.u32 v6, $0x4;
	v8 =	vcvt.f32.s32 v10;
	v7 =	vmin.f32 v7, $5.115000000e+02  }
0x3dd: {  	v10 =	vld [tilespmem:s25+$0x8000];
	v9 =	vmul.f32 v9, v4;
	v7 =	vtrunc.f32 v7;
	v11 =	vadd.f32 v11, v5  }
0x3de: {  	v13 =	vld [tilespmem:s8+$0x8180];
	v6 =	vor.u32 v0, v6;
	v8 =	vshll.u32 v8, $0x4;
	v7 =	vcvt.f32.s32 v7  }
0x3df: {  	v8 =	vor.u32 v0, v8;
	v9 =	vadd.f32 v9, v5;
	v11 =	vmin.f32 v11, $5.115000000e+02  }
0x3e0: {  	v12 =	vmul.f32 v12, v4;
	v7 =	vshll.u32 v7, $0x4;
	v11 =	vtrunc.f32 v11  }
0x3e1: {  	v7 =	vor.u32 v0, v7;
	v11 =	vcvt.f32.s32 v11  }
0x3e2: {  	v10 =	vmul.f32 v10, v4;
	v9 =	vmin.f32 v9, $5.115000000e+02;
	v12 =	vadd.f32 v12, v5  }
0x3e3: {  	v13 =	vmul.f32 v13, v4;
	[tilespmem:v6+s21+$0x0] =	vst.idx.add.f32.msk $0xffff, v2;
	v6 =	vtrunc.f32 v9;
	v9 =	vshll.u32 v11, $0x4  }
0x3e4: {  	v10 =	vadd.f32 v10, v5;
	v11 =	vld [tilespmem:s4+$0x8180];
	v12 =	vmin.f32 v12, $5.115000000e+02;
	v9 =	vor.u32 v0, v9  }
0x3e5: {  	v6 =	vcvt.f32.s32 v6;
	[tilespmem:v8+s21+$0x0] =	vst.idx.add.f32.msk $0xffff, v2;
	v8 =	vtrunc.f32 v12  }
0x3e6: {  	v10 =	vmin.f32 v10, $5.115000000e+02;
	v8 =	vcvt.f32.s32 v8;
	[tilespmem:v7+s21+$0x0] =	vst.idx.add.f32.msk $0xffff, v2  }
0x3e7: {  	v6 =	vshll.u32 v6, $0x4;
	v10 =	vtrunc.f32 v10;
	v7 =	vadd.f32 v13, v5;
	v12 =	vld [tilespmem:s25+$0x8090]  }
0x3e8: {  	v6 =	vor.u32 v0, v6;
	v10 =	vcvt.f32.s32 v10;
	v13 =	vld [tilespmem:s18+$0x8100];
	v8 =	vshll.u32 v8, $0x4  }
0x3e9: {  	v8 =	vor.u32 v0, v8;
	[tilespmem:v9+s21+$0x0] =	vst.idx.add.f32.msk $0xffff, v2  }
0x3ea: {  	v7 =	vmin.f32 v7, $5.115000000e+02;
	v9 =	vshll.u32 v10, $0x4;
	v10 =	vld [tilespmem:s18+$0x8190]  }
0x3eb: {  	v7 =	vtrunc.f32 v7;
	v9 =	vor.u32 v0, v9  }
0x3ec: {  	v7 =	vcvt.f32.s32 v7;
	v12 =	vmul.f32 v12, v4  }
0x3ed: {  	[tilespmem:v6+s21+$0x0] =	vst.idx.add.f32.msk $0xffff, v2;
	v6 =	vmul.f32 v13, v4  }
0x3ee: {  	s1 =	sand.u32 $0x3, s17;
	v11 =	vmul.f32 v11, v4;
	v7 =	vshll.u32 v7, $0x4;
	[tilespmem:v8+s21+$0x0] =	vst.idx.add.f32.msk $0xffff, v2;
	v8 =	vadd.f32 v12, v5  }
0x3ef: {  	s1 =	sshll.u32 s1, $0x5;
	v7 =	vor.u32 v0, v7;
	v6 =	vadd.f32 v6, v5;
	v12 =	vld [tilespmem:s4+$0x8290];
	v10 =	vmul.f32 v10, v4  }
0x3f0: {  	s7 =	sadd.s32 $0x0, s1;
	v11 =	vadd.f32 v11, v5;
	[tilespmem:v9+s21+$0x0] =	vst.idx.add.f32.msk $0xffff, v2;
	v8 =	vmin.f32 v8, $5.115000000e+02  }
0x3f1: {  	s13 =	sadd.s32 $0x10, s7;
	v6 =	vmin.f32 v6, $5.115000000e+02;
	v9 =	vld [tilespmem:s25+$0x8080];
	v8 =	vtrunc.f32 v8;
	v10 =	vadd.f32 v10, v5  }
0x3f2: {  	s14 =	sor.u32 $0x300, s13;
	v6 =	vtrunc.f32 v6;
	v8 =	vcvt.f32.s32 v8  }
0x3f3: {  	v13 =	vld [tilespmem:s14+$0x8000];
	v11 =	vmin.f32 v11, $5.115000000e+02;
	v6 =	vcvt.f32.s32 v6;
	v10 =	vmin.f32 v10, $5.115000000e+02  }
0x3f4: {  	[tilespmem:v7+s21+$0x0] =	vst.idx.add.f32.msk $0xffff, v2;
	v7 =	vmul.f32 v12, v4;
	v8 =	vshll.u32 v8, $0x4;
	v10 =	vtrunc.f32 v10  }
0x3f5: {  	v11 =	vtrunc.f32 v11;
	v10 =	vcvt.f32.s32 v10;
	v8 =	vor.u32 v0, v8  }
0x3f6: {  	s15 =	simm.s32 $0x400;
	s16 =	simm.s32 $0x80;
	v6 =	vshll.u32 v6, $0x4;
	v12 =	vld [tilespmem:s8+$0x8200];
	v9 =	vmul.f32 v9, v4;
	v7 =	vadd.f32 v7, v5  }
0x3f7: {  	s9 =	sand.u32 $0x60, s16;
	s1 =	sand.u32 $0x3C00, s15;
	v11 =	vcvt.f32.s32 v11;
	v6 =	vor.u32 v0, v6;
	v10 =	vshll.u32 v10, $0x4  }
0x3f8: {  	s1 =	sor.u32 s9, s1;
	v9 =	vadd.f32 v9, v5;
	v7 =	vmin.f32 v7, $5.115000000e+02;
	v10 =	vor.u32 v0, v10  }
0x3f9: {  	v14 =	vld [tilespmem:s1+$0x8010];
	v13 =	vmul.f32 v13, v4;
	v7 =	vtrunc.f32 v7  }
0x3fa: {  	v11 =	vshll.u32 v11, $0x4;
	v9 =	vmin.f32 v9, $5.115000000e+02;
	v7 =	vcvt.f32.s32 v7;
	[tilespmem:v8+s21+$0x0] =	vst.idx.add.f32.msk $0xffff, v2  }
0x3fb: {  	v12 =	vmul.f32 v12, v4;
	v8 =	vadd.f32 v13, v5;
	v9 =	vtrunc.f32 v9;
	v13 =	vld [tilespmem:s25+$0x8110]  }
0x3fc: {  	v11 =	vor.u32 v0, v11;
	[tilespmem:v6+s21+$0x0] =	vst.idx.add.f32.msk $0xffff, v2;
	v6 =	vshll.u32 v7, $0x4;
	v7 =	vcvt.f32.s32 v9  }
0x3fd: {  	s17 =	simm.s32 $0x1;
	v9 =	vadd.f32 v12, v5;
	v8 =	vmin.f32 v8, $5.115000000e+02;
	v6 =	vor.u32 v0, v6;
	[tilespmem:v10+s21+$0x0] =	vst.idx.add.f32.msk $0xffff, v2  }
0x3fe: {  	s9 =	sand.u32 $0x3, s17;
	v8 =	vtrunc.f32 v8;
	v10 =	vmul.f32 v14, v4;
	v7 =	vshll.u32 v7, $0x4;
	v12 =	vld [tilespmem:s18+$0x8210]  }
0x3ff: {  	s9 =	sshll.u32 s9, $0x5;
	v14 =	vld [tilespmem:s18+$0x8180];
	v9 =	vmin.f32 v9, $5.115000000e+02;
	v8 =	vcvt.f32.s32 v8;
	v7 =	vor.u32 v0, v7  }
0x400: {  	v15 =	vld [tilespmem:s1+$0x8000];
	s28 =	sadd.s32 $0x100, s9;
	v9 =	vtrunc.f32 v9;
	v10 =	vadd.f32 v10, v5;
	v13 =	vmul.f32 v13, v4  }
0x401: {  	s9 =	sadd.s32 $0x10, s28;
	[tilespmem:v11+s21+$0x0] =	vst.idx.add.f32.msk $0xffff, v2;
	v9 =	vcvt.f32.s32 v9;
	v8 =	vshll.u32 v8, $0x4  }
0x402: {  	s19 =	sor.u32 $0x300, s9;
	v8 =	vor.u32 v0, v8;
	[tilespmem:v6+s21+$0x0] =	vst.idx.add.f32.msk $0xffff, v2;
	v6 =	vmin.f32 v10, $5.115000000e+02;
	v10 =	vadd.f32 v13, v5  }
0x403: {  	v9 =	vshll.u32 v9, $0x4;
	v11 =	vld [tilespmem:s19+$0x8000];
	v6 =	vtrunc.f32 v6;
	v12 =	vmul.f32 v12, v4  }
0x404: {  	v14 =	vmul.f32 v14, v4;
	v6 =	vcvt.f32.s32 v6;
	[tilespmem:v7+s21+$0x0] =	vst.idx.add.f32.msk $0xffff, v2;
	v7 =	vmin.f32 v10, $5.115000000e+02  }
0x405: {  	v10 =	vmul.f32 v15, v4;
	v13 =	vld [tilespmem:s25+$0x8100];
	v12 =	vadd.f32 v12, v5;
	v7 =	vtrunc.f32 v7  }
0x406: {  	v9 =	vor.u32 v0, v9;
	v15 =	vld [tilespmem:s4+$0x8200];
	v6 =	vshll.u32 v6, $0x4;
	v7 =	vcvt.f32.s32 v7  }
0x407: {  	v10 =	vadd.f32 v10, v5;
	v6 =	vor.u32 v0, v6;
	v12 =	vmin.f32 v12, $5.115000000e+02  }
0x408: {  	v11 =	vmul.f32 v11, v4;
	v12 =	vtrunc.f32 v12;
	v7 =	vshll.u32 v7, $0x4  }
0x409: {  	v10 =	vmin.f32 v10, $5.115000000e+02;
	v12 =	vcvt.f32.s32 v12;
	v7 =	vor.u32 v0, v7  }
0x40a: {  	[tilespmem:v8+s21+$0x0] =	vst.idx.add.f32.msk $0xffff, v2;
	v8 =	vtrunc.f32 v10;
	v10 =	vadd.f32 v11, v5;
	v11 =	vmul.f32 v13, v4  }
0x40b: {  	[tilespmem:v9+s21+$0x0] =	vst.idx.add.f32.msk $0xffff, v2;
	v15 =	vmul.f32 v15, v4;
	v8 =	vcvt.f32.s32 v8;
	v12 =	vshll.u32 v12, $0x4  }
0x40c: {  	v10 =	vmin.f32 v10, $5.115000000e+02;
	v11 =	vadd.f32 v11, v5;
	[tilespmem:v6+s21+$0x0] =	vst.idx.add.f32.msk $0xffff, v2;
	v6 =	vor.u32 v0, v12  }
0x40d: {  	v12 =	vadd.f32 v14, v5;
	v14 =	vadd.f32 v15, v5;
	v10 =	vtrunc.f32 v10;
	v15 =	vld [tilespmem:s1+$0x8090]  }
0x40e: {  	v8 =	vshll.u32 v8, $0x4;
	v10 =	vcvt.f32.s32 v10;
	v11 =	vmin.f32 v11, $5.115000000e+02;
	[tilespmem:v7+s21+$0x0] =	vst.idx.add.f32.msk $0xffff, v2  }
0x40f: {  	s6 =	sor.u32 $0x380, s13;
	v8 =	vor.u32 v0, v8;
	v7 =	vmin.f32 v12, $5.115000000e+02;
	v11 =	vtrunc.f32 v11;
	v12 =	vld [tilespmem:s25+$0x8190]  }
0x410: {  	v13 =	vld [tilespmem:s6+$0x8000];
	v9 =	vmin.f32 v14, $5.115000000e+02;
	v10 =	vshll.u32 v10, $0x4;
	v11 =	vcvt.f32.s32 v11  }
0x411: {  	v7 =	vtrunc.f32 v7;
	v9 =	vtrunc.f32 v9;
	v10 =	vor.u32 v0, v10;
	[tilespmem:v6+s21+$0x0] =	vst.idx.add.f32.msk $0xffff, v2  }
0x412: {  	v6 =	vcvt.f32.s32 v7;
	v7 =	vshll.u32 v11, $0x4;
	v11 =	vmul.f32 v15, v4;
	v14 =	vld [tilespmem:s18+$0x8290]  }
0x413: {  	v9 =	vcvt.f32.s32 v9;
	v15 =	vld [tilespmem:s8+$0x8280];
	v7 =	vor.u32 v0, v7  }
0x414: {  	s29 =	simm.s32 $0xA0;
	s14 =	simm.s32 $0x500;
	[tilespmem:v8+s21+$0x0] =	vst.idx.add.f32.msk $0xffff, v2;
	v6 =	vshll.u32 v6, $0x4;
	v8 =	vadd.f32 v11, v5;
	v11 =	vmul.f32 v12, v4  }
0x415: {  	s2 =	sand.u32 $0x3C00, s14;
	s6 =	sand.u32 $0x60, s29;
	v12 =	vmul.f32 v13, v4;
	v6 =	vor.u32 v0, v6;
	v13 =	vld [tilespmem:s1+$0x8080]  }
0x416: {  	s16 =	sor.u32 s6, s2;
	v9 =	vshll.u32 v9, $0x4;
	[tilespmem:v10+s21+$0x0] =	vst.idx.add.f32.msk $0xffff, v2;
	v8 =	vmin.f32 v8, $5.115000000e+02;
	v10 =	vadd.f32 v11, v5  }
0x417: {  	v16 =	vld [tilespmem:s16+$0x8010];
	v9 =	vor.u32 v0, v9;
	v8 =	vtrunc.f32 v8;
	v14 =	vmul.f32 v14, v4  }
0x418: {  	s26 =	sor.u32 $0x380, s9;
	[tilespmem:v7+s21+$0x0] =	vst.idx.add.f32.msk $0xffff, v2;
	v7 =	vcvt.f32.s32 v8;
	v8 =	vmin.f32 v10, $5.115000000e+02  }
0x419: {  	v11 =	vld [tilespmem:s26+$0x8000];
	v10 =	vadd.f32 v12, v5;
	v14 =	vadd.f32 v14, v5;
	v8 =	vtrunc.f32 v8  }
0x41a: {  	[tilespmem:v6+s21+$0x0] =	vst.idx.add.f32.msk $0xffff, v2;
	v6 =	vmul.f32 v13, v4;
	v7 =	vshll.u32 v7, $0x4;
	v8 =	vcvt.f32.s32 v8  }
0x41b: {  	v17 =	vld [tilespmem:s16+$0x8000];
	v13 =	vmul.f32 v15, v4;
	v14 =	vmin.f32 v14, $5.115000000e+02;
	v7 =	vor.u32 v0, v7  }
0x41c: {  	[tilespmem:v9+s21+$0x0] =	vst.idx.add.f32.msk $0xffff, v2;
	v6 =	vadd.f32 v6, v5;
	v9 =	vtrunc.f32 v14;
	v8 =	vshll.u32 v8, $0x4  }
0x41d: {  	v12 =	vld [tilespmem:s25+$0x8180];
	v9 =	vcvt.f32.s32 v9;
	v8 =	vor.u32 v0, v8  }
0x41e: {  	v15 =	vld [tilespmem:s18+$0x8200];
	v10 =	vmin.f32 v10, $5.115000000e+02;
	v13 =	vadd.f32 v13, v5;
	v6 =	vmin.f32 v6, $5.115000000e+02  }
0x41f: {  	v14 =	vld [tilespmem:s4+$0x8280];
	v11 =	vmul.f32 v11, v4;
	v6 =	vtrunc.f32 v6;
	v9 =	vshll.u32 v9, $0x4  }
0x420: {  	s8 =	simm.s32 $0x2;
	v13 =	vmin.f32 v13, $5.115000000e+02;
	v6 =	vcvt.f32.s32 v6;
	v9 =	vor.u32 v0, v9;
	[tilespmem:v7+s21+$0x0] =	vst.idx.add.f32.msk $0xffff, v2  }
0x421: {  	s4 =	sand.u32 $0x3, s8;
	v11 =	vadd.f32 v11, v5;
	v7 =	vtrunc.f32 v10;
	v10 =	vtrunc.f32 v13;
	v13 =	vld [tilespmem:s1+$0x8110]  }
0x422: {  	s4 =	sshll.u32 s4, $0x5;
	v18 =	vcvt.f32.s32 v7;
	v7 =	vcvt.f32.s32 v10;
	v6 =	vshll.u32 v6, $0x4;
	[tilespmem:v8+s21+$0x0] =	vst.idx.add.f32.msk $0xffff, v2  }
0x423: {  	s4 =	sadd.s32 $0x200, s4;
	v10 =	vmul.f32 v16, v4;
	v8 =	vmin.f32 v11, $5.115000000e+02;
	v6 =	vor.u32 v0, v6;
	v11 =	vld [tilespmem:s25+$0x8210]  }
0x424: {  	s9 =	sadd.s32 $0x10, s4;
	v16 =	vmul.f32 v17, v4;
	v7 =	vshll.u32 v7, $0x4;
	v8 =	vtrunc.f32 v8  }
0x425: {  	s12 =	sor.u32 $0x300, s9;
	v17 =	vor.u32 v0, v7;
	v7 =	vcvt.f32.s32 v8;
	v8 =	vadd.f32 v10, v5;
	[tilespmem:v9+s21+$0x0] =	vst.idx.add.f32.msk $0xffff, v2  }
0x426: {  	v10 =	vadd.f32 v16, v5;
	v9 =	vmul.f32 v12, v4;
	v12 =	vld [tilespmem:s12+$0x8000];
	v13 =	vmul.f32 v13, v4  }
0x427: {  	v15 =	vmul.f32 v15, v4;
	v14 =	vmul.f32 v14, v4;
	v8 =	vmin.f32 v8, $5.115000000e+02  }
0x428: {  	v10 =	vmin.f32 v10, $5.115000000e+02;
	[tilespmem:v6+s21+$0x0] =	vst.idx.add.f32.msk $0xffff, v2;
	v6 =	vadd.f32 v13, v5;
	v11 =	vmul.f32 v11, v4  }
0x429: {  	v8 =	vtrunc.f32 v8;
	v10 =	vtrunc.f32 v10;
	v16 =	vld [tilespmem:s1+$0x8100]  }
0x42a: {  	v8 =	vcvt.f32.s32 v8;
	v6 =	vmin.f32 v6, $5.115000000e+02;
	v11 =	vadd.f32 v11, v5  }
0x42b: {  	v15 =	vadd.f32 v15, v5;
	v12 =	vmul.f32 v12, v4;
	v6 =	vtrunc.f32 v6  }
0x42c: {  	v8 =	vshll.u32 v8, $0x4;
	v6 =	vcvt.f32.s32 v6;
	v11 =	vmin.f32 v11, $5.115000000e+02  }
0x42d: {  	v8 =	vor.u32 v0, v8;
	v12 =	vadd.f32 v12, v5;
	v11 =	vtrunc.f32 v11  }
0x42e: {  	v16 =	vmul.f32 v16, v4;
	v6 =	vshll.u32 v6, $0x4;
	v11 =	vcvt.f32.s32 v11  }
0x42f: {  	v9 =	vadd.f32 v9, v5;
	v10 =	vcvt.f32.s32 v10;
	v6 =	vor.u32 v0, v6  }
0x430: {  	s13 =	sor.u32 $0x300, s7;
	[tilespmem:v17+s21+$0x0] =	vst.idx.add.f32.msk $0xffff, v2;
	v12 =	vmin.f32 v12, $5.115000000e+02;
	v16 =	vadd.f32 v16, v5;
	v11 =	vshll.u32 v11, $0x4  }
0x431: {  	v9 =	vmin.f32 v9, $5.115000000e+02;
	v17 =	vld [tilespmem:s13+$0x8000];
	v12 =	vtrunc.f32 v12;
	v11 =	vor.u32 v0, v11  }
0x432: {  	v10 =	vshll.u32 v10, $0x4;
	[tilespmem:v8+s21+$0x0] =	vst.idx.add.f32.msk $0xffff, v2;
	v12 =	vcvt.f32.s32 v12;
	v8 =	vmin.f32 v16, $5.115000000e+02  }
0x433: {  	v9 =	vtrunc.f32 v9;
	v10 =	vor.u32 v0, v10;
	v16 =	vld [tilespmem:s16+$0x8090];
	v8 =	vtrunc.f32 v8  }
0x434: {  	v9 =	vcvt.f32.s32 v9;
	v12 =	vshll.u32 v12, $0x4;
	v8 =	vcvt.f32.s32 v8;
	[tilespmem:v6+s21+$0x0] =	vst.idx.add.f32.msk $0xffff, v2  }
0x435: {  	v12 =	vor.u32 v0, v12;
	v6 =	vadd.f32 v14, v5;
	v14 =	vmin.f32 v15, $5.115000000e+02;
	v15 =	vld [tilespmem:s1+$0x8190]  }
0x436: {  	v17 =	vmul.f32 v17, v4;
	v14 =	vtrunc.f32 v14;
	v8 =	vshll.u32 v8, $0x4;
	[tilespmem:v11+s21+$0x0] =	vst.idx.add.f32.msk $0xffff, v2  }
0x437: {  	v11 =	vcvt.f32.s32 v14;
	v6 =	vmin.f32 v6, $5.115000000e+02;
	v8 =	vor.u32 v0, v8;
	v14 =	vld [tilespmem:s25+$0x8290]  }
0x438: {  	v9 =	vshll.u32 v9, $0x4;
	[tilespmem:v10+s21+$0x0] =	vst.idx.add.f32.msk $0xffff, v2;
	v10 =	vmul.f32 v16, v4;
	v6 =	vtrunc.f32 v6  }
0x439: {  	v9 =	vor.u32 v0, v9;
	v16 =	vadd.f32 v17, v5;
	v6 =	vcvt.f32.s32 v6  }
0x43a: {  	v11 =	vshll.u32 v11, $0x4;
	v10 =	vadd.f32 v10, v5;
	[tilespmem:v12+s21+$0x0] =	vst.idx.add.f32.msk $0xffff, v2;
	v15 =	vmul.f32 v15, v4  }
0x43b: {  	v16 =	vmin.f32 v16, $5.115000000e+02;
	v12 =	vld [tilespmem:s16+$0x8080];
	v11 =	vor.u32 v0, v11;
	v6 =	vshll.u32 v6, $0x4  }
0x43c: {  	s6 =	sor.u32 $0x380, s9;
	v10 =	vmin.f32 v10, $5.115000000e+02;
	[tilespmem:v8+s21+$0x0] =	vst.idx.add.f32.msk $0xffff, v2;
	v8 =	vadd.f32 v15, v5;
	v14 =	vmul.f32 v14, v4  }
0x43d: {  	v17 =	vld [tilespmem:s6+$0x8000];
	v15 =	vtrunc.f32 v16;
	v16 =	vor.u32 v0, v6;
	v6 =	vtrunc.f32 v10  }
0x43e: {  	v13 =	vshll.u32 v18, $0x4;
	[tilespmem:v9+s21+$0x0] =	vst.idx.add.f32.msk $0xffff, v2;
	v18 =	vcvt.f32.s32 v6  }
0x43f: {  	s15 =	simm.s32 $0xC0;
	s17 =	simm.s32 $0x600;
	v10 =	vld [tilespmem:s1+$0x8180];
	v8 =	vmin.f32 v8, $5.115000000e+02;
	v9 =	vadd.f32 v14, v5  }
0x440: {  	s19 =	sand.u32 $0x3C00, s17;
	s6 =	sand.u32 $0x60, s15;
	v12 =	vmul.f32 v12, v4;
	[tilespmem:v11+s21+$0x0] =	vst.idx.add.f32.msk $0xffff, v2;
	v8 =	vtrunc.f32 v8;
	v14 =	vshll.u32 v18, $0x4  }
0x441: {  	v11 =	vld [tilespmem:s18+$0x8280];
	s18 =	sor.u32 s6, s19;
	v8 =	vcvt.f32.s32 v8;
	v9 =	vmin.f32 v9, $5.115000000e+02;
	v14 =	vor.u32 v0, v14  }
0x442: {  	v17 =	vmul.f32 v17, v4;
	v12 =	vadd.f32 v12, v5;
	v18 =	vld [tilespmem:s18+$0x8010];
	v9 =	vtrunc.f32 v9  }
0x443: {  	v6 =	vor.u32 v0, v13;
	v13 =	vld [tilespmem:s25+$0x8200];
	v8 =	vshll.u32 v8, $0x4;
	v9 =	vcvt.f32.s32 v9  }
0x444: {  	[tilespmem:v16+s21+$0x0] =	vst.idx.add.f32.msk $0xffff, v2;
	v16 =	vadd.f32 v17, v5;
	v12 =	vmin.f32 v12, $5.115000000e+02;
	v8 =	vor.u32 v0, v8  }
0x445: {  	v15 =	vcvt.f32.s32 v15;
	v17 =	vld [tilespmem:s18+$0x8000];
	v12 =	vtrunc.f32 v12;
	v9 =	vshll.u32 v9, $0x4  }
0x446: {  	s29 =	simm.s32 $0x3;
	v16 =	vmin.f32 v16, $5.115000000e+02;
	v12 =	vcvt.f32.s32 v12;
	v9 =	vor.u32 v0, v9;
	[tilespmem:v14+s21+$0x0] =	vst.idx.add.f32.msk $0xffff, v2  }
0x447: {  	s26 =	sor.u32 $0x300, s28;
	v15 =	vshll.u32 v15, $0x4;
	s6 =	sand.u32 $0x3, s29;
	v14 =	vtrunc.f32 v16;
	v16 =	vmul.f32 v18, v4;
	v18 =	vld [tilespmem:s16+$0x8110]  }
0x448: {  	s6 =	sshll.u32 s6, $0x5;
	v15 =	vor.u32 v0, v15;
	v19 =	vld [tilespmem:s26+$0x8000];
	v13 =	vmul.f32 v13, v4;
	v12 =	vshll.u32 v12, $0x4  }
0x449: {  	s9 =	sadd.s32 $0x300, s6;
	v11 =	vmul.f32 v11, v4;
	v14 =	vcvt.f32.s32 v14;
	v12 =	vor.u32 v0, v12;
	[tilespmem:v8+s21+$0x0] =	vst.idx.add.f32.msk $0xffff, v2  }
0x44a: {  	s6 =	sadd.s32 $0x10, s9;
	v16 =	vadd.f32 v16, v5;
	v8 =	vmul.f32 v10, v4;
	v10 =	vmul.f32 v17, v4;
	v17 =	vld [tilespmem:s1+$0x8210]  }
0x44b: {  	s2 =	sor.u32 $0x300, s6;
	v13 =	vadd.f32 v13, v5;
	v11 =	vadd.f32 v11, v5;
	[tilespmem:v9+s21+$0x0] =	vst.idx.add.f32.msk $0xffff, v2;
	v9 =	vshll.u32 v14, $0x4  }
0x44c: {  	v10 =	vadd.f32 v10, v5;
	v14 =	vmin.f32 v16, $5.115000000e+02;
	v16 =	vld [tilespmem:s2+$0x8000];
	v18 =	vmul.f32 v18, v4  }
0x44d: {  	v13 =	vmin.f32 v13, $5.115000000e+02;
	v19 =	vmul.f32 v19, v4;
	v14 =	vtrunc.f32 v14  }
0x44e: {  	v10 =	vmin.f32 v10, $5.115000000e+02;
	v14 =	vcvt.f32.s32 v14;
	[tilespmem:v12+s21+$0x0] =	vst.idx.add.f32.msk $0xffff, v2;
	v18 =	vadd.f32 v18, v5  }
0x44f: {  	v8 =	vadd.f32 v8, v5;
	v10 =	vtrunc.f32 v10;
	v12 =	vld [tilespmem:s16+$0x8100];
	v17 =	vmul.f32 v17, v4  }
0x450: {  	v10 =	vcvt.f32.s32 v10;
	v14 =	vshll.u32 v14, $0x4;
	v18 =	vmin.f32 v18, $5.115000000e+02  }
0x451: {  	v17 =	vadd.f32 v17, v5;
	v16 =	vmul.f32 v16, v4;
	v18 =	vtrunc.f32 v18  }
0x452: {  	v14 =	vor.u32 v0, v14;
	v10 =	vshll.u32 v10, $0x4;
	v18 =	vcvt.f32.s32 v18  }
0x453: {  	v10 =	vor.u32 v0, v10;
	v17 =	vmin.f32 v17, $5.115000000e+02;
	v16 =	vadd.f32 v16, v5  }
0x454: {  	v12 =	vmul.f32 v12, v4;
	v17 =	vtrunc.f32 v17;
	v18 =	vshll.u32 v18, $0x4  }
0x455: {  	[tilespmem:v15+s21+$0x0] =	vst.idx.add.f32.msk $0xffff, v2;
	v13 =	vtrunc.f32 v13;
	v17 =	vcvt.f32.s32 v17;
	v15 =	vor.u32 v0, v18  }
0x456: {  	v8 =	vmin.f32 v8, $5.115000000e+02;
	v16 =	vmin.f32 v16, $5.115000000e+02;
	v12 =	vadd.f32 v12, v5  }
0x457: {  	v8 =	vtrunc.f32 v8;
	[tilespmem:v14+s21+$0x0] =	vst.idx.add.f32.msk $0xffff, v2;
	v16 =	vtrunc.f32 v16;
	v17 =	vshll.u32 v17, $0x4  }
0x458: {  	v16 =	vcvt.f32.s32 v16;
	v12 =	vmin.f32 v12, $5.115000000e+02;
	[tilespmem:v10+s21+$0x0] =	vst.idx.add.f32.msk $0xffff, v2;
	v14 =	vor.u32 v0, v17  }
0x459: {  	v11 =	vmin.f32 v11, $5.115000000e+02;
	v8 =	vcvt.f32.s32 v8;
	v17 =	vld [tilespmem:s18+$0x8090];
	v12 =	vtrunc.f32 v12  }
0x45a: {  	v11 =	vtrunc.f32 v11;
	v16 =	vshll.u32 v16, $0x4;
	v12 =	vcvt.f32.s32 v12;
	[tilespmem:v15+s21+$0x0] =	vst.idx.add.f32.msk $0xffff, v2  }
0x45b: {  	v10 =	vor.u32 v0, v16;
	v16 =	vshll.u32 v8, $0x4;
	v8 =	vor.u32 v0, v9;
	v15 =	vld [tilespmem:s16+$0x8190]  }
0x45c: {  	v9 =	vcvt.f32.s32 v13;
	v13 =	vor.u32 v0, v16;
	v16 =	vadd.f32 v19, v5;
	v19 =	vld [tilespmem:s18+$0x8080]  }
0x45d: {  	v11 =	vcvt.f32.s32 v11;
	v12 =	vshll.u32 v12, $0x4;
	[tilespmem:v14+s21+$0x0] =	vst.idx.add.f32.msk $0xffff, v2  }
0x45e: {  	s7 =	sor.u32 $0x380, s7;
	v7 =	vshll.u32 v7, $0x4;
	v12 =	vor.u32 v0, v12;
	v14 =	vmul.f32 v17, v4;
	v17 =	vld [tilespmem:s1+$0x8290]  }
0x45f: {  	v7 =	vor.u32 v0, v7;
	v11 =	vshll.u32 v11, $0x4;
	v18 =	vld [tilespmem:s7+$0x8000];
	v9 =	vshll.u32 v9, $0x4  }
0x460: {  	s6 =	sor.u32 $0x380, s6;
	v16 =	vmin.f32 v16, $5.115000000e+02;
	v9 =	vor.u32 v0, v9;
	[tilespmem:v10+s21+$0x0] =	vst.idx.add.f32.msk $0xffff, v2;
	v14 =	vadd.f32 v14, v5  }
0x461: {  	v11 =	vor.u32 v0, v11;
	v10 =	vtrunc.f32 v16;
	v16 =	vld [tilespmem:s6+$0x8000];
	v15 =	vmul.f32 v15, v4  }
0x462: {  	v10 =	vcvt.f32.s32 v10;
	v19 =	vmul.f32 v19, v4;
	v14 =	vmin.f32 v14, $5.115000000e+02  }
0x463: {  	[tilespmem:v12+s21+$0x0] =	vst.idx.add.f32.msk $0xffff, v2;
	v12 =	vtrunc.f32 v14;
	v14 =	vadd.f32 v15, v5;
	v15 =	vmul.f32 v17, v4  }
0x464: {  	v18 =	vmul.f32 v18, v4;
	[tilespmem:v13+s21+$0x0] =	vst.idx.add.f32.msk $0xffff, v2;
	v10 =	vshll.u32 v10, $0x4;
	v19 =	vadd.f32 v19, v5  }
0x465: {  	[tilespmem:v9+s21+$0x0] =	vst.idx.add.f32.msk $0xffff, v2;
	v12 =	vcvt.f32.s32 v12;
	v13 =	vmin.f32 v14, $5.115000000e+02;
	v14 =	vadd.f32 v15, v5  }
0x466: {  	s26 =	simm.s32 $0x700;
	s7 =	simm.s32 $0xE0;
	v17 =	vadd.f32 v18, v5;
	v18 =	vld [tilespmem:s16+$0x8180];
	v15 =	vmul.f32 v16, v4;
	v13 =	vtrunc.f32 v13  }
0x467: {  	s8 =	sand.u32 $0x3C00, s26;
	s6 =	sand.u32 $0x60, s7;
	v16 =	vld [tilespmem:s1+$0x8200];
	v12 =	vshll.u32 v12, $0x4;
	v9 =	vcvt.f32.s32 v13;
	v13 =	vmin.f32 v14, $5.115000000e+02  }
0x468: {  	v12 =	vor.u32 v0, v12;
	v14 =	vadd.f32 v15, v5;
	v15 =	vld [tilespmem:s25+$0x8280];
	s25 =	sor.u32 s6, s8;
	v13 =	vtrunc.f32 v13  }
0x469: {  	v10 =	vor.u32 v0, v10;
	v20 =	vld [tilespmem:s25+$0x8010];
	v9 =	vshll.u32 v9, $0x4;
	v13 =	vcvt.f32.s32 v13  }
0x46a: {  	v19 =	vmin.f32 v19, $5.115000000e+02;
	v21 =	vld [tilespmem:s25+$0x8000];
	v14 =	vmin.f32 v14, $5.115000000e+02;
	v9 =	vor.u32 v0, v9  }
0x46b: {  	s12 =	sor.u32 $0x300, s4;
	[tilespmem:v11+s21+$0x0] =	vst.idx.add.f32.msk $0xffff, v2;
	v11 =	vtrunc.f32 v14;
	v14 =	vtrunc.f32 v19;
	v13 =	vshll.u32 v13, $0x4  }
0x46c: {  	s8 =	simm.s32 $0x4;
	v18 =	vmul.f32 v18, v4;
	v19 =	vld [tilespmem:s12+$0x8000];
	v14 =	vcvt.f32.s32 v14;
	v13 =	vor.u32 v0, v13  }
0x46d: {  	v17 =	vmin.f32 v17, $5.115000000e+02;
	s13 =	sand.u32 $0x3, s8;
	v11 =	vcvt.f32.s32 v11;
	[tilespmem:v12+s21+$0x0] =	vst.idx.add.f32.msk $0xffff, v2;
	v12 =	vmul.f32 v16, v4  }
0x46e: {  	s6 =	sshll.u32 s13, $0x5;
	v15 =	vmul.f32 v15, v4;
	v62 =	vld [tilespmem:s18+$0x8110];
	v16 =	vmul.f32 v20, v4;
	v14 =	vshll.u32 v14, $0x4  }
0x46f: {  	s6 =	sadd.s32 $0x400, s6;
	v11 =	vshll.u32 v11, $0x4;
	v21 =	vmul.f32 v21, v4;
	v14 =	vor.u32 v0, v14;
	[tilespmem:v9+s21+$0x0] =	vst.idx.add.f32.msk $0xffff, v2  }
0x470: {  	s15 =	sadd.s32 $0x10, s6;
	v9 =	vor.u32 v0, v11;
	v11 =	vadd.f32 v16, v5;
	v16 =	vadd.f32 v18, v5;
	v18 =	vld [tilespmem:s16+$0x8210]  }
0x471: {  	v17 =	vtrunc.f32 v17;
	s19 =	sor.u32 $0x300, s15;
	v12 =	vadd.f32 v12, v5;
	v19 =	vmul.f32 v19, v4;
	[tilespmem:v13+s21+$0x0] =	vst.idx.add.f32.msk $0xffff, v2  }
0x472: {  	v21 =	vadd.f32 v21, v5;
	v13 =	vcvt.f32.s32 v17;
	v11 =	vmin.f32 v11, $5.115000000e+02;
	v17 =	vld [tilespmem:s19+$0x8000]  }
0x473: {  	v15 =	vadd.f32 v15, v5;
	v20 =	vmul.f32 v62, v4;
	v11 =	vtrunc.f32 v11  }
0x474: {  	v12 =	vmin.f32 v12, $5.115000000e+02;
	v21 =	vmin.f32 v21, $5.115000000e+02;
	v11 =	vcvt.f32.s32 v11;
	[tilespmem:v14+s21+$0x0] =	vst.idx.add.f32.msk $0xffff, v2  }
0x475: {  	v14 =	vtrunc.f32 v21;
	v20 =	vadd.f32 v20, v5;
	v63 =	vld [tilespmem:s18+$0x8100];
	v18 =	vmul.f32 v18, v4  }
0x476: {  	v16 =	vmin.f32 v16, $5.115000000e+02;
	v14 =	vcvt.f32.s32 v14;
	v11 =	vshll.u32 v11, $0x4  }
0x477: {  	v20 =	vmin.f32 v20, $5.115000000e+02;
	v18 =	vadd.f32 v18, v5;
	v17 =	vmul.f32 v17, v4  }
0x478: {  	[tilespmem:v6+s21+$0x0] =	vst.idx.add.f32.msk $0xffff, v2;
	v6 =	vshll.u32 v14, $0x4;
	v11 =	vor.u32 v0, v11;
	v14 =	vtrunc.f32 v20  }
0x479: {  	[tilespmem:v7+s21+$0x0] =	vst.idx.add.f32.msk $0xffff, v2;
	v7 =	vcvt.f32.s32 v14;
	v14 =	vmin.f32 v18, $5.115000000e+02;
	v17 =	vadd.f32 v17, v5  }
0x47a: {  	[tilespmem:v8+s21+$0x0] =	vst.idx.add.f32.msk $0xffff, v2;
	v6 =	vor.u32 v0, v6;
	v8 =	vmul.f32 v63, v4;
	v14 =	vtrunc.f32 v14  }
0x47b: {  	[tilespmem:v10+s21+$0x0] =	vst.idx.add.f32.msk $0xffff, v2;
	v7 =	vshll.u32 v7, $0x4;
	v10 =	vcvt.f32.s32 v14;
	v14 =	vmin.f32 v17, $5.115000000e+02  }
0x47c: {  	[tilespmem:v9+s21+$0x0] =	vst.idx.add.f32.msk $0xffff, v2;
	v7 =	vor.u32 v0, v7;
	v8 =	vadd.f32 v8, v5;
	v9 =	vtrunc.f32 v14  }
0x47d: {  	s29 =	sor.u32 $0x380, s28;
	[tilespmem:v11+s21+$0x0] =	vst.idx.add.f32.msk $0xffff, v2;
	v14 =	vtrunc.f32 v16;
	v10 =	vshll.u32 v10, $0x4;
	v9 =	vcvt.f32.s32 v9  }
0x47e: {  	v16 =	vld [tilespmem:s29+$0x8000];
	v14 =	vcvt.f32.s32 v14;
	v8 =	vmin.f32 v8, $5.115000000e+02;
	v10 =	vor.u32 v0, v10  }
0x47f: {  	v11 =	vtrunc.f32 v12;
	v12 =	vld [tilespmem:s25+$0x8090];
	v8 =	vtrunc.f32 v8;
	v9 =	vshll.u32 v9, $0x4  }
0x480: {  	[tilespmem:v6+s21+$0x0] =	vst.idx.add.f32.msk $0xffff, v2;
	v14 =	vshll.u32 v14, $0x4;
	v6 =	vcvt.f32.s32 v8;
	v8 =	vor.u32 v0, v9  }
0x481: {  	[tilespmem:v7+s21+$0x0] =	vst.idx.add.f32.msk $0xffff, v2;
	v7 =	vmin.f32 v15, $5.115000000e+02;
	v9 =	vcvt.f32.s32 v11;
	v11 =	vor.u32 v0, v14  }
0x482: {  	v14 =	vadd.f32 v19, v5;
	v15 =	vld [tilespmem:s18+$0x8190];
	v7 =	vtrunc.f32 v7;
	v6 =	vshll.u32 v6, $0x4  }
0x483: {  	v9 =	vshll.u32 v9, $0x4;
	v17 =	vor.u32 v0, v6;
	[tilespmem:v10+s21+$0x0] =	vst.idx.add.f32.msk $0xffff, v2;
	v6 =	vcvt.f32.s32 v7  }
0x484: {  	v7 =	vmin.f32 v14, $5.115000000e+02;
	v18 =	vor.u32 v0, v9;
	v9 =	vmul.f32 v12, v4;
	v10 =	vld [tilespmem:s16+$0x8290]  }
0x485: {  	s7 =	sor.u32 $0x380, s15;
	v7 =	vtrunc.f32 v7;
	v12 =	vshll.u32 v13, $0x4;
	v6 =	vshll.u32 v6, $0x4;
	[tilespmem:v8+s21+$0x0] =	vst.idx.add.f32.msk $0xffff, v2  }
0x486: {  	v7 =	vcvt.f32.s32 v7;
	v8 =	vmul.f32 v16, v4;
	v13 =	vadd.f32 v9, v5;
	v14 =	vld [tilespmem:s7+$0x8000]  }
0x487: {  	v9 =	vor.u32 v0, v6;
	v6 =	vor.u32 v0, v12;
	v16 =	vld [tilespmem:s25+$0x8080];
	v15 =	vmul.f32 v15, v4  }
0x488: {  	[tilespmem:v11+s21+$0x0] =	vst.idx.add.f32.msk $0xffff, v2;
	v7 =	vshll.u32 v7, $0x4;
	v8 =	vadd.f32 v8, v5;
	v12 =	vmin.f32 v13, $5.115000000e+02  }
0x489: {  	v11 =	vld [tilespmem:s16+$0x8200];
	v15 =	vadd.f32 v15, v5;
	v13 =	vtrunc.f32 v12;
	v10 =	vmul.f32 v10, v4  }
0x48a: {  	s13 =	simm.s32 $0xE;
	s12 =	sor.u32 $0x300, s9;
	[tilespmem:v17+s21+$0x0] =	vst.idx.add.f32.msk $0xffff, v2;
	v7 =	vor.u32 v0, v7;
	v17 =	vcvt.f32.s32 v13;
	v8 =	vmin.f32 v8, $5.115000000e+02  }
0x48b: {  	s28 =	sor.u32 $0x380, s6;
	s15 =	simm.s32 $0x100;
	s7 =	sor.u32 $0x380, s4;
	v12 =	vld [tilespmem:s18+$0x8180];
	v19 =	vmin.f32 v15, $5.115000000e+02;
	v13 =	vadd.f32 v10, v5;
	v10 =	vmul.f32 v14, v4  }
0x48c: {  	s4 =	sor.u32 $0x380, s9;
	s9 =	sor.u32 $0x300, s6;
	s6 =	simm.s32 $0x800;
	[tilespmem:v18+s21+$0x0] =	vst.idx.add.f32.msk $0xffff, v2;
	v15 =	vmul.f32 v16, v4;
	v16 =	vshll.u32 v17, $0x4;
	v14 =	vtrunc.f32 v19  }
.LBB2_9:
0x48d: {  	s29 =	sand.u32 $0x60, s15;
	s19 =	sand.u32 $0x3C00, s6;
	v14 =	vcvt.f32.s32 v14;
	v13 =	vmin.f32 v13, $5.115000000e+02;
	v17 =	vld [tilespmem:s1+$0x8280];
	v10 =	vadd.f32 v10, v5;
	s1 =	smov.u32 s16  }
0x48e: {  	v16 =	vor.u32 v0, v16;
	s16 =	smov.u32 s18;
	s18 =	smov.u32 s25;
	v15 =	vadd.f32 v15, v5;
	v13 =	vtrunc.f32 v13;
	[tilespmem:v9+s21+$0x0] =	vst.idx.add.f32.msk $0xffff, v2;
	s25 =	sor.u32 s29, s19  }
0x48f: {  	v9 =	vld [tilespmem:s25+$0x8010];
	v14 =	vshll.u32 v14, $0x4;
	v13 =	vcvt.f32.s32 v13;
	v10 =	vmin.f32 v10, $5.115000000e+02  }
0x490: {  	s13 =	sadd.s32 $0x2, s13;
	v18 =	vld [tilespmem:s25+$0x8000];
	v15 =	vmin.f32 v15, $5.115000000e+02;
	v14 =	vor.u32 v0, v14;
	v10 =	vtrunc.f32 v10  }
0x491: {  	p1 =	slt.u32 s13, $0x7E;
	v15 =	vtrunc.f32 v15;
	v13 =	vshll.u32 v13, $0x4;
	v10 =	vcvt.f32.s32 v10;
	v19 =	vld [tilespmem:s12+$0x8000];
	s12 =	smov.u32 s9  }
0x492: {  	s8 =	sadd.s32 $0x1, s8;
	v12 =	vmul.f32 v12, v4;
	v15 =	vcvt.f32.s32 v15;
	v13 =	vor.u32 v0, v13;
	[tilespmem:v7+s21+$0x0] =	vst.idx.add.f32.msk $0xffff, v2  }
0x493: {  	s9 =	sand.u32 $0x3, s8;
	v7 =	vmul.f32 v11, v4;
	v11 =	vmul.f32 v17, v4;
	[tilespmem:v16+s21+$0x0] =	vst.idx.add.f32.msk $0xffff, v2;
	v10 =	vshll.u32 v10, $0x4  }
0x494: {  	s9 =	sshll.u32 s9, $0x5;
	v9 =	vmul.f32 v9, v4;
	v15 =	vshll.u32 v15, $0x4;
	v16 =	vld [tilespmem:s18+$0x8110];
	v10 =	vor.u32 v0, v10  }
0x495: {  	v8 =	vtrunc.f32 v8;
	s19 =	sadd.s32 s9, s14;
	s14 =	smov.u32 s17;
	s17 =	smov.u32 s26;
	v17 =	vmul.f32 v18, v4;
	v15 =	vor.u32 v0, v15;
	[tilespmem:v14+s21+$0x0] =	vst.idx.add.f32.msk $0xffff, v2  }
0x496: {  	v12 =	vadd.f32 v12, v5;
	s9 =	sor.u32 $0x300, s19;
	s2 =	sor.u32 $0x380, s19;
	s29 =	sadd.s32 $0x10, s19;
	v9 =	vadd.f32 v9, v5;
	v14 =	vld [tilespmem:s16+$0x8210];
	v18 =	vmul.f32 v19, v4  }
0x497: {  	v8 =	vcvt.f32.s32 v8;
	s26 =	smov.u32 s6;
	v7 =	vadd.f32 v7, v5;
	s19 =	sor.u32 $0x300, s29;
	v17 =	vadd.f32 v17, v5;
	[tilespmem:v13+s21+$0x0] =	vst.idx.add.f32.msk $0xffff, v2  }
0x498: {  	v12 =	vmin.f32 v12, $5.115000000e+02;
	v11 =	vadd.f32 v11, v5;
	v9 =	vmin.f32 v9, $5.115000000e+02;
	v13 =	vld [tilespmem:s19+$0x8000]  }
0x499: {  	v17 =	vmin.f32 v17, $5.115000000e+02;
	v9 =	vtrunc.f32 v9;
	v16 =	vmul.f32 v16, v4;
	[tilespmem:v10+s21+$0x0] =	vst.idx.add.f32.msk $0xffff, v2  }
0x49a: {  	v7 =	vmin.f32 v7, $5.115000000e+02;
	v10 =	vtrunc.f32 v17;
	v9 =	vcvt.f32.s32 v9;
	[tilespmem:v15+s21+$0x0] =	vst.idx.add.f32.msk $0xffff, v2  }
0x49b: {  	v10 =	vcvt.f32.s32 v10;
	v15 =	vld [tilespmem:s18+$0x8100];
	v16 =	vadd.f32 v16, v5;
	v14 =	vmul.f32 v14, v4  }
0x49c: {  	v12 =	vtrunc.f32 v12;
	v7 =	vtrunc.f32 v7;
	v9 =	vshll.u32 v9, $0x4;
	v17 =	vld [tilespmem:s7+$0x8000];
	s7 =	smov.u32 s4;
	s4 =	smov.u32 s28;
	s28 =	smov.u32 s2  }
0x49d: {  	v16 =	vmin.f32 v16, $5.115000000e+02;
	v14 =	vadd.f32 v14, v5;
	v13 =	vmul.f32 v13, v4;
	[tilespmem:v6+s21+$0x0] =	vst.idx.add.f32.msk $0xffff, v2  }
0x49e: {  	v6 =	vshll.u32 v10, $0x4;
	v9 =	vor.u32 v0, v9;
	v10 =	vtrunc.f32 v16  }
0x49f: {  	v10 =	vcvt.f32.s32 v10;
	v14 =	vmin.f32 v14, $5.115000000e+02;
	v13 =	vadd.f32 v13, v5  }
0x4a0: {  	v6 =	vor.u32 v0, v6;
	v15 =	vmul.f32 v15, v4;
	v14 =	vtrunc.f32 v14  }
0x4a1: {  	v10 =	vshll.u32 v10, $0x4;
	v14 =	vcvt.f32.s32 v14;
	v13 =	vmin.f32 v13, $5.115000000e+02  }
0x4a2: {  	v15 =	vadd.f32 v15, v5;
	v10 =	vor.u32 v0, v10;
	v13 =	vtrunc.f32 v13  }
0x4a3: {  	v12 =	vcvt.f32.s32 v12;
	v14 =	vshll.u32 v14, $0x4;
	v13 =	vcvt.f32.s32 v13  }
0x4a4: {  	v7 =	vcvt.f32.s32 v7;
	[tilespmem:v9+s21+$0x0] =	vst.idx.add.f32.msk $0xffff, v2;
	v9 =	vmin.f32 v15, $5.115000000e+02;
	v14 =	vor.u32 v0, v14  }
0x4a5: {  	v12 =	vshll.u32 v12, $0x4;
	v15 =	vld [tilespmem:s25+$0x8090];
	v9 =	vtrunc.f32 v9;
	v13 =	vshll.u32 v13, $0x4  }
0x4a6: {  	v16 =	vor.u32 v0, v12;
	[tilespmem:v6+s21+$0x0] =	vst.idx.add.f32.msk $0xffff, v2;
	v6 =	vcvt.f32.s32 v9;
	v9 =	vor.u32 v0, v13  }
0x4a7: {  	v7 =	vshll.u32 v7, $0x4;
	[tilespmem:v10+s21+$0x0] =	vst.idx.add.f32.msk $0xffff, v2;
	v10 =	vmin.f32 v11, $5.115000000e+02;
	v11 =	vadd.f32 v18, v5  }
0x4a8: {  	v18 =	vor.u32 v0, v7;
	v6 =	vshll.u32 v6, $0x4;
	v12 =	vld [tilespmem:s18+$0x8190];
	v7 =	vtrunc.f32 v10  }
0x4a9: {  	v10 =	vor.u32 v0, v6;
	[tilespmem:v14+s21+$0x0] =	vst.idx.add.f32.msk $0xffff, v2;
	v6 =	vcvt.f32.s32 v7;
	v7 =	vmin.f32 v11, $5.115000000e+02  }
0x4aa: {  	v8 =	vshll.u32 v8, $0x4;
	v11 =	vmul.f32 v15, v4;
	v13 =	vld [tilespmem:s16+$0x8290];
	v7 =	vtrunc.f32 v7  }
0x4ab: {  	s2 =	sor.u32 $0x380, s29;
	v14 =	vmul.f32 v17, v4;
	[tilespmem:v9+s21+$0x0] =	vst.idx.add.f32.msk $0xffff, v2;
	v6 =	vshll.u32 v6, $0x4;
	v7 =	vcvt.f32.s32 v7  }
0x4ac: {  	v11 =	vadd.f32 v11, v5;
	v15 =	vld [tilespmem:s2+$0x8000];
	v9 =	vor.u32 v0, v6;
	v6 =	vor.u32 v0, v8  }
0x4ad: {  	v14 =	vadd.f32 v14, v5;
	v17 =	vld [tilespmem:s25+$0x8080];
	v8 =	vmul.f32 v12, v4;
	v7 =	vshll.u32 v7, $0x4  }
.Ltmp3:
0x4ae: {  	v11 =	vmin.f32 v11, $5.115000000e+02;
	[tilespmem:v10+s21+$0x0] =	vst.idx.add.f32.msk $0xffff, v2;
	v7 =	vor.u32 v0, v7;
	(pc) =	sbr.rel @p1 .LBB2_9-.Ltmp3, $4  }
0x4af: {  	v10 =	vtrunc.f32 v11;
	v12 =	vld [tilespmem:s18+$0x8180];
	v11 =	vadd.f32 v8, v5;
	v13 =	vmul.f32 v13, v4  }
0x4b0: {  	v8 =	vmin.f32 v14, $5.115000000e+02;
	v19 =	vcvt.f32.s32 v10;
	[tilespmem:v16+s21+$0x0] =	vst.idx.add.f32.msk $0xffff, v2  }
0x4b1: {  	v14 =	vmin.f32 v11, $5.115000000e+02;
	v11 =	vld [tilespmem:s16+$0x8200];
	v13 =	vadd.f32 v13, v5;
	v10 =	vmul.f32 v15, v4  }
0x4b2: {  	s15 =	sadd.s32 $0x20, s15;
	s6 =	sadd.s32 $0x100, s6;
	v15 =	vmul.f32 v17, v4;
	v16 =	vshll.u32 v19, $0x4;
	v14 =	vtrunc.f32 v14;
	[tilespmem:v18+s21+$0x0] =	vst.idx.add.f32.msk $0xffff, v2  }
0x4b3: {  	v16 =	vor.u32 v0, v16;
	_ =	sdelay $0x1  }
0x4b4: {  	v15 =	vadd.f32 v15, v5;
	_ =	sdelay $0x1  }
0x4b5: {  	v15 =	vmin.f32 v15, $5.115000000e+02  }
0x4b6: {  	v15 =	vtrunc.f32 v15;
	[tilespmem:v16+s21+$0x0] =	vst.idx.add.f32.msk $0xffff, v2  }
0x4b7: {  	v15 =	vcvt.f32.s32 v15;
	v16 =	vld [tilespmem:s25+$0x8110];
	_ =	sdelay $0x1  }
0x4b8: {  	v15 =	vshll.u32 v15, $0x4  }
0x4b9: {  	v15 =	vor.u32 v0, v15;
	_ =	sdelay $0x1  }
0x4ba: {  	v16 =	vmul.f32 v16, v4;
	_ =	sdelay $0x1  }
0x4bb: {  	v16 =	vadd.f32 v16, v5  }
0x4bc: {  	[tilespmem:v15+s21+$0x0] =	vst.idx.add.f32.msk $0xffff, v2  }
0x4bd: {  	v15 =	vld [tilespmem:s25+$0x8100];
	v16 =	vmin.f32 v16, $5.115000000e+02  }
0x4be: {  	v16 =	vtrunc.f32 v16  }
0x4bf: {  	v16 =	vcvt.f32.s32 v16;
	_ =	sdelay $0x1  }
0x4c0: {  	v16 =	vshll.u32 v16, $0x4  }
0x4c1: {  	v15 =	vmul.f32 v15, v4;
	v16 =	vor.u32 v0, v16;
	_ =	sdelay $0x1  }
0x4c2: {  	v15 =	vadd.f32 v15, v5;
	_ =	sdelay $0x1  }
0x4c3: {  	v15 =	vmin.f32 v15, $5.115000000e+02  }
0x4c4: {  	v15 =	vtrunc.f32 v15;
	[tilespmem:v16+s21+$0x0] =	vst.idx.add.f32.msk $0xffff, v2  }
0x4c5: {  	v15 =	vcvt.f32.s32 v15;
	v16 =	vld [tilespmem:s25+$0x8190];
	_ =	sdelay $0x1  }
0x4c6: {  	v15 =	vshll.u32 v15, $0x4  }
0x4c7: {  	v15 =	vor.u32 v0, v15;
	_ =	sdelay $0x1  }
0x4c8: {  	v16 =	vmul.f32 v16, v4;
	_ =	sdelay $0x1  }
0x4c9: {  	v14 =	vcvt.f32.s32 v14;
	v16 =	vadd.f32 v16, v5  }
0x4ca: {  	[tilespmem:v15+s21+$0x0] =	vst.idx.add.f32.msk $0xffff, v2  }
0x4cb: {  	v14 =	vshll.u32 v14, $0x4;
	v15 =	vld [tilespmem:s25+$0x8180];
	v16 =	vmin.f32 v16, $5.115000000e+02  }
0x4cc: {  	v14 =	vor.u32 v0, v14;
	v16 =	vtrunc.f32 v16  }
0x4cd: {  	v12 =	vmul.f32 v12, v4;
	v16 =	vcvt.f32.s32 v16;
	_ =	sdelay $0x1  }
0x4ce: {  	v12 =	vadd.f32 v12, v5;
	v16 =	vshll.u32 v16, $0x4  }
0x4cf: {  	v15 =	vmul.f32 v15, v4;
	v16 =	vor.u32 v0, v16  }
0x4d0: {  	v12 =	vmin.f32 v12, $5.115000000e+02;
	[tilespmem:v14+s21+$0x0] =	vst.idx.add.f32.msk $0xffff, v2  }
0x4d1: {  	v12 =	vtrunc.f32 v12;
	v14 =	vadd.f32 v15, v5;
	v15 =	vld [tilespmem:s18+$0x8210]  }
0x4d2: {  	v12 =	vcvt.f32.s32 v12  }
0x4d3: {  	v14 =	vmin.f32 v14, $5.115000000e+02  }
0x4d4: {  	v12 =	vshll.u32 v12, $0x4;
	v14 =	vtrunc.f32 v14;
	[tilespmem:v16+s21+$0x0] =	vst.idx.add.f32.msk $0xffff, v2  }
0x4d5: {  	v12 =	vor.u32 v0, v12;
	v14 =	vcvt.f32.s32 v14;
	v16 =	vld [tilespmem:s25+$0x8210]  }
0x4d6: {  	v15 =	vmul.f32 v15, v4  }
0x4d7: {  	v14 =	vshll.u32 v14, $0x4  }
0x4d8: {  	v14 =	vor.u32 v0, v14;
	v15 =	vadd.f32 v15, v5;
	_ =	sdelay $0x1  }
0x4d9: {  	[tilespmem:v12+s21+$0x0] =	vst.idx.add.f32.msk $0xffff, v2;
	v15 =	vmin.f32 v15, $5.115000000e+02;
	v16 =	vmul.f32 v16, v4  }
0x4da: {  	v12 =	vtrunc.f32 v15;
	v15 =	vld [tilespmem:s18+$0x8200]  }
0x4db: {  	v12 =	vcvt.f32.s32 v12;
	v16 =	vadd.f32 v16, v5  }
0x4dc: {  	v11 =	vmul.f32 v11, v4;
	[tilespmem:v14+s21+$0x0] =	vst.idx.add.f32.msk $0xffff, v2  }
0x4dd: {  	v12 =	vshll.u32 v12, $0x4;
	v14 =	vmin.f32 v16, $5.115000000e+02;
	v16 =	vld [tilespmem:s25+$0x8200]  }
0x4de: {  	v11 =	vadd.f32 v11, v5;
	v12 =	vor.u32 v0, v12;
	v14 =	vtrunc.f32 v14  }
0x4df: {  	v13 =	vmin.f32 v13, $5.115000000e+02;
	v15 =	vmul.f32 v15, v4;
	v14 =	vcvt.f32.s32 v14  }
0x4e0: {  	v13 =	vtrunc.f32 v13;
	v11 =	vmin.f32 v11, $5.115000000e+02  }
0x4e1: {  	v11 =	vtrunc.f32 v11;
	v15 =	vadd.f32 v15, v5;
	v14 =	vshll.u32 v14, $0x4  }
0x4e2: {  	v11 =	vcvt.f32.s32 v11;
	v14 =	vor.u32 v0, v14;
	v16 =	vmul.f32 v16, v4  }
0x4e3: {  	v13 =	vcvt.f32.s32 v13;
	[tilespmem:v12+s21+$0x0] =	vst.idx.add.f32.msk $0xffff, v2;
	v12 =	vmin.f32 v15, $5.115000000e+02  }
0x4e4: {  	v11 =	vshll.u32 v11, $0x4;
	v12 =	vtrunc.f32 v12;
	v15 =	vadd.f32 v16, v5;
	v16 =	vld [tilespmem:s18+$0x8290]  }
0x4e5: {  	v11 =	vor.u32 v0, v11;
	v12 =	vcvt.f32.s32 v12  }
0x4e6: {  	v17 =	vld [tilespmem:s1+$0x8280];
	v13 =	vshll.u32 v13, $0x4;
	v15 =	vmin.f32 v15, $5.115000000e+02  }
0x4e7: {  	v13 =	vor.u32 v0, v13;
	v12 =	vshll.u32 v12, $0x4;
	[tilespmem:v14+s21+$0x0] =	vst.idx.add.f32.msk $0xffff, v2;
	v14 =	vtrunc.f32 v15  }
0x4e8: {  	v12 =	vor.u32 v0, v12;
	v15 =	vld [tilespmem:s25+$0x8290];
	v14 =	vcvt.f32.s32 v14  }
0x4e9: {  	v16 =	vmul.f32 v16, v4  }
0x4ea: {  	[tilespmem:v11+s21+$0x0] =	vst.idx.add.f32.msk $0xffff, v2;
	v14 =	vshll.u32 v14, $0x4  }
0x4eb: {  	v11 =	vor.u32 v0, v14;
	v14 =	vmul.f32 v17, v4;
	v16 =	vadd.f32 v16, v5;
	v17 =	vld [tilespmem:s16+$0x8280]  }
0x4ec: {  	s2 =	sadd.s32 $0x1, s8;
	[tilespmem:v13+s21+$0x0] =	vst.idx.add.f32.msk $0xffff, v2  }
0x4ed: {  	s19 =	sand.u32 $0x3, s2;
	[tilespmem:v12+s21+$0x0] =	vst.idx.add.f32.msk $0xffff, v2;
	v13 =	vmul.f32 v15, v4;
	v14 =	vadd.f32 v14, v5;
	v15 =	vmin.f32 v16, $5.115000000e+02  }
0x4ee: {  	s1 =	sshll.u32 s19, $0x5;
	v12 =	vtrunc.f32 v15;
	v15 =	vld [tilespmem:s18+$0x8280]  }
0x4ef: {  	s1 =	sadd.s32 s1, s14;
	v13 =	vadd.f32 v13, v5;
	v14 =	vmin.f32 v14, $5.115000000e+02;
	v12 =	vcvt.f32.s32 v12  }
0x4f0: {  	s13 =	sadd.s32 $0x10, s1;
	[tilespmem:v11+s21+$0x0] =	vst.idx.add.f32.msk $0xffff, v2;
	v11 =	vtrunc.f32 v14;
	v14 =	vmul.f32 v17, v4  }
0x4f1: {  	v10 =	vadd.f32 v10, v5;
	s6 =	sor.u32 $0x300, s13;
	v13 =	vmin.f32 v13, $5.115000000e+02;
	v16 =	vld [tilespmem:s25+$0x8280];
	v11 =	vcvt.f32.s32 v11  }
0x4f2: {  	v17 =	vld [tilespmem:s6+$0x8000];
	v12 =	vshll.u32 v12, $0x4;
	v13 =	vtrunc.f32 v13;
	v14 =	vadd.f32 v14, v5  }
0x4f3: {  	s2 =	sadd.s32 $0x1, s2;
	v12 =	vor.u32 v0, v12;
	v13 =	vcvt.f32.s32 v13;
	v15 =	vmul.f32 v15, v4  }
0x4f4: {  	[tilespmem:v9+s21+$0x0] =	vst.idx.add.f32.msk $0xffff, v2;
	v8 =	vtrunc.f32 v8;
	s25 =	sand.u32 $0x3, s2;
	v9 =	vshll.u32 v11, $0x4;
	v11 =	vmin.f32 v14, $5.115000000e+02  }
0x4f5: {  	s6 =	sshll.u32 s25, $0x5;
	v9 =	vor.u32 v0, v9;
	v13 =	vshll.u32 v13, $0x4;
	v15 =	vadd.f32 v15, v5  }
0x4f6: {  	s2 =	sadd.s32 $0x1, s2;
	s6 =	sadd.s32 s6, s17;
	v14 =	vld [tilespmem:s12+$0x8000];
	v11 =	vtrunc.f32 v11;
	v13 =	vor.u32 v0, v13;
	v16 =	vmul.f32 v16, v4  }
0x4f7: {  	v10 =	vmin.f32 v10, $5.115000000e+02;
	s2 =	sand.u32 $0x3, s2;
	s29 =	sadd.s32 $0x10, s6;
	v17 =	vmul.f32 v17, v4;
	v11 =	vcvt.f32.s32 v11  }
0x4f8: {  	v10 =	vtrunc.f32 v10;
	s2 =	sshll.u32 s2, $0x5;
	s12 =	sor.u32 $0x300, s29;
	[tilespmem:v12+s21+$0x0] =	vst.idx.add.f32.msk $0xffff, v2;
	v12 =	vmin.f32 v15, $5.115000000e+02;
	v15 =	vadd.f32 v16, v5  }
0x4f9: {  	s15 =	sadd.s32 s2, s26;
	v16 =	vadd.f32 v17, v5;
	v17 =	vld [tilespmem:s12+$0x8000];
	v12 =	vtrunc.f32 v12;
	v11 =	vshll.u32 v11, $0x4  }
0x4fa: {  	s16 =	sadd.s32 $0x10, s15;
	v12 =	vcvt.f32.s32 v12;
	v11 =	vor.u32 v0, v11;
	[tilespmem:v9+s21+$0x0] =	vst.idx.add.f32.msk $0xffff, v2;
	v15 =	vmin.f32 v15, $5.115000000e+02  }
0x4fb: {  	s17 =	sor.u32 $0x300, s16;
	v14 =	vmul.f32 v14, v4;
	[tilespmem:v13+s21+$0x0] =	vst.idx.add.f32.msk $0xffff, v2;
	v13 =	vtrunc.f32 v15  }
0x4fc: {  	v15 =	vmin.f32 v16, $5.115000000e+02;
	v12 =	vshll.u32 v12, $0x4;
	v16 =	vld [tilespmem:s17+$0x8000];
	v13 =	vcvt.f32.s32 v13  }
0x4fd: {  	v15 =	vtrunc.f32 v15;
	v9 =	vor.u32 v0, v12;
	v12 =	vadd.f32 v14, v5;
	v14 =	vld [tilespmem:s9+$0x8000]  }
0x4fe: {  	v17 =	vmul.f32 v17, v4;
	v15 =	vcvt.f32.s32 v15;
	v13 =	vshll.u32 v13, $0x4  }
0x4ff: {  	v8 =	vcvt.f32.s32 v8;
	v10 =	vcvt.f32.s32 v10;
	s18 =	sor.u32 $0x300, s1;
	[tilespmem:v11+s21+$0x0] =	vst.idx.add.f32.msk $0xffff, v2;
	v13 =	vor.u32 v0, v13  }
0x500: {  	v17 =	vadd.f32 v17, v5;
	v11 =	vshll.u32 v15, $0x4;
	v15 =	vld [tilespmem:s18+$0x8000]  }
0x501: {  	v8 =	vshll.u32 v8, $0x4;
	v10 =	vshll.u32 v10, $0x4;
	v16 =	vmul.f32 v16, v4  }
0x502: {  	s19 =	sor.u32 $0x300, s6;
	v11 =	vor.u32 v0, v11;
	v17 =	vmin.f32 v17, $5.115000000e+02;
	[tilespmem:v9+s21+$0x0] =	vst.idx.add.f32.msk $0xffff, v2;
	v9 =	vmul.f32 v14, v4  }
0x503: {  	v12 =	vmin.f32 v12, $5.115000000e+02;
	v14 =	vtrunc.f32 v17;
	v17 =	vld [tilespmem:s19+$0x8000];
	v16 =	vadd.f32 v16, v5  }
0x504: {  	s25 =	sor.u32 $0x300, s15;
	v12 =	vtrunc.f32 v12;
	v14 =	vcvt.f32.s32 v14;
	v9 =	vadd.f32 v9, v5;
	[tilespmem:v13+s21+$0x0] =	vst.idx.add.f32.msk $0xffff, v2  }
0x505: {  	v12 =	vcvt.f32.s32 v12;
	v15 =	vmul.f32 v15, v4;
	v13 =	vmin.f32 v16, $5.115000000e+02;
	v16 =	vld [tilespmem:s25+$0x8000]  }
0x506: {  	v14 =	vshll.u32 v14, $0x4;
	v9 =	vmin.f32 v9, $5.115000000e+02;
	v13 =	vtrunc.f32 v13  }
0x507: {  	s26 =	sor.u32 $0x380, s13;
	[tilespmem:v11+s21+$0x0] =	vst.idx.add.f32.msk $0xffff, v2;
	v11 =	vor.u32 v0, v14;
	v9 =	vtrunc.f32 v9;
	v15 =	vadd.f32 v15, v5  }
0x508: {  	v12 =	vshll.u32 v12, $0x4;
	v14 =	vld [tilespmem:s26+$0x8000];
	v13 =	vcvt.f32.s32 v13;
	v17 =	vmul.f32 v17, v4  }
0x509: {  	[tilespmem:v7+s21+$0x0] =	vst.idx.add.f32.msk $0xffff, v2;
	v7 =	vor.u32 v0, v12;
	v9 =	vcvt.f32.s32 v9;
	v15 =	vmin.f32 v15, $5.115000000e+02  }
0x50a: {  	v12 =	vshll.u32 v13, $0x4;
	v13 =	vld [tilespmem:s7+$0x8000];
	v17 =	vadd.f32 v17, v5;
	v16 =	vmul.f32 v16, v4  }
0x50b: {  	v9 =	vshll.u32 v9, $0x4;
	v15 =	vtrunc.f32 v15;
	v12 =	vor.u32 v0, v12  }
0x50c: {  	s29 =	sor.u32 $0x380, s29;
	[tilespmem:v11+s21+$0x0] =	vst.idx.add.f32.msk $0xffff, v2;
	v11 =	vcvt.f32.s32 v15;
	v15 =	vmin.f32 v17, $5.115000000e+02;
	v16 =	vadd.f32 v16, v5  }
0x50d: {  	v9 =	vor.u32 v0, v9;
	v14 =	vmul.f32 v14, v4;
	v17 =	vld [tilespmem:s29+$0x8000];
	v15 =	vtrunc.f32 v15  }
0x50e: {  	[tilespmem:v7+s21+$0x0] =	vst.idx.add.f32.msk $0xffff, v2;
	v7 =	vshll.u32 v11, $0x4;
	v11 =	vcvt.f32.s32 v15;
	v15 =	vmin.f32 v16, $5.115000000e+02  }
0x50f: {  	v13 =	vmul.f32 v13, v4;
	v16 =	vld [tilespmem:s4+$0x8000];
	v7 =	vor.u32 v0, v7;
	v15 =	vtrunc.f32 v15  }
0x510: {  	v14 =	vadd.f32 v14, v5;
	s4 =	sor.u32 $0x380, s16;
	[tilespmem:v12+s21+$0x0] =	vst.idx.add.f32.msk $0xffff, v2;
	v11 =	vshll.u32 v11, $0x4;
	v12 =	vcvt.f32.s32 v15  }
0x511: {  	v10 =	vor.u32 v0, v10;
	v13 =	vadd.f32 v13, v5;
	v15 =	vld [tilespmem:s4+$0x8000];
	v11 =	vor.u32 v0, v11  }
0x512: {  	v14 =	vmin.f32 v14, $5.115000000e+02;
	[tilespmem:v9+s21+$0x0] =	vst.idx.add.f32.msk $0xffff, v2;
	v17 =	vmul.f32 v17, v4;
	v9 =	vshll.u32 v12, $0x4  }
0x513: {  	v12 =	vmin.f32 v13, $5.115000000e+02;
	v13 =	vtrunc.f32 v14;
	v14 =	vld [tilespmem:s28+$0x8000];
	v9 =	vor.u32 v0, v9  }
0x514: {  	s1 =	sor.u32 $0x380, s1;
	v12 =	vtrunc.f32 v12;
	v16 =	vmul.f32 v16, v4;
	v17 =	vadd.f32 v17, v5;
	[tilespmem:v7+s21+$0x0] =	vst.idx.add.f32.msk $0xffff, v2  }
0x515: {  	v7 =	vor.u32 v0, v8;
	v8 =	vcvt.f32.s32 v13;
	v12 =	vcvt.f32.s32 v12;
	v13 =	vld [tilespmem:s1+$0x8000]  }
0x516: {  	s7 =	sor.u32 $0x380, s6;
	v16 =	vadd.f32 v16, v5;
	v17 =	vmin.f32 v17, $5.115000000e+02;
	v15 =	vmul.f32 v15, v4;
	[tilespmem:v11+s21+$0x0] =	vst.idx.add.f32.msk $0xffff, v2  }
0x517: {  	v8 =	vshll.u32 v8, $0x4;
	v11 =	vshll.u32 v12, $0x4;
	v12 =	vtrunc.f32 v17;
	v17 =	vld [tilespmem:s7+$0x8000]  }
0x518: {  	s8 =	sor.u32 $0x380, s15;
	v16 =	vmin.f32 v16, $5.115000000e+02;
	v12 =	vcvt.f32.s32 v12;
	v15 =	vadd.f32 v15, v5;
	[tilespmem:v9+s21+$0x0] =	vst.idx.add.f32.msk $0xffff, v2  }
0x519: {  	v14 =	vmul.f32 v14, v4;
	v9 =	vor.u32 v0, v11;
	v11 =	vtrunc.f32 v16;
	v16 =	vld [tilespmem:s8+$0x8000]  }
0x51a: {  	v8 =	vor.u32 v0, v8;
	v12 =	vshll.u32 v12, $0x4;
	v11 =	vcvt.f32.s32 v11  }
0x51b: {  	v15 =	vmin.f32 v15, $5.115000000e+02;
	v13 =	vmul.f32 v13, v4;
	v14 =	vadd.f32 v14, v5  }
0x51c: {  	v12 =	vor.u32 v0, v12;
	v15 =	vtrunc.f32 v15;
	v11 =	vshll.u32 v11, $0x4  }
0x51d: {  	v15 =	vcvt.f32.s32 v15;
	v17 =	vmul.f32 v17, v4;
	v13 =	vadd.f32 v13, v5  }
0x51e: {  	v14 =	vmin.f32 v14, $5.115000000e+02;
	v11 =	vor.u32 v0, v11;
	v16 =	vmul.f32 v16, v4  }
0x51f: {  	v14 =	vtrunc.f32 v14;
	v15 =	vshll.u32 v15, $0x4;
	v17 =	vadd.f32 v17, v5  }
0x520: {  	[tilespmem:v10+s21+$0x0] =	vst.idx.add.f32.msk $0xffff, v2;
	v13 =	vmin.f32 v13, $5.115000000e+02;
	v10 =	vcvt.f32.s32 v14;
	v16 =	vadd.f32 v16, v5  }
0x521: {  	v15 =	vor.u32 v0, v15;
	v13 =	vtrunc.f32 v13;
	v14 =	vmin.f32 v17, $5.115000000e+02  }
0x522: {  	[tilespmem:v6+s21+$0x0] =	vst.idx.add.f32.msk $0xffff, v2;
	v6 =	vcvt.f32.s32 v13;
	v13 =	vtrunc.f32 v14;
	v14 =	vmin.f32 v16, $5.115000000e+02  }
0x523: {  	[tilespmem:v8+s21+$0x0] =	vst.idx.add.f32.msk $0xffff, v2;
	v8 =	vshll.u32 v10, $0x4;
	v10 =	vcvt.f32.s32 v13;
	v13 =	vtrunc.f32 v14  }
0x524: {  	[tilespmem:v7+s21+$0x0] =	vst.idx.add.f32.msk $0xffff, v2;
	v7 =	vor.u32 v0, v8;
	v6 =	vshll.u32 v6, $0x4;
	v8 =	vcvt.f32.s32 v13  }
0x525: {  	[tilespmem:v9+s21+$0x0] =	vst.idx.add.f32.msk $0xffff, v2;
	v6 =	vor.u32 v0, v6;
	v10 =	vshll.u32 v10, $0x4  }
0x526: {  	[tilespmem:v12+s21+$0x0] =	vst.idx.add.f32.msk $0xffff, v2;
	v9 =	vor.u32 v0, v10;
	v8 =	vshll.u32 v8, $0x4  }
0x527: {  	[tilespmem:v11+s21+$0x0] =	vst.idx.add.f32.msk $0xffff, v2;
	v8 =	vor.u32 v0, v8  }
0x528: {  	[tilespmem:v15+s21+$0x0] =	vst.idx.add.f32.msk $0xffff, v2  }
0x529: {  	[tilespmem:v7+s21+$0x0] =	vst.idx.add.f32.msk $0xffff, v2  }
0x52a: {  	[tilespmem:v6+s21+$0x0] =	vst.idx.add.f32.msk $0xffff, v2  }
0x52b: {  	[tilespmem:v9+s21+$0x0] =	vst.idx.add.f32.msk $0xffff, v2  }
0x52c: {  	s2 =	simm.s32 @!p0 $0x0;
	s1 =	sadd.s32 @!p0 $0x1000, s3;
	s3 =	simm.s32 @!p0 $0x8000;
	[tilespmem:v8+s21+$0x0] =	vst.idx.add.f32.msk $0xffff, v2  }
0x52d: {  	[tilespmem:s3], [sflag:$0x3] =	stream.linear.gather @!p0 [hbm4b:s1+s2], $0x4000, $0x38;
	[tilespmem:$0x12300] =	vst v63  }
0x52e: {  	s9 =	simm.s32 $0x0;
	_ =	swait.ge [sflag:s24], $0x4000  }
0x52f: {  	s12 =	sand.u32 $0x60, s9;
	s13 =	sand.u32 $0x3C00, s9;
	[sflag:s24] =	ssyncset.done $0x0  }
0x530: {  	s3 =	sor.u32 s12, s13;
	[sflag:s24] =	ssyncadd.s32 $0xFFFFC000  }
0x531: {  	v6 =	vld [tilespmem:s3+$0xC010];
	_ =	sdelay $0x4  }
0x532: {  	v6 =	vmul.f32 v6, v4;
	_ =	sdelay $0x1  }
0x533: {  	v6 =	vadd.f32 v6, v5;
	_ =	sdelay $0x1  }
0x534: {  	v6 =	vmin.f32 v6, $5.115000000e+02  }
0x535: {  	v6 =	vtrunc.f32 v6  }
0x536: {  	v6 =	vcvt.f32.s32 v6;
	_ =	sdelay $0x1  }
0x537: {  	v6 =	vshll.u32 v6, $0x4  }
0x538: {  	v6 =	vor.u32 v0, v6;
	_ =	sdelay $0x4  }
0x539: {  	[tilespmem:v6+s21+$0x0] =	vst.idx.add.f32.msk $0xffff, v2  }
0x53a: {  	s14 =	simm.s32 $0x100;
	s15 =	simm.s32 $0x20;
	v6 =	vld [tilespmem:s3+$0xC090]  }
0x53b: {  	s4 =	sand.u32 $0x60, s15;
	s2 =	sand.u32 $0x3C00, s14  }
0x53c: {  	s4 =	sor.u32 s4, s2  }
0x53d: {  	v7 =	vld [tilespmem:s4+$0xC010];
	_ =	sdelay $0x1  }
0x53e: {  	v6 =	vmul.f32 v6, v4;
	_ =	sdelay $0x1  }
0x53f: {  	v6 =	vadd.f32 v6, v5  }
0x540: {  	v7 =	vmul.f32 v7, v4  }
0x541: {  	v6 =	vmin.f32 v6, $5.115000000e+02  }
0x542: {  	v7 =	vadd.f32 v7, v5;
	v6 =	vtrunc.f32 v6  }
0x543: {  	v6 =	vcvt.f32.s32 v6  }
0x544: {  	v7 =	vmin.f32 v7, $5.115000000e+02  }
0x545: {  	v7 =	vtrunc.f32 v7;
	v6 =	vshll.u32 v6, $0x4  }
0x546: {  	v7 =	vcvt.f32.s32 v7;
	v6 =	vor.u32 v0, v6;
	_ =	sdelay $0x1  }
0x547: {  	v7 =	vshll.u32 v7, $0x4  }
0x548: {  	v7 =	vor.u32 v0, v7;
	_ =	sdelay $0x1  }
0x549: {  	[tilespmem:v6+s21+$0x0] =	vst.idx.add.f32.msk $0xffff, v2  }
0x54a: {  	v6 =	vld [tilespmem:s3+$0xC110];
	_ =	sdelay $0x1  }
0x54b: {  	[tilespmem:v7+s21+$0x0] =	vst.idx.add.f32.msk $0xffff, v2  }
0x54c: {  	v7 =	vld [tilespmem:s4+$0xC090];
	_ =	sdelay $0x1  }
0x54d: {  	v8 =	vld [tilespmem:s3+$0xC000];
	v6 =	vmul.f32 v6, v4;
	_ =	sdelay $0x1  }
0x54e: {  	v6 =	vadd.f32 v6, v5  }
0x54f: {  	v7 =	vmul.f32 v7, v4  }
0x550: {  	v6 =	vmin.f32 v6, $5.115000000e+02  }
0x551: {  	v8 =	vmul.f32 v8, v4;
	v7 =	vadd.f32 v7, v5;
	v6 =	vtrunc.f32 v6  }
0x552: {  	v9 =	vld [tilespmem:s4+$0xC000];
	v6 =	vcvt.f32.s32 v6  }
0x553: {  	v8 =	vadd.f32 v8, v5;
	v7 =	vmin.f32 v7, $5.115000000e+02  }
0x554: {  	v7 =	vtrunc.f32 v7;
	v6 =	vshll.u32 v6, $0x4  }
0x555: {  	v8 =	vmin.f32 v8, $5.115000000e+02;
	v7 =	vcvt.f32.s32 v7;
	v6 =	vor.u32 v0, v6  }
0x556: {  	s17 =	simm.s32 $0x40;
	s16 =	simm.s32 $0x200;
	v8 =	vtrunc.f32 v8  }
0x557: {  	s6 =	sand.u32 $0x60, s17;
	s2 =	sand.u32 $0x3C00, s16;
	v9 =	vmul.f32 v9, v4;
	v8 =	vcvt.f32.s32 v8;
	v7 =	vshll.u32 v7, $0x4  }
0x558: {  	s17 =	sor.u32 s6, s2;
	v7 =	vor.u32 v0, v7  }
0x559: {  	v10 =	vld [tilespmem:s17+$0xC010];
	v9 =	vadd.f32 v9, v5;
	v8 =	vshll.u32 v8, $0x4  }
0x55a: {  	v8 =	vor.u32 v0, v8;
	[tilespmem:v6+s21+$0x0] =	vst.idx.add.f32.msk $0xffff, v2  }
0x55b: {  	v6 =	vmin.f32 v9, $5.115000000e+02;
	v9 =	vld [tilespmem:s3+$0xC190]  }
0x55c: {  	v6 =	vtrunc.f32 v6  }
0x55d: {  	[tilespmem:v7+s21+$0x0] =	vst.idx.add.f32.msk $0xffff, v2;
	v6 =	vcvt.f32.s32 v6  }
0x55e: {  	v7 =	vmul.f32 v10, v4;
	v10 =	vld [tilespmem:s4+$0xC110]  }
0x55f: {  	[tilespmem:v8+s21+$0x0] =	vst.idx.add.f32.msk $0xffff, v2;
	v6 =	vshll.u32 v6, $0x4  }
0x560: {  	v8 =	vld [tilespmem:s3+$0xC080];
	v7 =	vadd.f32 v7, v5;
	v6 =	vor.u32 v0, v6;
	v9 =	vmul.f32 v9, v4;
	_ =	sdelay $0x1  }
0x561: {  	v7 =	vmin.f32 v7, $5.115000000e+02;
	v9 =	vadd.f32 v9, v5  }
0x562: {  	v7 =	vtrunc.f32 v7;
	v10 =	vmul.f32 v10, v4  }
0x563: {  	v7 =	vcvt.f32.s32 v7;
	v9 =	vmin.f32 v9, $5.115000000e+02  }
0x564: {  	v8 =	vmul.f32 v8, v4;
	[tilespmem:v6+s21+$0x0] =	vst.idx.add.f32.msk $0xffff, v2;
	v6 =	vtrunc.f32 v9;
	v9 =	vadd.f32 v10, v5  }
0x565: {  	v7 =	vshll.u32 v7, $0x4;
	v10 =	vld [tilespmem:s4+$0xC080];
	v6 =	vcvt.f32.s32 v6  }
0x566: {  	v8 =	vadd.f32 v8, v5;
	v7 =	vor.u32 v0, v7;
	v9 =	vmin.f32 v9, $5.115000000e+02  }
0x567: {  	v11 =	vld [tilespmem:s17+$0xC000];
	v6 =	vshll.u32 v6, $0x4;
	v9 =	vtrunc.f32 v9  }
0x568: {  	v8 =	vmin.f32 v8, $5.115000000e+02;
	v6 =	vor.u32 v0, v6;
	v9 =	vcvt.f32.s32 v9  }
0x569: {  	v8 =	vtrunc.f32 v8  }
0x56a: {  	v8 =	vcvt.f32.s32 v8;
	v10 =	vmul.f32 v10, v4;
	v9 =	vshll.u32 v9, $0x4  }
0x56b: {  	[tilespmem:v7+s21+$0x0] =	vst.idx.add.f32.msk $0xffff, v2;
	v9 =	vor.u32 v0, v9  }
0x56c: {  	v7 =	vshll.u32 v8, $0x4;
	v8 =	vadd.f32 v10, v5;
	v10 =	vmul.f32 v11, v4;
	v11 =	vld [tilespmem:s17+$0xC090]  }
0x56d: {  	v7 =	vor.u32 v0, v7;
	[tilespmem:v6+s21+$0x0] =	vst.idx.add.f32.msk $0xffff, v2  }
0x56e: {  	v6 =	vmin.f32 v8, $5.115000000e+02;
	v10 =	vadd.f32 v10, v5;
	v8 =	vld [tilespmem:s3+$0xC210]  }
0x56f: {  	v6 =	vtrunc.f32 v6  }
0x570: {  	v6 =	vcvt.f32.s32 v6;
	v10 =	vmin.f32 v10, $5.115000000e+02;
	[tilespmem:v9+s21+$0x0] =	vst.idx.add.f32.msk $0xffff, v2  }
0x571: {  	v9 =	vtrunc.f32 v10;
	v11 =	vmul.f32 v11, v4;
	v10 =	vld [tilespmem:s4+$0xC190]  }
0x572: {  	[tilespmem:v7+s21+$0x0] =	vst.idx.add.f32.msk $0xffff, v2;
	v6 =	vshll.u32 v6, $0x4;
	v7 =	vcvt.f32.s32 v9  }
0x573: {  	v9 =	vld [tilespmem:s3+$0xC100];
	v6 =	vor.u32 v0, v6;
	v11 =	vadd.f32 v11, v5;
	v8 =	vmul.f32 v8, v4  }
0x574: {  	v7 =	vshll.u32 v7, $0x4  }
0x575: {  	v7 =	vor.u32 v0, v7;
	v11 =	vmin.f32 v11, $5.115000000e+02;
	v8 =	vadd.f32 v8, v5  }
0x576: {  	v11 =	vtrunc.f32 v11;
	v10 =	vmul.f32 v10, v4  }
0x577: {  	v11 =	vcvt.f32.s32 v11;
	v8 =	vmin.f32 v8, $5.115000000e+02  }
0x578: {  	v9 =	vmul.f32 v9, v4;
	[tilespmem:v6+s21+$0x0] =	vst.idx.add.f32.msk $0xffff, v2;
	v6 =	vtrunc.f32 v8;
	v8 =	vadd.f32 v10, v5  }
0x579: {  	v10 =	vld [tilespmem:s4+$0xC100];
	v11 =	vshll.u32 v11, $0x4;
	v6 =	vcvt.f32.s32 v6  }
0x57a: {  	s18 =	simm.s32 $0x300;
	s19 =	simm.s32 $0x60;
	v9 =	vadd.f32 v9, v5;
	[tilespmem:v7+s21+$0x0] =	vst.idx.add.f32.msk $0xffff, v2;
	v7 =	vmin.f32 v8, $5.115000000e+02;
	v8 =	vor.u32 v0, v11  }
0x57b: {  	s6 =	sand.u32 $0x60, s19;
	s2 =	sand.u32 $0x3C00, s18;
	v11 =	vld [tilespmem:s17+$0xC080];
	v6 =	vshll.u32 v6, $0x4;
	v7 =	vtrunc.f32 v7  }
0x57c: {  	s18 =	sor.u32 s6, s2;
	v9 =	vmin.f32 v9, $5.115000000e+02;
	v6 =	vor.u32 v0, v6;
	v7 =	vcvt.f32.s32 v7  }
0x57d: {  	v12 =	vld [tilespmem:s18+$0xC010];
	v9 =	vtrunc.f32 v9  }
0x57e: {  	v9 =	vcvt.f32.s32 v9;
	v10 =	vmul.f32 v10, v4;
	v7 =	vshll.u32 v7, $0x4  }
0x57f: {  	v7 =	vor.u32 v0, v7;
	[tilespmem:v8+s21+$0x0] =	vst.idx.add.f32.msk $0xffff, v2  }
0x580: {  	v8 =	vshll.u32 v9, $0x4;
	v9 =	vadd.f32 v10, v5;
	v10 =	vmul.f32 v11, v4;
	v11 =	vld [tilespmem:s17+$0xC110]  }
0x581: {  	v8 =	vor.u32 v0, v8;
	[tilespmem:v6+s21+$0x0] =	vst.idx.add.f32.msk $0xffff, v2  }
0x582: {  	v12 =	vmul.f32 v12, v4;
	v6 =	vmin.f32 v9, $5.115000000e+02;
	v10 =	vadd.f32 v10, v5;
	v9 =	vld [tilespmem:s3+$0xC290]  }
0x583: {  	v6 =	vtrunc.f32 v6  }
0x584: {  	v6 =	vcvt.f32.s32 v6;
	v10 =	vmin.f32 v10, $5.115000000e+02;
	[tilespmem:v7+s21+$0x0] =	vst.idx.add.f32.msk $0xffff, v2;
	v7 =	vadd.f32 v12, v5  }
0x585: {  	v10 =	vtrunc.f32 v10;
	v12 =	vld [tilespmem:s4+$0xC210];
	v11 =	vmul.f32 v11, v4  }
0x586: {  	[tilespmem:v8+s21+$0x0] =	vst.idx.add.f32.msk $0xffff, v2;
	v6 =	vshll.u32 v6, $0x4;
	v8 =	vcvt.f32.s32 v10;
	v7 =	vmin.f32 v7, $5.115000000e+02  }
0x587: {  	v10 =	vld [tilespmem:s18+$0xC000];
	v9 =	vmul.f32 v9, v4;
	v7 =	vtrunc.f32 v7;
	v11 =	vadd.f32 v11, v5  }
0x588: {  	v13 =	vld [tilespmem:s3+$0xC180];
	v6 =	vor.u32 v0, v6;
	v8 =	vshll.u32 v8, $0x4;
	v7 =	vcvt.f32.s32 v7  }
0x589: {  	v8 =	vor.u32 v0, v8;
	v9 =	vadd.f32 v9, v5;
	v11 =	vmin.f32 v11, $5.115000000e+02  }
0x58a: {  	v12 =	vmul.f32 v12, v4;
	v7 =	vshll.u32 v7, $0x4;
	v11 =	vtrunc.f32 v11  }
0x58b: {  	v7 =	vor.u32 v0, v7;
	v11 =	vcvt.f32.s32 v11  }
0x58c: {  	v10 =	vmul.f32 v10, v4;
	v9 =	vmin.f32 v9, $5.115000000e+02;
	v12 =	vadd.f32 v12, v5  }
0x58d: {  	v13 =	vmul.f32 v13, v4;
	[tilespmem:v6+s21+$0x0] =	vst.idx.add.f32.msk $0xffff, v2;
	v6 =	vtrunc.f32 v9;
	v9 =	vshll.u32 v11, $0x4  }
0x58e: {  	v10 =	vadd.f32 v10, v5;
	v11 =	vld [tilespmem:s4+$0xC180];
	v12 =	vmin.f32 v12, $5.115000000e+02;
	v9 =	vor.u32 v0, v9  }
0x58f: {  	v6 =	vcvt.f32.s32 v6;
	[tilespmem:v8+s21+$0x0] =	vst.idx.add.f32.msk $0xffff, v2;
	v8 =	vtrunc.f32 v12  }
0x590: {  	v10 =	vmin.f32 v10, $5.115000000e+02;
	v8 =	vcvt.f32.s32 v8;
	[tilespmem:v7+s21+$0x0] =	vst.idx.add.f32.msk $0xffff, v2  }
0x591: {  	v6 =	vshll.u32 v6, $0x4;
	v10 =	vtrunc.f32 v10;
	v7 =	vadd.f32 v13, v5;
	v12 =	vld [tilespmem:s18+$0xC090]  }
0x592: {  	v6 =	vor.u32 v0, v6;
	v10 =	vcvt.f32.s32 v10;
	v13 =	vld [tilespmem:s17+$0xC100];
	v8 =	vshll.u32 v8, $0x4  }
0x593: {  	v8 =	vor.u32 v0, v8;
	[tilespmem:v9+s21+$0x0] =	vst.idx.add.f32.msk $0xffff, v2  }
0x594: {  	v7 =	vmin.f32 v7, $5.115000000e+02;
	v9 =	vshll.u32 v10, $0x4;
	v10 =	vld [tilespmem:s17+$0xC190]  }
0x595: {  	v7 =	vtrunc.f32 v7;
	v9 =	vor.u32 v0, v9  }
0x596: {  	v7 =	vcvt.f32.s32 v7;
	v12 =	vmul.f32 v12, v4  }
0x597: {  	[tilespmem:v6+s21+$0x0] =	vst.idx.add.f32.msk $0xffff, v2;
	v6 =	vmul.f32 v13, v4  }
0x598: {  	s1 =	sand.u32 $0x3, s9;
	v11 =	vmul.f32 v11, v4;
	v7 =	vshll.u32 v7, $0x4;
	[tilespmem:v8+s21+$0x0] =	vst.idx.add.f32.msk $0xffff, v2;
	v8 =	vadd.f32 v12, v5  }
0x599: {  	s1 =	sshll.u32 s1, $0x5;
	v7 =	vor.u32 v0, v7;
	v6 =	vadd.f32 v6, v5;
	v12 =	vld [tilespmem:s4+$0xC290];
	v10 =	vmul.f32 v10, v4  }
0x59a: {  	s7 =	sadd.s32 $0x0, s1;
	v11 =	vadd.f32 v11, v5;
	[tilespmem:v9+s21+$0x0] =	vst.idx.add.f32.msk $0xffff, v2;
	v8 =	vmin.f32 v8, $5.115000000e+02  }
0x59b: {  	s25 =	sadd.s32 $0x10, s7;
	v6 =	vmin.f32 v6, $5.115000000e+02;
	v9 =	vld [tilespmem:s18+$0xC080];
	v8 =	vtrunc.f32 v8;
	v10 =	vadd.f32 v10, v5  }
0x59c: {  	s28 =	sor.u32 $0x300, s25;
	v6 =	vtrunc.f32 v6;
	v8 =	vcvt.f32.s32 v8  }
0x59d: {  	v13 =	vld [tilespmem:s28+$0xC000];
	v11 =	vmin.f32 v11, $5.115000000e+02;
	v6 =	vcvt.f32.s32 v6;
	v10 =	vmin.f32 v10, $5.115000000e+02  }
0x59e: {  	[tilespmem:v7+s21+$0x0] =	vst.idx.add.f32.msk $0xffff, v2;
	v7 =	vmul.f32 v12, v4;
	v8 =	vshll.u32 v8, $0x4;
	v10 =	vtrunc.f32 v10  }
0x59f: {  	v11 =	vtrunc.f32 v11;
	v10 =	vcvt.f32.s32 v10;
	v8 =	vor.u32 v0, v8  }
0x5a0: {  	s29 =	simm.s32 $0x400;
	s8 =	simm.s32 $0x80;
	v6 =	vshll.u32 v6, $0x4;
	v12 =	vld [tilespmem:s3+$0xC200];
	v9 =	vmul.f32 v9, v4;
	v7 =	vadd.f32 v7, v5  }
0x5a1: {  	s1 =	sand.u32 $0x3C00, s29;
	s2 =	sand.u32 $0x60, s8;
	v11 =	vcvt.f32.s32 v11;
	v6 =	vor.u32 v0, v6;
	v10 =	vshll.u32 v10, $0x4  }
0x5a2: {  	s1 =	sor.u32 s2, s1;
	v9 =	vadd.f32 v9, v5;
	v7 =	vmin.f32 v7, $5.115000000e+02;
	v10 =	vor.u32 v0, v10  }
0x5a3: {  	v14 =	vld [tilespmem:s1+$0xC010];
	v13 =	vmul.f32 v13, v4;
	v7 =	vtrunc.f32 v7  }
0x5a4: {  	v11 =	vshll.u32 v11, $0x4;
	v9 =	vmin.f32 v9, $5.115000000e+02;
	v7 =	vcvt.f32.s32 v7;
	[tilespmem:v8+s21+$0x0] =	vst.idx.add.f32.msk $0xffff, v2  }
0x5a5: {  	v12 =	vmul.f32 v12, v4;
	v8 =	vadd.f32 v13, v5;
	v9 =	vtrunc.f32 v9;
	v13 =	vld [tilespmem:s18+$0xC110]  }
0x5a6: {  	v11 =	vor.u32 v0, v11;
	[tilespmem:v6+s21+$0x0] =	vst.idx.add.f32.msk $0xffff, v2;
	v6 =	vshll.u32 v7, $0x4;
	v7 =	vcvt.f32.s32 v9  }
0x5a7: {  	s9 =	simm.s32 $0x1;
	v9 =	vadd.f32 v12, v5;
	v8 =	vmin.f32 v8, $5.115000000e+02;
	v6 =	vor.u32 v0, v6;
	[tilespmem:v10+s21+$0x0] =	vst.idx.add.f32.msk $0xffff, v2  }
0x5a8: {  	s2 =	sand.u32 $0x3, s9;
	v8 =	vtrunc.f32 v8;
	v10 =	vmul.f32 v14, v4;
	v7 =	vshll.u32 v7, $0x4;
	v12 =	vld [tilespmem:s17+$0xC210]  }
0x5a9: {  	s2 =	sshll.u32 s2, $0x5;
	v14 =	vld [tilespmem:s17+$0xC180];
	v9 =	vmin.f32 v9, $5.115000000e+02;
	v8 =	vcvt.f32.s32 v8;
	v7 =	vor.u32 v0, v7  }
0x5aa: {  	v15 =	vld [tilespmem:s1+$0xC000];
	s26 =	sadd.s32 $0x100, s2;
	v9 =	vtrunc.f32 v9;
	v10 =	vadd.f32 v10, v5;
	v13 =	vmul.f32 v13, v4  }
0x5ab: {  	s12 =	sadd.s32 $0x10, s26;
	[tilespmem:v11+s21+$0x0] =	vst.idx.add.f32.msk $0xffff, v2;
	v9 =	vcvt.f32.s32 v9;
	v8 =	vshll.u32 v8, $0x4  }
0x5ac: {  	s13 =	sor.u32 $0x300, s12;
	v8 =	vor.u32 v0, v8;
	[tilespmem:v6+s21+$0x0] =	vst.idx.add.f32.msk $0xffff, v2;
	v6 =	vmin.f32 v10, $5.115000000e+02;
	v10 =	vadd.f32 v13, v5  }
0x5ad: {  	v9 =	vshll.u32 v9, $0x4;
	v11 =	vld [tilespmem:s13+$0xC000];
	v6 =	vtrunc.f32 v6;
	v12 =	vmul.f32 v12, v4  }
0x5ae: {  	v14 =	vmul.f32 v14, v4;
	v6 =	vcvt.f32.s32 v6;
	[tilespmem:v7+s21+$0x0] =	vst.idx.add.f32.msk $0xffff, v2;
	v7 =	vmin.f32 v10, $5.115000000e+02  }
0x5af: {  	v10 =	vmul.f32 v15, v4;
	v13 =	vld [tilespmem:s18+$0xC100];
	v12 =	vadd.f32 v12, v5;
	v7 =	vtrunc.f32 v7  }
0x5b0: {  	v9 =	vor.u32 v0, v9;
	v15 =	vld [tilespmem:s4+$0xC200];
	v6 =	vshll.u32 v6, $0x4;
	v7 =	vcvt.f32.s32 v7  }
0x5b1: {  	v10 =	vadd.f32 v10, v5;
	v6 =	vor.u32 v0, v6;
	v12 =	vmin.f32 v12, $5.115000000e+02  }
0x5b2: {  	v11 =	vmul.f32 v11, v4;
	v12 =	vtrunc.f32 v12;
	v7 =	vshll.u32 v7, $0x4  }
0x5b3: {  	v10 =	vmin.f32 v10, $5.115000000e+02;
	v12 =	vcvt.f32.s32 v12;
	v7 =	vor.u32 v0, v7  }
0x5b4: {  	[tilespmem:v8+s21+$0x0] =	vst.idx.add.f32.msk $0xffff, v2;
	v8 =	vtrunc.f32 v10;
	v10 =	vadd.f32 v11, v5;
	v11 =	vmul.f32 v13, v4  }
0x5b5: {  	[tilespmem:v9+s21+$0x0] =	vst.idx.add.f32.msk $0xffff, v2;
	v15 =	vmul.f32 v15, v4;
	v8 =	vcvt.f32.s32 v8;
	v12 =	vshll.u32 v12, $0x4  }
0x5b6: {  	v10 =	vmin.f32 v10, $5.115000000e+02;
	v11 =	vadd.f32 v11, v5;
	[tilespmem:v6+s21+$0x0] =	vst.idx.add.f32.msk $0xffff, v2;
	v6 =	vor.u32 v0, v12  }
0x5b7: {  	v12 =	vadd.f32 v14, v5;
	v14 =	vadd.f32 v15, v5;
	v10 =	vtrunc.f32 v10;
	v15 =	vld [tilespmem:s1+$0xC090]  }
0x5b8: {  	v8 =	vshll.u32 v8, $0x4;
	v10 =	vcvt.f32.s32 v10;
	v11 =	vmin.f32 v11, $5.115000000e+02;
	[tilespmem:v7+s21+$0x0] =	vst.idx.add.f32.msk $0xffff, v2  }
0x5b9: {  	s14 =	sor.u32 $0x380, s25;
	v8 =	vor.u32 v0, v8;
	v7 =	vmin.f32 v12, $5.115000000e+02;
	v11 =	vtrunc.f32 v11;
	v12 =	vld [tilespmem:s18+$0xC190]  }
0x5ba: {  	v13 =	vld [tilespmem:s14+$0xC000];
	v9 =	vmin.f32 v14, $5.115000000e+02;
	v10 =	vshll.u32 v10, $0x4;
	v11 =	vcvt.f32.s32 v11  }
0x5bb: {  	v7 =	vtrunc.f32 v7;
	v9 =	vtrunc.f32 v9;
	v10 =	vor.u32 v0, v10;
	[tilespmem:v6+s21+$0x0] =	vst.idx.add.f32.msk $0xffff, v2  }
0x5bc: {  	v6 =	vcvt.f32.s32 v7;
	v7 =	vshll.u32 v11, $0x4;
	v11 =	vmul.f32 v15, v4;
	v14 =	vld [tilespmem:s17+$0xC290]  }
0x5bd: {  	v9 =	vcvt.f32.s32 v9;
	v15 =	vld [tilespmem:s3+$0xC280];
	v7 =	vor.u32 v0, v7  }
0x5be: {  	s16 =	simm.s32 $0xA0;
	[tilespmem:v8+s21+$0x0] =	vst.idx.add.f32.msk $0xffff, v2;
	s3 =	simm.s32 $0x500;
	v6 =	vshll.u32 v6, $0x4;
	v8 =	vadd.f32 v11, v5;
	v11 =	vmul.f32 v12, v4  }
0x5bf: {  	s2 =	sand.u32 $0x60, s16;
	s19 =	sand.u32 $0x3C00, s3;
	v12 =	vmul.f32 v13, v4;
	v6 =	vor.u32 v0, v6;
	v13 =	vld [tilespmem:s1+$0xC080]  }
0x5c0: {  	v9 =	vshll.u32 v9, $0x4;
	s14 =	sor.u32 s2, s19;
	[tilespmem:v10+s21+$0x0] =	vst.idx.add.f32.msk $0xffff, v2;
	v8 =	vmin.f32 v8, $5.115000000e+02;
	v10 =	vadd.f32 v11, v5  }
0x5c1: {  	v9 =	vor.u32 v0, v9;
	v16 =	vld [tilespmem:s14+$0xC010];
	v8 =	vtrunc.f32 v8;
	v14 =	vmul.f32 v14, v4  }
0x5c2: {  	s15 =	sor.u32 $0x380, s12;
	[tilespmem:v7+s21+$0x0] =	vst.idx.add.f32.msk $0xffff, v2;
	v7 =	vcvt.f32.s32 v8;
	v8 =	vmin.f32 v10, $5.115000000e+02  }
0x5c3: {  	v11 =	vld [tilespmem:s15+$0xC000];
	v10 =	vadd.f32 v12, v5;
	v14 =	vadd.f32 v14, v5;
	v8 =	vtrunc.f32 v8  }
0x5c4: {  	[tilespmem:v6+s21+$0x0] =	vst.idx.add.f32.msk $0xffff, v2;
	v6 =	vmul.f32 v13, v4;
	v7 =	vshll.u32 v7, $0x4;
	v8 =	vcvt.f32.s32 v8  }
0x5c5: {  	v17 =	vld [tilespmem:s14+$0xC000];
	v13 =	vmul.f32 v15, v4;
	v14 =	vmin.f32 v14, $5.115000000e+02;
	v7 =	vor.u32 v0, v7  }
0x5c6: {  	[tilespmem:v9+s21+$0x0] =	vst.idx.add.f32.msk $0xffff, v2;
	v6 =	vadd.f32 v6, v5;
	v9 =	vtrunc.f32 v14;
	v8 =	vshll.u32 v8, $0x4  }
0x5c7: {  	v12 =	vld [tilespmem:s18+$0xC180];
	v9 =	vcvt.f32.s32 v9;
	v8 =	vor.u32 v0, v8  }
0x5c8: {  	v15 =	vld [tilespmem:s17+$0xC200];
	v10 =	vmin.f32 v10, $5.115000000e+02;
	v13 =	vadd.f32 v13, v5;
	v6 =	vmin.f32 v6, $5.115000000e+02  }
0x5c9: {  	v14 =	vld [tilespmem:s4+$0xC280];
	v11 =	vmul.f32 v11, v4;
	v6 =	vtrunc.f32 v6;
	v9 =	vshll.u32 v9, $0x4  }
0x5ca: {  	s25 =	simm.s32 $0x2;
	v13 =	vmin.f32 v13, $5.115000000e+02;
	v6 =	vcvt.f32.s32 v6;
	v9 =	vor.u32 v0, v9;
	[tilespmem:v7+s21+$0x0] =	vst.idx.add.f32.msk $0xffff, v2  }
0x5cb: {  	s2 =	sand.u32 $0x3, s25;
	v11 =	vadd.f32 v11, v5;
	v7 =	vtrunc.f32 v10;
	v10 =	vtrunc.f32 v13;
	v13 =	vld [tilespmem:s1+$0xC110]  }
0x5cc: {  	s2 =	sshll.u32 s2, $0x5;
	v18 =	vcvt.f32.s32 v7;
	v7 =	vcvt.f32.s32 v10;
	v6 =	vshll.u32 v6, $0x4;
	[tilespmem:v8+s21+$0x0] =	vst.idx.add.f32.msk $0xffff, v2  }
0x5cd: {  	s4 =	sadd.s32 $0x200, s2;
	v10 =	vmul.f32 v16, v4;
	v8 =	vmin.f32 v11, $5.115000000e+02;
	v6 =	vor.u32 v0, v6;
	v11 =	vld [tilespmem:s18+$0xC210]  }
0x5ce: {  	s28 =	sadd.s32 $0x10, s4;
	v16 =	vmul.f32 v17, v4;
	v7 =	vshll.u32 v7, $0x4;
	v8 =	vtrunc.f32 v8  }
0x5cf: {  	s29 =	sor.u32 $0x300, s28;
	v17 =	vor.u32 v0, v7;
	v7 =	vcvt.f32.s32 v8;
	v8 =	vadd.f32 v10, v5;
	[tilespmem:v9+s21+$0x0] =	vst.idx.add.f32.msk $0xffff, v2  }
0x5d0: {  	v10 =	vadd.f32 v16, v5;
	v9 =	vmul.f32 v12, v4;
	v12 =	vld [tilespmem:s29+$0xC000];
	v13 =	vmul.f32 v13, v4  }
0x5d1: {  	v15 =	vmul.f32 v15, v4;
	v14 =	vmul.f32 v14, v4;
	v8 =	vmin.f32 v8, $5.115000000e+02  }
0x5d2: {  	v10 =	vmin.f32 v10, $5.115000000e+02;
	[tilespmem:v6+s21+$0x0] =	vst.idx.add.f32.msk $0xffff, v2;
	v6 =	vadd.f32 v13, v5;
	v11 =	vmul.f32 v11, v4  }
0x5d3: {  	v8 =	vtrunc.f32 v8;
	v10 =	vtrunc.f32 v10;
	v16 =	vld [tilespmem:s1+$0xC100]  }
0x5d4: {  	v8 =	vcvt.f32.s32 v8;
	v6 =	vmin.f32 v6, $5.115000000e+02;
	v11 =	vadd.f32 v11, v5  }
0x5d5: {  	v15 =	vadd.f32 v15, v5;
	v12 =	vmul.f32 v12, v4;
	v6 =	vtrunc.f32 v6  }
0x5d6: {  	v8 =	vshll.u32 v8, $0x4;
	v6 =	vcvt.f32.s32 v6;
	v11 =	vmin.f32 v11, $5.115000000e+02  }
0x5d7: {  	v8 =	vor.u32 v0, v8;
	v12 =	vadd.f32 v12, v5;
	v11 =	vtrunc.f32 v11  }
0x5d8: {  	v16 =	vmul.f32 v16, v4;
	v6 =	vshll.u32 v6, $0x4;
	v11 =	vcvt.f32.s32 v11  }
0x5d9: {  	v9 =	vadd.f32 v9, v5;
	v10 =	vcvt.f32.s32 v10;
	v6 =	vor.u32 v0, v6  }
0x5da: {  	s8 =	sor.u32 $0x300, s7;
	[tilespmem:v17+s21+$0x0] =	vst.idx.add.f32.msk $0xffff, v2;
	v12 =	vmin.f32 v12, $5.115000000e+02;
	v16 =	vadd.f32 v16, v5;
	v11 =	vshll.u32 v11, $0x4  }
0x5db: {  	v9 =	vmin.f32 v9, $5.115000000e+02;
	v17 =	vld [tilespmem:s8+$0xC000];
	v12 =	vtrunc.f32 v12;
	v11 =	vor.u32 v0, v11  }
0x5dc: {  	v10 =	vshll.u32 v10, $0x4;
	[tilespmem:v8+s21+$0x0] =	vst.idx.add.f32.msk $0xffff, v2;
	v12 =	vcvt.f32.s32 v12;
	v8 =	vmin.f32 v16, $5.115000000e+02  }
0x5dd: {  	v9 =	vtrunc.f32 v9;
	v10 =	vor.u32 v0, v10;
	v16 =	vld [tilespmem:s14+$0xC090];
	v8 =	vtrunc.f32 v8  }
0x5de: {  	v9 =	vcvt.f32.s32 v9;
	v12 =	vshll.u32 v12, $0x4;
	v8 =	vcvt.f32.s32 v8;
	[tilespmem:v6+s21+$0x0] =	vst.idx.add.f32.msk $0xffff, v2  }
0x5df: {  	v12 =	vor.u32 v0, v12;
	v6 =	vadd.f32 v14, v5;
	v14 =	vmin.f32 v15, $5.115000000e+02;
	v15 =	vld [tilespmem:s1+$0xC190]  }
0x5e0: {  	v17 =	vmul.f32 v17, v4;
	v14 =	vtrunc.f32 v14;
	v8 =	vshll.u32 v8, $0x4;
	[tilespmem:v11+s21+$0x0] =	vst.idx.add.f32.msk $0xffff, v2  }
0x5e1: {  	v11 =	vcvt.f32.s32 v14;
	v6 =	vmin.f32 v6, $5.115000000e+02;
	v8 =	vor.u32 v0, v8;
	v14 =	vld [tilespmem:s18+$0xC290]  }
0x5e2: {  	v9 =	vshll.u32 v9, $0x4;
	[tilespmem:v10+s21+$0x0] =	vst.idx.add.f32.msk $0xffff, v2;
	v10 =	vmul.f32 v16, v4;
	v6 =	vtrunc.f32 v6  }
0x5e3: {  	v9 =	vor.u32 v0, v9;
	v16 =	vadd.f32 v17, v5;
	v6 =	vcvt.f32.s32 v6  }
0x5e4: {  	v11 =	vshll.u32 v11, $0x4;
	v10 =	vadd.f32 v10, v5;
	[tilespmem:v12+s21+$0x0] =	vst.idx.add.f32.msk $0xffff, v2;
	v15 =	vmul.f32 v15, v4  }
0x5e5: {  	v16 =	vmin.f32 v16, $5.115000000e+02;
	v12 =	vld [tilespmem:s14+$0xC080];
	v11 =	vor.u32 v0, v11;
	v6 =	vshll.u32 v6, $0x4  }
0x5e6: {  	s9 =	sor.u32 $0x380, s28;
	v10 =	vmin.f32 v10, $5.115000000e+02;
	[tilespmem:v8+s21+$0x0] =	vst.idx.add.f32.msk $0xffff, v2;
	v8 =	vadd.f32 v15, v5;
	v14 =	vmul.f32 v14, v4  }
0x5e7: {  	v17 =	vld [tilespmem:s9+$0xC000];
	v15 =	vtrunc.f32 v16;
	v16 =	vor.u32 v0, v6;
	v6 =	vtrunc.f32 v10  }
0x5e8: {  	v13 =	vshll.u32 v18, $0x4;
	[tilespmem:v9+s21+$0x0] =	vst.idx.add.f32.msk $0xffff, v2;
	v18 =	vcvt.f32.s32 v6  }
0x5e9: {  	s16 =	simm.s32 $0x600;
	s12 =	simm.s32 $0xC0;
	v10 =	vld [tilespmem:s1+$0xC180];
	v8 =	vmin.f32 v8, $5.115000000e+02;
	v9 =	vadd.f32 v14, v5  }
0x5ea: {  	s13 =	sand.u32 $0x3C00, s16;
	s2 =	sand.u32 $0x60, s12;
	v12 =	vmul.f32 v12, v4;
	[tilespmem:v11+s21+$0x0] =	vst.idx.add.f32.msk $0xffff, v2;
	v8 =	vtrunc.f32 v8;
	v14 =	vshll.u32 v18, $0x4  }
0x5eb: {  	v11 =	vld [tilespmem:s17+$0xC280];
	s17 =	sor.u32 s2, s13;
	v8 =	vcvt.f32.s32 v8;
	v9 =	vmin.f32 v9, $5.115000000e+02;
	v14 =	vor.u32 v0, v14  }
0x5ec: {  	v17 =	vmul.f32 v17, v4;
	v12 =	vadd.f32 v12, v5;
	v18 =	vld [tilespmem:s17+$0xC010];
	v9 =	vtrunc.f32 v9  }
0x5ed: {  	v6 =	vor.u32 v0, v13;
	v13 =	vld [tilespmem:s18+$0xC200];
	v8 =	vshll.u32 v8, $0x4;
	v9 =	vcvt.f32.s32 v9  }
0x5ee: {  	[tilespmem:v16+s21+$0x0] =	vst.idx.add.f32.msk $0xffff, v2;
	v16 =	vadd.f32 v17, v5;
	v12 =	vmin.f32 v12, $5.115000000e+02;
	v8 =	vor.u32 v0, v8  }
0x5ef: {  	v15 =	vcvt.f32.s32 v15;
	v17 =	vld [tilespmem:s17+$0xC000];
	v12 =	vtrunc.f32 v12;
	v9 =	vshll.u32 v9, $0x4  }
0x5f0: {  	s19 =	simm.s32 $0x3;
	v16 =	vmin.f32 v16, $5.115000000e+02;
	v12 =	vcvt.f32.s32 v12;
	v9 =	vor.u32 v0, v9;
	[tilespmem:v14+s21+$0x0] =	vst.idx.add.f32.msk $0xffff, v2  }
0x5f1: {  	s15 =	sor.u32 $0x300, s26;
	v15 =	vshll.u32 v15, $0x4;
	s2 =	sand.u32 $0x3, s19;
	v14 =	vtrunc.f32 v16;
	v16 =	vmul.f32 v18, v4;
	v18 =	vld [tilespmem:s14+$0xC110]  }
0x5f2: {  	s2 =	sshll.u32 s2, $0x5;
	v15 =	vor.u32 v0, v15;
	v19 =	vld [tilespmem:s15+$0xC000];
	v13 =	vmul.f32 v13, v4;
	v12 =	vshll.u32 v12, $0x4  }
0x5f3: {  	s9 =	sadd.s32 $0x300, s2;
	v11 =	vmul.f32 v11, v4;
	v14 =	vcvt.f32.s32 v14;
	v12 =	vor.u32 v0, v12;
	[tilespmem:v8+s21+$0x0] =	vst.idx.add.f32.msk $0xffff, v2  }
0x5f4: {  	s25 =	sadd.s32 $0x10, s9;
	v16 =	vadd.f32 v16, v5;
	v8 =	vmul.f32 v10, v4;
	v10 =	vmul.f32 v17, v4;
	v17 =	vld [tilespmem:s1+$0xC210]  }
0x5f5: {  	s28 =	sor.u32 $0x300, s25;
	v13 =	vadd.f32 v13, v5;
	v11 =	vadd.f32 v11, v5;
	[tilespmem:v9+s21+$0x0] =	vst.idx.add.f32.msk $0xffff, v2;
	v9 =	vshll.u32 v14, $0x4  }
0x5f6: {  	v10 =	vadd.f32 v10, v5;
	v14 =	vmin.f32 v16, $5.115000000e+02;
	v16 =	vld [tilespmem:s28+$0xC000];
	v18 =	vmul.f32 v18, v4  }
0x5f7: {  	v13 =	vmin.f32 v13, $5.115000000e+02;
	v19 =	vmul.f32 v19, v4;
	v14 =	vtrunc.f32 v14  }
0x5f8: {  	v10 =	vmin.f32 v10, $5.115000000e+02;
	v14 =	vcvt.f32.s32 v14;
	[tilespmem:v12+s21+$0x0] =	vst.idx.add.f32.msk $0xffff, v2;
	v18 =	vadd.f32 v18, v5  }
0x5f9: {  	v8 =	vadd.f32 v8, v5;
	v10 =	vtrunc.f32 v10;
	v12 =	vld [tilespmem:s14+$0xC100];
	v17 =	vmul.f32 v17, v4  }
0x5fa: {  	v10 =	vcvt.f32.s32 v10;
	v14 =	vshll.u32 v14, $0x4;
	v18 =	vmin.f32 v18, $5.115000000e+02  }
0x5fb: {  	v17 =	vadd.f32 v17, v5;
	v16 =	vmul.f32 v16, v4;
	v18 =	vtrunc.f32 v18  }
0x5fc: {  	v14 =	vor.u32 v0, v14;
	v10 =	vshll.u32 v10, $0x4;
	v18 =	vcvt.f32.s32 v18  }
0x5fd: {  	v10 =	vor.u32 v0, v10;
	v17 =	vmin.f32 v17, $5.115000000e+02;
	v16 =	vadd.f32 v16, v5  }
0x5fe: {  	v12 =	vmul.f32 v12, v4;
	v17 =	vtrunc.f32 v17;
	v18 =	vshll.u32 v18, $0x4  }
0x5ff: {  	[tilespmem:v15+s21+$0x0] =	vst.idx.add.f32.msk $0xffff, v2;
	v13 =	vtrunc.f32 v13;
	v17 =	vcvt.f32.s32 v17;
	v15 =	vor.u32 v0, v18  }
0x600: {  	v8 =	vmin.f32 v8, $5.115000000e+02;
	v16 =	vmin.f32 v16, $5.115000000e+02;
	v12 =	vadd.f32 v12, v5  }
0x601: {  	v8 =	vtrunc.f32 v8;
	[tilespmem:v14+s21+$0x0] =	vst.idx.add.f32.msk $0xffff, v2;
	v16 =	vtrunc.f32 v16;
	v17 =	vshll.u32 v17, $0x4  }
0x602: {  	v16 =	vcvt.f32.s32 v16;
	v12 =	vmin.f32 v12, $5.115000000e+02;
	[tilespmem:v10+s21+$0x0] =	vst.idx.add.f32.msk $0xffff, v2;
	v14 =	vor.u32 v0, v17  }
0x603: {  	v11 =	vmin.f32 v11, $5.115000000e+02;
	v8 =	vcvt.f32.s32 v8;
	v17 =	vld [tilespmem:s17+$0xC090];
	v12 =	vtrunc.f32 v12  }
0x604: {  	v11 =	vtrunc.f32 v11;
	v16 =	vshll.u32 v16, $0x4;
	v12 =	vcvt.f32.s32 v12;
	[tilespmem:v15+s21+$0x0] =	vst.idx.add.f32.msk $0xffff, v2  }
0x605: {  	v10 =	vor.u32 v0, v16;
	v16 =	vshll.u32 v8, $0x4;
	v8 =	vor.u32 v0, v9;
	v15 =	vld [tilespmem:s14+$0xC190]  }
0x606: {  	v9 =	vcvt.f32.s32 v13;
	v13 =	vor.u32 v0, v16;
	v16 =	vadd.f32 v19, v5;
	v19 =	vld [tilespmem:s17+$0xC080]  }
0x607: {  	v11 =	vcvt.f32.s32 v11;
	v12 =	vshll.u32 v12, $0x4;
	[tilespmem:v14+s21+$0x0] =	vst.idx.add.f32.msk $0xffff, v2  }
0x608: {  	v7 =	vshll.u32 v7, $0x4;
	s29 =	sor.u32 $0x380, s7;
	v12 =	vor.u32 v0, v12;
	v14 =	vmul.f32 v17, v4;
	v17 =	vld [tilespmem:s1+$0xC290]  }
0x609: {  	v7 =	vor.u32 v0, v7;
	v11 =	vshll.u32 v11, $0x4;
	v18 =	vld [tilespmem:s29+$0xC000];
	v9 =	vshll.u32 v9, $0x4  }
0x60a: {  	s6 =	sor.u32 $0x380, s25;
	v16 =	vmin.f32 v16, $5.115000000e+02;
	v9 =	vor.u32 v0, v9;
	[tilespmem:v10+s21+$0x0] =	vst.idx.add.f32.msk $0xffff, v2;
	v14 =	vadd.f32 v14, v5  }
0x60b: {  	v11 =	vor.u32 v0, v11;
	v10 =	vtrunc.f32 v16;
	v16 =	vld [tilespmem:s6+$0xC000];
	v15 =	vmul.f32 v15, v4  }
0x60c: {  	v10 =	vcvt.f32.s32 v10;
	v19 =	vmul.f32 v19, v4;
	v14 =	vmin.f32 v14, $5.115000000e+02  }
0x60d: {  	[tilespmem:v12+s21+$0x0] =	vst.idx.add.f32.msk $0xffff, v2;
	v12 =	vtrunc.f32 v14;
	v14 =	vadd.f32 v15, v5;
	v15 =	vmul.f32 v17, v4  }
0x60e: {  	v18 =	vmul.f32 v18, v4;
	[tilespmem:v13+s21+$0x0] =	vst.idx.add.f32.msk $0xffff, v2;
	v10 =	vshll.u32 v10, $0x4;
	v19 =	vadd.f32 v19, v5  }
0x60f: {  	[tilespmem:v9+s21+$0x0] =	vst.idx.add.f32.msk $0xffff, v2;
	v12 =	vcvt.f32.s32 v12;
	v13 =	vmin.f32 v14, $5.115000000e+02;
	v14 =	vadd.f32 v15, v5  }
0x610: {  	s7 =	simm.s32 $0xE0;
	s25 =	simm.s32 $0x700;
	v17 =	vadd.f32 v18, v5;
	v18 =	vld [tilespmem:s14+$0xC180];
	v15 =	vmul.f32 v16, v4;
	v13 =	vtrunc.f32 v13  }
0x611: {  	s2 =	sand.u32 $0x60, s7;
	s8 =	sand.u32 $0x3C00, s25;
	v16 =	vld [tilespmem:s1+$0xC200];
	v12 =	vshll.u32 v12, $0x4;
	v9 =	vcvt.f32.s32 v13;
	v13 =	vmin.f32 v14, $5.115000000e+02  }
0x612: {  	v12 =	vor.u32 v0, v12;
	v14 =	vadd.f32 v15, v5;
	v15 =	vld [tilespmem:s18+$0xC280];
	s18 =	sor.u32 s2, s8;
	v13 =	vtrunc.f32 v13  }
0x613: {  	v10 =	vor.u32 v0, v10;
	v20 =	vld [tilespmem:s18+$0xC010];
	v9 =	vshll.u32 v9, $0x4;
	v13 =	vcvt.f32.s32 v13  }
0x614: {  	v19 =	vmin.f32 v19, $5.115000000e+02;
	v21 =	vld [tilespmem:s18+$0xC000];
	v14 =	vmin.f32 v14, $5.115000000e+02;
	v9 =	vor.u32 v0, v9  }
0x615: {  	s12 =	sor.u32 $0x300, s4;
	[tilespmem:v11+s21+$0x0] =	vst.idx.add.f32.msk $0xffff, v2;
	v11 =	vtrunc.f32 v14;
	v14 =	vtrunc.f32 v19;
	v13 =	vshll.u32 v13, $0x4  }
0x616: {  	s8 =	simm.s32 $0x4;
	v18 =	vmul.f32 v18, v4;
	v19 =	vld [tilespmem:s12+$0xC000];
	v14 =	vcvt.f32.s32 v14;
	v13 =	vor.u32 v0, v13  }
0x617: {  	v17 =	vmin.f32 v17, $5.115000000e+02;
	s13 =	sand.u32 $0x3, s8;
	v11 =	vcvt.f32.s32 v11;
	[tilespmem:v12+s21+$0x0] =	vst.idx.add.f32.msk $0xffff, v2;
	v12 =	vmul.f32 v16, v4  }
0x618: {  	s2 =	sshll.u32 s13, $0x5;
	v15 =	vmul.f32 v15, v4;
	v62 =	vld [tilespmem:s17+$0xC110];
	v16 =	vmul.f32 v20, v4;
	v14 =	vshll.u32 v14, $0x4  }
0x619: {  	s6 =	sadd.s32 $0x400, s2;
	v11 =	vshll.u32 v11, $0x4;
	v21 =	vmul.f32 v21, v4;
	v14 =	vor.u32 v0, v14;
	[tilespmem:v9+s21+$0x0] =	vst.idx.add.f32.msk $0xffff, v2  }
0x61a: {  	s15 =	sadd.s32 $0x10, s6;
	v9 =	vor.u32 v0, v11;
	v11 =	vadd.f32 v16, v5;
	v16 =	vadd.f32 v18, v5;
	v18 =	vld [tilespmem:s14+$0xC210]  }
0x61b: {  	v17 =	vtrunc.f32 v17;
	s19 =	sor.u32 $0x300, s15;
	v12 =	vadd.f32 v12, v5;
	v19 =	vmul.f32 v19, v4;
	[tilespmem:v13+s21+$0x0] =	vst.idx.add.f32.msk $0xffff, v2  }
0x61c: {  	v21 =	vadd.f32 v21, v5;
	v13 =	vcvt.f32.s32 v17;
	v11 =	vmin.f32 v11, $5.115000000e+02;
	v17 =	vld [tilespmem:s19+$0xC000]  }
0x61d: {  	v15 =	vadd.f32 v15, v5;
	v20 =	vmul.f32 v62, v4;
	v11 =	vtrunc.f32 v11  }
0x61e: {  	v12 =	vmin.f32 v12, $5.115000000e+02;
	v21 =	vmin.f32 v21, $5.115000000e+02;
	v11 =	vcvt.f32.s32 v11;
	[tilespmem:v14+s21+$0x0] =	vst.idx.add.f32.msk $0xffff, v2  }
0x61f: {  	v14 =	vtrunc.f32 v21;
	v20 =	vadd.f32 v20, v5;
	v63 =	vld [tilespmem:s17+$0xC100];
	v18 =	vmul.f32 v18, v4  }
0x620: {  	v16 =	vmin.f32 v16, $5.115000000e+02;
	v14 =	vcvt.f32.s32 v14;
	v11 =	vshll.u32 v11, $0x4  }
0x621: {  	v20 =	vmin.f32 v20, $5.115000000e+02;
	v18 =	vadd.f32 v18, v5;
	v17 =	vmul.f32 v17, v4  }
0x622: {  	[tilespmem:v6+s21+$0x0] =	vst.idx.add.f32.msk $0xffff, v2;
	v6 =	vshll.u32 v14, $0x4;
	v11 =	vor.u32 v0, v11;
	v14 =	vtrunc.f32 v20  }
0x623: {  	[tilespmem:v7+s21+$0x0] =	vst.idx.add.f32.msk $0xffff, v2;
	v7 =	vcvt.f32.s32 v14;
	v14 =	vmin.f32 v18, $5.115000000e+02;
	v17 =	vadd.f32 v17, v5  }
0x624: {  	[tilespmem:v8+s21+$0x0] =	vst.idx.add.f32.msk $0xffff, v2;
	v6 =	vor.u32 v0, v6;
	v8 =	vmul.f32 v63, v4;
	v14 =	vtrunc.f32 v14  }
0x625: {  	[tilespmem:v10+s21+$0x0] =	vst.idx.add.f32.msk $0xffff, v2;
	v7 =	vshll.u32 v7, $0x4;
	v10 =	vcvt.f32.s32 v14;
	v14 =	vmin.f32 v17, $5.115000000e+02  }
0x626: {  	[tilespmem:v9+s21+$0x0] =	vst.idx.add.f32.msk $0xffff, v2;
	v7 =	vor.u32 v0, v7;
	v8 =	vadd.f32 v8, v5;
	v9 =	vtrunc.f32 v14  }
0x627: {  	s28 =	sor.u32 $0x380, s26;
	[tilespmem:v11+s21+$0x0] =	vst.idx.add.f32.msk $0xffff, v2;
	v14 =	vtrunc.f32 v16;
	v10 =	vshll.u32 v10, $0x4;
	v9 =	vcvt.f32.s32 v9  }
0x628: {  	v16 =	vld [tilespmem:s28+$0xC000];
	v14 =	vcvt.f32.s32 v14;
	v8 =	vmin.f32 v8, $5.115000000e+02;
	v10 =	vor.u32 v0, v10  }
0x629: {  	v11 =	vtrunc.f32 v12;
	v12 =	vld [tilespmem:s18+$0xC090];
	v8 =	vtrunc.f32 v8;
	v9 =	vshll.u32 v9, $0x4  }
0x62a: {  	[tilespmem:v6+s21+$0x0] =	vst.idx.add.f32.msk $0xffff, v2;
	v14 =	vshll.u32 v14, $0x4;
	v6 =	vcvt.f32.s32 v8;
	v8 =	vor.u32 v0, v9  }
0x62b: {  	[tilespmem:v7+s21+$0x0] =	vst.idx.add.f32.msk $0xffff, v2;
	v7 =	vmin.f32 v15, $5.115000000e+02;
	v9 =	vcvt.f32.s32 v11;
	v11 =	vor.u32 v0, v14  }
0x62c: {  	v14 =	vadd.f32 v19, v5;
	v15 =	vld [tilespmem:s17+$0xC190];
	v7 =	vtrunc.f32 v7;
	v6 =	vshll.u32 v6, $0x4  }
0x62d: {  	v9 =	vshll.u32 v9, $0x4;
	v17 =	vor.u32 v0, v6;
	[tilespmem:v10+s21+$0x0] =	vst.idx.add.f32.msk $0xffff, v2;
	v6 =	vcvt.f32.s32 v7  }
0x62e: {  	v7 =	vmin.f32 v14, $5.115000000e+02;
	v18 =	vor.u32 v0, v9;
	v9 =	vmul.f32 v12, v4;
	v10 =	vld [tilespmem:s14+$0xC290]  }
0x62f: {  	s29 =	sor.u32 $0x380, s15;
	v7 =	vtrunc.f32 v7;
	v12 =	vshll.u32 v13, $0x4;
	v6 =	vshll.u32 v6, $0x4;
	[tilespmem:v8+s21+$0x0] =	vst.idx.add.f32.msk $0xffff, v2  }
0x630: {  	v7 =	vcvt.f32.s32 v7;
	v8 =	vmul.f32 v16, v4;
	v13 =	vadd.f32 v9, v5;
	v14 =	vld [tilespmem:s29+$0xC000]  }
0x631: {  	v9 =	vor.u32 v0, v6;
	v6 =	vor.u32 v0, v12;
	v16 =	vld [tilespmem:s18+$0xC080];
	v15 =	vmul.f32 v15, v4  }
0x632: {  	[tilespmem:v11+s21+$0x0] =	vst.idx.add.f32.msk $0xffff, v2;
	v7 =	vshll.u32 v7, $0x4;
	v8 =	vadd.f32 v8, v5;
	v12 =	vmin.f32 v13, $5.115000000e+02  }
0x633: {  	v11 =	vld [tilespmem:s14+$0xC200];
	v15 =	vadd.f32 v15, v5;
	v13 =	vtrunc.f32 v12;
	v10 =	vmul.f32 v10, v4  }
0x634: {  	s7 =	sor.u32 $0x380, s4;
	s4 =	sor.u32 $0x380, s9;
	[tilespmem:v17+s21+$0x0] =	vst.idx.add.f32.msk $0xffff, v2;
	v7 =	vor.u32 v0, v7;
	v17 =	vcvt.f32.s32 v13;
	v8 =	vmin.f32 v8, $5.115000000e+02  }
0x635: {  	s13 =	simm.s32 $0xE;
	s12 =	sor.u32 $0x300, s9;
	s9 =	sor.u32 $0x300, s6;
	v12 =	vld [tilespmem:s17+$0xC180];
	v19 =	vmin.f32 v15, $5.115000000e+02;
	v13 =	vadd.f32 v10, v5;
	v10 =	vmul.f32 v14, v4  }
0x636: {  	s26 =	sor.u32 $0x380, s6;
	s6 =	simm.s32 $0x800;
	s15 =	simm.s32 $0x100;
	[tilespmem:v18+s21+$0x0] =	vst.idx.add.f32.msk $0xffff, v2;
	v15 =	vmul.f32 v16, v4;
	v16 =	vshll.u32 v17, $0x4;
	v14 =	vtrunc.f32 v19  }
.LBB2_11:
0x637: {  	s2 =	sand.u32 $0x60, s15;
	s19 =	sand.u32 $0x3C00, s6;
	v14 =	vcvt.f32.s32 v14;
	v13 =	vmin.f32 v13, $5.115000000e+02;
	v17 =	vld [tilespmem:s1+$0xC280];
	v10 =	vadd.f32 v10, v5;
	s1 =	smov.u32 s14  }
0x638: {  	v16 =	vor.u32 v0, v16;
	s14 =	smov.u32 s17;
	s17 =	smov.u32 s18;
	v15 =	vadd.f32 v15, v5;
	v13 =	vtrunc.f32 v13;
	[tilespmem:v9+s21+$0x0] =	vst.idx.add.f32.msk $0xffff, v2;
	s18 =	sor.u32 s2, s19  }
0x639: {  	v9 =	vld [tilespmem:s18+$0xC010];
	v14 =	vshll.u32 v14, $0x4;
	v13 =	vcvt.f32.s32 v13;
	v10 =	vmin.f32 v10, $5.115000000e+02  }
0x63a: {  	s13 =	sadd.s32 $0x2, s13;
	v18 =	vld [tilespmem:s18+$0xC000];
	v15 =	vmin.f32 v15, $5.115000000e+02;
	v14 =	vor.u32 v0, v14;
	v10 =	vtrunc.f32 v10  }
0x63b: {  	p1 =	slt.u32 s13, $0x7E;
	v15 =	vtrunc.f32 v15;
	v13 =	vshll.u32 v13, $0x4;
	v10 =	vcvt.f32.s32 v10;
	v19 =	vld [tilespmem:s12+$0xC000];
	s12 =	smov.u32 s9  }
0x63c: {  	s8 =	sadd.s32 $0x1, s8;
	v12 =	vmul.f32 v12, v4;
	v15 =	vcvt.f32.s32 v15;
	v13 =	vor.u32 v0, v13;
	[tilespmem:v7+s21+$0x0] =	vst.idx.add.f32.msk $0xffff, v2  }
0x63d: {  	s2 =	sand.u32 $0x3, s8;
	v7 =	vmul.f32 v11, v4;
	v11 =	vmul.f32 v17, v4;
	[tilespmem:v16+s21+$0x0] =	vst.idx.add.f32.msk $0xffff, v2;
	v10 =	vshll.u32 v10, $0x4  }
0x63e: {  	s2 =	sshll.u32 s2, $0x5;
	v9 =	vmul.f32 v9, v4;
	v15 =	vshll.u32 v15, $0x4;
	v16 =	vld [tilespmem:s17+$0xC110];
	v10 =	vor.u32 v0, v10  }
0x63f: {  	v8 =	vtrunc.f32 v8;
	s2 =	sadd.s32 s2, s3;
	s3 =	smov.u32 s16;
	s16 =	smov.u32 s25;
	v17 =	vmul.f32 v18, v4;
	v15 =	vor.u32 v0, v15;
	[tilespmem:v14+s21+$0x0] =	vst.idx.add.f32.msk $0xffff, v2  }
0x640: {  	v12 =	vadd.f32 v12, v5;
	s9 =	sor.u32 $0x300, s2;
	s19 =	sor.u32 $0x380, s2;
	s28 =	sadd.s32 $0x10, s2;
	v9 =	vadd.f32 v9, v5;
	v14 =	vld [tilespmem:s14+$0xC210];
	v18 =	vmul.f32 v19, v4  }
0x641: {  	v8 =	vcvt.f32.s32 v8;
	s25 =	smov.u32 s6;
	s2 =	sor.u32 $0x300, s28;
	v7 =	vadd.f32 v7, v5;
	v17 =	vadd.f32 v17, v5;
	[tilespmem:v13+s21+$0x0] =	vst.idx.add.f32.msk $0xffff, v2  }
0x642: {  	v12 =	vmin.f32 v12, $5.115000000e+02;
	v11 =	vadd.f32 v11, v5;
	v9 =	vmin.f32 v9, $5.115000000e+02;
	v13 =	vld [tilespmem:s2+$0xC000]  }
0x643: {  	v17 =	vmin.f32 v17, $5.115000000e+02;
	v9 =	vtrunc.f32 v9;
	v16 =	vmul.f32 v16, v4;
	[tilespmem:v10+s21+$0x0] =	vst.idx.add.f32.msk $0xffff, v2  }
0x644: {  	v7 =	vmin.f32 v7, $5.115000000e+02;
	v10 =	vtrunc.f32 v17;
	v9 =	vcvt.f32.s32 v9;
	[tilespmem:v15+s21+$0x0] =	vst.idx.add.f32.msk $0xffff, v2  }
0x645: {  	v10 =	vcvt.f32.s32 v10;
	v15 =	vld [tilespmem:s17+$0xC100];
	v16 =	vadd.f32 v16, v5;
	v14 =	vmul.f32 v14, v4  }
0x646: {  	v12 =	vtrunc.f32 v12;
	v7 =	vtrunc.f32 v7;
	v9 =	vshll.u32 v9, $0x4;
	v17 =	vld [tilespmem:s7+$0xC000];
	s7 =	smov.u32 s4;
	s4 =	smov.u32 s26;
	s26 =	smov.u32 s19  }
0x647: {  	v16 =	vmin.f32 v16, $5.115000000e+02;
	v14 =	vadd.f32 v14, v5;
	v13 =	vmul.f32 v13, v4;
	[tilespmem:v6+s21+$0x0] =	vst.idx.add.f32.msk $0xffff, v2  }
0x648: {  	v6 =	vshll.u32 v10, $0x4;
	v9 =	vor.u32 v0, v9;
	v10 =	vtrunc.f32 v16  }
0x649: {  	v10 =	vcvt.f32.s32 v10;
	v14 =	vmin.f32 v14, $5.115000000e+02;
	v13 =	vadd.f32 v13, v5  }
0x64a: {  	v6 =	vor.u32 v0, v6;
	v15 =	vmul.f32 v15, v4;
	v14 =	vtrunc.f32 v14  }
0x64b: {  	v10 =	vshll.u32 v10, $0x4;
	v14 =	vcvt.f32.s32 v14;
	v13 =	vmin.f32 v13, $5.115000000e+02  }
0x64c: {  	v15 =	vadd.f32 v15, v5;
	v10 =	vor.u32 v0, v10;
	v13 =	vtrunc.f32 v13  }
0x64d: {  	v12 =	vcvt.f32.s32 v12;
	v14 =	vshll.u32 v14, $0x4;
	v13 =	vcvt.f32.s32 v13  }
0x64e: {  	v7 =	vcvt.f32.s32 v7;
	[tilespmem:v9+s21+$0x0] =	vst.idx.add.f32.msk $0xffff, v2;
	v9 =	vmin.f32 v15, $5.115000000e+02;
	v14 =	vor.u32 v0, v14  }
0x64f: {  	v12 =	vshll.u32 v12, $0x4;
	v15 =	vld [tilespmem:s18+$0xC090];
	v9 =	vtrunc.f32 v9;
	v13 =	vshll.u32 v13, $0x4  }
0x650: {  	v16 =	vor.u32 v0, v12;
	[tilespmem:v6+s21+$0x0] =	vst.idx.add.f32.msk $0xffff, v2;
	v6 =	vcvt.f32.s32 v9;
	v9 =	vor.u32 v0, v13  }
0x651: {  	v7 =	vshll.u32 v7, $0x4;
	[tilespmem:v10+s21+$0x0] =	vst.idx.add.f32.msk $0xffff, v2;
	v10 =	vmin.f32 v11, $5.115000000e+02;
	v11 =	vadd.f32 v18, v5  }
0x652: {  	v18 =	vor.u32 v0, v7;
	v6 =	vshll.u32 v6, $0x4;
	v12 =	vld [tilespmem:s17+$0xC190];
	v7 =	vtrunc.f32 v10  }
0x653: {  	v10 =	vor.u32 v0, v6;
	[tilespmem:v14+s21+$0x0] =	vst.idx.add.f32.msk $0xffff, v2;
	v6 =	vcvt.f32.s32 v7;
	v7 =	vmin.f32 v11, $5.115000000e+02  }
0x654: {  	v8 =	vshll.u32 v8, $0x4;
	v11 =	vmul.f32 v15, v4;
	v13 =	vld [tilespmem:s14+$0xC290];
	v7 =	vtrunc.f32 v7  }
0x655: {  	s2 =	sor.u32 $0x380, s28;
	v14 =	vmul.f32 v17, v4;
	[tilespmem:v9+s21+$0x0] =	vst.idx.add.f32.msk $0xffff, v2;
	v6 =	vshll.u32 v6, $0x4;
	v7 =	vcvt.f32.s32 v7  }
0x656: {  	v11 =	vadd.f32 v11, v5;
	v15 =	vld [tilespmem:s2+$0xC000];
	v9 =	vor.u32 v0, v6;
	v6 =	vor.u32 v0, v8  }
0x657: {  	v14 =	vadd.f32 v14, v5;
	v17 =	vld [tilespmem:s18+$0xC080];
	v8 =	vmul.f32 v12, v4;
	v7 =	vshll.u32 v7, $0x4  }
.Ltmp4:
0x658: {  	v11 =	vmin.f32 v11, $5.115000000e+02;
	[tilespmem:v10+s21+$0x0] =	vst.idx.add.f32.msk $0xffff, v2;
	v7 =	vor.u32 v0, v7;
	(pc) =	sbr.rel @p1 .LBB2_11-.Ltmp4, $4  }
0x659: {  	v10 =	vtrunc.f32 v11;
	v12 =	vld [tilespmem:s17+$0xC180];
	v11 =	vadd.f32 v8, v5;
	v13 =	vmul.f32 v13, v4  }
0x65a: {  	v8 =	vmin.f32 v14, $5.115000000e+02;
	v19 =	vcvt.f32.s32 v10;
	[tilespmem:v16+s21+$0x0] =	vst.idx.add.f32.msk $0xffff, v2  }
0x65b: {  	v14 =	vmin.f32 v11, $5.115000000e+02;
	v11 =	vld [tilespmem:s14+$0xC200];
	v13 =	vadd.f32 v13, v5;
	v10 =	vmul.f32 v15, v4  }
0x65c: {  	s15 =	sadd.s32 $0x20, s15;
	s6 =	sadd.s32 $0x100, s6;
	v15 =	vmul.f32 v17, v4;
	v16 =	vshll.u32 v19, $0x4;
	v14 =	vtrunc.f32 v14;
	[tilespmem:v18+s21+$0x0] =	vst.idx.add.f32.msk $0xffff, v2  }
0x65d: {  	v16 =	vor.u32 v0, v16  }
0x65e: {  	v15 =	vadd.f32 v15, v5;
	_ =	sdelay $0x1  }
0x65f: {  	v15 =	vmin.f32 v15, $5.115000000e+02  }
0x660: {  	v15 =	vtrunc.f32 v15  }
0x661: {  	[tilespmem:v16+s21+$0x0] =	vst.idx.add.f32.msk $0xffff, v2;
	v15 =	vcvt.f32.s32 v15  }
0x662: {  	v16 =	vld [tilespmem:s18+$0xC110]  }
0x663: {  	v15 =	vshll.u32 v15, $0x4  }
0x664: {  	v15 =	vor.u32 v0, v15;
	_ =	sdelay $0x2  }
0x665: {  	v16 =	vmul.f32 v16, v4;
	_ =	sdelay $0x1  }
0x666: {  	v16 =	vadd.f32 v16, v5;
	[tilespmem:v15+s21+$0x0] =	vst.idx.add.f32.msk $0xffff, v2  }
0x667: {  	v15 =	vld [tilespmem:s18+$0xC100]  }
0x668: {  	v16 =	vmin.f32 v16, $5.115000000e+02  }
0x669: {  	v16 =	vtrunc.f32 v16  }
0x66a: {  	v16 =	vcvt.f32.s32 v16;
	_ =	sdelay $0x1  }
0x66b: {  	v16 =	vshll.u32 v16, $0x4;
	v15 =	vmul.f32 v15, v4  }
0x66c: {  	v16 =	vor.u32 v0, v16  }
0x66d: {  	v15 =	vadd.f32 v15, v5;
	_ =	sdelay $0x1  }
0x66e: {  	v15 =	vmin.f32 v15, $5.115000000e+02  }
0x66f: {  	v15 =	vtrunc.f32 v15  }
0x670: {  	[tilespmem:v16+s21+$0x0] =	vst.idx.add.f32.msk $0xffff, v2;
	v15 =	vcvt.f32.s32 v15  }
0x671: {  	v16 =	vld [tilespmem:s18+$0xC190]  }
0x672: {  	v14 =	vcvt.f32.s32 v14;
	v15 =	vshll.u32 v15, $0x4  }
0x673: {  	v15 =	vor.u32 v0, v15  }
0x674: {  	v12 =	vmul.f32 v12, v4;
	v14 =	vshll.u32 v14, $0x4  }
0x675: {  	v14 =	vor.u32 v0, v14  }
0x676: {  	v12 =	vadd.f32 v12, v5;
	v16 =	vmul.f32 v16, v4;
	_ =	sdelay $0x1  }
0x677: {  	v12 =	vmin.f32 v12, $5.115000000e+02;
	v16 =	vadd.f32 v16, v5;
	[tilespmem:v15+s21+$0x0] =	vst.idx.add.f32.msk $0xffff, v2  }
0x678: {  	v12 =	vtrunc.f32 v12;
	v15 =	vld [tilespmem:s18+$0xC180]  }
0x679: {  	v12 =	vcvt.f32.s32 v12;
	[tilespmem:v14+s21+$0x0] =	vst.idx.add.f32.msk $0xffff, v2;
	v16 =	vmin.f32 v16, $5.115000000e+02  }
0x67a: {  	v34 =	vld [tilespmem:s17+$0xC210];
	v16 =	vtrunc.f32 v16  }
0x67b: {  	v12 =	vshll.u32 v12, $0x4;
	v16 =	vcvt.f32.s32 v16  }
0x67c: {  	v12 =	vor.u32 v0, v12  }
0x67d: {  	v16 =	vshll.u32 v16, $0x4;
	v15 =	vmul.f32 v15, v4  }
0x67e: {  	v16 =	vor.u32 v0, v16  }
0x67f: {  	v33 =	vadd.f32 v15, v5;
	v15 =	vmul.f32 v34, v4;
	_ =	sdelay $0x1  }
0x680: {  	[tilespmem:v12+s21+$0x0] =	vst.idx.add.f32.msk $0xffff, v2;
	v14 =	vmin.f32 v33, $5.115000000e+02;
	v15 =	vadd.f32 v15, v5  }
0x681: {  	v36 =	vld [tilespmem:s17+$0xC200];
	v14 =	vtrunc.f32 v14  }
0x682: {  	[tilespmem:v16+s21+$0x0] =	vst.idx.add.f32.msk $0xffff, v2;
	v14 =	vcvt.f32.s32 v14;
	v15 =	vmin.f32 v15, $5.115000000e+02  }
0x683: {  	v16 =	vld [tilespmem:s18+$0xC210];
	v35 =	vtrunc.f32 v15  }
0x684: {  	v14 =	vshll.u32 v14, $0x4;
	v12 =	vcvt.f32.s32 v35  }
0x685: {  	v11 =	vmul.f32 v11, v4;
	v14 =	vor.u32 v0, v14  }
0x686: {  	v12 =	vshll.u32 v12, $0x4  }
0x687: {  	v11 =	vadd.f32 v11, v5;
	v15 =	vmul.f32 v36, v4;
	v12 =	vor.u32 v0, v12  }
0x688: {  	v16 =	vmul.f32 v16, v4  }
0x689: {  	v11 =	vmin.f32 v11, $5.115000000e+02;
	v15 =	vadd.f32 v15, v5  }
0x68a: {  	v11 =	vtrunc.f32 v11;
	v16 =	vadd.f32 v16, v5;
	[tilespmem:v14+s21+$0x0] =	vst.idx.add.f32.msk $0xffff, v2  }
0x68b: {  	v11 =	vcvt.f32.s32 v11;
	v39 =	vmin.f32 v15, $5.115000000e+02;
	v38 =	vld [tilespmem:s18+$0xC200]  }
0x68c: {  	v37 =	vmin.f32 v16, $5.115000000e+02;
	[tilespmem:v12+s21+$0x0] =	vst.idx.add.f32.msk $0xffff, v2;
	v12 =	vtrunc.f32 v39  }
0x68d: {  	v11 =	vshll.u32 v11, $0x4;
	v14 =	vtrunc.f32 v37;
	v12 =	vcvt.f32.s32 v12  }
0x68e: {  	v11 =	vor.u32 v0, v11;
	v41 =	vld [tilespmem:s17+$0xC290];
	v14 =	vcvt.f32.s32 v14  }
0x68f: {  	v12 =	vshll.u32 v12, $0x4  }
0x690: {  	v14 =	vshll.u32 v14, $0x4;
	v16 =	vmul.f32 v38, v4;
	v12 =	vor.u32 v0, v12  }
0x691: {  	v14 =	vor.u32 v0, v14  }
0x692: {  	v13 =	vmin.f32 v13, $5.115000000e+02;
	v17 =	vld [tilespmem:s1+$0xC280];
	v40 =	vadd.f32 v16, v5  }
0x693: {  	v13 =	vtrunc.f32 v13;
	[tilespmem:v11+s21+$0x0] =	vst.idx.add.f32.msk $0xffff, v2;
	v16 =	vmul.f32 v41, v4  }
0x694: {  	v13 =	vcvt.f32.s32 v13;
	v46 =	vld [tilespmem:s14+$0xC280];
	v15 =	vmin.f32 v40, $5.115000000e+02  }
0x695: {  	v16 =	vadd.f32 v16, v5;
	v42 =	vtrunc.f32 v15;
	[tilespmem:v12+s21+$0x0] =	vst.idx.add.f32.msk $0xffff, v2  }
0x696: {  	v13 =	vshll.u32 v13, $0x4;
	[tilespmem:v14+s21+$0x0] =	vst.idx.add.f32.msk $0xffff, v2;
	v14 =	vcvt.f32.s32 v42  }
0x697: {  	v13 =	vor.u32 v0, v13;
	v48 =	vmin.f32 v16, $5.115000000e+02;
	v43 =	vld [tilespmem:s18+$0xC290]  }
0x698: {  	v45 =	vmul.f32 v17, v4;
	v50 =	vld [tilespmem:s17+$0xC280];
	v49 =	vtrunc.f32 v48;
	v14 =	vshll.u32 v14, $0x4  }
0x699: {  	v12 =	vcvt.f32.s32 v49;
	v44 =	vor.u32 v0, v14  }
0x69a: {  	v14 =	vadd.f32 v45, v5  }
0x69b: {  	s2 =	sadd.s32 $0x1, s8;
	v52 =	vmul.f32 v46, v4;
	v12 =	vshll.u32 v12, $0x4  }
0x69c: {  	[tilespmem:v9+s21+$0x0] =	vst.idx.add.f32.msk $0xffff, v2;
	s15 =	sand.u32 $0x3, s2;
	v14 =	vmin.f32 v14, $5.115000000e+02;
	v12 =	vor.u32 v0, v12;
	v47 =	vmul.f32 v43, v4  }
0x69d: {  	s1 =	sshll.u32 s15, $0x5;
	[tilespmem:v13+s21+$0x0] =	vst.idx.add.f32.msk $0xffff, v2;
	v15 =	vmul.f32 v50, v4;
	v51 =	vtrunc.f32 v14;
	v14 =	vadd.f32 v52, v5  }
0x69e: {  	s1 =	sadd.s32 s1, s3;
	v11 =	vcvt.f32.s32 v51;
	v13 =	vadd.f32 v47, v5;
	[tilespmem:v44+s21+$0x0] =	vst.idx.add.f32.msk $0xffff, v2  }
0x69f: {  	s2 =	sadd.s32 $0x1, s2;
	s8 =	sadd.s32 $0x10, s1;
	v15 =	vadd.f32 v15, v5;
	v56 =	vmin.f32 v14, $5.115000000e+02;
	v53 =	vld [tilespmem:s18+$0xC280]  }
0x6a0: {  	v57 =	vld [tilespmem:s12+$0xC000];
	s28 =	sand.u32 $0x3, s2;
	s19 =	sor.u32 $0x300, s8;
	v55 =	vshll.u32 v11, $0x4;
	v11 =	vtrunc.f32 v56;
	v13 =	vmin.f32 v13, $5.115000000e+02  }
0x6a1: {  	s3 =	sshll.u32 s28, $0x5;
	v54 =	vld [tilespmem:s19+$0xC000];
	v58 =	vmin.f32 v15, $5.115000000e+02;
	v11 =	vcvt.f32.s32 v11;
	v13 =	vtrunc.f32 v13  }
0x6a2: {  	s3 =	sadd.s32 s3, s16;
	v9 =	vor.u32 v0, v55;
	[tilespmem:v12+s21+$0x0] =	vst.idx.add.f32.msk $0xffff, v2;
	v12 =	vtrunc.f32 v58;
	v13 =	vcvt.f32.s32 v13  }
0x6a3: {  	s13 =	sadd.s32 $0x10, s3;
	v12 =	vcvt.f32.s32 v12;
	v11 =	vshll.u32 v11, $0x4  }
0x6a4: {  	s6 =	sor.u32 $0x300, s13;
	v11 =	vor.u32 v0, v11;
	v13 =	vshll.u32 v13, $0x4;
	v16 =	vmul.f32 v53, v4  }
0x6a5: {  	v61 =	vld [tilespmem:s6+$0xC000];
	v13 =	vor.u32 v0, v13  }
0x6a6: {  	v17 =	vmul.f32 v54, v4;
	v12 =	vshll.u32 v12, $0x4;
	v59 =	vadd.f32 v16, v5  }
0x6a7: {  	v14 =	vmul.f32 v57, v4;
	v21 =	vor.u32 v0, v12;
	[tilespmem:v9+s21+$0x0] =	vst.idx.add.f32.msk $0xffff, v2  }
0x6a8: {  	s2 =	sadd.s32 $0x1, s2;
	v23 =	vld [tilespmem:s9+$0xC000];
	v15 =	vmin.f32 v59, $5.115000000e+02  }
0x6a9: {  	s2 =	sand.u32 $0x3, s2;
	v60 =	vadd.f32 v17, v5;
	v22 =	vadd.f32 v14, v5;
	[tilespmem:v11+s21+$0x0] =	vst.idx.add.f32.msk $0xffff, v2;
	v62 =	vtrunc.f32 v15  }
0x6aa: {  	v10 =	vadd.f32 v10, v5;
	s2 =	sshll.u32 s2, $0x5;
	s15 =	sor.u32 $0x300, s1;
	v17 =	vmul.f32 v61, v4;
	[tilespmem:v13+s21+$0x0] =	vst.idx.add.f32.msk $0xffff, v2;
	v13 =	vcvt.f32.s32 v62  }
0x6ab: {  	v8 =	vtrunc.f32 v8;
	v63 =	vmin.f32 v60, $5.115000000e+02;
	s6 =	sadd.s32 s2, s25;
	v12 =	vmin.f32 v22, $5.115000000e+02;
	v25 =	vld [tilespmem:s15+$0xC000]  }
0x6ac: {  	s16 =	sor.u32 $0x300, s3;
	s29 =	sadd.s32 $0x10, s6;
	v12 =	vtrunc.f32 v12;
	v17 =	vadd.f32 v17, v5;
	[tilespmem:v21+s21+$0x0] =	vst.idx.add.f32.msk $0xffff, v2;
	v13 =	vshll.u32 v13, $0x4  }
0x6ad: {  	s14 =	sor.u32 $0x300, s29;
	v12 =	vcvt.f32.s32 v12;
	v15 =	vtrunc.f32 v63;
	v28 =	vld [tilespmem:s16+$0xC000];
	v13 =	vor.u32 v0, v13  }
0x6ae: {  	v15 =	vcvt.f32.s32 v15;
	v17 =	vmin.f32 v17, $5.115000000e+02;
	v20 =	vld [tilespmem:s14+$0xC000];
	v26 =	vmul.f32 v23, v4  }
0x6af: {  	v8 =	vcvt.f32.s32 v8;
	v12 =	vshll.u32 v12, $0x4;
	v27 =	vtrunc.f32 v17  }
0x6b0: {  	[tilespmem:v7+s21+$0x0] =	vst.idx.add.f32.msk $0xffff, v2;
	v24 =	vshll.u32 v15, $0x4;
	v14 =	vcvt.f32.s32 v27;
	v9 =	vadd.f32 v26, v5  }
0x6b1: {  	v7 =	vor.u32 v0, v12;
	v11 =	vor.u32 v0, v24;
	v15 =	vmul.f32 v25, v4  }
0x6b2: {  	s17 =	sor.u32 $0x300, s6;
	v14 =	vshll.u32 v14, $0x4;
	v9 =	vmin.f32 v9, $5.115000000e+02;
	v17 =	vmul.f32 v28, v4;
	[tilespmem:v13+s21+$0x0] =	vst.idx.add.f32.msk $0xffff, v2  }
0x6b3: {  	v16 =	vmul.f32 v20, v4;
	v9 =	vtrunc.f32 v9;
	v15 =	vadd.f32 v15, v5;
	v30 =	vld [tilespmem:s17+$0xC000]  }
0x6b4: {  	v31 =	vor.u32 v0, v14;
	v9 =	vcvt.f32.s32 v9;
	v17 =	vadd.f32 v17, v5  }
0x6b5: {  	v10 =	vmin.f32 v10, $5.115000000e+02;
	v34 =	vld [tilespmem:s7+$0xC000];
	v16 =	vadd.f32 v16, v5;
	v15 =	vmin.f32 v15, $5.115000000e+02  }
0x6b6: {  	s18 =	sor.u32 $0x380, s8;
	[tilespmem:v11+s21+$0x0] =	vst.idx.add.f32.msk $0xffff, v2;
	v9 =	vshll.u32 v9, $0x4;
	v15 =	vtrunc.f32 v15;
	v36 =	vmin.f32 v17, $5.115000000e+02  }
0x6b7: {  	v32 =	vld [tilespmem:s18+$0xC000];
	v29 =	vmin.f32 v16, $5.115000000e+02;
	v35 =	vcvt.f32.s32 v15;
	v15 =	vtrunc.f32 v36  }
0x6b8: {  	[tilespmem:v7+s21+$0x0] =	vst.idx.add.f32.msk $0xffff, v2;
	v9 =	vor.u32 v0, v9;
	v13 =	vtrunc.f32 v29;
	v16 =	vmul.f32 v30, v4  }
0x6b9: {  	s19 =	sor.u32 $0x380, s13;
	[tilespmem:v31+s21+$0x0] =	vst.idx.add.f32.msk $0xffff, v2;
	v38 =	vcvt.f32.s32 v15;
	v13 =	vcvt.f32.s32 v13;
	v7 =	vshll.u32 v35, $0x4  }
0x6ba: {  	v10 =	vtrunc.f32 v10;
	v37 =	vld [tilespmem:s19+$0xC000];
	v7 =	vor.u32 v0, v7;
	v16 =	vadd.f32 v16, v5  }
0x6bb: {  	v10 =	vcvt.f32.s32 v10;
	v40 =	vld [tilespmem:s4+$0xC000];
	v11 =	vshll.u32 v38, $0x4;
	v33 =	vshll.u32 v13, $0x4  }
0x6bc: {  	v14 =	vmul.f32 v32, v4;
	v11 =	vor.u32 v0, v11;
	v39 =	vmin.f32 v16, $5.115000000e+02  }
0x6bd: {  	v13 =	vmul.f32 v34, v4;
	v12 =	vor.u32 v0, v33;
	[tilespmem:v9+s21+$0x0] =	vst.idx.add.f32.msk $0xffff, v2;
	v15 =	vtrunc.f32 v39  }
0x6be: {  	v8 =	vshll.u32 v8, $0x4;
	v14 =	vadd.f32 v14, v5;
	v46 =	vld [tilespmem:s26+$0xC000];
	v41 =	vcvt.f32.s32 v15  }
0x6bf: {  	s1 =	sor.u32 $0x380, s1;
	v10 =	vshll.u32 v10, $0x4;
	v13 =	vadd.f32 v13, v5;
	v17 =	vmul.f32 v37, v4;
	[tilespmem:v7+s21+$0x0] =	vst.idx.add.f32.msk $0xffff, v2  }
0x6c0: {  	v14 =	vmin.f32 v14, $5.115000000e+02;
	v16 =	vmul.f32 v40, v4;
	v48 =	vld [tilespmem:s1+$0xC000];
	v43 =	vshll.u32 v41, $0x4  }
0x6c1: {  	v44 =	vmin.f32 v13, $5.115000000e+02;
	v17 =	vadd.f32 v17, v5;
	[tilespmem:v11+s21+$0x0] =	vst.idx.add.f32.msk $0xffff, v2;
	v9 =	vor.u32 v0, v43  }
0x6c2: {  	s28 =	sor.u32 $0x380, s3;
	v10 =	vor.u32 v0, v10;
	v45 =	vtrunc.f32 v14;
	[tilespmem:v12+s21+$0x0] =	vst.idx.add.f32.msk $0xffff, v2;
	v12 =	vtrunc.f32 v44  }
0x6c3: {  	s25 =	sor.u32 $0x380, s29;
	v47 =	vcvt.f32.s32 v45;
	v16 =	vadd.f32 v16, v5;
	v17 =	vmin.f32 v17, $5.115000000e+02;
	v51 =	vld [tilespmem:s28+$0xC000]  }
0x6c4: {  	v7 =	vor.u32 v0, v8;
	v42 =	vld [tilespmem:s25+$0xC000];
	v12 =	vcvt.f32.s32 v12;
	v50 =	vtrunc.f32 v17  }
0x6c5: {  	v14 =	vmul.f32 v46, v4;
	v8 =	vshll.u32 v47, $0x4;
	v16 =	vmin.f32 v16, $5.115000000e+02  }
0x6c6: {  	s29 =	sor.u32 $0x380, s6;
	v49 =	vshll.u32 v12, $0x4;
	v12 =	vcvt.f32.s32 v50;
	v8 =	vor.u32 v0, v8;
	[tilespmem:v9+s21+$0x0] =	vst.idx.add.f32.msk $0xffff, v2  }
0x6c7: {  	v53 =	vtrunc.f32 v16;
	v14 =	vadd.f32 v14, v5;
	v52 =	vor.u32 v0, v49;
	v54 =	vld [tilespmem:s29+$0xC000]  }
0x6c8: {  	v11 =	vcvt.f32.s32 v53;
	v13 =	vmul.f32 v48, v4;
	v12 =	vshll.u32 v12, $0x4  }
0x6c9: {  	v17 =	vmul.f32 v51, v4;
	v14 =	vmin.f32 v14, $5.115000000e+02;
	v15 =	vmul.f32 v42, v4  }
0x6ca: {  	v12 =	vor.u32 v0, v12;
	v13 =	vadd.f32 v13, v5;
	v14 =	vtrunc.f32 v14  }
0x6cb: {  	v11 =	vshll.u32 v11, $0x4;
	v17 =	vadd.f32 v17, v5;
	v55 =	vcvt.f32.s32 v14  }
0x6cc: {  	v15 =	vadd.f32 v15, v5;
	v13 =	vmin.f32 v13, $5.115000000e+02;
	v16 =	vmul.f32 v54, v4  }
0x6cd: {  	v11 =	vor.u32 v0, v11;
	v13 =	vtrunc.f32 v13;
	v56 =	vmin.f32 v17, $5.115000000e+02  }
0x6ce: {  	[tilespmem:v6+s21+$0x0] =	vst.idx.add.f32.msk $0xffff, v2;
	v59 =	vshll.u32 v55, $0x4;
	v15 =	vmin.f32 v15, $5.115000000e+02;
	v16 =	vadd.f32 v16, v5  }
0x6cf: {  	[tilespmem:v7+s21+$0x0] =	vst.idx.add.f32.msk $0xffff, v2;
	v6 =	vcvt.f32.s32 v13;
	v57 =	vtrunc.f32 v56;
	v7 =	vor.u32 v0, v59  }
0x6d0: {  	v15 =	vtrunc.f32 v15;
	v60 =	vcvt.f32.s32 v57;
	v58 =	vmin.f32 v16, $5.115000000e+02  }
0x6d1: {  	[tilespmem:v10+s21+$0x0] =	vst.idx.add.f32.msk $0xffff, v2;
	v15 =	vcvt.f32.s32 v15;
	v6 =	vshll.u32 v6, $0x4;
	v61 =	vtrunc.f32 v58  }
0x6d2: {  	[tilespmem:v8+s21+$0x0] =	vst.idx.add.f32.msk $0xffff, v2;
	v6 =	vor.u32 v0, v6;
	v10 =	vshll.u32 v60, $0x4;
	v62 =	vcvt.f32.s32 v61  }
0x6d3: {  	[tilespmem:v52+s21+$0x0] =	vst.idx.add.f32.msk $0xffff, v2;
	v15 =	vshll.u32 v15, $0x4;
	v63 =	vor.u32 v0, v10  }
0x6d4: {  	[tilespmem:v12+s21+$0x0] =	vst.idx.add.f32.msk $0xffff, v2;
	v15 =	vor.u32 v0, v15;
	v8 =	vshll.u32 v62, $0x4  }
0x6d5: {  	[tilespmem:v11+s21+$0x0] =	vst.idx.add.f32.msk $0xffff, v2;
	v8 =	vor.u32 v0, v8  }
.Ltmp5:
0x6d6: {  	[tilespmem:v7+s21+$0x0] =	vst.idx.add.f32.msk $0xffff, v2;
	(pc) =	sbr.rel @p0 .LBB2_13-.Ltmp5, $4  }
0x6d7: {  	[tilespmem:v6+s21+$0x0] =	vst.idx.add.f32.msk $0xffff, v2  }
0x6d8: {  	[tilespmem:v63+s21+$0x0] =	vst.idx.add.f32.msk $0xffff, v2  }
0x6d9: {  	[tilespmem:v15+s21+$0x0] =	vst.idx.add.f32.msk $0xffff, v2  }
0x6da: {  	[tilespmem:v8+s21+$0x0] =	vst.idx.add.f32.msk $0xffff, v2  }
.Ltmp6:
0x6db: {  	s0 =	sadd.s32 s0, s5;
	(pc) =	sbr.rel .LBB2_4-.Ltmp6, $4  }
0x6dc: {  	s0 =	sshll.u32 s0, $0x8  }
0x6dd: {  	s1 =	simm.s32 $0x0;
	s0 =	sadd.s32 s10, s0  }
0x6de: {  	s2 =	simm.s32 $0xC000;
	s31 =	sadd.s32 $0x1, s31;
	s0 =	sadd.s32 $0x1800, s0  }
0x6df: {  	[tilespmem:s2], [sflag:$0x4] =	stream.linear.gather [hbm4b:s0+s1], $0x4000, $0x38;
	[tilespmem:$0x12300] =	vst v63  }
.LBB2_13:
0x6e0: {  	s0 =	simm.s32 $0x0;
	s1 =	simm.s32 $0x0  }
.LBB2_14:
0x6e1: {  	s2 =	sshll.u32 s1, $0x8  }
0x6e2: {  	s29 =	sadd.s32 $0x1, s0;
	v4 =	vor.u32 s2, v3  }
0x6e3: {  	v5 =	vor.u32 s29, v3;
	_ =	sdelay $0x3  }
0x6e4: {  	s31 =	sadd.s32 $0x2, s0;
	v4 =	vld.idx.msk [tilespmem:v4+s21+$0x0], $0xffff  }
0x6e5: {  	s3 =	simm.s32 $0x3;
	v6 =	vor.u32 s31, v3;
	v5 =	vld.idx.msk [tilespmem:v5+s21+$0x0], $0xffff  }
.LBB2_15:
0x6e6: {  	p0 =	sne.s32 s3, $0xF  }
.Ltmp7:
0x6e7: {  	_ = 	snop;
	(pc) =	sbr.rel @p0 .LBB2_15-.Ltmp7, $3  }
0x6e8: {  	_ =	sdelay $0x1  }
0x6e9: {  	s2 =	sadd.s32 s3, s0;
	s3 =	sadd.s32 $0x1, s3;
	v4 =	vadd.f32 v5, v4;
	v5 =	vld.idx.msk [tilespmem:v6+s21+$0x0], $0xffff  }
0x6ea: {  	v6 =	vor.u32 s2, v3  }
0x6eb: {  	_ =	sdelay $0x3  }
0x6ec: {  	v6 =	vld.idx.msk [tilespmem:v6+s21+$0x0], $0xffff  }
0x6ed: {  	s2 =	sshll.u32 s1, $0x4;
	s1 =	sadd.s32 $0x1, s1  }
0x6ee: {  	p0 =	sne.s32 s1, $0x20  }
.Ltmp8:
0x6ef: {  	v4 =	vadd.f32 v5, v4;
	(pc) =	sbr.rel @p0 .LBB2_14-.Ltmp8, $4  }
0x6f0: {  	_ = 	snop  }
0x6f1: {  	v4 =	vadd.f32 v6, v4  }
0x6f2: {  	s2 =	sand.u32 $0x3FFFFFF0, s2  }
0x6f3: {  	s0 =	sadd.s32 $0x100, s0;
	[tilespmem:s2+$0x12100] =	vst v4  }
0x6f4: {  	s0 =	rddreg [dreg:$0x9]  }
0x6f5: {  	s1 =	simm.s32 $0x80;
	s2 =	simm.s32 $0x400;
	s3 =	simm.s32 $0x12100  }
0x6f6: {  	[hbm4b:s0+s1] =	stream.strided.scatter [tilespmem:s3], [sflag:$0x5], $0x200, s2, s1, $0x38;
	[tilespmem:$0x12300] =	vst v63  }
0x6f7: {  	s3 =	simm.s32 $0x5  }
0x6f8: {  	_ =	swait.ge [sflag:s3], $0x200  }
0x6f9: {  	s29 =	rddreg [dreg:$0xb]  }
0x6fa: {  	s31 =	rddreg [dreg:$0xa];
	s1 =	sadd.s32 $0x1, s29  }
0x6fb: {  	p0 =	sne.s32 s1, s31  }
.Ltmp9:
0x6fc: {  	_ = 	snop;
	(pc) =	sbr.rel @p0 .LBB2_1-.Ltmp9, $3  }
0x6fd: {  	_ =	sdelay $0x1  }
0x6fe: {  	[sflag:s3] =	ssyncset.done $0x0  }
0x6ff: {  	[sflag:s3] =	ssyncadd.s32 $0xFFFFFE00  }
0x700: {  	_ =	sfence.sel $0x180000  }
0x701: {  	[bflag:$0x0] =	sbarrier.arrive $0xFFFF  }
0x702: {  	_ =	strace $0x90000047  }
0x703: {  	s0 =	stileid.u32;
	[bflag:$0x2] =	sbarrier.arrive $0xFFFF  }
0x704: {  	p0 =	sne.s32 s0, $0x0;
	s0 =	rddreg [dreg:$0x3]  }
0x705: {  	s0 =	sadd.s32 @!p0 $0x100000, s0  }
0x706: {  	[sflag:s0] =	ssyncadd.tile.s32 @!p0 $0x1;
	_ =	shalt  }
.Lfunc_end2:
_tile_overlayer_lowered:
.L_overlay_start_2:
0x707: {  	(tag) =	ssettag $0x2  }
0x708: {  	s0 =	rddreg [dreg:$0x0];
	s2 =	stileid.u32  }
0x709: {  	s1 =	rddreg [dreg:$0x1];
	p0 =	sne.s32 s2, $0x0  }
0x70a: {  	s3 =	rddreg [dreg:$0x2];
	[bflag:$0x3] =	sbarrier.arrive $0xFFFF;
	s2 =	simm.s32 @!p0 $0x1C05  }
0x70b: {  	[timem:s3], [sflag:s2] =	dma.local @!p0 [hbm:s0], s1  }
0x70c: {  	s0 =	simm.s32 @!p0 $0x5  }
0x70d: {  	_ =	swait.ge @!p0 [sflag:s0], s1  }
0x70e: {  	s1 =	ssub.s32 @!p0 $0x0, s1;
	[sflag:s0] =	ssyncset.done @!p0 $0x0  }
0x70f: {  	[sflag:s0] =	ssyncadd.s32 @!p0 s1  }
0x710: {  	[bflag:$0x3] =	sbarrier.arrive $0xFFFF  }
0x711: {  	_ =	shalt  }

</sc_bundles>
